<compile_context>
chip_gen: v7x
topology: tpu7x:2x2x1
jax: 0.10.2.dev20260603
libtpu: 0.0.44.dev20260713+nightly
codegen_flags: <defaults>
</compile_context>

<pallas_src>
import jax
import jax.numpy as jnp
from jax import lax
from jax.experimental import pallas as pl
from jax.experimental.pallas import tpu as pltpu, tpu_sc as plsc
import functools

_NC = 2
_NS = 16
_NW = _NC * _NS
_L = 16


def _build(B, T, M, Do):
    mpt = M // _NW
    mesh = plsc.VectorSubcoreMesh(core_axis_name="c", subcore_axis_name="s")

    @functools.partial(
        pl.kernel,
        out_type=jax.ShapeDtypeStruct((M, T, Do), jnp.float32),
        mesh=mesh,
        scratch_types=[
            pltpu.VMEM((B,), jnp.int32),
            pltpu.VMEM((B,), jnp.int32),
            pltpu.VMEM((B,), jnp.int32),
            pltpu.VMEM((_L,), jnp.int32),
            pltpu.SemaphoreType.DMA,
            pltpu.SemaphoreType.DMA,
        ],
        compiler_params=pltpu.CompilerParams(needs_layout_passes=False),
    )
    def k(o_hbm, d_hbm, bi_hbm, obs_buf_hbm, mem_in_hbm, meta_hbm, out_hbm,
          d_v, bi_v, cs_v, meta_v, sem_row, sem_patch):
        wid = lax.axis_index("s") * _NC + lax.axis_index("c")
        pltpu.sync_copy(d_hbm, d_v)
        pltpu.sync_copy(bi_hbm, bi_v)
        pltpu.sync_copy(meta_hbm, meta_v)

        meta = meta_v[...]
        base = meta[0] % M
        seq_len = meta[1]

        def cs_step(i, carry):
            dvec = d_v[pl.ds(i * _L, _L)]
            bvec = bi_v[pl.ds(i * _L, _L)]
            fired = dvec > 0
            done = jnp.logical_and(
                jnp.logical_or(fired, bvec == T - 1),
                jnp.logical_not(jnp.logical_and(fired, bvec < seq_len)))
            cs = plsc.cumsum(done.astype(jnp.int32)) + carry
            cs_v[pl.ds(i * _L, _L)] = cs
            return jnp.max(cs)

        lax.fori_loop(0, B // _L, cs_step, jnp.int32(0))
        total = cs_v[pl.ds(B - _L, _L)][_L - 1]

        lanes = lax.iota(jnp.int32, _L)
        rows = []
        for g in range(mpt // _L):
            mvec = wid * mpt + g * _L + lanes
            rvec = mvec - base
            tvec = rvec + 1
            src = jnp.zeros((_L,), jnp.int32)
            for sh in (1024, 512, 256, 128, 64, 32, 16, 8, 4, 2, 1):
                cand = src + sh
                c = plsc.load_gather(cs_v, [cand - 1])
                src = jnp.where(c < tvec, cand, src)
            valid = jnp.logical_and(rvec >= 0, rvec < total).astype(jnp.int32)
            cur = plsc.load_gather(bi_v, [src])
            for ln in range(_L):
                m = wid * mpt + g * _L + ln
                rows.append((m, src[ln], cur[ln], valid[ln] != 0))

        for m, src_j, cur_j, valid_j in rows:
            @pl.when(valid_j)
            def _():
                pltpu.async_copy(obs_buf_hbm.at[src_j], out_hbm.at[m], sem_row)

            @pl.when(jnp.logical_not(valid_j))
            def _():
                pltpu.async_copy(mem_in_hbm.at[m], out_hbm.at[m], sem_row)

        for m, src_j, cur_j, valid_j in rows:
            pltpu.make_async_copy(obs_buf_hbm.at[0], out_hbm.at[m], sem_row).wait()

        for m, src_j, cur_j, valid_j in rows:
            @pl.when(valid_j)
            def _():
                pltpu.async_copy(o_hbm.at[src_j], out_hbm.at[m].at[cur_j],
                                 sem_patch)

        for m, src_j, cur_j, valid_j in rows:
            @pl.when(valid_j)
            def _():
                pltpu.make_async_copy(o_hbm.at[0], out_hbm.at[m].at[0],
                                      sem_patch).wait()

    return k


def kernel(O, A, D, seq_len, obs_mem, act_mem, dne_mem, obs_buf, act_buf,
           dne_buf, buf_indexes, mem_index):
    B, T, Do = obs_buf.shape
    M = obs_mem.shape[0]
    d_flat = D.reshape(B).astype(jnp.int32)
    bi = buf_indexes.astype(jnp.int32)
    meta = (jnp.zeros((_L,), jnp.int32)
            .at[0].set(mem_index[0].astype(jnp.int32))
            .at[1].set(jnp.asarray(seq_len, jnp.int32)))
    k = _build(B, T, M, Do)
    return k(O, d_flat, bi, obs_buf, obs_mem, meta)

# --- scband reference (transcript-rebuilt; emitter-appended) ---
"""Pipeline reference for scband-simple-memory-33131377721626 (READ-ONLY COPY).

The authoritative reference and input builder live on the scoring server;
editing this copy changes nothing except your own understanding.
"""

import jax, jax.numpy as jnp
import numpy as np


def setup_inputs(seed: int = 0) -> dict:
    key = jax.random.key(seed)
    ks = jax.random.split(key, 6)
    B, T, M = 2048, 128, 1024
    Do, Da, Dd = 256, 64, 1
    O = jax.random.normal(ks[0], (B, Do), dtype=jnp.float32)
    A = jax.random.normal(ks[1], (B, Da), dtype=jnp.float32)
    D = jax.random.randint(ks[2], (B, Dd), 0, 2)
    obs_mem = jnp.zeros((M, T, Do), dtype=jnp.float32)
    act_mem = jnp.zeros((M, T, Da), dtype=jnp.float32)
    dne_mem = jnp.zeros((M, T, Dd), dtype=jnp.int32)
    # warmed rollout buffers so the push exercises the done->memory scatter path
    obs_buf = jax.random.normal(ks[3], (B, T, Do), dtype=jnp.float32)
    act_buf = jax.random.normal(ks[4], (B, T, Da), dtype=jnp.float32)
    dne_buf = jnp.zeros((B, T, Dd), dtype=jnp.int32)
    buf_indexes = jax.random.randint(ks[5], (B,), 30, T)
    mem_index = jnp.array([1], dtype=jnp.int32)
    return {"O": O, "A": A, "D": D, "seq_len": 30,
            "obs_mem": obs_mem, "act_mem": act_mem, "dne_mem": dne_mem,
            "obs_buf": obs_buf, "act_buf": act_buf, "dne_buf": dne_buf,
            "buf_indexes": buf_indexes, "mem_index": mem_index}


def reference(O, A, D, seq_len, obs_mem, act_mem, dne_mem, obs_buf, act_buf, dne_buf, buf_indexes, mem_index):
    B = O.shape[0]
    M = obs_mem.shape[0]
    T = obs_buf.shape[1]
    rows = jnp.arange(B)
    # write incoming step at per-env cursor
    obs_buf = obs_buf.at[rows, buf_indexes].set(O)
    act_buf = act_buf.at[rows, buf_indexes].set(A)
    dne_buf = dne_buf.at[rows, buf_indexes].set(D)
    # episodes that ended too early: wipe their buffers
    too_short = jnp.logical_and(jnp.squeeze(dne_buf[rows, buf_indexes] > 0, axis=-1), buf_indexes < seq_len)
    obs_buf = jnp.where(too_short[:, None, None], 0.0, obs_buf)
    act_buf = jnp.where(too_short[:, None, None], 0.0, act_buf)
    dne_buf = jnp.where(too_short[:, None, None], 0, dne_buf)
    buf_indexes = jnp.where(too_short, 0, buf_indexes)
    buf_indexes = buf_indexes + 1
    # episodes that finished (done flag or buffer full)
    dones = jnp.logical_or(jnp.squeeze(dne_buf[rows, buf_indexes - 1] > 0, axis=-1), buf_indexes >= T)
    rank = jnp.cumsum(dones.astype(jnp.int32)) - 1
    base = mem_index[0] % M
    cand = base + rank
    valid = jnp.logical_and(dones, cand < M)
    tgt = jnp.where(valid, cand, M)  # out-of-bounds index -> dropped
    obs_mem = obs_mem.at[tgt].set(obs_buf, mode='drop')
    act_mem = act_mem.at[tgt].set(act_buf, mode='drop')
    dne_mem = dne_mem.at[tgt].set(dne_buf, mode='drop')
    obs_buf = jnp.where(dones[:, None, None], 0.0, obs_buf)
    act_buf = jnp.where(dones[:, None, None], 0.0, act_buf)
    dne_buf = jnp.where(dones[:, None, None], 0, dne_buf)
    buf_indexes = jnp.where(dones, 0, buf_indexes)
    mem_index = mem_index + jnp.sum(valid.astype(jnp.int32))
    return obs_mem

if __name__ == "__main__":
    import jax
    _d = setup_inputs()
    print(jax.jit(kernel)(*tuple(_d.values())))

</pallas_src>

<mosaic_0001>
#map = affine_map<(d0, d1) -> (0, 0)>
#map1 = affine_map<(d0, d1) -> (0)>
#map2 = affine_map<(d0, d1) -> (0, 0, 0)>
module attributes {stable_mosaic.version = 14 : i64} {
  func.func @k(%arg0: i32, %arg1: i32, %arg2: memref<2048x256xf32, #tpu.memory_space<hbm>>, %arg3: memref<2048xi32, #tpu.memory_space<hbm>>, %arg4: memref<2048xi32, #tpu.memory_space<hbm>>, %arg5: memref<2048x128x256xf32, #tpu.memory_space<hbm>>, %arg6: memref<1024x128x256xf32, #tpu.memory_space<hbm>>, %arg7: memref<16xi32, #tpu.memory_space<hbm>>, %arg8: memref<1024x128x256xf32, #tpu.memory_space<hbm>>, %arg9: memref<2048xi32, #tpu.memory_space<vmem>>, %arg10: memref<2048xi32, #tpu.memory_space<vmem>>, %arg11: memref<2048xi32, #tpu.memory_space<vmem>>, %arg12: memref<16xi32, #tpu.memory_space<vmem>>, %arg13: memref<!tpu.dma_semaphore, #tpu.memory_space<semaphore_mem>>, %arg14: memref<!tpu.dma_semaphore, #tpu.memory_space<semaphore_mem>>) attributes {dimension_semantics = [#tpu.dimension_semantics<core_parallel>, #tpu.dimension_semantics<subcore_parallel>], iteration_bounds = array<i64: 2, 16>, scalar_prefetch = 0 : i64, scratch_operands = 6 : i64, tpu.core_type = #tpu.core_type<sc_vector_subcore>, window_params = [{transform_indices = #map}, {transform_indices = #map1}, {transform_indices = #map1}, {transform_indices = #map2}, {transform_indices = #map2}, {transform_indices = #map1}, {transform_indices = #map2}]} {
    %mul3A = arith.constant 2 : i32
    %mul3A_0 = arith.muli %arg1, %mul3A : i32
    %add3A = arith.addi %mul3A_0, %arg0 : i32
    "tpu.region"() ({
      %run_scoped3A = tpu.sem_alloc : memref<!tpu.dma_semaphore, #tpu.memory_space<semaphore_mem>>
      tpu.enqueue_dma source(%arg3 : memref<2048xi32, #tpu.memory_space<hbm>>) target(%arg9 : memref<2048xi32, #tpu.memory_space<vmem>>) target_semaphore(%run_scoped3A : memref<!tpu.dma_semaphore, #tpu.memory_space<semaphore_mem>>)
      tpu.wait_dma2 semaphore(%run_scoped3A : memref<!tpu.dma_semaphore, #tpu.memory_space<semaphore_mem>>) src(%arg3 : memref<2048xi32, #tpu.memory_space<hbm>>) dst(%arg9 : memref<2048xi32, #tpu.memory_space<vmem>>)
      tpu.yield
    }) : () -> ()
    "tpu.region"() ({
      %run_scoped3A = tpu.sem_alloc : memref<!tpu.dma_semaphore, #tpu.memory_space<semaphore_mem>>
      tpu.enqueue_dma source(%arg4 : memref<2048xi32, #tpu.memory_space<hbm>>) target(%arg10 : memref<2048xi32, #tpu.memory_space<vmem>>) target_semaphore(%run_scoped3A : memref<!tpu.dma_semaphore, #tpu.memory_space<semaphore_mem>>)
      tpu.wait_dma2 semaphore(%run_scoped3A : memref<!tpu.dma_semaphore, #tpu.memory_space<semaphore_mem>>) src(%arg4 : memref<2048xi32, #tpu.memory_space<hbm>>) dst(%arg10 : memref<2048xi32, #tpu.memory_space<vmem>>)
      tpu.yield
    }) : () -> ()
    "tpu.region"() ({
      %run_scoped3A = tpu.sem_alloc : memref<!tpu.dma_semaphore, #tpu.memory_space<semaphore_mem>>
      tpu.enqueue_dma source(%arg7 : memref<16xi32, #tpu.memory_space<hbm>>) target(%arg12 : memref<16xi32, #tpu.memory_space<vmem>>) target_semaphore(%run_scoped3A : memref<!tpu.dma_semaphore, #tpu.memory_space<semaphore_mem>>)
      tpu.wait_dma2 semaphore(%run_scoped3A : memref<!tpu.dma_semaphore, #tpu.memory_space<semaphore_mem>>) src(%arg7 : memref<16xi32, #tpu.memory_space<hbm>>) dst(%arg12 : memref<16xi32, #tpu.memory_space<vmem>>)
      tpu.yield
    }) : () -> ()
    %get3A = arith.constant 0 : index
    %get3A_1 = tpu.vector_load %arg12[%get3A] {strides = array<i32>} : memref<16xi32, #tpu.memory_space<vmem>>, vector<16xi32>,
    %slice3A = vector.extract_strided_slice %get3A_1 {offsets = [0], sizes = [1], strides = [1]} : vector<16xi32> to vector<1xi32>
    %squeeze3A = vector.extract %slice3A[0] : i32 from vector<1xi32>
    %jit3A = arith.constant 1024 : i32
    %eq3A = arith.constant 0 : i32
    %eq3A_2 = arith.cmpi eq, %jit3A, %eq3A : i32
    %jit3A_3 = arith.constant 1 : i32
    %select_n3A = arith.select %eq3A_2, %jit3A_3, %jit3A : i32
    %rem3A = arith.remsi %squeeze3A, %select_n3A : i32
    %ne3A = arith.constant 0 : i32
    %ne3A_4 = arith.cmpi ne, %rem3A, %ne3A : i32
    %lt3A = arith.constant 0 : i32
    %lt3A_5 = arith.cmpi slt, %rem3A, %lt3A : i32
    %lt3A_6 = arith.constant 0 : i32
    %lt3A_7 = arith.cmpi slt, %select_n3A, %lt3A_6 : i32
    %ne3A_8 = arith.xori %lt3A_5, %lt3A_7 : i1
    %and3A = arith.andi %ne3A_8, %ne3A_4 : i1
    %add3A_9 = arith.addi %rem3A, %select_n3A : i32
    %select_n3A_10 = arith.select %and3A, %add3A_9, %rem3A : i32
    %slice3A_11 = vector.extract_strided_slice %get3A_1 {offsets = [1], sizes = [1], strides = [1]} : vector<16xi32> to vector<1xi32>
    %squeeze3A_12 = vector.extract %slice3A_11[0] : i32 from vector<1xi32>
    %scan3A = arith.constant 0 : i32
    %scan3A_13 = arith.constant 0 : i32
    %scan3A_14 = arith.constant 128 : i32
    %scan3A_15 = arith.addi %scan3A_13, %scan3A_14 : i32
    %scan3A_16 = arith.constant 1 : i32
    %scan3A_17 = scf.for %scan3A_1439 = %scan3A_13 to %scan3A_15 step %scan3A_16 iter_args(%scan3A_1440 = %scan3A) -> (i32)  : i32 {
      %mul3A_1441 = arith.constant 16 : i32
      %mul3A_1442 = arith.muli %scan3A_1439, %mul3A_1441 : i32
      %get3A_1443 = arith.index_cast %mul3A_1442 : i32 to index
      %get3A_1444 = tpu.vector_load %arg9[%get3A_1443] {strides = array<i32>} : memref<2048xi32, #tpu.memory_space<vmem>>, vector<16xi32>,
      %mul3A_1445 = arith.constant 16 : i32
      %mul3A_1446 = arith.muli %scan3A_1439, %mul3A_1445 : i32
      %get3A_1447 = arith.index_cast %mul3A_1446 : i32 to index
      %get3A_1448 = tpu.vector_load %arg10[%get3A_1447] {strides = array<i32>} : memref<2048xi32, #tpu.memory_space<vmem>>, vector<16xi32>,
      %gt3A = arith.constant 0 : i32
      %gt3A_1449 = vector.broadcast %gt3A : i32 to vector<16xi32>
      %gt3A_1450 = arith.cmpi sgt, %get3A_1444, %gt3A_1449 : vector<16xi32>
      %eq3A_1451 = arith.constant 127 : i32
      %eq3A_1452 = vector.broadcast %eq3A_1451 : i32 to vector<16xi32>
      %eq3A_1453 = arith.cmpi eq, %get3A_1448, %eq3A_1452 : vector<16xi32>
      %or3A = arith.ori %gt3A_1450, %eq3A_1453 : vector<16xi1>
      %lt3A_1454 = vector.broadcast %squeeze3A_12 : i32 to vector<16xi32>
      %lt3A_1455 = arith.cmpi slt, %get3A_1448, %lt3A_1454 : vector<16xi32>
      %and3A_1456 = arith.andi %gt3A_1450, %lt3A_1455 : vector<16xi1>
      %not3A_1457 = arith.constant dense<true> : vector<16xi1>
      %not3A_1458 = arith.xori %and3A_1456, %not3A_1457 : vector<16xi1>
      %and3A_1459 = arith.andi %or3A, %not3A_1458 : vector<16xi1>
      %convert_element_type3A_1460 = arith.extui %and3A_1459 : vector<16xi1> to vector<16xi32>
      %broadcast_in_dim3A_1461 = arith.constant true
      %broadcast_in_dim3A_1462 = vector.broadcast %broadcast_in_dim3A_1461 : i1 to vector<16xi1>
      %masked_cumsum3A = tpu.scan <sum>, %convert_element_type3A_1460 masked %broadcast_in_dim3A_1462 : vector<16xi32>, vector<16xi1> -> vector<16xi32>
      %add3A_1463 = vector.broadcast %scan3A_1440 : i32 to vector<16xi32>
      %add3A_1464 = arith.addi %masked_cumsum3A, %add3A_1463 : vector<16xi32>
      %mul3A_1465 = arith.constant 16 : i32
      %mul3A_1466 = arith.muli %scan3A_1439, %mul3A_1465 : i32
      %swap3A = arith.index_cast %mul3A_1466 : i32 to index
      %swap3A_1467 = tpu.vector_load %arg11[%swap3A] {strides = array<i32>} : memref<2048xi32, #tpu.memory_space<vmem>>, vector<16xi32>,
      tpu.vector_store %arg11[%swap3A], %add3A_1464 {strides = array<i32>} : memref<2048xi32, #tpu.memory_space<vmem>>, vector<16xi32>,
      %reduce_max3A = arith.constant true
      %reduce_max3A_1468 = vector.broadcast %reduce_max3A : i1 to vector<16xi1>
      %reduce_max3A_1469 = arith.constant -2147483648 : i32
      %reduce_max3A_1470 = vector.broadcast %reduce_max3A_1469 : i32 to vector<16xi32>
      %reduce_max3A_1471 = arith.xori %add3A_1464, %reduce_max3A_1470 : vector<16xi32>
      %reduce_max3A_1472 = tpu.scan <max>, %reduce_max3A_1471 masked %reduce_max3A_1468 : vector<16xi32>, vector<16xi1> -> vector<16xi32>
      %reduce_max3A_1473 = arith.xori %reduce_max3A_1472, %reduce_max3A_1470 : vector<16xi32>
      %reduce_max3A_1474 = vector.extract %reduce_max3A_1473[15] : i32 from vector<16xi32>
      scf.yield %reduce_max3A_1474 : i32
    }
    %scan3A_18 = arith.constant 128 : i32
    %get3A_19 = arith.constant 2032 : index
    %get3A_20 = tpu.vector_load %arg11[%get3A_19] {strides = array<i32>} : memref<2048xi32, #tpu.memory_space<vmem>>, vector<16xi32>,
    %slice3A_21 = vector.extract_strided_slice %get3A_20 {offsets = [15], sizes = [1], strides = [1]} : vector<16xi32> to vector<1xi32>
    %squeeze3A_22 = vector.extract %slice3A_21[0] : i32 from vector<1xi32>
    %iota3A = tpu.iota {dimensions = array<i32: 0>} : vector<16xi32>
    %mul3A_23 = arith.constant 32 : i32
    %mul3A_24 = arith.muli %add3A, %mul3A_23 : i32
    %add3A_25 = arith.constant 0 : i32
    %add3A_26 = arith.addi %mul3A_24, %add3A_25 : i32
    %add3A_27 = vector.broadcast %add3A_26 : i32 to vector<16xi32>
    %add3A_28 = arith.addi %add3A_27, %iota3A : vector<16xi32>
    %sub3A = vector.broadcast %select_n3A_10 : i32 to vector<16xi32>
    %sub3A_29 = arith.subi %add3A_28, %sub3A : vector<16xi32>
    %add3A_30 = arith.constant 1 : i32
    %add3A_31 = vector.broadcast %add3A_30 : i32 to vector<16xi32>
    %add3A_32 = arith.addi %sub3A_29, %add3A_31 : vector<16xi32>
    %broadcast_in_dim3A = arith.constant 0 : i32
    %broadcast_in_dim3A_33 = vector.broadcast %broadcast_in_dim3A : i32 to vector<16xi32>
    %add3A_34 = arith.constant 1024 : i32
    %add3A_35 = vector.broadcast %add3A_34 : i32 to vector<16xi32>
    %add3A_36 = arith.addi %broadcast_in_dim3A_33, %add3A_35 : vector<16xi32>
    %sub3A_37 = arith.constant 1 : i32
    %sub3A_38 = vector.broadcast %sub3A_37 : i32 to vector<16xi32>
    %sub3A_39 = arith.subi %add3A_36, %sub3A_38 : vector<16xi32>
    %gather3A = tpu.vector_load_idx %arg11[%sub3A_39] : memref<2048xi32, #tpu.memory_space<vmem>>[vector<16xi32>], vector<16xi32>,
    %lt3A_40 = arith.cmpi slt, %gather3A, %add3A_32 : vector<16xi32>
    %select_n3A_41 = arith.select %lt3A_40, %add3A_36, %broadcast_in_dim3A_33 : vector<16xi1>, vector<16xi32>
    %add3A_42 = arith.constant 512 : i32
    %add3A_43 = vector.broadcast %add3A_42 : i32 to vector<16xi32>
    %add3A_44 = arith.addi %select_n3A_41, %add3A_43 : vector<16xi32>
    %sub3A_45 = arith.constant 1 : i32
    %sub3A_46 = vector.broadcast %sub3A_45 : i32 to vector<16xi32>
    %sub3A_47 = arith.subi %add3A_44, %sub3A_46 : vector<16xi32>
    %gather3A_48 = tpu.vector_load_idx %arg11[%sub3A_47] : memref<2048xi32, #tpu.memory_space<vmem>>[vector<16xi32>], vector<16xi32>,
    %lt3A_49 = arith.cmpi slt, %gather3A_48, %add3A_32 : vector<16xi32>
    %select_n3A_50 = arith.select %lt3A_49, %add3A_44, %select_n3A_41 : vector<16xi1>, vector<16xi32>
    %add3A_51 = arith.constant 256 : i32
    %add3A_52 = vector.broadcast %add3A_51 : i32 to vector<16xi32>
    %add3A_53 = arith.addi %select_n3A_50, %add3A_52 : vector<16xi32>
    %sub3A_54 = arith.constant 1 : i32
    %sub3A_55 = vector.broadcast %sub3A_54 : i32 to vector<16xi32>
    %sub3A_56 = arith.subi %add3A_53, %sub3A_55 : vector<16xi32>
    %gather3A_57 = tpu.vector_load_idx %arg11[%sub3A_56] : memref<2048xi32, #tpu.memory_space<vmem>>[vector<16xi32>], vector<16xi32>,
    %lt3A_58 = arith.cmpi slt, %gather3A_57, %add3A_32 : vector<16xi32>
    %select_n3A_59 = arith.select %lt3A_58, %add3A_53, %select_n3A_50 : vector<16xi1>, vector<16xi32>
    %add3A_60 = arith.constant 128 : i32
    %add3A_61 = vector.broadcast %add3A_60 : i32 to vector<16xi32>
    %add3A_62 = arith.addi %select_n3A_59, %add3A_61 : vector<16xi32>
    %sub3A_63 = arith.constant 1 : i32
    %sub3A_64 = vector.broadcast %sub3A_63 : i32 to vector<16xi32>
    %sub3A_65 = arith.subi %add3A_62, %sub3A_64 : vector<16xi32>
    %gather3A_66 = tpu.vector_load_idx %arg11[%sub3A_65] : memref<2048xi32, #tpu.memory_space<vmem>>[vector<16xi32>], vector<16xi32>,
    %lt3A_67 = arith.cmpi slt, %gather3A_66, %add3A_32 : vector<16xi32>
    %select_n3A_68 = arith.select %lt3A_67, %add3A_62, %select_n3A_59 : vector<16xi1>, vector<16xi32>
    %add3A_69 = arith.constant 64 : i32
    %add3A_70 = vector.broadcast %add3A_69 : i32 to vector<16xi32>
    %add3A_71 = arith.addi %select_n3A_68, %add3A_70 : vector<16xi32>
    %sub3A_72 = arith.constant 1 : i32
    %sub3A_73 = vector.broadcast %sub3A_72 : i32 to vector<16xi32>
    %sub3A_74 = arith.subi %add3A_71, %sub3A_73 : vector<16xi32>
    %gather3A_75 = tpu.vector_load_idx %arg11[%sub3A_74] : memref<2048xi32, #tpu.memory_space<vmem>>[vector<16xi32>], vector<16xi32>,
    %lt3A_76 = arith.cmpi slt, %gather3A_75, %add3A_32 : vector<16xi32>
    %select_n3A_77 = arith.select %lt3A_76, %add3A_71, %select_n3A_68 : vector<16xi1>, vector<16xi32>
    %add3A_78 = arith.constant 32 : i32
    %add3A_79 = vector.broadcast %add3A_78 : i32 to vector<16xi32>
    %add3A_80 = arith.addi %select_n3A_77, %add3A_79 : vector<16xi32>
    %sub3A_81 = arith.constant 1 : i32
    %sub3A_82 = vector.broadcast %sub3A_81 : i32 to vector<16xi32>
    %sub3A_83 = arith.subi %add3A_80, %sub3A_82 : vector<16xi32>
    %gather3A_84 = tpu.vector_load_idx %arg11[%sub3A_83] : memref<2048xi32, #tpu.memory_space<vmem>>[vector<16xi32>], vector<16xi32>,
    %lt3A_85 = arith.cmpi slt, %gather3A_84, %add3A_32 : vector<16xi32>
    %select_n3A_86 = arith.select %lt3A_85, %add3A_80, %select_n3A_77 : vector<16xi1>, vector<16xi32>
    %add3A_87 = arith.constant 16 : i32
    %add3A_88 = vector.broadcast %add3A_87 : i32 to vector<16xi32>
    %add3A_89 = arith.addi %select_n3A_86, %add3A_88 : vector<16xi32>
    %sub3A_90 = arith.constant 1 : i32
    %sub3A_91 = vector.broadcast %sub3A_90 : i32 to vector<16xi32>
    %sub3A_92 = arith.subi %add3A_89, %sub3A_91 : vector<16xi32>
    %gather3A_93 = tpu.vector_load_idx %arg11[%sub3A_92] : memref<2048xi32, #tpu.memory_space<vmem>>[vector<16xi32>], vector<16xi32>,
    %lt3A_94 = arith.cmpi slt, %gather3A_93, %add3A_32 : vector<16xi32>
    %select_n3A_95 = arith.select %lt3A_94, %add3A_89, %select_n3A_86 : vector<16xi1>, vector<16xi32>
    %add3A_96 = arith.constant 8 : i32
    %add3A_97 = vector.broadcast %add3A_96 : i32 to vector<16xi32>
    %add3A_98 = arith.addi %select_n3A_95, %add3A_97 : vector<16xi32>
    %sub3A_99 = arith.constant 1 : i32
    %sub3A_100 = vector.broadcast %sub3A_99 : i32 to vector<16xi32>
    %sub3A_101 = arith.subi %add3A_98, %sub3A_100 : vector<16xi32>
    %gather3A_102 = tpu.vector_load_idx %arg11[%sub3A_101] : memref<2048xi32, #tpu.memory_space<vmem>>[vector<16xi32>], vector<16xi32>,
    %lt3A_103 = arith.cmpi slt, %gather3A_102, %add3A_32 : vector<16xi32>
    %select_n3A_104 = arith.select %lt3A_103, %add3A_98, %select_n3A_95 : vector<16xi1>, vector<16xi32>
    %add3A_105 = arith.constant 4 : i32
    %add3A_106 = vector.broadcast %add3A_105 : i32 to vector<16xi32>
    %add3A_107 = arith.addi %select_n3A_104, %add3A_106 : vector<16xi32>
    %sub3A_108 = arith.constant 1 : i32
    %sub3A_109 = vector.broadcast %sub3A_108 : i32 to vector<16xi32>
    %sub3A_110 = arith.subi %add3A_107, %sub3A_109 : vector<16xi32>
    %gather3A_111 = tpu.vector_load_idx %arg11[%sub3A_110] : memref<2048xi32, #tpu.memory_space<vmem>>[vector<16xi32>], vector<16xi32>,
    %lt3A_112 = arith.cmpi slt, %gather3A_111, %add3A_32 : vector<16xi32>
    %select_n3A_113 = arith.select %lt3A_112, %add3A_107, %select_n3A_104 : vector<16xi1>, vector<16xi32>
    %add3A_114 = arith.constant 2 : i32
    %add3A_115 = vector.broadcast %add3A_114 : i32 to vector<16xi32>
    %add3A_116 = arith.addi %select_n3A_113, %add3A_115 : vector<16xi32>
    %sub3A_117 = arith.constant 1 : i32
    %sub3A_118 = vector.broadcast %sub3A_117 : i32 to vector<16xi32>
    %sub3A_119 = arith.subi %add3A_116, %sub3A_118 : vector<16xi32>
    %gather3A_120 = tpu.vector_load_idx %arg11[%sub3A_119] : memref<2048xi32, #tpu.memory_space<vmem>>[vector<16xi32>], vector<16xi32>,
    %lt3A_121 = arith.cmpi slt, %gather3A_120, %add3A_32 : vector<16xi32>
    %select_n3A_122 = arith.select %lt3A_121, %add3A_116, %select_n3A_113 : vector<16xi1>, vector<16xi32>
    %add3A_123 = arith.constant 1 : i32
    %add3A_124 = vector.broadcast %add3A_123 : i32 to vector<16xi32>
    %add3A_125 = arith.addi %select_n3A_122, %add3A_124 : vector<16xi32>
    %sub3A_126 = arith.constant 1 : i32
    %sub3A_127 = vector.broadcast %sub3A_126 : i32 to vector<16xi32>
    %sub3A_128 = arith.subi %add3A_125, %sub3A_127 : vector<16xi32>
    %gather3A_129 = tpu.vector_load_idx %arg11[%sub3A_128] : memref<2048xi32, #tpu.memory_space<vmem>>[vector<16xi32>], vector<16xi32>,
    %lt3A_130 = arith.cmpi slt, %gather3A_129, %add3A_32 : vector<16xi32>
    %select_n3A_131 = arith.select %lt3A_130, %add3A_125, %select_n3A_122 : vector<16xi1>, vector<16xi32>
    %ge3A = arith.constant 0 : i32
    %ge3A_132 = vector.broadcast %ge3A : i32 to vector<16xi32>
    %ge3A_133 = arith.cmpi sge, %sub3A_29, %ge3A_132 : vector<16xi32>
    %lt3A_134 = vector.broadcast %squeeze3A_22 : i32 to vector<16xi32>
    %lt3A_135 = arith.cmpi slt, %sub3A_29, %lt3A_134 : vector<16xi32>
    %and3A_136 = arith.andi %ge3A_133, %lt3A_135 : vector<16xi1>
    %convert_element_type3A = arith.extui %and3A_136 : vector<16xi1> to vector<16xi32>
    %gather3A_137 = tpu.vector_load_idx %arg10[%select_n3A_131] : memref<2048xi32, #tpu.memory_space<vmem>>[vector<16xi32>], vector<16xi32>,
    %mul3A_138 = arith.constant 32 : i32
    %mul3A_139 = arith.muli %add3A, %mul3A_138 : i32
    %add3A_140 = arith.constant 0 : i32
    %add3A_141 = arith.addi %mul3A_139, %add3A_140 : i32
    %add3A_142 = arith.constant 0 : i32
    %add3A_143 = arith.addi %add3A_141, %add3A_142 : i32
    %slice3A_144 = vector.extract_strided_slice %select_n3A_131 {offsets = [0], sizes = [1], strides = [1]} : vector<16xi32> to vector<1xi32>
    %squeeze3A_145 = vector.extract %slice3A_144[0] : i32 from vector<1xi32>
    %slice3A_146 = vector.extract_strided_slice %gather3A_137 {offsets = [0], sizes = [1], strides = [1]} : vector<16xi32> to vector<1xi32>
    %squeeze3A_147 = vector.extract %slice3A_146[0] : i32 from vector<1xi32>
    %slice3A_148 = vector.extract_strided_slice %convert_element_type3A {offsets = [0], sizes = [1], strides = [1]} : vector<16xi32> to vector<1xi32>
    %squeeze3A_149 = vector.extract %slice3A_148[0] : i32 from vector<1xi32>
    %ne3A_150 = arith.constant 0 : i32
    %ne3A_151 = arith.cmpi ne, %squeeze3A_149, %ne3A_150 : i32
    %mul3A_152 = arith.constant 32 : i32
    %mul3A_153 = arith.muli %add3A, %mul3A_152 : i32
    %add3A_154 = arith.constant 0 : i32
    %add3A_155 = arith.addi %mul3A_153, %add3A_154 : i32
    %add3A_156 = arith.constant 1 : i32
    %add3A_157 = arith.addi %add3A_155, %add3A_156 : i32
    %slice3A_158 = vector.extract_strided_slice %select_n3A_131 {offsets = [1], sizes = [1], strides = [1]} : vector<16xi32> to vector<1xi32>
    %squeeze3A_159 = vector.extract %slice3A_158[0] : i32 from vector<1xi32>
    %slice3A_160 = vector.extract_strided_slice %gather3A_137 {offsets = [1], sizes = [1], strides = [1]} : vector<16xi32> to vector<1xi32>
    %squeeze3A_161 = vector.extract %slice3A_160[0] : i32 from vector<1xi32>
    %slice3A_162 = vector.extract_strided_slice %convert_element_type3A {offsets = [1], sizes = [1], strides = [1]} : vector<16xi32> to vector<1xi32>
    %squeeze3A_163 = vector.extract %slice3A_162[0] : i32 from vector<1xi32>
    %ne3A_164 = arith.constant 0 : i32
    %ne3A_165 = arith.cmpi ne, %squeeze3A_163, %ne3A_164 : i32
    %mul3A_166 = arith.constant 32 : i32
    %mul3A_167 = arith.muli %add3A, %mul3A_166 : i32
    %add3A_168 = arith.constant 0 : i32
    %add3A_169 = arith.addi %mul3A_167, %add3A_168 : i32
    %add3A_170 = arith.constant 2 : i32
    %add3A_171 = arith.addi %add3A_169, %add3A_170 : i32
    %slice3A_172 = vector.extract_strided_slice %select_n3A_131 {offsets = [2], sizes = [1], strides = [1]} : vector<16xi32> to vector<1xi32>
    %squeeze3A_173 = vector.extract %slice3A_172[0] : i32 from vector<1xi32>
    %slice3A_174 = vector.extract_strided_slice %gather3A_137 {offsets = [2], sizes = [1], strides = [1]} : vector<16xi32> to vector<1xi32>
    %squeeze3A_175 = vector.extract %slice3A_174[0] : i32 from vector<1xi32>
    %slice3A_176 = vector.extract_strided_slice %convert_element_type3A {offsets = [2], sizes = [1], strides = [1]} : vector<16xi32> to vector<1xi32>
    %squeeze3A_177 = vector.extract %slice3A_176[0] : i32 from vector<1xi32>
    %ne3A_178 = arith.constant 0 : i32
    %ne3A_179 = arith.cmpi ne, %squeeze3A_177, %ne3A_178 : i32
    %mul3A_180 = arith.constant 32 : i32
    %mul3A_181 = arith.muli %add3A, %mul3A_180 : i32
    %add3A_182 = arith.constant 0 : i32
    %add3A_183 = arith.addi %mul3A_181, %add3A_182 : i32
    %add3A_184 = arith.constant 3 : i32
    %add3A_185 = arith.addi %add3A_183, %add3A_184 : i32
    %slice3A_186 = vector.extract_strided_slice %select_n3A_131 {offsets = [3], sizes = [1], strides = [1]} : vector<16xi32> to vector<1xi32>
    %squeeze3A_187 = vector.extract %slice3A_186[0] : i32 from vector<1xi32>
    %slice3A_188 = vector.extract_strided_slice %gather3A_137 {offsets = [3], sizes = [1], strides = [1]} : vector<16xi32> to vector<1xi32>
    %squeeze3A_189 = vector.extract %slice3A_188[0] : i32 from vector<1xi32>
    %slice3A_190 = vector.extract_strided_slice %convert_element_type3A {offsets = [3], sizes = [1], strides = [1]} : vector<16xi32> to vector<1xi32>
    %squeeze3A_191 = vector.extract %slice3A_190[0] : i32 from vector<1xi32>
    %ne3A_192 = arith.constant 0 : i32
    %ne3A_193 = arith.cmpi ne, %squeeze3A_191, %ne3A_192 : i32
    %mul3A_194 = arith.constant 32 : i32
    %mul3A_195 = arith.muli %add3A, %mul3A_194 : i32
    %add3A_196 = arith.constant 0 : i32
    %add3A_197 = arith.addi %mul3A_195, %add3A_196 : i32
    %add3A_198 = arith.constant 4 : i32
    %add3A_199 = arith.addi %add3A_197, %add3A_198 : i32
    %slice3A_200 = vector.extract_strided_slice %select_n3A_131 {offsets = [4], sizes = [1], strides = [1]} : vector<16xi32> to vector<1xi32>
    %squeeze3A_201 = vector.extract %slice3A_200[0] : i32 from vector<1xi32>
    %slice3A_202 = vector.extract_strided_slice %gather3A_137 {offsets = [4], sizes = [1], strides = [1]} : vector<16xi32> to vector<1xi32>
    %squeeze3A_203 = vector.extract %slice3A_202[0] : i32 from vector<1xi32>
    %slice3A_204 = vector.extract_strided_slice %convert_element_type3A {offsets = [4], sizes = [1], strides = [1]} : vector<16xi32> to vector<1xi32>
    %squeeze3A_205 = vector.extract %slice3A_204[0] : i32 from vector<1xi32>
    %ne3A_206 = arith.constant 0 : i32
    %ne3A_207 = arith.cmpi ne, %squeeze3A_205, %ne3A_206 : i32
    %mul3A_208 = arith.constant 32 : i32
    %mul3A_209 = arith.muli %add3A, %mul3A_208 : i32
    %add3A_210 = arith.constant 0 : i32
    %add3A_211 = arith.addi %mul3A_209, %add3A_210 : i32
    %add3A_212 = arith.constant 5 : i32
    %add3A_213 = arith.addi %add3A_211, %add3A_212 : i32
    %slice3A_214 = vector.extract_strided_slice %select_n3A_131 {offsets = [5], sizes = [1], strides = [1]} : vector<16xi32> to vector<1xi32>
    %squeeze3A_215 = vector.extract %slice3A_214[0] : i32 from vector<1xi32>
    %slice3A_216 = vector.extract_strided_slice %gather3A_137 {offsets = [5], sizes = [1], strides = [1]} : vector<16xi32> to vector<1xi32>
    %squeeze3A_217 = vector.extract %slice3A_216[0] : i32 from vector<1xi32>
    %slice3A_218 = vector.extract_strided_slice %convert_element_type3A {offsets = [5], sizes = [1], strides = [1]} : vector<16xi32> to vector<1xi32>
    %squeeze3A_219 = vector.extract %slice3A_218[0] : i32 from vector<1xi32>
    %ne3A_220 = arith.constant 0 : i32
    %ne3A_221 = arith.cmpi ne, %squeeze3A_219, %ne3A_220 : i32
    %mul3A_222 = arith.constant 32 : i32
    %mul3A_223 = arith.muli %add3A, %mul3A_222 : i32
    %add3A_224 = arith.constant 0 : i32
    %add3A_225 = arith.addi %mul3A_223, %add3A_224 : i32
    %add3A_226 = arith.constant 6 : i32
    %add3A_227 = arith.addi %add3A_225, %add3A_226 : i32
    %slice3A_228 = vector.extract_strided_slice %select_n3A_131 {offsets = [6], sizes = [1], strides = [1]} : vector<16xi32> to vector<1xi32>
    %squeeze3A_229 = vector.extract %slice3A_228[0] : i32 from vector<1xi32>
    %slice3A_230 = vector.extract_strided_slice %gather3A_137 {offsets = [6], sizes = [1], strides = [1]} : vector<16xi32> to vector<1xi32>
    %squeeze3A_231 = vector.extract %slice3A_230[0] : i32 from vector<1xi32>
    %slice3A_232 = vector.extract_strided_slice %convert_element_type3A {offsets = [6], sizes = [1], strides = [1]} : vector<16xi32> to vector<1xi32>
    %squeeze3A_233 = vector.extract %slice3A_232[0] : i32 from vector<1xi32>
    %ne3A_234 = arith.constant 0 : i32
    %ne3A_235 = arith.cmpi ne, %squeeze3A_233, %ne3A_234 : i32
    %mul3A_236 = arith.constant 32 : i32
    %mul3A_237 = arith.muli %add3A, %mul3A_236 : i32
    %add3A_238 = arith.constant 0 : i32
    %add3A_239 = arith.addi %mul3A_237, %add3A_238 : i32
    %add3A_240 = arith.constant 7 : i32
    %add3A_241 = arith.addi %add3A_239, %add3A_240 : i32
    %slice3A_242 = vector.extract_strided_slice %select_n3A_131 {offsets = [7], sizes = [1], strides = [1]} : vector<16xi32> to vector<1xi32>
    %squeeze3A_243 = vector.extract %slice3A_242[0] : i32 from vector<1xi32>
    %slice3A_244 = vector.extract_strided_slice %gather3A_137 {offsets = [7], sizes = [1], strides = [1]} : vector<16xi32> to vector<1xi32>
    %squeeze3A_245 = vector.extract %slice3A_244[0] : i32 from vector<1xi32>
    %slice3A_246 = vector.extract_strided_slice %convert_element_type3A {offsets = [7], sizes = [1], strides = [1]} : vector<16xi32> to vector<1xi32>
    %squeeze3A_247 = vector.extract %slice3A_246[0] : i32 from vector<1xi32>
    %ne3A_248 = arith.constant 0 : i32
    %ne3A_249 = arith.cmpi ne, %squeeze3A_247, %ne3A_248 : i32
    %mul3A_250 = arith.constant 32 : i32
    %mul3A_251 = arith.muli %add3A, %mul3A_250 : i32
    %add3A_252 = arith.constant 0 : i32
    %add3A_253 = arith.addi %mul3A_251, %add3A_252 : i32
    %add3A_254 = arith.constant 8 : i32
    %add3A_255 = arith.addi %add3A_253, %add3A_254 : i32
    %slice3A_256 = vector.extract_strided_slice %select_n3A_131 {offsets = [8], sizes = [1], strides = [1]} : vector<16xi32> to vector<1xi32>
    %squeeze3A_257 = vector.extract %slice3A_256[0] : i32 from vector<1xi32>
    %slice3A_258 = vector.extract_strided_slice %gather3A_137 {offsets = [8], sizes = [1], strides = [1]} : vector<16xi32> to vector<1xi32>
    %squeeze3A_259 = vector.extract %slice3A_258[0] : i32 from vector<1xi32>
    %slice3A_260 = vector.extract_strided_slice %convert_element_type3A {offsets = [8], sizes = [1], strides = [1]} : vector<16xi32> to vector<1xi32>
    %squeeze3A_261 = vector.extract %slice3A_260[0] : i32 from vector<1xi32>
    %ne3A_262 = arith.constant 0 : i32
    %ne3A_263 = arith.cmpi ne, %squeeze3A_261, %ne3A_262 : i32
    %mul3A_264 = arith.constant 32 : i32
    %mul3A_265 = arith.muli %add3A, %mul3A_264 : i32
    %add3A_266 = arith.constant 0 : i32
    %add3A_267 = arith.addi %mul3A_265, %add3A_266 : i32
    %add3A_268 = arith.constant 9 : i32
    %add3A_269 = arith.addi %add3A_267, %add3A_268 : i32
    %slice3A_270 = vector.extract_strided_slice %select_n3A_131 {offsets = [9], sizes = [1], strides = [1]} : vector<16xi32> to vector<1xi32>
    %squeeze3A_271 = vector.extract %slice3A_270[0] : i32 from vector<1xi32>
    %slice3A_272 = vector.extract_strided_slice %gather3A_137 {offsets = [9], sizes = [1], strides = [1]} : vector<16xi32> to vector<1xi32>
    %squeeze3A_273 = vector.extract %slice3A_272[0] : i32 from vector<1xi32>
    %slice3A_274 = vector.extract_strided_slice %convert_element_type3A {offsets = [9], sizes = [1], strides = [1]} : vector<16xi32> to vector<1xi32>
    %squeeze3A_275 = vector.extract %slice3A_274[0] : i32 from vector<1xi32>
    %ne3A_276 = arith.constant 0 : i32
    %ne3A_277 = arith.cmpi ne, %squeeze3A_275, %ne3A_276 : i32
    %mul3A_278 = arith.constant 32 : i32
    %mul3A_279 = arith.muli %add3A, %mul3A_278 : i32
    %add3A_280 = arith.constant 0 : i32
    %add3A_281 = arith.addi %mul3A_279, %add3A_280 : i32
    %add3A_282 = arith.constant 10 : i32
    %add3A_283 = arith.addi %add3A_281, %add3A_282 : i32
    %slice3A_284 = vector.extract_strided_slice %select_n3A_131 {offsets = [10], sizes = [1], strides = [1]} : vector<16xi32> to vector<1xi32>
    %squeeze3A_285 = vector.extract %slice3A_284[0] : i32 from vector<1xi32>
    %slice3A_286 = vector.extract_strided_slice %gather3A_137 {offsets = [10], sizes = [1], strides = [1]} : vector<16xi32> to vector<1xi32>
    %squeeze3A_287 = vector.extract %slice3A_286[0] : i32 from vector<1xi32>
    %slice3A_288 = vector.extract_strided_slice %convert_element_type3A {offsets = [10], sizes = [1], strides = [1]} : vector<16xi32> to vector<1xi32>
    %squeeze3A_289 = vector.extract %slice3A_288[0] : i32 from vector<1xi32>
    %ne3A_290 = arith.constant 0 : i32
    %ne3A_291 = arith.cmpi ne, %squeeze3A_289, %ne3A_290 : i32
    %mul3A_292 = arith.constant 32 : i32
    %mul3A_293 = arith.muli %add3A, %mul3A_292 : i32
    %add3A_294 = arith.constant 0 : i32
    %add3A_295 = arith.addi %mul3A_293, %add3A_294 : i32
    %add3A_296 = arith.constant 11 : i32
    %add3A_297 = arith.addi %add3A_295, %add3A_296 : i32
    %slice3A_298 = vector.extract_strided_slice %select_n3A_131 {offsets = [11], sizes = [1], strides = [1]} : vector<16xi32> to vector<1xi32>
    %squeeze3A_299 = vector.extract %slice3A_298[0] : i32 from vector<1xi32>
    %slice3A_300 = vector.extract_strided_slice %gather3A_137 {offsets = [11], sizes = [1], strides = [1]} : vector<16xi32> to vector<1xi32>
    %squeeze3A_301 = vector.extract %slice3A_300[0] : i32 from vector<1xi32>
    %slice3A_302 = vector.extract_strided_slice %convert_element_type3A {offsets = [11], sizes = [1], strides = [1]} : vector<16xi32> to vector<1xi32>
    %squeeze3A_303 = vector.extract %slice3A_302[0] : i32 from vector<1xi32>
    %ne3A_304 = arith.constant 0 : i32
    %ne3A_305 = arith.cmpi ne, %squeeze3A_303, %ne3A_304 : i32
    %mul3A_306 = arith.constant 32 : i32
    %mul3A_307 = arith.muli %add3A, %mul3A_306 : i32
    %add3A_308 = arith.constant 0 : i32
    %add3A_309 = arith.addi %mul3A_307, %add3A_308 : i32
    %add3A_310 = arith.constant 12 : i32
    %add3A_311 = arith.addi %add3A_309, %add3A_310 : i32
    %slice3A_312 = vector.extract_strided_slice %select_n3A_131 {offsets = [12], sizes = [1], strides = [1]} : vector<16xi32> to vector<1xi32>
    %squeeze3A_313 = vector.extract %slice3A_312[0] : i32 from vector<1xi32>
    %slice3A_314 = vector.extract_strided_slice %gather3A_137 {offsets = [12], sizes = [1], strides = [1]} : vector<16xi32> to vector<1xi32>
    %squeeze3A_315 = vector.extract %slice3A_314[0] : i32 from vector<1xi32>
    %slice3A_316 = vector.extract_strided_slice %convert_element_type3A {offsets = [12], sizes = [1], strides = [1]} : vector<16xi32> to vector<1xi32>
    %squeeze3A_317 = vector.extract %slice3A_316[0] : i32 from vector<1xi32>
    %ne3A_318 = arith.constant 0 : i32
    %ne3A_319 = arith.cmpi ne, %squeeze3A_317, %ne3A_318 : i32
    %mul3A_320 = arith.constant 32 : i32
    %mul3A_321 = arith.muli %add3A, %mul3A_320 : i32
    %add3A_322 = arith.constant 0 : i32
    %add3A_323 = arith.addi %mul3A_321, %add3A_322 : i32
    %add3A_324 = arith.constant 13 : i32
    %add3A_325 = arith.addi %add3A_323, %add3A_324 : i32
    %slice3A_326 = vector.extract_strided_slice %select_n3A_131 {offsets = [13], sizes = [1], strides = [1]} : vector<16xi32> to vector<1xi32>
    %squeeze3A_327 = vector.extract %slice3A_326[0] : i32 from vector<1xi32>
    %slice3A_328 = vector.extract_strided_slice %gather3A_137 {offsets = [13], sizes = [1], strides = [1]} : vector<16xi32> to vector<1xi32>
    %squeeze3A_329 = vector.extract %slice3A_328[0] : i32 from vector<1xi32>
    %slice3A_330 = vector.extract_strided_slice %convert_element_type3A {offsets = [13], sizes = [1], strides = [1]} : vector<16xi32> to vector<1xi32>
    %squeeze3A_331 = vector.extract %slice3A_330[0] : i32 from vector<1xi32>
    %ne3A_332 = arith.constant 0 : i32
    %ne3A_333 = arith.cmpi ne, %squeeze3A_331, %ne3A_332 : i32
    %mul3A_334 = arith.constant 32 : i32
    %mul3A_335 = arith.muli %add3A, %mul3A_334 : i32
    %add3A_336 = arith.constant 0 : i32
    %add3A_337 = arith.addi %mul3A_335, %add3A_336 : i32
    %add3A_338 = arith.constant 14 : i32
    %add3A_339 = arith.addi %add3A_337, %add3A_338 : i32
    %slice3A_340 = vector.extract_strided_slice %select_n3A_131 {offsets = [14], sizes = [1], strides = [1]} : vector<16xi32> to vector<1xi32>
    %squeeze3A_341 = vector.extract %slice3A_340[0] : i32 from vector<1xi32>
    %slice3A_342 = vector.extract_strided_slice %gather3A_137 {offsets = [14], sizes = [1], strides = [1]} : vector<16xi32> to vector<1xi32>
    %squeeze3A_343 = vector.extract %slice3A_342[0] : i32 from vector<1xi32>
    %slice3A_344 = vector.extract_strided_slice %convert_element_type3A {offsets = [14], sizes = [1], strides = [1]} : vector<16xi32> to vector<1xi32>
    %squeeze3A_345 = vector.extract %slice3A_344[0] : i32 from vector<1xi32>
    %ne3A_346 = arith.constant 0 : i32
    %ne3A_347 = arith.cmpi ne, %squeeze3A_345, %ne3A_346 : i32
    %mul3A_348 = arith.constant 32 : i32
    %mul3A_349 = arith.muli %add3A, %mul3A_348 : i32
    %add3A_350 = arith.constant 0 : i32
    %add3A_351 = arith.addi %mul3A_349, %add3A_350 : i32
    %add3A_352 = arith.constant 15 : i32
    %add3A_353 = arith.addi %add3A_351, %add3A_352 : i32
    %slice3A_354 = vector.extract_strided_slice %select_n3A_131 {offsets = [15], sizes = [1], strides = [1]} : vector<16xi32> to vector<1xi32>
    %squeeze3A_355 = vector.extract %slice3A_354[0] : i32 from vector<1xi32>
    %slice3A_356 = vector.extract_strided_slice %gather3A_137 {offsets = [15], sizes = [1], strides = [1]} : vector<16xi32> to vector<1xi32>
    %squeeze3A_357 = vector.extract %slice3A_356[0] : i32 from vector<1xi32>
    %slice3A_358 = vector.extract_strided_slice %convert_element_type3A {offsets = [15], sizes = [1], strides = [1]} : vector<16xi32> to vector<1xi32>
    %squeeze3A_359 = vector.extract %slice3A_358[0] : i32 from vector<1xi32>
    %ne3A_360 = arith.constant 0 : i32
    %ne3A_361 = arith.cmpi ne, %squeeze3A_359, %ne3A_360 : i32
    %mul3A_362 = arith.constant 32 : i32
    %mul3A_363 = arith.muli %add3A, %mul3A_362 : i32
    %add3A_364 = arith.constant 16 : i32
    %add3A_365 = arith.addi %mul3A_363, %add3A_364 : i32
    %add3A_366 = vector.broadcast %add3A_365 : i32 to vector<16xi32>
    %add3A_367 = arith.addi %add3A_366, %iota3A : vector<16xi32>
    %sub3A_368 = vector.broadcast %select_n3A_10 : i32 to vector<16xi32>
    %sub3A_369 = arith.subi %add3A_367, %sub3A_368 : vector<16xi32>
    %add3A_370 = arith.constant 1 : i32
    %add3A_371 = vector.broadcast %add3A_370 : i32 to vector<16xi32>
    %add3A_372 = arith.addi %sub3A_369, %add3A_371 : vector<16xi32>
    %broadcast_in_dim3A_373 = arith.constant 0 : i32
    %broadcast_in_dim3A_374 = vector.broadcast %broadcast_in_dim3A_373 : i32 to vector<16xi32>
    %add3A_375 = arith.constant 1024 : i32
    %add3A_376 = vector.broadcast %add3A_375 : i32 to vector<16xi32>
    %add3A_377 = arith.addi %broadcast_in_dim3A_374, %add3A_376 : vector<16xi32>
    %sub3A_378 = arith.constant 1 : i32
    %sub3A_379 = vector.broadcast %sub3A_378 : i32 to vector<16xi32>
    %sub3A_380 = arith.subi %add3A_377, %sub3A_379 : vector<16xi32>
    %gather3A_381 = tpu.vector_load_idx %arg11[%sub3A_380] : memref<2048xi32, #tpu.memory_space<vmem>>[vector<16xi32>], vector<16xi32>,
    %lt3A_382 = arith.cmpi slt, %gather3A_381, %add3A_372 : vector<16xi32>
    %select_n3A_383 = arith.select %lt3A_382, %add3A_377, %broadcast_in_dim3A_374 : vector<16xi1>, vector<16xi32>
    %add3A_384 = arith.constant 512 : i32
    %add3A_385 = vector.broadcast %add3A_384 : i32 to vector<16xi32>
    %add3A_386 = arith.addi %select_n3A_383, %add3A_385 : vector<16xi32>
    %sub3A_387 = arith.constant 1 : i32
    %sub3A_388 = vector.broadcast %sub3A_387 : i32 to vector<16xi32>
    %sub3A_389 = arith.subi %add3A_386, %sub3A_388 : vector<16xi32>
    %gather3A_390 = tpu.vector_load_idx %arg11[%sub3A_389] : memref<2048xi32, #tpu.memory_space<vmem>>[vector<16xi32>], vector<16xi32>,
    %lt3A_391 = arith.cmpi slt, %gather3A_390, %add3A_372 : vector<16xi32>
    %select_n3A_392 = arith.select %lt3A_391, %add3A_386, %select_n3A_383 : vector<16xi1>, vector<16xi32>
    %add3A_393 = arith.constant 256 : i32
    %add3A_394 = vector.broadcast %add3A_393 : i32 to vector<16xi32>
    %add3A_395 = arith.addi %select_n3A_392, %add3A_394 : vector<16xi32>
    %sub3A_396 = arith.constant 1 : i32
    %sub3A_397 = vector.broadcast %sub3A_396 : i32 to vector<16xi32>
    %sub3A_398 = arith.subi %add3A_395, %sub3A_397 : vector<16xi32>
    %gather3A_399 = tpu.vector_load_idx %arg11[%sub3A_398] : memref<2048xi32, #tpu.memory_space<vmem>>[vector<16xi32>], vector<16xi32>,
    %lt3A_400 = arith.cmpi slt, %gather3A_399, %add3A_372 : vector<16xi32>
    %select_n3A_401 = arith.select %lt3A_400, %add3A_395, %select_n3A_392 : vector<16xi1>, vector<16xi32>
    %add3A_402 = arith.constant 128 : i32
    %add3A_403 = vector.broadcast %add3A_402 : i32 to vector<16xi32>
    %add3A_404 = arith.addi %select_n3A_401, %add3A_403 : vector<16xi32>
    %sub3A_405 = arith.constant 1 : i32
    %sub3A_406 = vector.broadcast %sub3A_405 : i32 to vector<16xi32>
    %sub3A_407 = arith.subi %add3A_404, %sub3A_406 : vector<16xi32>
    %gather3A_408 = tpu.vector_load_idx %arg11[%sub3A_407] : memref<2048xi32, #tpu.memory_space<vmem>>[vector<16xi32>], vector<16xi32>,
    %lt3A_409 = arith.cmpi slt, %gather3A_408, %add3A_372 : vector<16xi32>
    %select_n3A_410 = arith.select %lt3A_409, %add3A_404, %select_n3A_401 : vector<16xi1>, vector<16xi32>
    %add3A_411 = arith.constant 64 : i32
    %add3A_412 = vector.broadcast %add3A_411 : i32 to vector<16xi32>
    %add3A_413 = arith.addi %select_n3A_410, %add3A_412 : vector<16xi32>
    %sub3A_414 = arith.constant 1 : i32
    %sub3A_415 = vector.broadcast %sub3A_414 : i32 to vector<16xi32>
    %sub3A_416 = arith.subi %add3A_413, %sub3A_415 : vector<16xi32>
    %gather3A_417 = tpu.vector_load_idx %arg11[%sub3A_416] : memref<2048xi32, #tpu.memory_space<vmem>>[vector<16xi32>], vector<16xi32>,
    %lt3A_418 = arith.cmpi slt, %gather3A_417, %add3A_372 : vector<16xi32>
    %select_n3A_419 = arith.select %lt3A_418, %add3A_413, %select_n3A_410 : vector<16xi1>, vector<16xi32>
    %add3A_420 = arith.constant 32 : i32
    %add3A_421 = vector.broadcast %add3A_420 : i32 to vector<16xi32>
    %add3A_422 = arith.addi %select_n3A_419, %add3A_421 : vector<16xi32>
    %sub3A_423 = arith.constant 1 : i32
    %sub3A_424 = vector.broadcast %sub3A_423 : i32 to vector<16xi32>
    %sub3A_425 = arith.subi %add3A_422, %sub3A_424 : vector<16xi32>
    %gather3A_426 = tpu.vector_load_idx %arg11[%sub3A_425] : memref<2048xi32, #tpu.memory_space<vmem>>[vector<16xi32>], vector<16xi32>,
    %lt3A_427 = arith.cmpi slt, %gather3A_426, %add3A_372 : vector<16xi32>
    %select_n3A_428 = arith.select %lt3A_427, %add3A_422, %select_n3A_419 : vector<16xi1>, vector<16xi32>
    %add3A_429 = arith.constant 16 : i32
    %add3A_430 = vector.broadcast %add3A_429 : i32 to vector<16xi32>
    %add3A_431 = arith.addi %select_n3A_428, %add3A_430 : vector<16xi32>
    %sub3A_432 = arith.constant 1 : i32
    %sub3A_433 = vector.broadcast %sub3A_432 : i32 to vector<16xi32>
    %sub3A_434 = arith.subi %add3A_431, %sub3A_433 : vector<16xi32>
    %gather3A_435 = tpu.vector_load_idx %arg11[%sub3A_434] : memref<2048xi32, #tpu.memory_space<vmem>>[vector<16xi32>], vector<16xi32>,
    %lt3A_436 = arith.cmpi slt, %gather3A_435, %add3A_372 : vector<16xi32>
    %select_n3A_437 = arith.select %lt3A_436, %add3A_431, %select_n3A_428 : vector<16xi1>, vector<16xi32>
    %add3A_438 = arith.constant 8 : i32
    %add3A_439 = vector.broadcast %add3A_438 : i32 to vector<16xi32>
    %add3A_440 = arith.addi %select_n3A_437, %add3A_439 : vector<16xi32>
    %sub3A_441 = arith.constant 1 : i32
    %sub3A_442 = vector.broadcast %sub3A_441 : i32 to vector<16xi32>
    %sub3A_443 = arith.subi %add3A_440, %sub3A_442 : vector<16xi32>
    %gather3A_444 = tpu.vector_load_idx %arg11[%sub3A_443] : memref<2048xi32, #tpu.memory_space<vmem>>[vector<16xi32>], vector<16xi32>,
    %lt3A_445 = arith.cmpi slt, %gather3A_444, %add3A_372 : vector<16xi32>
    %select_n3A_446 = arith.select %lt3A_445, %add3A_440, %select_n3A_437 : vector<16xi1>, vector<16xi32>
    %add3A_447 = arith.constant 4 : i32
    %add3A_448 = vector.broadcast %add3A_447 : i32 to vector<16xi32>
    %add3A_449 = arith.addi %select_n3A_446, %add3A_448 : vector<16xi32>
    %sub3A_450 = arith.constant 1 : i32
    %sub3A_451 = vector.broadcast %sub3A_450 : i32 to vector<16xi32>
    %sub3A_452 = arith.subi %add3A_449, %sub3A_451 : vector<16xi32>
    %gather3A_453 = tpu.vector_load_idx %arg11[%sub3A_452] : memref<2048xi32, #tpu.memory_space<vmem>>[vector<16xi32>], vector<16xi32>,
    %lt3A_454 = arith.cmpi slt, %gather3A_453, %add3A_372 : vector<16xi32>
    %select_n3A_455 = arith.select %lt3A_454, %add3A_449, %select_n3A_446 : vector<16xi1>, vector<16xi32>
    %add3A_456 = arith.constant 2 : i32
    %add3A_457 = vector.broadcast %add3A_456 : i32 to vector<16xi32>
    %add3A_458 = arith.addi %select_n3A_455, %add3A_457 : vector<16xi32>
    %sub3A_459 = arith.constant 1 : i32
    %sub3A_460 = vector.broadcast %sub3A_459 : i32 to vector<16xi32>
    %sub3A_461 = arith.subi %add3A_458, %sub3A_460 : vector<16xi32>
    %gather3A_462 = tpu.vector_load_idx %arg11[%sub3A_461] : memref<2048xi32, #tpu.memory_space<vmem>>[vector<16xi32>], vector<16xi32>,
    %lt3A_463 = arith.cmpi slt, %gather3A_462, %add3A_372 : vector<16xi32>
    %select_n3A_464 = arith.select %lt3A_463, %add3A_458, %select_n3A_455 : vector<16xi1>, vector<16xi32>
    %add3A_465 = arith.constant 1 : i32
    %add3A_466 = vector.broadcast %add3A_465 : i32 to vector<16xi32>
    %add3A_467 = arith.addi %select_n3A_464, %add3A_466 : vector<16xi32>
    %sub3A_468 = arith.constant 1 : i32
    %sub3A_469 = vector.broadcast %sub3A_468 : i32 to vector<16xi32>
    %sub3A_470 = arith.subi %add3A_467, %sub3A_469 : vector<16xi32>
    %gather3A_471 = tpu.vector_load_idx %arg11[%sub3A_470] : memref<2048xi32, #tpu.memory_space<vmem>>[vector<16xi32>], vector<16xi32>,
    %lt3A_472 = arith.cmpi slt, %gather3A_471, %add3A_372 : vector<16xi32>
    %select_n3A_473 = arith.select %lt3A_472, %add3A_467, %select_n3A_464 : vector<16xi1>, vector<16xi32>
    %ge3A_474 = arith.constant 0 : i32
    %ge3A_475 = vector.broadcast %ge3A_474 : i32 to vector<16xi32>
    %ge3A_476 = arith.cmpi sge, %sub3A_369, %ge3A_475 : vector<16xi32>
    %lt3A_477 = vector.broadcast %squeeze3A_22 : i32 to vector<16xi32>
    %lt3A_478 = arith.cmpi slt, %sub3A_369, %lt3A_477 : vector<16xi32>
    %and3A_479 = arith.andi %ge3A_476, %lt3A_478 : vector<16xi1>
    %convert_element_type3A_480 = arith.extui %and3A_479 : vector<16xi1> to vector<16xi32>
    %gather3A_481 = tpu.vector_load_idx %arg10[%select_n3A_473] : memref<2048xi32, #tpu.memory_space<vmem>>[vector<16xi32>], vector<16xi32>,
    %mul3A_482 = arith.constant 32 : i32
    %mul3A_483 = arith.muli %add3A, %mul3A_482 : i32
    %add3A_484 = arith.constant 16 : i32
    %add3A_485 = arith.addi %mul3A_483, %add3A_484 : i32
    %add3A_486 = arith.constant 0 : i32
    %add3A_487 = arith.addi %add3A_485, %add3A_486 : i32
    %slice3A_488 = vector.extract_strided_slice %select_n3A_473 {offsets = [0], sizes = [1], strides = [1]} : vector<16xi32> to vector<1xi32>
    %squeeze3A_489 = vector.extract %slice3A_488[0] : i32 from vector<1xi32>
    %slice3A_490 = vector.extract_strided_slice %gather3A_481 {offsets = [0], sizes = [1], strides = [1]} : vector<16xi32> to vector<1xi32>
    %squeeze3A_491 = vector.extract %slice3A_490[0] : i32 from vector<1xi32>
    %slice3A_492 = vector.extract_strided_slice %convert_element_type3A_480 {offsets = [0], sizes = [1], strides = [1]} : vector<16xi32> to vector<1xi32>
    %squeeze3A_493 = vector.extract %slice3A_492[0] : i32 from vector<1xi32>
    %ne3A_494 = arith.constant 0 : i32
    %ne3A_495 = arith.cmpi ne, %squeeze3A_493, %ne3A_494 : i32
    %mul3A_496 = arith.constant 32 : i32
    %mul3A_497 = arith.muli %add3A, %mul3A_496 : i32
    %add3A_498 = arith.constant 16 : i32
    %add3A_499 = arith.addi %mul3A_497, %add3A_498 : i32
    %add3A_500 = arith.constant 1 : i32
    %add3A_501 = arith.addi %add3A_499, %add3A_500 : i32
    %slice3A_502 = vector.extract_strided_slice %select_n3A_473 {offsets = [1], sizes = [1], strides = [1]} : vector<16xi32> to vector<1xi32>
    %squeeze3A_503 = vector.extract %slice3A_502[0] : i32 from vector<1xi32>
    %slice3A_504 = vector.extract_strided_slice %gather3A_481 {offsets = [1], sizes = [1], strides = [1]} : vector<16xi32> to vector<1xi32>
    %squeeze3A_505 = vector.extract %slice3A_504[0] : i32 from vector<1xi32>
    %slice3A_506 = vector.extract_strided_slice %convert_element_type3A_480 {offsets = [1], sizes = [1], strides = [1]} : vector<16xi32> to vector<1xi32>
    %squeeze3A_507 = vector.extract %slice3A_506[0] : i32 from vector<1xi32>
    %ne3A_508 = arith.constant 0 : i32
    %ne3A_509 = arith.cmpi ne, %squeeze3A_507, %ne3A_508 : i32
    %mul3A_510 = arith.constant 32 : i32
    %mul3A_511 = arith.muli %add3A, %mul3A_510 : i32
    %add3A_512 = arith.constant 16 : i32
    %add3A_513 = arith.addi %mul3A_511, %add3A_512 : i32
    %add3A_514 = arith.constant 2 : i32
    %add3A_515 = arith.addi %add3A_513, %add3A_514 : i32
    %slice3A_516 = vector.extract_strided_slice %select_n3A_473 {offsets = [2], sizes = [1], strides = [1]} : vector<16xi32> to vector<1xi32>
    %squeeze3A_517 = vector.extract %slice3A_516[0] : i32 from vector<1xi32>
    %slice3A_518 = vector.extract_strided_slice %gather3A_481 {offsets = [2], sizes = [1], strides = [1]} : vector<16xi32> to vector<1xi32>
    %squeeze3A_519 = vector.extract %slice3A_518[0] : i32 from vector<1xi32>
    %slice3A_520 = vector.extract_strided_slice %convert_element_type3A_480 {offsets = [2], sizes = [1], strides = [1]} : vector<16xi32> to vector<1xi32>
    %squeeze3A_521 = vector.extract %slice3A_520[0] : i32 from vector<1xi32>
    %ne3A_522 = arith.constant 0 : i32
    %ne3A_523 = arith.cmpi ne, %squeeze3A_521, %ne3A_522 : i32
    %mul3A_524 = arith.constant 32 : i32
    %mul3A_525 = arith.muli %add3A, %mul3A_524 : i32
    %add3A_526 = arith.constant 16 : i32
    %add3A_527 = arith.addi %mul3A_525, %add3A_526 : i32
    %add3A_528 = arith.constant 3 : i32
    %add3A_529 = arith.addi %add3A_527, %add3A_528 : i32
    %slice3A_530 = vector.extract_strided_slice %select_n3A_473 {offsets = [3], sizes = [1], strides = [1]} : vector<16xi32> to vector<1xi32>
    %squeeze3A_531 = vector.extract %slice3A_530[0] : i32 from vector<1xi32>
    %slice3A_532 = vector.extract_strided_slice %gather3A_481 {offsets = [3], sizes = [1], strides = [1]} : vector<16xi32> to vector<1xi32>
    %squeeze3A_533 = vector.extract %slice3A_532[0] : i32 from vector<1xi32>
    %slice3A_534 = vector.extract_strided_slice %convert_element_type3A_480 {offsets = [3], sizes = [1], strides = [1]} : vector<16xi32> to vector<1xi32>
    %squeeze3A_535 = vector.extract %slice3A_534[0] : i32 from vector<1xi32>
    %ne3A_536 = arith.constant 0 : i32
    %ne3A_537 = arith.cmpi ne, %squeeze3A_535, %ne3A_536 : i32
    %mul3A_538 = arith.constant 32 : i32
    %mul3A_539 = arith.muli %add3A, %mul3A_538 : i32
    %add3A_540 = arith.constant 16 : i32
    %add3A_541 = arith.addi %mul3A_539, %add3A_540 : i32
    %add3A_542 = arith.constant 4 : i32
    %add3A_543 = arith.addi %add3A_541, %add3A_542 : i32
    %slice3A_544 = vector.extract_strided_slice %select_n3A_473 {offsets = [4], sizes = [1], strides = [1]} : vector<16xi32> to vector<1xi32>
    %squeeze3A_545 = vector.extract %slice3A_544[0] : i32 from vector<1xi32>
    %slice3A_546 = vector.extract_strided_slice %gather3A_481 {offsets = [4], sizes = [1], strides = [1]} : vector<16xi32> to vector<1xi32>
    %squeeze3A_547 = vector.extract %slice3A_546[0] : i32 from vector<1xi32>
    %slice3A_548 = vector.extract_strided_slice %convert_element_type3A_480 {offsets = [4], sizes = [1], strides = [1]} : vector<16xi32> to vector<1xi32>
    %squeeze3A_549 = vector.extract %slice3A_548[0] : i32 from vector<1xi32>
    %ne3A_550 = arith.constant 0 : i32
    %ne3A_551 = arith.cmpi ne, %squeeze3A_549, %ne3A_550 : i32
    %mul3A_552 = arith.constant 32 : i32
    %mul3A_553 = arith.muli %add3A, %mul3A_552 : i32
    %add3A_554 = arith.constant 16 : i32
    %add3A_555 = arith.addi %mul3A_553, %add3A_554 : i32
    %add3A_556 = arith.constant 5 : i32
    %add3A_557 = arith.addi %add3A_555, %add3A_556 : i32
    %slice3A_558 = vector.extract_strided_slice %select_n3A_473 {offsets = [5], sizes = [1], strides = [1]} : vector<16xi32> to vector<1xi32>
    %squeeze3A_559 = vector.extract %slice3A_558[0] : i32 from vector<1xi32>
    %slice3A_560 = vector.extract_strided_slice %gather3A_481 {offsets = [5], sizes = [1], strides = [1]} : vector<16xi32> to vector<1xi32>
    %squeeze3A_561 = vector.extract %slice3A_560[0] : i32 from vector<1xi32>
    %slice3A_562 = vector.extract_strided_slice %convert_element_type3A_480 {offsets = [5], sizes = [1], strides = [1]} : vector<16xi32> to vector<1xi32>
    %squeeze3A_563 = vector.extract %slice3A_562[0] : i32 from vector<1xi32>
    %ne3A_564 = arith.constant 0 : i32
    %ne3A_565 = arith.cmpi ne, %squeeze3A_563, %ne3A_564 : i32
    %mul3A_566 = arith.constant 32 : i32
    %mul3A_567 = arith.muli %add3A, %mul3A_566 : i32
    %add3A_568 = arith.constant 16 : i32
    %add3A_569 = arith.addi %mul3A_567, %add3A_568 : i32
    %add3A_570 = arith.constant 6 : i32
    %add3A_571 = arith.addi %add3A_569, %add3A_570 : i32
    %slice3A_572 = vector.extract_strided_slice %select_n3A_473 {offsets = [6], sizes = [1], strides = [1]} : vector<16xi32> to vector<1xi32>
    %squeeze3A_573 = vector.extract %slice3A_572[0] : i32 from vector<1xi32>
    %slice3A_574 = vector.extract_strided_slice %gather3A_481 {offsets = [6], sizes = [1], strides = [1]} : vector<16xi32> to vector<1xi32>
    %squeeze3A_575 = vector.extract %slice3A_574[0] : i32 from vector<1xi32>
    %slice3A_576 = vector.extract_strided_slice %convert_element_type3A_480 {offsets = [6], sizes = [1], strides = [1]} : vector<16xi32> to vector<1xi32>
    %squeeze3A_577 = vector.extract %slice3A_576[0] : i32 from vector<1xi32>
    %ne3A_578 = arith.constant 0 : i32
    %ne3A_579 = arith.cmpi ne, %squeeze3A_577, %ne3A_578 : i32
    %mul3A_580 = arith.constant 32 : i32
    %mul3A_581 = arith.muli %add3A, %mul3A_580 : i32
    %add3A_582 = arith.constant 16 : i32
    %add3A_583 = arith.addi %mul3A_581, %add3A_582 : i32
    %add3A_584 = arith.constant 7 : i32
    %add3A_585 = arith.addi %add3A_583, %add3A_584 : i32
    %slice3A_586 = vector.extract_strided_slice %select_n3A_473 {offsets = [7], sizes = [1], strides = [1]} : vector<16xi32> to vector<1xi32>
    %squeeze3A_587 = vector.extract %slice3A_586[0] : i32 from vector<1xi32>
    %slice3A_588 = vector.extract_strided_slice %gather3A_481 {offsets = [7], sizes = [1], strides = [1]} : vector<16xi32> to vector<1xi32>
    %squeeze3A_589 = vector.extract %slice3A_588[0] : i32 from vector<1xi32>
    %slice3A_590 = vector.extract_strided_slice %convert_element_type3A_480 {offsets = [7], sizes = [1], strides = [1]} : vector<16xi32> to vector<1xi32>
    %squeeze3A_591 = vector.extract %slice3A_590[0] : i32 from vector<1xi32>
    %ne3A_592 = arith.constant 0 : i32
    %ne3A_593 = arith.cmpi ne, %squeeze3A_591, %ne3A_592 : i32
    %mul3A_594 = arith.constant 32 : i32
    %mul3A_595 = arith.muli %add3A, %mul3A_594 : i32
    %add3A_596 = arith.constant 16 : i32
    %add3A_597 = arith.addi %mul3A_595, %add3A_596 : i32
    %add3A_598 = arith.constant 8 : i32
    %add3A_599 = arith.addi %add3A_597, %add3A_598 : i32
    %slice3A_600 = vector.extract_strided_slice %select_n3A_473 {offsets = [8], sizes = [1], strides = [1]} : vector<16xi32> to vector<1xi32>
    %squeeze3A_601 = vector.extract %slice3A_600[0] : i32 from vector<1xi32>
    %slice3A_602 = vector.extract_strided_slice %gather3A_481 {offsets = [8], sizes = [1], strides = [1]} : vector<16xi32> to vector<1xi32>
    %squeeze3A_603 = vector.extract %slice3A_602[0] : i32 from vector<1xi32>
    %slice3A_604 = vector.extract_strided_slice %convert_element_type3A_480 {offsets = [8], sizes = [1], strides = [1]} : vector<16xi32> to vector<1xi32>
    %squeeze3A_605 = vector.extract %slice3A_604[0] : i32 from vector<1xi32>
    %ne3A_606 = arith.constant 0 : i32
    %ne3A_607 = arith.cmpi ne, %squeeze3A_605, %ne3A_606 : i32
    %mul3A_608 = arith.constant 32 : i32
    %mul3A_609 = arith.muli %add3A, %mul3A_608 : i32
    %add3A_610 = arith.constant 16 : i32
    %add3A_611 = arith.addi %mul3A_609, %add3A_610 : i32
    %add3A_612 = arith.constant 9 : i32
    %add3A_613 = arith.addi %add3A_611, %add3A_612 : i32
    %slice3A_614 = vector.extract_strided_slice %select_n3A_473 {offsets = [9], sizes = [1], strides = [1]} : vector<16xi32> to vector<1xi32>
    %squeeze3A_615 = vector.extract %slice3A_614[0] : i32 from vector<1xi32>
    %slice3A_616 = vector.extract_strided_slice %gather3A_481 {offsets = [9], sizes = [1], strides = [1]} : vector<16xi32> to vector<1xi32>
    %squeeze3A_617 = vector.extract %slice3A_616[0] : i32 from vector<1xi32>
    %slice3A_618 = vector.extract_strided_slice %convert_element_type3A_480 {offsets = [9], sizes = [1], strides = [1]} : vector<16xi32> to vector<1xi32>
    %squeeze3A_619 = vector.extract %slice3A_618[0] : i32 from vector<1xi32>
    %ne3A_620 = arith.constant 0 : i32
    %ne3A_621 = arith.cmpi ne, %squeeze3A_619, %ne3A_620 : i32
    %mul3A_622 = arith.constant 32 : i32
    %mul3A_623 = arith.muli %add3A, %mul3A_622 : i32
    %add3A_624 = arith.constant 16 : i32
    %add3A_625 = arith.addi %mul3A_623, %add3A_624 : i32
    %add3A_626 = arith.constant 10 : i32
    %add3A_627 = arith.addi %add3A_625, %add3A_626 : i32
    %slice3A_628 = vector.extract_strided_slice %select_n3A_473 {offsets = [10], sizes = [1], strides = [1]} : vector<16xi32> to vector<1xi32>
    %squeeze3A_629 = vector.extract %slice3A_628[0] : i32 from vector<1xi32>
    %slice3A_630 = vector.extract_strided_slice %gather3A_481 {offsets = [10], sizes = [1], strides = [1]} : vector<16xi32> to vector<1xi32>
    %squeeze3A_631 = vector.extract %slice3A_630[0] : i32 from vector<1xi32>
    %slice3A_632 = vector.extract_strided_slice %convert_element_type3A_480 {offsets = [10], sizes = [1], strides = [1]} : vector<16xi32> to vector<1xi32>
    %squeeze3A_633 = vector.extract %slice3A_632[0] : i32 from vector<1xi32>
    %ne3A_634 = arith.constant 0 : i32
    %ne3A_635 = arith.cmpi ne, %squeeze3A_633, %ne3A_634 : i32
    %mul3A_636 = arith.constant 32 : i32
    %mul3A_637 = arith.muli %add3A, %mul3A_636 : i32
    %add3A_638 = arith.constant 16 : i32
    %add3A_639 = arith.addi %mul3A_637, %add3A_638 : i32
    %add3A_640 = arith.constant 11 : i32
    %add3A_641 = arith.addi %add3A_639, %add3A_640 : i32
    %slice3A_642 = vector.extract_strided_slice %select_n3A_473 {offsets = [11], sizes = [1], strides = [1]} : vector<16xi32> to vector<1xi32>
    %squeeze3A_643 = vector.extract %slice3A_642[0] : i32 from vector<1xi32>
    %slice3A_644 = vector.extract_strided_slice %gather3A_481 {offsets = [11], sizes = [1], strides = [1]} : vector<16xi32> to vector<1xi32>
    %squeeze3A_645 = vector.extract %slice3A_644[0] : i32 from vector<1xi32>
    %slice3A_646 = vector.extract_strided_slice %convert_element_type3A_480 {offsets = [11], sizes = [1], strides = [1]} : vector<16xi32> to vector<1xi32>
    %squeeze3A_647 = vector.extract %slice3A_646[0] : i32 from vector<1xi32>
    %ne3A_648 = arith.constant 0 : i32
    %ne3A_649 = arith.cmpi ne, %squeeze3A_647, %ne3A_648 : i32
    %mul3A_650 = arith.constant 32 : i32
    %mul3A_651 = arith.muli %add3A, %mul3A_650 : i32
    %add3A_652 = arith.constant 16 : i32
    %add3A_653 = arith.addi %mul3A_651, %add3A_652 : i32
    %add3A_654 = arith.constant 12 : i32
    %add3A_655 = arith.addi %add3A_653, %add3A_654 : i32
    %slice3A_656 = vector.extract_strided_slice %select_n3A_473 {offsets = [12], sizes = [1], strides = [1]} : vector<16xi32> to vector<1xi32>
    %squeeze3A_657 = vector.extract %slice3A_656[0] : i32 from vector<1xi32>
    %slice3A_658 = vector.extract_strided_slice %gather3A_481 {offsets = [12], sizes = [1], strides = [1]} : vector<16xi32> to vector<1xi32>
    %squeeze3A_659 = vector.extract %slice3A_658[0] : i32 from vector<1xi32>
    %slice3A_660 = vector.extract_strided_slice %convert_element_type3A_480 {offsets = [12], sizes = [1], strides = [1]} : vector<16xi32> to vector<1xi32>
    %squeeze3A_661 = vector.extract %slice3A_660[0] : i32 from vector<1xi32>
    %ne3A_662 = arith.constant 0 : i32
    %ne3A_663 = arith.cmpi ne, %squeeze3A_661, %ne3A_662 : i32
    %mul3A_664 = arith.constant 32 : i32
    %mul3A_665 = arith.muli %add3A, %mul3A_664 : i32
    %add3A_666 = arith.constant 16 : i32
    %add3A_667 = arith.addi %mul3A_665, %add3A_666 : i32
    %add3A_668 = arith.constant 13 : i32
    %add3A_669 = arith.addi %add3A_667, %add3A_668 : i32
    %slice3A_670 = vector.extract_strided_slice %select_n3A_473 {offsets = [13], sizes = [1], strides = [1]} : vector<16xi32> to vector<1xi32>
    %squeeze3A_671 = vector.extract %slice3A_670[0] : i32 from vector<1xi32>
    %slice3A_672 = vector.extract_strided_slice %gather3A_481 {offsets = [13], sizes = [1], strides = [1]} : vector<16xi32> to vector<1xi32>
    %squeeze3A_673 = vector.extract %slice3A_672[0] : i32 from vector<1xi32>
    %slice3A_674 = vector.extract_strided_slice %convert_element_type3A_480 {offsets = [13], sizes = [1], strides = [1]} : vector<16xi32> to vector<1xi32>
    %squeeze3A_675 = vector.extract %slice3A_674[0] : i32 from vector<1xi32>
    %ne3A_676 = arith.constant 0 : i32
    %ne3A_677 = arith.cmpi ne, %squeeze3A_675, %ne3A_676 : i32
    %mul3A_678 = arith.constant 32 : i32
    %mul3A_679 = arith.muli %add3A, %mul3A_678 : i32
    %add3A_680 = arith.constant 16 : i32
    %add3A_681 = arith.addi %mul3A_679, %add3A_680 : i32
    %add3A_682 = arith.constant 14 : i32
    %add3A_683 = arith.addi %add3A_681, %add3A_682 : i32
    %slice3A_684 = vector.extract_strided_slice %select_n3A_473 {offsets = [14], sizes = [1], strides = [1]} : vector<16xi32> to vector<1xi32>
    %squeeze3A_685 = vector.extract %slice3A_684[0] : i32 from vector<1xi32>
    %slice3A_686 = vector.extract_strided_slice %gather3A_481 {offsets = [14], sizes = [1], strides = [1]} : vector<16xi32> to vector<1xi32>
    %squeeze3A_687 = vector.extract %slice3A_686[0] : i32 from vector<1xi32>
    %slice3A_688 = vector.extract_strided_slice %convert_element_type3A_480 {offsets = [14], sizes = [1], strides = [1]} : vector<16xi32> to vector<1xi32>
    %squeeze3A_689 = vector.extract %slice3A_688[0] : i32 from vector<1xi32>
    %ne3A_690 = arith.constant 0 : i32
    %ne3A_691 = arith.cmpi ne, %squeeze3A_689, %ne3A_690 : i32
    %mul3A_692 = arith.constant 32 : i32
    %mul3A_693 = arith.muli %add3A, %mul3A_692 : i32
    %add3A_694 = arith.constant 16 : i32
    %add3A_695 = arith.addi %mul3A_693, %add3A_694 : i32
    %add3A_696 = arith.constant 15 : i32
    %add3A_697 = arith.addi %add3A_695, %add3A_696 : i32
    %slice3A_698 = vector.extract_strided_slice %select_n3A_473 {offsets = [15], sizes = [1], strides = [1]} : vector<16xi32> to vector<1xi32>
    %squeeze3A_699 = vector.extract %slice3A_698[0] : i32 from vector<1xi32>
    %slice3A_700 = vector.extract_strided_slice %gather3A_481 {offsets = [15], sizes = [1], strides = [1]} : vector<16xi32> to vector<1xi32>
    %squeeze3A_701 = vector.extract %slice3A_700[0] : i32 from vector<1xi32>
    %slice3A_702 = vector.extract_strided_slice %convert_element_type3A_480 {offsets = [15], sizes = [1], strides = [1]} : vector<16xi32> to vector<1xi32>
    %squeeze3A_703 = vector.extract %slice3A_702[0] : i32 from vector<1xi32>
    %ne3A_704 = arith.constant 0 : i32
    %ne3A_705 = arith.cmpi ne, %squeeze3A_703, %ne3A_704 : i32
    %convert_element_type3A_706 = arith.extui %ne3A_151 : i1 to i32
    %cond3A = arith.constant 0 : i32
    %cond3A_707 = arith.cmpi ne, %convert_element_type3A_706, %cond3A : i32
    scf.if %cond3A_707 {
      %dma_start3A = arith.constant 0 : i32
      %dma_start3A_1439 = arith.constant 0 : i32
      %dma_start3A_1440 = tpu.memref_slice %arg8[%add3A_143, %dma_start3A, %dma_start3A_1439] : memref<1024x128x256xf32, #tpu.memory_space<hbm>> -> memref<1x128x256xf32, #tpu.memory_space<hbm>>
      %dma_start3A_1441 = tpu.memref_squeeze %dma_start3A_1440 : memref<1x128x256xf32, #tpu.memory_space<hbm>> -> memref<128x256xf32, #tpu.memory_space<hbm>>
      %dma_start3A_1442 = arith.constant 0 : i32
      %dma_start3A_1443 = arith.constant 0 : i32
      %dma_start3A_1444 = tpu.memref_slice %arg5[%squeeze3A_145, %dma_start3A_1442, %dma_start3A_1443] : memref<2048x128x256xf32, #tpu.memory_space<hbm>> -> memref<1x128x256xf32, #tpu.memory_space<hbm>>
      %dma_start3A_1445 = tpu.memref_squeeze %dma_start3A_1444 : memref<1x128x256xf32, #tpu.memory_space<hbm>> -> memref<128x256xf32, #tpu.memory_space<hbm>>
      tpu.enqueue_dma source(%dma_start3A_1445 : memref<128x256xf32, #tpu.memory_space<hbm>>) target(%dma_start3A_1441 : memref<128x256xf32, #tpu.memory_space<hbm>>) target_semaphore(%arg13 : memref<!tpu.dma_semaphore, #tpu.memory_space<semaphore_mem>>)
    } else {
    }
    %not3A = arith.constant true
    %not3A_708 = arith.xori %ne3A_151, %not3A : i1
    %convert_element_type3A_709 = arith.extui %not3A_708 : i1 to i32
    %cond3A_710 = arith.constant 0 : i32
    %cond3A_711 = arith.cmpi ne, %convert_element_type3A_709, %cond3A_710 : i32
    scf.if %cond3A_711 {
      %dma_start3A = arith.constant 0 : i32
      %dma_start3A_1439 = arith.constant 0 : i32
      %dma_start3A_1440 = tpu.memref_slice %arg8[%add3A_143, %dma_start3A, %dma_start3A_1439] : memref<1024x128x256xf32, #tpu.memory_space<hbm>> -> memref<1x128x256xf32, #tpu.memory_space<hbm>>
      %dma_start3A_1441 = tpu.memref_squeeze %dma_start3A_1440 : memref<1x128x256xf32, #tpu.memory_space<hbm>> -> memref<128x256xf32, #tpu.memory_space<hbm>>
      %dma_start3A_1442 = arith.constant 0 : i32
      %dma_start3A_1443 = arith.constant 0 : i32
      %dma_start3A_1444 = tpu.memref_slice %arg6[%add3A_143, %dma_start3A_1442, %dma_start3A_1443] : memref<1024x128x256xf32, #tpu.memory_space<hbm>> -> memref<1x128x256xf32, #tpu.memory_space<hbm>>
      %dma_start3A_1445 = tpu.memref_squeeze %dma_start3A_1444 : memref<1x128x256xf32, #tpu.memory_space<hbm>> -> memref<128x256xf32, #tpu.memory_space<hbm>>
      tpu.enqueue_dma source(%dma_start3A_1445 : memref<128x256xf32, #tpu.memory_space<hbm>>) target(%dma_start3A_1441 : memref<128x256xf32, #tpu.memory_space<hbm>>) target_semaphore(%arg13 : memref<!tpu.dma_semaphore, #tpu.memory_space<semaphore_mem>>)
    } else {
    }
    %convert_element_type3A_712 = arith.extui %ne3A_165 : i1 to i32
    %cond3A_713 = arith.constant 0 : i32
    %cond3A_714 = arith.cmpi ne, %convert_element_type3A_712, %cond3A_713 : i32
    scf.if %cond3A_714 {
      %dma_start3A = arith.constant 0 : i32
      %dma_start3A_1439 = arith.constant 0 : i32
      %dma_start3A_1440 = tpu.memref_slice %arg8[%add3A_157, %dma_start3A, %dma_start3A_1439] : memref<1024x128x256xf32, #tpu.memory_space<hbm>> -> memref<1x128x256xf32, #tpu.memory_space<hbm>>
      %dma_start3A_1441 = tpu.memref_squeeze %dma_start3A_1440 : memref<1x128x256xf32, #tpu.memory_space<hbm>> -> memref<128x256xf32, #tpu.memory_space<hbm>>
      %dma_start3A_1442 = arith.constant 0 : i32
      %dma_start3A_1443 = arith.constant 0 : i32
      %dma_start3A_1444 = tpu.memref_slice %arg5[%squeeze3A_159, %dma_start3A_1442, %dma_start3A_1443] : memref<2048x128x256xf32, #tpu.memory_space<hbm>> -> memref<1x128x256xf32, #tpu.memory_space<hbm>>
      %dma_start3A_1445 = tpu.memref_squeeze %dma_start3A_1444 : memref<1x128x256xf32, #tpu.memory_space<hbm>> -> memref<128x256xf32, #tpu.memory_space<hbm>>
      tpu.enqueue_dma source(%dma_start3A_1445 : memref<128x256xf32, #tpu.memory_space<hbm>>) target(%dma_start3A_1441 : memref<128x256xf32, #tpu.memory_space<hbm>>) target_semaphore(%arg13 : memref<!tpu.dma_semaphore, #tpu.memory_space<semaphore_mem>>)
    } else {
    }
    %not3A_715 = arith.constant true
    %not3A_716 = arith.xori %ne3A_165, %not3A_715 : i1
    %convert_element_type3A_717 = arith.extui %not3A_716 : i1 to i32
    %cond3A_718 = arith.constant 0 : i32
    %cond3A_719 = arith.cmpi ne, %convert_element_type3A_717, %cond3A_718 : i32
    scf.if %cond3A_719 {
      %dma_start3A = arith.constant 0 : i32
      %dma_start3A_1439 = arith.constant 0 : i32
      %dma_start3A_1440 = tpu.memref_slice %arg8[%add3A_157, %dma_start3A, %dma_start3A_1439] : memref<1024x128x256xf32, #tpu.memory_space<hbm>> -> memref<1x128x256xf32, #tpu.memory_space<hbm>>
      %dma_start3A_1441 = tpu.memref_squeeze %dma_start3A_1440 : memref<1x128x256xf32, #tpu.memory_space<hbm>> -> memref<128x256xf32, #tpu.memory_space<hbm>>
      %dma_start3A_1442 = arith.constant 0 : i32
      %dma_start3A_1443 = arith.constant 0 : i32
      %dma_start3A_1444 = tpu.memref_slice %arg6[%add3A_157, %dma_start3A_1442, %dma_start3A_1443] : memref<1024x128x256xf32, #tpu.memory_space<hbm>> -> memref<1x128x256xf32, #tpu.memory_space<hbm>>
      %dma_start3A_1445 = tpu.memref_squeeze %dma_start3A_1444 : memref<1x128x256xf32, #tpu.memory_space<hbm>> -> memref<128x256xf32, #tpu.memory_space<hbm>>
      tpu.enqueue_dma source(%dma_start3A_1445 : memref<128x256xf32, #tpu.memory_space<hbm>>) target(%dma_start3A_1441 : memref<128x256xf32, #tpu.memory_space<hbm>>) target_semaphore(%arg13 : memref<!tpu.dma_semaphore, #tpu.memory_space<semaphore_mem>>)
    } else {
    }
    %convert_element_type3A_720 = arith.extui %ne3A_179 : i1 to i32
    %cond3A_721 = arith.constant 0 : i32
    %cond3A_722 = arith.cmpi ne, %convert_element_type3A_720, %cond3A_721 : i32
    scf.if %cond3A_722 {
      %dma_start3A = arith.constant 0 : i32
      %dma_start3A_1439 = arith.constant 0 : i32
      %dma_start3A_1440 = tpu.memref_slice %arg8[%add3A_171, %dma_start3A, %dma_start3A_1439] : memref<1024x128x256xf32, #tpu.memory_space<hbm>> -> memref<1x128x256xf32, #tpu.memory_space<hbm>>
      %dma_start3A_1441 = tpu.memref_squeeze %dma_start3A_1440 : memref<1x128x256xf32, #tpu.memory_space<hbm>> -> memref<128x256xf32, #tpu.memory_space<hbm>>
      %dma_start3A_1442 = arith.constant 0 : i32
      %dma_start3A_1443 = arith.constant 0 : i32
      %dma_start3A_1444 = tpu.memref_slice %arg5[%squeeze3A_173, %dma_start3A_1442, %dma_start3A_1443] : memref<2048x128x256xf32, #tpu.memory_space<hbm>> -> memref<1x128x256xf32, #tpu.memory_space<hbm>>
      %dma_start3A_1445 = tpu.memref_squeeze %dma_start3A_1444 : memref<1x128x256xf32, #tpu.memory_space<hbm>> -> memref<128x256xf32, #tpu.memory_space<hbm>>
      tpu.enqueue_dma source(%dma_start3A_1445 : memref<128x256xf32, #tpu.memory_space<hbm>>) target(%dma_start3A_1441 : memref<128x256xf32, #tpu.memory_space<hbm>>) target_semaphore(%arg13 : memref<!tpu.dma_semaphore, #tpu.memory_space<semaphore_mem>>)
    } else {
    }
    %not3A_723 = arith.constant true
    %not3A_724 = arith.xori %ne3A_179, %not3A_723 : i1
    %convert_element_type3A_725 = arith.extui %not3A_724 : i1 to i32
    %cond3A_726 = arith.constant 0 : i32
    %cond3A_727 = arith.cmpi ne, %convert_element_type3A_725, %cond3A_726 : i32
    scf.if %cond3A_727 {
      %dma_start3A = arith.constant 0 : i32
      %dma_start3A_1439 = arith.constant 0 : i32
      %dma_start3A_1440 = tpu.memref_slice %arg8[%add3A_171, %dma_start3A, %dma_start3A_1439] : memref<1024x128x256xf32, #tpu.memory_space<hbm>> -> memref<1x128x256xf32, #tpu.memory_space<hbm>>
      %dma_start3A_1441 = tpu.memref_squeeze %dma_start3A_1440 : memref<1x128x256xf32, #tpu.memory_space<hbm>> -> memref<128x256xf32, #tpu.memory_space<hbm>>
      %dma_start3A_1442 = arith.constant 0 : i32
      %dma_start3A_1443 = arith.constant 0 : i32
      %dma_start3A_1444 = tpu.memref_slice %arg6[%add3A_171, %dma_start3A_1442, %dma_start3A_1443] : memref<1024x128x256xf32, #tpu.memory_space<hbm>> -> memref<1x128x256xf32, #tpu.memory_space<hbm>>
      %dma_start3A_1445 = tpu.memref_squeeze %dma_start3A_1444 : memref<1x128x256xf32, #tpu.memory_space<hbm>> -> memref<128x256xf32, #tpu.memory_space<hbm>>
      tpu.enqueue_dma source(%dma_start3A_1445 : memref<128x256xf32, #tpu.memory_space<hbm>>) target(%dma_start3A_1441 : memref<128x256xf32, #tpu.memory_space<hbm>>) target_semaphore(%arg13 : memref<!tpu.dma_semaphore, #tpu.memory_space<semaphore_mem>>)
    } else {
    }
    %convert_element_type3A_728 = arith.extui %ne3A_193 : i1 to i32
    %cond3A_729 = arith.constant 0 : i32
    %cond3A_730 = arith.cmpi ne, %convert_element_type3A_728, %cond3A_729 : i32
    scf.if %cond3A_730 {
      %dma_start3A = arith.constant 0 : i32
      %dma_start3A_1439 = arith.constant 0 : i32
      %dma_start3A_1440 = tpu.memref_slice %arg8[%add3A_185, %dma_start3A, %dma_start3A_1439] : memref<1024x128x256xf32, #tpu.memory_space<hbm>> -> memref<1x128x256xf32, #tpu.memory_space<hbm>>
      %dma_start3A_1441 = tpu.memref_squeeze %dma_start3A_1440 : memref<1x128x256xf32, #tpu.memory_space<hbm>> -> memref<128x256xf32, #tpu.memory_space<hbm>>
      %dma_start3A_1442 = arith.constant 0 : i32
      %dma_start3A_1443 = arith.constant 0 : i32
      %dma_start3A_1444 = tpu.memref_slice %arg5[%squeeze3A_187, %dma_start3A_1442, %dma_start3A_1443] : memref<2048x128x256xf32, #tpu.memory_space<hbm>> -> memref<1x128x256xf32, #tpu.memory_space<hbm>>
      %dma_start3A_1445 = tpu.memref_squeeze %dma_start3A_1444 : memref<1x128x256xf32, #tpu.memory_space<hbm>> -> memref<128x256xf32, #tpu.memory_space<hbm>>
      tpu.enqueue_dma source(%dma_start3A_1445 : memref<128x256xf32, #tpu.memory_space<hbm>>) target(%dma_start3A_1441 : memref<128x256xf32, #tpu.memory_space<hbm>>) target_semaphore(%arg13 : memref<!tpu.dma_semaphore, #tpu.memory_space<semaphore_mem>>)
    } else {
    }
    %not3A_731 = arith.constant true
    %not3A_732 = arith.xori %ne3A_193, %not3A_731 : i1
    %convert_element_type3A_733 = arith.extui %not3A_732 : i1 to i32
    %cond3A_734 = arith.constant 0 : i32
    %cond3A_735 = arith.cmpi ne, %convert_element_type3A_733, %cond3A_734 : i32
    scf.if %cond3A_735 {
      %dma_start3A = arith.constant 0 : i32
      %dma_start3A_1439 = arith.constant 0 : i32
      %dma_start3A_1440 = tpu.memref_slice %arg8[%add3A_185, %dma_start3A, %dma_start3A_1439] : memref<1024x128x256xf32, #tpu.memory_space<hbm>> -> memref<1x128x256xf32, #tpu.memory_space<hbm>>
      %dma_start3A_1441 = tpu.memref_squeeze %dma_start3A_1440 : memref<1x128x256xf32, #tpu.memory_space<hbm>> -> memref<128x256xf32, #tpu.memory_space<hbm>>
      %dma_start3A_1442 = arith.constant 0 : i32
      %dma_start3A_1443 = arith.constant 0 : i32
      %dma_start3A_1444 = tpu.memref_slice %arg6[%add3A_185, %dma_start3A_1442, %dma_start3A_1443] : memref<1024x128x256xf32, #tpu.memory_space<hbm>> -> memref<1x128x256xf32, #tpu.memory_space<hbm>>
      %dma_start3A_1445 = tpu.memref_squeeze %dma_start3A_1444 : memref<1x128x256xf32, #tpu.memory_space<hbm>> -> memref<128x256xf32, #tpu.memory_space<hbm>>
      tpu.enqueue_dma source(%dma_start3A_1445 : memref<128x256xf32, #tpu.memory_space<hbm>>) target(%dma_start3A_1441 : memref<128x256xf32, #tpu.memory_space<hbm>>) target_semaphore(%arg13 : memref<!tpu.dma_semaphore, #tpu.memory_space<semaphore_mem>>)
    } else {
    }
    %convert_element_type3A_736 = arith.extui %ne3A_207 : i1 to i32
    %cond3A_737 = arith.constant 0 : i32
    %cond3A_738 = arith.cmpi ne, %convert_element_type3A_736, %cond3A_737 : i32
    scf.if %cond3A_738 {
      %dma_start3A = arith.constant 0 : i32
      %dma_start3A_1439 = arith.constant 0 : i32
      %dma_start3A_1440 = tpu.memref_slice %arg8[%add3A_199, %dma_start3A, %dma_start3A_1439] : memref<1024x128x256xf32, #tpu.memory_space<hbm>> -> memref<1x128x256xf32, #tpu.memory_space<hbm>>
      %dma_start3A_1441 = tpu.memref_squeeze %dma_start3A_1440 : memref<1x128x256xf32, #tpu.memory_space<hbm>> -> memref<128x256xf32, #tpu.memory_space<hbm>>
      %dma_start3A_1442 = arith.constant 0 : i32
      %dma_start3A_1443 = arith.constant 0 : i32
      %dma_start3A_1444 = tpu.memref_slice %arg5[%squeeze3A_201, %dma_start3A_1442, %dma_start3A_1443] : memref<2048x128x256xf32, #tpu.memory_space<hbm>> -> memref<1x128x256xf32, #tpu.memory_space<hbm>>
      %dma_start3A_1445 = tpu.memref_squeeze %dma_start3A_1444 : memref<1x128x256xf32, #tpu.memory_space<hbm>> -> memref<128x256xf32, #tpu.memory_space<hbm>>
      tpu.enqueue_dma source(%dma_start3A_1445 : memref<128x256xf32, #tpu.memory_space<hbm>>) target(%dma_start3A_1441 : memref<128x256xf32, #tpu.memory_space<hbm>>) target_semaphore(%arg13 : memref<!tpu.dma_semaphore, #tpu.memory_space<semaphore_mem>>)
    } else {
    }
    %not3A_739 = arith.constant true
    %not3A_740 = arith.xori %ne3A_207, %not3A_739 : i1
    %convert_element_type3A_741 = arith.extui %not3A_740 : i1 to i32
    %cond3A_742 = arith.constant 0 : i32
    %cond3A_743 = arith.cmpi ne, %convert_element_type3A_741, %cond3A_742 : i32
    scf.if %cond3A_743 {
      %dma_start3A = arith.constant 0 : i32
      %dma_start3A_1439 = arith.constant 0 : i32
      %dma_start3A_1440 = tpu.memref_slice %arg8[%add3A_199, %dma_start3A, %dma_start3A_1439] : memref<1024x128x256xf32, #tpu.memory_space<hbm>> -> memref<1x128x256xf32, #tpu.memory_space<hbm>>
      %dma_start3A_1441 = tpu.memref_squeeze %dma_start3A_1440 : memref<1x128x256xf32, #tpu.memory_space<hbm>> -> memref<128x256xf32, #tpu.memory_space<hbm>>
      %dma_start3A_1442 = arith.constant 0 : i32
      %dma_start3A_1443 = arith.constant 0 : i32
      %dma_start3A_1444 = tpu.memref_slice %arg6[%add3A_199, %dma_start3A_1442, %dma_start3A_1443] : memref<1024x128x256xf32, #tpu.memory_space<hbm>> -> memref<1x128x256xf32, #tpu.memory_space<hbm>>
      %dma_start3A_1445 = tpu.memref_squeeze %dma_start3A_1444 : memref<1x128x256xf32, #tpu.memory_space<hbm>> -> memref<128x256xf32, #tpu.memory_space<hbm>>
      tpu.enqueue_dma source(%dma_start3A_1445 : memref<128x256xf32, #tpu.memory_space<hbm>>) target(%dma_start3A_1441 : memref<128x256xf32, #tpu.memory_space<hbm>>) target_semaphore(%arg13 : memref<!tpu.dma_semaphore, #tpu.memory_space<semaphore_mem>>)
    } else {
    }
    %convert_element_type3A_744 = arith.extui %ne3A_221 : i1 to i32
    %cond3A_745 = arith.constant 0 : i32
    %cond3A_746 = arith.cmpi ne, %convert_element_type3A_744, %cond3A_745 : i32
    scf.if %cond3A_746 {
      %dma_start3A = arith.constant 0 : i32
      %dma_start3A_1439 = arith.constant 0 : i32
      %dma_start3A_1440 = tpu.memref_slice %arg8[%add3A_213, %dma_start3A, %dma_start3A_1439] : memref<1024x128x256xf32, #tpu.memory_space<hbm>> -> memref<1x128x256xf32, #tpu.memory_space<hbm>>
      %dma_start3A_1441 = tpu.memref_squeeze %dma_start3A_1440 : memref<1x128x256xf32, #tpu.memory_space<hbm>> -> memref<128x256xf32, #tpu.memory_space<hbm>>
      %dma_start3A_1442 = arith.constant 0 : i32
      %dma_start3A_1443 = arith.constant 0 : i32
      %dma_start3A_1444 = tpu.memref_slice %arg5[%squeeze3A_215, %dma_start3A_1442, %dma_start3A_1443] : memref<2048x128x256xf32, #tpu.memory_space<hbm>> -> memref<1x128x256xf32, #tpu.memory_space<hbm>>
      %dma_start3A_1445 = tpu.memref_squeeze %dma_start3A_1444 : memref<1x128x256xf32, #tpu.memory_space<hbm>> -> memref<128x256xf32, #tpu.memory_space<hbm>>
      tpu.enqueue_dma source(%dma_start3A_1445 : memref<128x256xf32, #tpu.memory_space<hbm>>) target(%dma_start3A_1441 : memref<128x256xf32, #tpu.memory_space<hbm>>) target_semaphore(%arg13 : memref<!tpu.dma_semaphore, #tpu.memory_space<semaphore_mem>>)
    } else {
    }
    %not3A_747 = arith.constant true
    %not3A_748 = arith.xori %ne3A_221, %not3A_747 : i1
    %convert_element_type3A_749 = arith.extui %not3A_748 : i1 to i32
    %cond3A_750 = arith.constant 0 : i32
    %cond3A_751 = arith.cmpi ne, %convert_element_type3A_749, %cond3A_750 : i32
    scf.if %cond3A_751 {
      %dma_start3A = arith.constant 0 : i32
      %dma_start3A_1439 = arith.constant 0 : i32
      %dma_start3A_1440 = tpu.memref_slice %arg8[%add3A_213, %dma_start3A, %dma_start3A_1439] : memref<1024x128x256xf32, #tpu.memory_space<hbm>> -> memref<1x128x256xf32, #tpu.memory_space<hbm>>
      %dma_start3A_1441 = tpu.memref_squeeze %dma_start3A_1440 : memref<1x128x256xf32, #tpu.memory_space<hbm>> -> memref<128x256xf32, #tpu.memory_space<hbm>>
      %dma_start3A_1442 = arith.constant 0 : i32
      %dma_start3A_1443 = arith.constant 0 : i32
      %dma_start3A_1444 = tpu.memref_slice %arg6[%add3A_213, %dma_start3A_1442, %dma_start3A_1443] : memref<1024x128x256xf32, #tpu.memory_space<hbm>> -> memref<1x128x256xf32, #tpu.memory_space<hbm>>
      %dma_start3A_1445 = tpu.memref_squeeze %dma_start3A_1444 : memref<1x128x256xf32, #tpu.memory_space<hbm>> -> memref<128x256xf32, #tpu.memory_space<hbm>>
      tpu.enqueue_dma source(%dma_start3A_1445 : memref<128x256xf32, #tpu.memory_space<hbm>>) target(%dma_start3A_1441 : memref<128x256xf32, #tpu.memory_space<hbm>>) target_semaphore(%arg13 : memref<!tpu.dma_semaphore, #tpu.memory_space<semaphore_mem>>)
    } else {
    }
    %convert_element_type3A_752 = arith.extui %ne3A_235 : i1 to i32
    %cond3A_753 = arith.constant 0 : i32
    %cond3A_754 = arith.cmpi ne, %convert_element_type3A_752, %cond3A_753 : i32
    scf.if %cond3A_754 {
      %dma_start3A = arith.constant 0 : i32
      %dma_start3A_1439 = arith.constant 0 : i32
      %dma_start3A_1440 = tpu.memref_slice %arg8[%add3A_227, %dma_start3A, %dma_start3A_1439] : memref<1024x128x256xf32, #tpu.memory_space<hbm>> -> memref<1x128x256xf32, #tpu.memory_space<hbm>>
      %dma_start3A_1441 = tpu.memref_squeeze %dma_start3A_1440 : memref<1x128x256xf32, #tpu.memory_space<hbm>> -> memref<128x256xf32, #tpu.memory_space<hbm>>
      %dma_start3A_1442 = arith.constant 0 : i32
      %dma_start3A_1443 = arith.constant 0 : i32
      %dma_start3A_1444 = tpu.memref_slice %arg5[%squeeze3A_229, %dma_start3A_1442, %dma_start3A_1443] : memref<2048x128x256xf32, #tpu.memory_space<hbm>> -> memref<1x128x256xf32, #tpu.memory_space<hbm>>
      %dma_start3A_1445 = tpu.memref_squeeze %dma_start3A_1444 : memref<1x128x256xf32, #tpu.memory_space<hbm>> -> memref<128x256xf32, #tpu.memory_space<hbm>>
      tpu.enqueue_dma source(%dma_start3A_1445 : memref<128x256xf32, #tpu.memory_space<hbm>>) target(%dma_start3A_1441 : memref<128x256xf32, #tpu.memory_space<hbm>>) target_semaphore(%arg13 : memref<!tpu.dma_semaphore, #tpu.memory_space<semaphore_mem>>)
    } else {
    }
    %not3A_755 = arith.constant true
    %not3A_756 = arith.xori %ne3A_235, %not3A_755 : i1
    %convert_element_type3A_757 = arith.extui %not3A_756 : i1 to i32
    %cond3A_758 = arith.constant 0 : i32
    %cond3A_759 = arith.cmpi ne, %convert_element_type3A_757, %cond3A_758 : i32
    scf.if %cond3A_759 {
      %dma_start3A = arith.constant 0 : i32
      %dma_start3A_1439 = arith.constant 0 : i32
      %dma_start3A_1440 = tpu.memref_slice %arg8[%add3A_227, %dma_start3A, %dma_start3A_1439] : memref<1024x128x256xf32, #tpu.memory_space<hbm>> -> memref<1x128x256xf32, #tpu.memory_space<hbm>>
      %dma_start3A_1441 = tpu.memref_squeeze %dma_start3A_1440 : memref<1x128x256xf32, #tpu.memory_space<hbm>> -> memref<128x256xf32, #tpu.memory_space<hbm>>
      %dma_start3A_1442 = arith.constant 0 : i32
      %dma_start3A_1443 = arith.constant 0 : i32
      %dma_start3A_1444 = tpu.memref_slice %arg6[%add3A_227, %dma_start3A_1442, %dma_start3A_1443] : memref<1024x128x256xf32, #tpu.memory_space<hbm>> -> memref<1x128x256xf32, #tpu.memory_space<hbm>>
      %dma_start3A_1445 = tpu.memref_squeeze %dma_start3A_1444 : memref<1x128x256xf32, #tpu.memory_space<hbm>> -> memref<128x256xf32, #tpu.memory_space<hbm>>
      tpu.enqueue_dma source(%dma_start3A_1445 : memref<128x256xf32, #tpu.memory_space<hbm>>) target(%dma_start3A_1441 : memref<128x256xf32, #tpu.memory_space<hbm>>) target_semaphore(%arg13 : memref<!tpu.dma_semaphore, #tpu.memory_space<semaphore_mem>>)
    } else {
    }
    %convert_element_type3A_760 = arith.extui %ne3A_249 : i1 to i32
    %cond3A_761 = arith.constant 0 : i32
    %cond3A_762 = arith.cmpi ne, %convert_element_type3A_760, %cond3A_761 : i32
    scf.if %cond3A_762 {
      %dma_start3A = arith.constant 0 : i32
      %dma_start3A_1439 = arith.constant 0 : i32
      %dma_start3A_1440 = tpu.memref_slice %arg8[%add3A_241, %dma_start3A, %dma_start3A_1439] : memref<1024x128x256xf32, #tpu.memory_space<hbm>> -> memref<1x128x256xf32, #tpu.memory_space<hbm>>
      %dma_start3A_1441 = tpu.memref_squeeze %dma_start3A_1440 : memref<1x128x256xf32, #tpu.memory_space<hbm>> -> memref<128x256xf32, #tpu.memory_space<hbm>>
      %dma_start3A_1442 = arith.constant 0 : i32
      %dma_start3A_1443 = arith.constant 0 : i32
      %dma_start3A_1444 = tpu.memref_slice %arg5[%squeeze3A_243, %dma_start3A_1442, %dma_start3A_1443] : memref<2048x128x256xf32, #tpu.memory_space<hbm>> -> memref<1x128x256xf32, #tpu.memory_space<hbm>>
      %dma_start3A_1445 = tpu.memref_squeeze %dma_start3A_1444 : memref<1x128x256xf32, #tpu.memory_space<hbm>> -> memref<128x256xf32, #tpu.memory_space<hbm>>
      tpu.enqueue_dma source(%dma_start3A_1445 : memref<128x256xf32, #tpu.memory_space<hbm>>) target(%dma_start3A_1441 : memref<128x256xf32, #tpu.memory_space<hbm>>) target_semaphore(%arg13 : memref<!tpu.dma_semaphore, #tpu.memory_space<semaphore_mem>>)
    } else {
    }
    %not3A_763 = arith.constant true
    %not3A_764 = arith.xori %ne3A_249, %not3A_763 : i1
    %convert_element_type3A_765 = arith.extui %not3A_764 : i1 to i32
    %cond3A_766 = arith.constant 0 : i32
    %cond3A_767 = arith.cmpi ne, %convert_element_type3A_765, %cond3A_766 : i32
    scf.if %cond3A_767 {
      %dma_start3A = arith.constant 0 : i32
      %dma_start3A_1439 = arith.constant 0 : i32
      %dma_start3A_1440 = tpu.memref_slice %arg8[%add3A_241, %dma_start3A, %dma_start3A_1439] : memref<1024x128x256xf32, #tpu.memory_space<hbm>> -> memref<1x128x256xf32, #tpu.memory_space<hbm>>
      %dma_start3A_1441 = tpu.memref_squeeze %dma_start3A_1440 : memref<1x128x256xf32, #tpu.memory_space<hbm>> -> memref<128x256xf32, #tpu.memory_space<hbm>>
      %dma_start3A_1442 = arith.constant 0 : i32
      %dma_start3A_1443 = arith.constant 0 : i32
      %dma_start3A_1444 = tpu.memref_slice %arg6[%add3A_241, %dma_start3A_1442, %dma_start3A_1443] : memref<1024x128x256xf32, #tpu.memory_space<hbm>> -> memref<1x128x256xf32, #tpu.memory_space<hbm>>
      %dma_start3A_1445 = tpu.memref_squeeze %dma_start3A_1444 : memref<1x128x256xf32, #tpu.memory_space<hbm>> -> memref<128x256xf32, #tpu.memory_space<hbm>>
      tpu.enqueue_dma source(%dma_start3A_1445 : memref<128x256xf32, #tpu.memory_space<hbm>>) target(%dma_start3A_1441 : memref<128x256xf32, #tpu.memory_space<hbm>>) target_semaphore(%arg13 : memref<!tpu.dma_semaphore, #tpu.memory_space<semaphore_mem>>)
    } else {
    }
    %convert_element_type3A_768 = arith.extui %ne3A_263 : i1 to i32
    %cond3A_769 = arith.constant 0 : i32
    %cond3A_770 = arith.cmpi ne, %convert_element_type3A_768, %cond3A_769 : i32
    scf.if %cond3A_770 {
      %dma_start3A = arith.constant 0 : i32
      %dma_start3A_1439 = arith.constant 0 : i32
      %dma_start3A_1440 = tpu.memref_slice %arg8[%add3A_255, %dma_start3A, %dma_start3A_1439] : memref<1024x128x256xf32, #tpu.memory_space<hbm>> -> memref<1x128x256xf32, #tpu.memory_space<hbm>>
      %dma_start3A_1441 = tpu.memref_squeeze %dma_start3A_1440 : memref<1x128x256xf32, #tpu.memory_space<hbm>> -> memref<128x256xf32, #tpu.memory_space<hbm>>
      %dma_start3A_1442 = arith.constant 0 : i32
      %dma_start3A_1443 = arith.constant 0 : i32
      %dma_start3A_1444 = tpu.memref_slice %arg5[%squeeze3A_257, %dma_start3A_1442, %dma_start3A_1443] : memref<2048x128x256xf32, #tpu.memory_space<hbm>> -> memref<1x128x256xf32, #tpu.memory_space<hbm>>
      %dma_start3A_1445 = tpu.memref_squeeze %dma_start3A_1444 : memref<1x128x256xf32, #tpu.memory_space<hbm>> -> memref<128x256xf32, #tpu.memory_space<hbm>>
      tpu.enqueue_dma source(%dma_start3A_1445 : memref<128x256xf32, #tpu.memory_space<hbm>>) target(%dma_start3A_1441 : memref<128x256xf32, #tpu.memory_space<hbm>>) target_semaphore(%arg13 : memref<!tpu.dma_semaphore, #tpu.memory_space<semaphore_mem>>)
    } else {
    }
    %not3A_771 = arith.constant true
    %not3A_772 = arith.xori %ne3A_263, %not3A_771 : i1
    %convert_element_type3A_773 = arith.extui %not3A_772 : i1 to i32
    %cond3A_774 = arith.constant 0 : i32
    %cond3A_775 = arith.cmpi ne, %convert_element_type3A_773, %cond3A_774 : i32
    scf.if %cond3A_775 {
      %dma_start3A = arith.constant 0 : i32
      %dma_start3A_1439 = arith.constant 0 : i32
      %dma_start3A_1440 = tpu.memref_slice %arg8[%add3A_255, %dma_start3A, %dma_start3A_1439] : memref<1024x128x256xf32, #tpu.memory_space<hbm>> -> memref<1x128x256xf32, #tpu.memory_space<hbm>>
      %dma_start3A_1441 = tpu.memref_squeeze %dma_start3A_1440 : memref<1x128x256xf32, #tpu.memory_space<hbm>> -> memref<128x256xf32, #tpu.memory_space<hbm>>
      %dma_start3A_1442 = arith.constant 0 : i32
      %dma_start3A_1443 = arith.constant 0 : i32
      %dma_start3A_1444 = tpu.memref_slice %arg6[%add3A_255, %dma_start3A_1442, %dma_start3A_1443] : memref<1024x128x256xf32, #tpu.memory_space<hbm>> -> memref<1x128x256xf32, #tpu.memory_space<hbm>>
      %dma_start3A_1445 = tpu.memref_squeeze %dma_start3A_1444 : memref<1x128x256xf32, #tpu.memory_space<hbm>> -> memref<128x256xf32, #tpu.memory_space<hbm>>
      tpu.enqueue_dma source(%dma_start3A_1445 : memref<128x256xf32, #tpu.memory_space<hbm>>) target(%dma_start3A_1441 : memref<128x256xf32, #tpu.memory_space<hbm>>) target_semaphore(%arg13 : memref<!tpu.dma_semaphore, #tpu.memory_space<semaphore_mem>>)
    } else {
    }
    %convert_element_type3A_776 = arith.extui %ne3A_277 : i1 to i32
    %cond3A_777 = arith.constant 0 : i32
    %cond3A_778 = arith.cmpi ne, %convert_element_type3A_776, %cond3A_777 : i32
    scf.if %cond3A_778 {
      %dma_start3A = arith.constant 0 : i32
      %dma_start3A_1439 = arith.constant 0 : i32
      %dma_start3A_1440 = tpu.memref_slice %arg8[%add3A_269, %dma_start3A, %dma_start3A_1439] : memref<1024x128x256xf32, #tpu.memory_space<hbm>> -> memref<1x128x256xf32, #tpu.memory_space<hbm>>
      %dma_start3A_1441 = tpu.memref_squeeze %dma_start3A_1440 : memref<1x128x256xf32, #tpu.memory_space<hbm>> -> memref<128x256xf32, #tpu.memory_space<hbm>>
      %dma_start3A_1442 = arith.constant 0 : i32
      %dma_start3A_1443 = arith.constant 0 : i32
      %dma_start3A_1444 = tpu.memref_slice %arg5[%squeeze3A_271, %dma_start3A_1442, %dma_start3A_1443] : memref<2048x128x256xf32, #tpu.memory_space<hbm>> -> memref<1x128x256xf32, #tpu.memory_space<hbm>>
      %dma_start3A_1445 = tpu.memref_squeeze %dma_start3A_1444 : memref<1x128x256xf32, #tpu.memory_space<hbm>> -> memref<128x256xf32, #tpu.memory_space<hbm>>
      tpu.enqueue_dma source(%dma_start3A_1445 : memref<128x256xf32, #tpu.memory_space<hbm>>) target(%dma_start3A_1441 : memref<128x256xf32, #tpu.memory_space<hbm>>) target_semaphore(%arg13 : memref<!tpu.dma_semaphore, #tpu.memory_space<semaphore_mem>>)
    } else {
    }
    %not3A_779 = arith.constant true
    %not3A_780 = arith.xori %ne3A_277, %not3A_779 : i1
    %convert_element_type3A_781 = arith.extui %not3A_780 : i1 to i32
    %cond3A_782 = arith.constant 0 : i32
    %cond3A_783 = arith.cmpi ne, %convert_element_type3A_781, %cond3A_782 : i32
    scf.if %cond3A_783 {
      %dma_start3A = arith.constant 0 : i32
      %dma_start3A_1439 = arith.constant 0 : i32
      %dma_start3A_1440 = tpu.memref_slice %arg8[%add3A_269, %dma_start3A, %dma_start3A_1439] : memref<1024x128x256xf32, #tpu.memory_space<hbm>> -> memref<1x128x256xf32, #tpu.memory_space<hbm>>
      %dma_start3A_1441 = tpu.memref_squeeze %dma_start3A_1440 : memref<1x128x256xf32, #tpu.memory_space<hbm>> -> memref<128x256xf32, #tpu.memory_space<hbm>>
      %dma_start3A_1442 = arith.constant 0 : i32
      %dma_start3A_1443 = arith.constant 0 : i32
      %dma_start3A_1444 = tpu.memref_slice %arg6[%add3A_269, %dma_start3A_1442, %dma_start3A_1443] : memref<1024x128x256xf32, #tpu.memory_space<hbm>> -> memref<1x128x256xf32, #tpu.memory_space<hbm>>
      %dma_start3A_1445 = tpu.memref_squeeze %dma_start3A_1444 : memref<1x128x256xf32, #tpu.memory_space<hbm>> -> memref<128x256xf32, #tpu.memory_space<hbm>>
      tpu.enqueue_dma source(%dma_start3A_1445 : memref<128x256xf32, #tpu.memory_space<hbm>>) target(%dma_start3A_1441 : memref<128x256xf32, #tpu.memory_space<hbm>>) target_semaphore(%arg13 : memref<!tpu.dma_semaphore, #tpu.memory_space<semaphore_mem>>)
    } else {
    }
    %convert_element_type3A_784 = arith.extui %ne3A_291 : i1 to i32
    %cond3A_785 = arith.constant 0 : i32
    %cond3A_786 = arith.cmpi ne, %convert_element_type3A_784, %cond3A_785 : i32
    scf.if %cond3A_786 {
      %dma_start3A = arith.constant 0 : i32
      %dma_start3A_1439 = arith.constant 0 : i32
      %dma_start3A_1440 = tpu.memref_slice %arg8[%add3A_283, %dma_start3A, %dma_start3A_1439] : memref<1024x128x256xf32, #tpu.memory_space<hbm>> -> memref<1x128x256xf32, #tpu.memory_space<hbm>>
      %dma_start3A_1441 = tpu.memref_squeeze %dma_start3A_1440 : memref<1x128x256xf32, #tpu.memory_space<hbm>> -> memref<128x256xf32, #tpu.memory_space<hbm>>
      %dma_start3A_1442 = arith.constant 0 : i32
      %dma_start3A_1443 = arith.constant 0 : i32
      %dma_start3A_1444 = tpu.memref_slice %arg5[%squeeze3A_285, %dma_start3A_1442, %dma_start3A_1443] : memref<2048x128x256xf32, #tpu.memory_space<hbm>> -> memref<1x128x256xf32, #tpu.memory_space<hbm>>
      %dma_start3A_1445 = tpu.memref_squeeze %dma_start3A_1444 : memref<1x128x256xf32, #tpu.memory_space<hbm>> -> memref<128x256xf32, #tpu.memory_space<hbm>>
      tpu.enqueue_dma source(%dma_start3A_1445 : memref<128x256xf32, #tpu.memory_space<hbm>>) target(%dma_start3A_1441 : memref<128x256xf32, #tpu.memory_space<hbm>>) target_semaphore(%arg13 : memref<!tpu.dma_semaphore, #tpu.memory_space<semaphore_mem>>)
    } else {
    }
    %not3A_787 = arith.constant true
    %not3A_788 = arith.xori %ne3A_291, %not3A_787 : i1
    %convert_element_type3A_789 = arith.extui %not3A_788 : i1 to i32
    %cond3A_790 = arith.constant 0 : i32
    %cond3A_791 = arith.cmpi ne, %convert_element_type3A_789, %cond3A_790 : i32
    scf.if %cond3A_791 {
      %dma_start3A = arith.constant 0 : i32
      %dma_start3A_1439 = arith.constant 0 : i32
      %dma_start3A_1440 = tpu.memref_slice %arg8[%add3A_283, %dma_start3A, %dma_start3A_1439] : memref<1024x128x256xf32, #tpu.memory_space<hbm>> -> memref<1x128x256xf32, #tpu.memory_space<hbm>>
      %dma_start3A_1441 = tpu.memref_squeeze %dma_start3A_1440 : memref<1x128x256xf32, #tpu.memory_space<hbm>> -> memref<128x256xf32, #tpu.memory_space<hbm>>
      %dma_start3A_1442 = arith.constant 0 : i32
      %dma_start3A_1443 = arith.constant 0 : i32
      %dma_start3A_1444 = tpu.memref_slice %arg6[%add3A_283, %dma_start3A_1442, %dma_start3A_1443] : memref<1024x128x256xf32, #tpu.memory_space<hbm>> -> memref<1x128x256xf32, #tpu.memory_space<hbm>>
      %dma_start3A_1445 = tpu.memref_squeeze %dma_start3A_1444 : memref<1x128x256xf32, #tpu.memory_space<hbm>> -> memref<128x256xf32, #tpu.memory_space<hbm>>
      tpu.enqueue_dma source(%dma_start3A_1445 : memref<128x256xf32, #tpu.memory_space<hbm>>) target(%dma_start3A_1441 : memref<128x256xf32, #tpu.memory_space<hbm>>) target_semaphore(%arg13 : memref<!tpu.dma_semaphore, #tpu.memory_space<semaphore_mem>>)
    } else {
    }
    %convert_element_type3A_792 = arith.extui %ne3A_305 : i1 to i32
    %cond3A_793 = arith.constant 0 : i32
    %cond3A_794 = arith.cmpi ne, %convert_element_type3A_792, %cond3A_793 : i32
    scf.if %cond3A_794 {
      %dma_start3A = arith.constant 0 : i32
      %dma_start3A_1439 = arith.constant 0 : i32
      %dma_start3A_1440 = tpu.memref_slice %arg8[%add3A_297, %dma_start3A, %dma_start3A_1439] : memref<1024x128x256xf32, #tpu.memory_space<hbm>> -> memref<1x128x256xf32, #tpu.memory_space<hbm>>
      %dma_start3A_1441 = tpu.memref_squeeze %dma_start3A_1440 : memref<1x128x256xf32, #tpu.memory_space<hbm>> -> memref<128x256xf32, #tpu.memory_space<hbm>>
      %dma_start3A_1442 = arith.constant 0 : i32
      %dma_start3A_1443 = arith.constant 0 : i32
      %dma_start3A_1444 = tpu.memref_slice %arg5[%squeeze3A_299, %dma_start3A_1442, %dma_start3A_1443] : memref<2048x128x256xf32, #tpu.memory_space<hbm>> -> memref<1x128x256xf32, #tpu.memory_space<hbm>>
      %dma_start3A_1445 = tpu.memref_squeeze %dma_start3A_1444 : memref<1x128x256xf32, #tpu.memory_space<hbm>> -> memref<128x256xf32, #tpu.memory_space<hbm>>
      tpu.enqueue_dma source(%dma_start3A_1445 : memref<128x256xf32, #tpu.memory_space<hbm>>) target(%dma_start3A_1441 : memref<128x256xf32, #tpu.memory_space<hbm>>) target_semaphore(%arg13 : memref<!tpu.dma_semaphore, #tpu.memory_space<semaphore_mem>>)
    } else {
    }
    %not3A_795 = arith.constant true
    %not3A_796 = arith.xori %ne3A_305, %not3A_795 : i1
    %convert_element_type3A_797 = arith.extui %not3A_796 : i1 to i32
    %cond3A_798 = arith.constant 0 : i32
    %cond3A_799 = arith.cmpi ne, %convert_element_type3A_797, %cond3A_798 : i32
    scf.if %cond3A_799 {
      %dma_start3A = arith.constant 0 : i32
      %dma_start3A_1439 = arith.constant 0 : i32
      %dma_start3A_1440 = tpu.memref_slice %arg8[%add3A_297, %dma_start3A, %dma_start3A_1439] : memref<1024x128x256xf32, #tpu.memory_space<hbm>> -> memref<1x128x256xf32, #tpu.memory_space<hbm>>
      %dma_start3A_1441 = tpu.memref_squeeze %dma_start3A_1440 : memref<1x128x256xf32, #tpu.memory_space<hbm>> -> memref<128x256xf32, #tpu.memory_space<hbm>>
      %dma_start3A_1442 = arith.constant 0 : i32
      %dma_start3A_1443 = arith.constant 0 : i32
      %dma_start3A_1444 = tpu.memref_slice %arg6[%add3A_297, %dma_start3A_1442, %dma_start3A_1443] : memref<1024x128x256xf32, #tpu.memory_space<hbm>> -> memref<1x128x256xf32, #tpu.memory_space<hbm>>
      %dma_start3A_1445 = tpu.memref_squeeze %dma_start3A_1444 : memref<1x128x256xf32, #tpu.memory_space<hbm>> -> memref<128x256xf32, #tpu.memory_space<hbm>>
      tpu.enqueue_dma source(%dma_start3A_1445 : memref<128x256xf32, #tpu.memory_space<hbm>>) target(%dma_start3A_1441 : memref<128x256xf32, #tpu.memory_space<hbm>>) target_semaphore(%arg13 : memref<!tpu.dma_semaphore, #tpu.memory_space<semaphore_mem>>)
    } else {
    }
    %convert_element_type3A_800 = arith.extui %ne3A_319 : i1 to i32
    %cond3A_801 = arith.constant 0 : i32
    %cond3A_802 = arith.cmpi ne, %convert_element_type3A_800, %cond3A_801 : i32
    scf.if %cond3A_802 {
      %dma_start3A = arith.constant 0 : i32
      %dma_start3A_1439 = arith.constant 0 : i32
      %dma_start3A_1440 = tpu.memref_slice %arg8[%add3A_311, %dma_start3A, %dma_start3A_1439] : memref<1024x128x256xf32, #tpu.memory_space<hbm>> -> memref<1x128x256xf32, #tpu.memory_space<hbm>>
      %dma_start3A_1441 = tpu.memref_squeeze %dma_start3A_1440 : memref<1x128x256xf32, #tpu.memory_space<hbm>> -> memref<128x256xf32, #tpu.memory_space<hbm>>
      %dma_start3A_1442 = arith.constant 0 : i32
      %dma_start3A_1443 = arith.constant 0 : i32
      %dma_start3A_1444 = tpu.memref_slice %arg5[%squeeze3A_313, %dma_start3A_1442, %dma_start3A_1443] : memref<2048x128x256xf32, #tpu.memory_space<hbm>> -> memref<1x128x256xf32, #tpu.memory_space<hbm>>
      %dma_start3A_1445 = tpu.memref_squeeze %dma_start3A_1444 : memref<1x128x256xf32, #tpu.memory_space<hbm>> -> memref<128x256xf32, #tpu.memory_space<hbm>>
      tpu.enqueue_dma source(%dma_start3A_1445 : memref<128x256xf32, #tpu.memory_space<hbm>>) target(%dma_start3A_1441 : memref<128x256xf32, #tpu.memory_space<hbm>>) target_semaphore(%arg13 : memref<!tpu.dma_semaphore, #tpu.memory_space<semaphore_mem>>)
    } else {
    }
    %not3A_803 = arith.constant true
    %not3A_804 = arith.xori %ne3A_319, %not3A_803 : i1
    %convert_element_type3A_805 = arith.extui %not3A_804 : i1 to i32
    %cond3A_806 = arith.constant 0 : i32
    %cond3A_807 = arith.cmpi ne, %convert_element_type3A_805, %cond3A_806 : i32
    scf.if %cond3A_807 {
      %dma_start3A = arith.constant 0 : i32
      %dma_start3A_1439 = arith.constant 0 : i32
      %dma_start3A_1440 = tpu.memref_slice %arg8[%add3A_311, %dma_start3A, %dma_start3A_1439] : memref<1024x128x256xf32, #tpu.memory_space<hbm>> -> memref<1x128x256xf32, #tpu.memory_space<hbm>>
      %dma_start3A_1441 = tpu.memref_squeeze %dma_start3A_1440 : memref<1x128x256xf32, #tpu.memory_space<hbm>> -> memref<128x256xf32, #tpu.memory_space<hbm>>
      %dma_start3A_1442 = arith.constant 0 : i32
      %dma_start3A_1443 = arith.constant 0 : i32
      %dma_start3A_1444 = tpu.memref_slice %arg6[%add3A_311, %dma_start3A_1442, %dma_start3A_1443] : memref<1024x128x256xf32, #tpu.memory_space<hbm>> -> memref<1x128x256xf32, #tpu.memory_space<hbm>>
      %dma_start3A_1445 = tpu.memref_squeeze %dma_start3A_1444 : memref<1x128x256xf32, #tpu.memory_space<hbm>> -> memref<128x256xf32, #tpu.memory_space<hbm>>
      tpu.enqueue_dma source(%dma_start3A_1445 : memref<128x256xf32, #tpu.memory_space<hbm>>) target(%dma_start3A_1441 : memref<128x256xf32, #tpu.memory_space<hbm>>) target_semaphore(%arg13 : memref<!tpu.dma_semaphore, #tpu.memory_space<semaphore_mem>>)
    } else {
    }
    %convert_element_type3A_808 = arith.extui %ne3A_333 : i1 to i32
    %cond3A_809 = arith.constant 0 : i32
    %cond3A_810 = arith.cmpi ne, %convert_element_type3A_808, %cond3A_809 : i32
    scf.if %cond3A_810 {
      %dma_start3A = arith.constant 0 : i32
      %dma_start3A_1439 = arith.constant 0 : i32
      %dma_start3A_1440 = tpu.memref_slice %arg8[%add3A_325, %dma_start3A, %dma_start3A_1439] : memref<1024x128x256xf32, #tpu.memory_space<hbm>> -> memref<1x128x256xf32, #tpu.memory_space<hbm>>
      %dma_start3A_1441 = tpu.memref_squeeze %dma_start3A_1440 : memref<1x128x256xf32, #tpu.memory_space<hbm>> -> memref<128x256xf32, #tpu.memory_space<hbm>>
      %dma_start3A_1442 = arith.constant 0 : i32
      %dma_start3A_1443 = arith.constant 0 : i32
      %dma_start3A_1444 = tpu.memref_slice %arg5[%squeeze3A_327, %dma_start3A_1442, %dma_start3A_1443] : memref<2048x128x256xf32, #tpu.memory_space<hbm>> -> memref<1x128x256xf32, #tpu.memory_space<hbm>>
      %dma_start3A_1445 = tpu.memref_squeeze %dma_start3A_1444 : memref<1x128x256xf32, #tpu.memory_space<hbm>> -> memref<128x256xf32, #tpu.memory_space<hbm>>
      tpu.enqueue_dma source(%dma_start3A_1445 : memref<128x256xf32, #tpu.memory_space<hbm>>) target(%dma_start3A_1441 : memref<128x256xf32, #tpu.memory_space<hbm>>) target_semaphore(%arg13 : memref<!tpu.dma_semaphore, #tpu.memory_space<semaphore_mem>>)
    } else {
    }
    %not3A_811 = arith.constant true
    %not3A_812 = arith.xori %ne3A_333, %not3A_811 : i1
    %convert_element_type3A_813 = arith.extui %not3A_812 : i1 to i32
    %cond3A_814 = arith.constant 0 : i32
    %cond3A_815 = arith.cmpi ne, %convert_element_type3A_813, %cond3A_814 : i32
    scf.if %cond3A_815 {
      %dma_start3A = arith.constant 0 : i32
      %dma_start3A_1439 = arith.constant 0 : i32
      %dma_start3A_1440 = tpu.memref_slice %arg8[%add3A_325, %dma_start3A, %dma_start3A_1439] : memref<1024x128x256xf32, #tpu.memory_space<hbm>> -> memref<1x128x256xf32, #tpu.memory_space<hbm>>
      %dma_start3A_1441 = tpu.memref_squeeze %dma_start3A_1440 : memref<1x128x256xf32, #tpu.memory_space<hbm>> -> memref<128x256xf32, #tpu.memory_space<hbm>>
      %dma_start3A_1442 = arith.constant 0 : i32
      %dma_start3A_1443 = arith.constant 0 : i32
      %dma_start3A_1444 = tpu.memref_slice %arg6[%add3A_325, %dma_start3A_1442, %dma_start3A_1443] : memref<1024x128x256xf32, #tpu.memory_space<hbm>> -> memref<1x128x256xf32, #tpu.memory_space<hbm>>
      %dma_start3A_1445 = tpu.memref_squeeze %dma_start3A_1444 : memref<1x128x256xf32, #tpu.memory_space<hbm>> -> memref<128x256xf32, #tpu.memory_space<hbm>>
      tpu.enqueue_dma source(%dma_start3A_1445 : memref<128x256xf32, #tpu.memory_space<hbm>>) target(%dma_start3A_1441 : memref<128x256xf32, #tpu.memory_space<hbm>>) target_semaphore(%arg13 : memref<!tpu.dma_semaphore, #tpu.memory_space<semaphore_mem>>)
    } else {
    }
    %convert_element_type3A_816 = arith.extui %ne3A_347 : i1 to i32
    %cond3A_817 = arith.constant 0 : i32
    %cond3A_818 = arith.cmpi ne, %convert_element_type3A_816, %cond3A_817 : i32
    scf.if %cond3A_818 {
      %dma_start3A = arith.constant 0 : i32
      %dma_start3A_1439 = arith.constant 0 : i32
      %dma_start3A_1440 = tpu.memref_slice %arg8[%add3A_339, %dma_start3A, %dma_start3A_1439] : memref<1024x128x256xf32, #tpu.memory_space<hbm>> -> memref<1x128x256xf32, #tpu.memory_space<hbm>>
      %dma_start3A_1441 = tpu.memref_squeeze %dma_start3A_1440 : memref<1x128x256xf32, #tpu.memory_space<hbm>> -> memref<128x256xf32, #tpu.memory_space<hbm>>
      %dma_start3A_1442 = arith.constant 0 : i32
      %dma_start3A_1443 = arith.constant 0 : i32
      %dma_start3A_1444 = tpu.memref_slice %arg5[%squeeze3A_341, %dma_start3A_1442, %dma_start3A_1443] : memref<2048x128x256xf32, #tpu.memory_space<hbm>> -> memref<1x128x256xf32, #tpu.memory_space<hbm>>
      %dma_start3A_1445 = tpu.memref_squeeze %dma_start3A_1444 : memref<1x128x256xf32, #tpu.memory_space<hbm>> -> memref<128x256xf32, #tpu.memory_space<hbm>>
      tpu.enqueue_dma source(%dma_start3A_1445 : memref<128x256xf32, #tpu.memory_space<hbm>>) target(%dma_start3A_1441 : memref<128x256xf32, #tpu.memory_space<hbm>>) target_semaphore(%arg13 : memref<!tpu.dma_semaphore, #tpu.memory_space<semaphore_mem>>)
    } else {
    }
    %not3A_819 = arith.constant true
    %not3A_820 = arith.xori %ne3A_347, %not3A_819 : i1
    %convert_element_type3A_821 = arith.extui %not3A_820 : i1 to i32
    %cond3A_822 = arith.constant 0 : i32
    %cond3A_823 = arith.cmpi ne, %convert_element_type3A_821, %cond3A_822 : i32
    scf.if %cond3A_823 {
      %dma_start3A = arith.constant 0 : i32
      %dma_start3A_1439 = arith.constant 0 : i32
      %dma_start3A_1440 = tpu.memref_slice %arg8[%add3A_339, %dma_start3A, %dma_start3A_1439] : memref<1024x128x256xf32, #tpu.memory_space<hbm>> -> memref<1x128x256xf32, #tpu.memory_space<hbm>>
      %dma_start3A_1441 = tpu.memref_squeeze %dma_start3A_1440 : memref<1x128x256xf32, #tpu.memory_space<hbm>> -> memref<128x256xf32, #tpu.memory_space<hbm>>
      %dma_start3A_1442 = arith.constant 0 : i32
      %dma_start3A_1443 = arith.constant 0 : i32
      %dma_start3A_1444 = tpu.memref_slice %arg6[%add3A_339, %dma_start3A_1442, %dma_start3A_1443] : memref<1024x128x256xf32, #tpu.memory_space<hbm>> -> memref<1x128x256xf32, #tpu.memory_space<hbm>>
      %dma_start3A_1445 = tpu.memref_squeeze %dma_start3A_1444 : memref<1x128x256xf32, #tpu.memory_space<hbm>> -> memref<128x256xf32, #tpu.memory_space<hbm>>
      tpu.enqueue_dma source(%dma_start3A_1445 : memref<128x256xf32, #tpu.memory_space<hbm>>) target(%dma_start3A_1441 : memref<128x256xf32, #tpu.memory_space<hbm>>) target_semaphore(%arg13 : memref<!tpu.dma_semaphore, #tpu.memory_space<semaphore_mem>>)
    } else {
    }
    %convert_element_type3A_824 = arith.extui %ne3A_361 : i1 to i32
    %cond3A_825 = arith.constant 0 : i32
    %cond3A_826 = arith.cmpi ne, %convert_element_type3A_824, %cond3A_825 : i32
    scf.if %cond3A_826 {
      %dma_start3A = arith.constant 0 : i32
      %dma_start3A_1439 = arith.constant 0 : i32
      %dma_start3A_1440 = tpu.memref_slice %arg8[%add3A_353, %dma_start3A, %dma_start3A_1439] : memref<1024x128x256xf32, #tpu.memory_space<hbm>> -> memref<1x128x256xf32, #tpu.memory_space<hbm>>
      %dma_start3A_1441 = tpu.memref_squeeze %dma_start3A_1440 : memref<1x128x256xf32, #tpu.memory_space<hbm>> -> memref<128x256xf32, #tpu.memory_space<hbm>>
      %dma_start3A_1442 = arith.constant 0 : i32
      %dma_start3A_1443 = arith.constant 0 : i32
      %dma_start3A_1444 = tpu.memref_slice %arg5[%squeeze3A_355, %dma_start3A_1442, %dma_start3A_1443] : memref<2048x128x256xf32, #tpu.memory_space<hbm>> -> memref<1x128x256xf32, #tpu.memory_space<hbm>>
      %dma_start3A_1445 = tpu.memref_squeeze %dma_start3A_1444 : memref<1x128x256xf32, #tpu.memory_space<hbm>> -> memref<128x256xf32, #tpu.memory_space<hbm>>
      tpu.enqueue_dma source(%dma_start3A_1445 : memref<128x256xf32, #tpu.memory_space<hbm>>) target(%dma_start3A_1441 : memref<128x256xf32, #tpu.memory_space<hbm>>) target_semaphore(%arg13 : memref<!tpu.dma_semaphore, #tpu.memory_space<semaphore_mem>>)
    } else {
    }
    %not3A_827 = arith.constant true
    %not3A_828 = arith.xori %ne3A_361, %not3A_827 : i1
    %convert_element_type3A_829 = arith.extui %not3A_828 : i1 to i32
    %cond3A_830 = arith.constant 0 : i32
    %cond3A_831 = arith.cmpi ne, %convert_element_type3A_829, %cond3A_830 : i32
    scf.if %cond3A_831 {
      %dma_start3A = arith.constant 0 : i32
      %dma_start3A_1439 = arith.constant 0 : i32
      %dma_start3A_1440 = tpu.memref_slice %arg8[%add3A_353, %dma_start3A, %dma_start3A_1439] : memref<1024x128x256xf32, #tpu.memory_space<hbm>> -> memref<1x128x256xf32, #tpu.memory_space<hbm>>
      %dma_start3A_1441 = tpu.memref_squeeze %dma_start3A_1440 : memref<1x128x256xf32, #tpu.memory_space<hbm>> -> memref<128x256xf32, #tpu.memory_space<hbm>>
      %dma_start3A_1442 = arith.constant 0 : i32
      %dma_start3A_1443 = arith.constant 0 : i32
      %dma_start3A_1444 = tpu.memref_slice %arg6[%add3A_353, %dma_start3A_1442, %dma_start3A_1443] : memref<1024x128x256xf32, #tpu.memory_space<hbm>> -> memref<1x128x256xf32, #tpu.memory_space<hbm>>
      %dma_start3A_1445 = tpu.memref_squeeze %dma_start3A_1444 : memref<1x128x256xf32, #tpu.memory_space<hbm>> -> memref<128x256xf32, #tpu.memory_space<hbm>>
      tpu.enqueue_dma source(%dma_start3A_1445 : memref<128x256xf32, #tpu.memory_space<hbm>>) target(%dma_start3A_1441 : memref<128x256xf32, #tpu.memory_space<hbm>>) target_semaphore(%arg13 : memref<!tpu.dma_semaphore, #tpu.memory_space<semaphore_mem>>)
    } else {
    }
    %convert_element_type3A_832 = arith.extui %ne3A_495 : i1 to i32
    %cond3A_833 = arith.constant 0 : i32
    %cond3A_834 = arith.cmpi ne, %convert_element_type3A_832, %cond3A_833 : i32
    scf.if %cond3A_834 {
      %dma_start3A = arith.constant 0 : i32
      %dma_start3A_1439 = arith.constant 0 : i32
      %dma_start3A_1440 = tpu.memref_slice %arg8[%add3A_487, %dma_start3A, %dma_start3A_1439] : memref<1024x128x256xf32, #tpu.memory_space<hbm>> -> memref<1x128x256xf32, #tpu.memory_space<hbm>>
      %dma_start3A_1441 = tpu.memref_squeeze %dma_start3A_1440 : memref<1x128x256xf32, #tpu.memory_space<hbm>> -> memref<128x256xf32, #tpu.memory_space<hbm>>
      %dma_start3A_1442 = arith.constant 0 : i32
      %dma_start3A_1443 = arith.constant 0 : i32
      %dma_start3A_1444 = tpu.memref_slice %arg5[%squeeze3A_489, %dma_start3A_1442, %dma_start3A_1443] : memref<2048x128x256xf32, #tpu.memory_space<hbm>> -> memref<1x128x256xf32, #tpu.memory_space<hbm>>
      %dma_start3A_1445 = tpu.memref_squeeze %dma_start3A_1444 : memref<1x128x256xf32, #tpu.memory_space<hbm>> -> memref<128x256xf32, #tpu.memory_space<hbm>>
      tpu.enqueue_dma source(%dma_start3A_1445 : memref<128x256xf32, #tpu.memory_space<hbm>>) target(%dma_start3A_1441 : memref<128x256xf32, #tpu.memory_space<hbm>>) target_semaphore(%arg13 : memref<!tpu.dma_semaphore, #tpu.memory_space<semaphore_mem>>)
    } else {
    }
    %not3A_835 = arith.constant true
    %not3A_836 = arith.xori %ne3A_495, %not3A_835 : i1
    %convert_element_type3A_837 = arith.extui %not3A_836 : i1 to i32
    %cond3A_838 = arith.constant 0 : i32
    %cond3A_839 = arith.cmpi ne, %convert_element_type3A_837, %cond3A_838 : i32
    scf.if %cond3A_839 {
      %dma_start3A = arith.constant 0 : i32
      %dma_start3A_1439 = arith.constant 0 : i32
      %dma_start3A_1440 = tpu.memref_slice %arg8[%add3A_487, %dma_start3A, %dma_start3A_1439] : memref<1024x128x256xf32, #tpu.memory_space<hbm>> -> memref<1x128x256xf32, #tpu.memory_space<hbm>>
      %dma_start3A_1441 = tpu.memref_squeeze %dma_start3A_1440 : memref<1x128x256xf32, #tpu.memory_space<hbm>> -> memref<128x256xf32, #tpu.memory_space<hbm>>
      %dma_start3A_1442 = arith.constant 0 : i32
      %dma_start3A_1443 = arith.constant 0 : i32
      %dma_start3A_1444 = tpu.memref_slice %arg6[%add3A_487, %dma_start3A_1442, %dma_start3A_1443] : memref<1024x128x256xf32, #tpu.memory_space<hbm>> -> memref<1x128x256xf32, #tpu.memory_space<hbm>>
      %dma_start3A_1445 = tpu.memref_squeeze %dma_start3A_1444 : memref<1x128x256xf32, #tpu.memory_space<hbm>> -> memref<128x256xf32, #tpu.memory_space<hbm>>
      tpu.enqueue_dma source(%dma_start3A_1445 : memref<128x256xf32, #tpu.memory_space<hbm>>) target(%dma_start3A_1441 : memref<128x256xf32, #tpu.memory_space<hbm>>) target_semaphore(%arg13 : memref<!tpu.dma_semaphore, #tpu.memory_space<semaphore_mem>>)
    } else {
    }
    %convert_element_type3A_840 = arith.extui %ne3A_509 : i1 to i32
    %cond3A_841 = arith.constant 0 : i32
    %cond3A_842 = arith.cmpi ne, %convert_element_type3A_840, %cond3A_841 : i32
    scf.if %cond3A_842 {
      %dma_start3A = arith.constant 0 : i32
      %dma_start3A_1439 = arith.constant 0 : i32
      %dma_start3A_1440 = tpu.memref_slice %arg8[%add3A_501, %dma_start3A, %dma_start3A_1439] : memref<1024x128x256xf32, #tpu.memory_space<hbm>> -> memref<1x128x256xf32, #tpu.memory_space<hbm>>
      %dma_start3A_1441 = tpu.memref_squeeze %dma_start3A_1440 : memref<1x128x256xf32, #tpu.memory_space<hbm>> -> memref<128x256xf32, #tpu.memory_space<hbm>>
      %dma_start3A_1442 = arith.constant 0 : i32
      %dma_start3A_1443 = arith.constant 0 : i32
      %dma_start3A_1444 = tpu.memref_slice %arg5[%squeeze3A_503, %dma_start3A_1442, %dma_start3A_1443] : memref<2048x128x256xf32, #tpu.memory_space<hbm>> -> memref<1x128x256xf32, #tpu.memory_space<hbm>>
      %dma_start3A_1445 = tpu.memref_squeeze %dma_start3A_1444 : memref<1x128x256xf32, #tpu.memory_space<hbm>> -> memref<128x256xf32, #tpu.memory_space<hbm>>
      tpu.enqueue_dma source(%dma_start3A_1445 : memref<128x256xf32, #tpu.memory_space<hbm>>) target(%dma_start3A_1441 : memref<128x256xf32, #tpu.memory_space<hbm>>) target_semaphore(%arg13 : memref<!tpu.dma_semaphore, #tpu.memory_space<semaphore_mem>>)
    } else {
    }
    %not3A_843 = arith.constant true
    %not3A_844 = arith.xori %ne3A_509, %not3A_843 : i1
    %convert_element_type3A_845 = arith.extui %not3A_844 : i1 to i32
    %cond3A_846 = arith.constant 0 : i32
    %cond3A_847 = arith.cmpi ne, %convert_element_type3A_845, %cond3A_846 : i32
    scf.if %cond3A_847 {
      %dma_start3A = arith.constant 0 : i32
      %dma_start3A_1439 = arith.constant 0 : i32
      %dma_start3A_1440 = tpu.memref_slice %arg8[%add3A_501, %dma_start3A, %dma_start3A_1439] : memref<1024x128x256xf32, #tpu.memory_space<hbm>> -> memref<1x128x256xf32, #tpu.memory_space<hbm>>
      %dma_start3A_1441 = tpu.memref_squeeze %dma_start3A_1440 : memref<1x128x256xf32, #tpu.memory_space<hbm>> -> memref<128x256xf32, #tpu.memory_space<hbm>>
      %dma_start3A_1442 = arith.constant 0 : i32
      %dma_start3A_1443 = arith.constant 0 : i32
      %dma_start3A_1444 = tpu.memref_slice %arg6[%add3A_501, %dma_start3A_1442, %dma_start3A_1443] : memref<1024x128x256xf32, #tpu.memory_space<hbm>> -> memref<1x128x256xf32, #tpu.memory_space<hbm>>
      %dma_start3A_1445 = tpu.memref_squeeze %dma_start3A_1444 : memref<1x128x256xf32, #tpu.memory_space<hbm>> -> memref<128x256xf32, #tpu.memory_space<hbm>>
      tpu.enqueue_dma source(%dma_start3A_1445 : memref<128x256xf32, #tpu.memory_space<hbm>>) target(%dma_start3A_1441 : memref<128x256xf32, #tpu.memory_space<hbm>>) target_semaphore(%arg13 : memref<!tpu.dma_semaphore, #tpu.memory_space<semaphore_mem>>)
    } else {
    }
    %convert_element_type3A_848 = arith.extui %ne3A_523 : i1 to i32
    %cond3A_849 = arith.constant 0 : i32
    %cond3A_850 = arith.cmpi ne, %convert_element_type3A_848, %cond3A_849 : i32
    scf.if %cond3A_850 {
      %dma_start3A = arith.constant 0 : i32
      %dma_start3A_1439 = arith.constant 0 : i32
      %dma_start3A_1440 = tpu.memref_slice %arg8[%add3A_515, %dma_start3A, %dma_start3A_1439] : memref<1024x128x256xf32, #tpu.memory_space<hbm>> -> memref<1x128x256xf32, #tpu.memory_space<hbm>>
      %dma_start3A_1441 = tpu.memref_squeeze %dma_start3A_1440 : memref<1x128x256xf32, #tpu.memory_space<hbm>> -> memref<128x256xf32, #tpu.memory_space<hbm>>
      %dma_start3A_1442 = arith.constant 0 : i32
      %dma_start3A_1443 = arith.constant 0 : i32
      %dma_start3A_1444 = tpu.memref_slice %arg5[%squeeze3A_517, %dma_start3A_1442, %dma_start3A_1443] : memref<2048x128x256xf32, #tpu.memory_space<hbm>> -> memref<1x128x256xf32, #tpu.memory_space<hbm>>
      %dma_start3A_1445 = tpu.memref_squeeze %dma_start3A_1444 : memref<1x128x256xf32, #tpu.memory_space<hbm>> -> memref<128x256xf32, #tpu.memory_space<hbm>>
      tpu.enqueue_dma source(%dma_start3A_1445 : memref<128x256xf32, #tpu.memory_space<hbm>>) target(%dma_start3A_1441 : memref<128x256xf32, #tpu.memory_space<hbm>>) target_semaphore(%arg13 : memref<!tpu.dma_semaphore, #tpu.memory_space<semaphore_mem>>)
    } else {
    }
    %not3A_851 = arith.constant true
    %not3A_852 = arith.xori %ne3A_523, %not3A_851 : i1
    %convert_element_type3A_853 = arith.extui %not3A_852 : i1 to i32
    %cond3A_854 = arith.constant 0 : i32
    %cond3A_855 = arith.cmpi ne, %convert_element_type3A_853, %cond3A_854 : i32
    scf.if %cond3A_855 {
      %dma_start3A = arith.constant 0 : i32
      %dma_start3A_1439 = arith.constant 0 : i32
      %dma_start3A_1440 = tpu.memref_slice %arg8[%add3A_515, %dma_start3A, %dma_start3A_1439] : memref<1024x128x256xf32, #tpu.memory_space<hbm>> -> memref<1x128x256xf32, #tpu.memory_space<hbm>>
      %dma_start3A_1441 = tpu.memref_squeeze %dma_start3A_1440 : memref<1x128x256xf32, #tpu.memory_space<hbm>> -> memref<128x256xf32, #tpu.memory_space<hbm>>
      %dma_start3A_1442 = arith.constant 0 : i32
      %dma_start3A_1443 = arith.constant 0 : i32
      %dma_start3A_1444 = tpu.memref_slice %arg6[%add3A_515, %dma_start3A_1442, %dma_start3A_1443] : memref<1024x128x256xf32, #tpu.memory_space<hbm>> -> memref<1x128x256xf32, #tpu.memory_space<hbm>>
      %dma_start3A_1445 = tpu.memref_squeeze %dma_start3A_1444 : memref<1x128x256xf32, #tpu.memory_space<hbm>> -> memref<128x256xf32, #tpu.memory_space<hbm>>
      tpu.enqueue_dma source(%dma_start3A_1445 : memref<128x256xf32, #tpu.memory_space<hbm>>) target(%dma_start3A_1441 : memref<128x256xf32, #tpu.memory_space<hbm>>) target_semaphore(%arg13 : memref<!tpu.dma_semaphore, #tpu.memory_space<semaphore_mem>>)
    } else {
    }
    %convert_element_type3A_856 = arith.extui %ne3A_537 : i1 to i32
    %cond3A_857 = arith.constant 0 : i32
    %cond3A_858 = arith.cmpi ne, %convert_element_type3A_856, %cond3A_857 : i32
    scf.if %cond3A_858 {
      %dma_start3A = arith.constant 0 : i32
      %dma_start3A_1439 = arith.constant 0 : i32
      %dma_start3A_1440 = tpu.memref_slice %arg8[%add3A_529, %dma_start3A, %dma_start3A_1439] : memref<1024x128x256xf32, #tpu.memory_space<hbm>> -> memref<1x128x256xf32, #tpu.memory_space<hbm>>
      %dma_start3A_1441 = tpu.memref_squeeze %dma_start3A_1440 : memref<1x128x256xf32, #tpu.memory_space<hbm>> -> memref<128x256xf32, #tpu.memory_space<hbm>>
      %dma_start3A_1442 = arith.constant 0 : i32
      %dma_start3A_1443 = arith.constant 0 : i32
      %dma_start3A_1444 = tpu.memref_slice %arg5[%squeeze3A_531, %dma_start3A_1442, %dma_start3A_1443] : memref<2048x128x256xf32, #tpu.memory_space<hbm>> -> memref<1x128x256xf32, #tpu.memory_space<hbm>>
      %dma_start3A_1445 = tpu.memref_squeeze %dma_start3A_1444 : memref<1x128x256xf32, #tpu.memory_space<hbm>> -> memref<128x256xf32, #tpu.memory_space<hbm>>
      tpu.enqueue_dma source(%dma_start3A_1445 : memref<128x256xf32, #tpu.memory_space<hbm>>) target(%dma_start3A_1441 : memref<128x256xf32, #tpu.memory_space<hbm>>) target_semaphore(%arg13 : memref<!tpu.dma_semaphore, #tpu.memory_space<semaphore_mem>>)
    } else {
    }
    %not3A_859 = arith.constant true
    %not3A_860 = arith.xori %ne3A_537, %not3A_859 : i1
    %convert_element_type3A_861 = arith.extui %not3A_860 : i1 to i32
    %cond3A_862 = arith.constant 0 : i32
    %cond3A_863 = arith.cmpi ne, %convert_element_type3A_861, %cond3A_862 : i32
    scf.if %cond3A_863 {
      %dma_start3A = arith.constant 0 : i32
      %dma_start3A_1439 = arith.constant 0 : i32
      %dma_start3A_1440 = tpu.memref_slice %arg8[%add3A_529, %dma_start3A, %dma_start3A_1439] : memref<1024x128x256xf32, #tpu.memory_space<hbm>> -> memref<1x128x256xf32, #tpu.memory_space<hbm>>
      %dma_start3A_1441 = tpu.memref_squeeze %dma_start3A_1440 : memref<1x128x256xf32, #tpu.memory_space<hbm>> -> memref<128x256xf32, #tpu.memory_space<hbm>>
      %dma_start3A_1442 = arith.constant 0 : i32
      %dma_start3A_1443 = arith.constant 0 : i32
      %dma_start3A_1444 = tpu.memref_slice %arg6[%add3A_529, %dma_start3A_1442, %dma_start3A_1443] : memref<1024x128x256xf32, #tpu.memory_space<hbm>> -> memref<1x128x256xf32, #tpu.memory_space<hbm>>
      %dma_start3A_1445 = tpu.memref_squeeze %dma_start3A_1444 : memref<1x128x256xf32, #tpu.memory_space<hbm>> -> memref<128x256xf32, #tpu.memory_space<hbm>>
      tpu.enqueue_dma source(%dma_start3A_1445 : memref<128x256xf32, #tpu.memory_space<hbm>>) target(%dma_start3A_1441 : memref<128x256xf32, #tpu.memory_space<hbm>>) target_semaphore(%arg13 : memref<!tpu.dma_semaphore, #tpu.memory_space<semaphore_mem>>)
    } else {
    }
    %convert_element_type3A_864 = arith.extui %ne3A_551 : i1 to i32
    %cond3A_865 = arith.constant 0 : i32
    %cond3A_866 = arith.cmpi ne, %convert_element_type3A_864, %cond3A_865 : i32
    scf.if %cond3A_866 {
      %dma_start3A = arith.constant 0 : i32
      %dma_start3A_1439 = arith.constant 0 : i32
      %dma_start3A_1440 = tpu.memref_slice %arg8[%add3A_543, %dma_start3A, %dma_start3A_1439] : memref<1024x128x256xf32, #tpu.memory_space<hbm>> -> memref<1x128x256xf32, #tpu.memory_space<hbm>>
      %dma_start3A_1441 = tpu.memref_squeeze %dma_start3A_1440 : memref<1x128x256xf32, #tpu.memory_space<hbm>> -> memref<128x256xf32, #tpu.memory_space<hbm>>
      %dma_start3A_1442 = arith.constant 0 : i32
      %dma_start3A_1443 = arith.constant 0 : i32
      %dma_start3A_1444 = tpu.memref_slice %arg5[%squeeze3A_545, %dma_start3A_1442, %dma_start3A_1443] : memref<2048x128x256xf32, #tpu.memory_space<hbm>> -> memref<1x128x256xf32, #tpu.memory_space<hbm>>
      %dma_start3A_1445 = tpu.memref_squeeze %dma_start3A_1444 : memref<1x128x256xf32, #tpu.memory_space<hbm>> -> memref<128x256xf32, #tpu.memory_space<hbm>>
      tpu.enqueue_dma source(%dma_start3A_1445 : memref<128x256xf32, #tpu.memory_space<hbm>>) target(%dma_start3A_1441 : memref<128x256xf32, #tpu.memory_space<hbm>>) target_semaphore(%arg13 : memref<!tpu.dma_semaphore, #tpu.memory_space<semaphore_mem>>)
    } else {
    }
    %not3A_867 = arith.constant true
    %not3A_868 = arith.xori %ne3A_551, %not3A_867 : i1
    %convert_element_type3A_869 = arith.extui %not3A_868 : i1 to i32
    %cond3A_870 = arith.constant 0 : i32
    %cond3A_871 = arith.cmpi ne, %convert_element_type3A_869, %cond3A_870 : i32
    scf.if %cond3A_871 {
      %dma_start3A = arith.constant 0 : i32
      %dma_start3A_1439 = arith.constant 0 : i32
      %dma_start3A_1440 = tpu.memref_slice %arg8[%add3A_543, %dma_start3A, %dma_start3A_1439] : memref<1024x128x256xf32, #tpu.memory_space<hbm>> -> memref<1x128x256xf32, #tpu.memory_space<hbm>>
      %dma_start3A_1441 = tpu.memref_squeeze %dma_start3A_1440 : memref<1x128x256xf32, #tpu.memory_space<hbm>> -> memref<128x256xf32, #tpu.memory_space<hbm>>
      %dma_start3A_1442 = arith.constant 0 : i32
      %dma_start3A_1443 = arith.constant 0 : i32
      %dma_start3A_1444 = tpu.memref_slice %arg6[%add3A_543, %dma_start3A_1442, %dma_start3A_1443] : memref<1024x128x256xf32, #tpu.memory_space<hbm>> -> memref<1x128x256xf32, #tpu.memory_space<hbm>>
      %dma_start3A_1445 = tpu.memref_squeeze %dma_start3A_1444 : memref<1x128x256xf32, #tpu.memory_space<hbm>> -> memref<128x256xf32, #tpu.memory_space<hbm>>
      tpu.enqueue_dma source(%dma_start3A_1445 : memref<128x256xf32, #tpu.memory_space<hbm>>) target(%dma_start3A_1441 : memref<128x256xf32, #tpu.memory_space<hbm>>) target_semaphore(%arg13 : memref<!tpu.dma_semaphore, #tpu.memory_space<semaphore_mem>>)
    } else {
    }
    %convert_element_type3A_872 = arith.extui %ne3A_565 : i1 to i32
    %cond3A_873 = arith.constant 0 : i32
    %cond3A_874 = arith.cmpi ne, %convert_element_type3A_872, %cond3A_873 : i32
    scf.if %cond3A_874 {
      %dma_start3A = arith.constant 0 : i32
      %dma_start3A_1439 = arith.constant 0 : i32
      %dma_start3A_1440 = tpu.memref_slice %arg8[%add3A_557, %dma_start3A, %dma_start3A_1439] : memref<1024x128x256xf32, #tpu.memory_space<hbm>> -> memref<1x128x256xf32, #tpu.memory_space<hbm>>
      %dma_start3A_1441 = tpu.memref_squeeze %dma_start3A_1440 : memref<1x128x256xf32, #tpu.memory_space<hbm>> -> memref<128x256xf32, #tpu.memory_space<hbm>>
      %dma_start3A_1442 = arith.constant 0 : i32
      %dma_start3A_1443 = arith.constant 0 : i32
      %dma_start3A_1444 = tpu.memref_slice %arg5[%squeeze3A_559, %dma_start3A_1442, %dma_start3A_1443] : memref<2048x128x256xf32, #tpu.memory_space<hbm>> -> memref<1x128x256xf32, #tpu.memory_space<hbm>>
      %dma_start3A_1445 = tpu.memref_squeeze %dma_start3A_1444 : memref<1x128x256xf32, #tpu.memory_space<hbm>> -> memref<128x256xf32, #tpu.memory_space<hbm>>
      tpu.enqueue_dma source(%dma_start3A_1445 : memref<128x256xf32, #tpu.memory_space<hbm>>) target(%dma_start3A_1441 : memref<128x256xf32, #tpu.memory_space<hbm>>) target_semaphore(%arg13 : memref<!tpu.dma_semaphore, #tpu.memory_space<semaphore_mem>>)
    } else {
    }
    %not3A_875 = arith.constant true
    %not3A_876 = arith.xori %ne3A_565, %not3A_875 : i1
    %convert_element_type3A_877 = arith.extui %not3A_876 : i1 to i32
    %cond3A_878 = arith.constant 0 : i32
    %cond3A_879 = arith.cmpi ne, %convert_element_type3A_877, %cond3A_878 : i32
    scf.if %cond3A_879 {
      %dma_start3A = arith.constant 0 : i32
      %dma_start3A_1439 = arith.constant 0 : i32
      %dma_start3A_1440 = tpu.memref_slice %arg8[%add3A_557, %dma_start3A, %dma_start3A_1439] : memref<1024x128x256xf32, #tpu.memory_space<hbm>> -> memref<1x128x256xf32, #tpu.memory_space<hbm>>
      %dma_start3A_1441 = tpu.memref_squeeze %dma_start3A_1440 : memref<1x128x256xf32, #tpu.memory_space<hbm>> -> memref<128x256xf32, #tpu.memory_space<hbm>>
      %dma_start3A_1442 = arith.constant 0 : i32
      %dma_start3A_1443 = arith.constant 0 : i32
      %dma_start3A_1444 = tpu.memref_slice %arg6[%add3A_557, %dma_start3A_1442, %dma_start3A_1443] : memref<1024x128x256xf32, #tpu.memory_space<hbm>> -> memref<1x128x256xf32, #tpu.memory_space<hbm>>
      %dma_start3A_1445 = tpu.memref_squeeze %dma_start3A_1444 : memref<1x128x256xf32, #tpu.memory_space<hbm>> -> memref<128x256xf32, #tpu.memory_space<hbm>>
      tpu.enqueue_dma source(%dma_start3A_1445 : memref<128x256xf32, #tpu.memory_space<hbm>>) target(%dma_start3A_1441 : memref<128x256xf32, #tpu.memory_space<hbm>>) target_semaphore(%arg13 : memref<!tpu.dma_semaphore, #tpu.memory_space<semaphore_mem>>)
    } else {
    }
    %convert_element_type3A_880 = arith.extui %ne3A_579 : i1 to i32
    %cond3A_881 = arith.constant 0 : i32
    %cond3A_882 = arith.cmpi ne, %convert_element_type3A_880, %cond3A_881 : i32
    scf.if %cond3A_882 {
      %dma_start3A = arith.constant 0 : i32
      %dma_start3A_1439 = arith.constant 0 : i32
      %dma_start3A_1440 = tpu.memref_slice %arg8[%add3A_571, %dma_start3A, %dma_start3A_1439] : memref<1024x128x256xf32, #tpu.memory_space<hbm>> -> memref<1x128x256xf32, #tpu.memory_space<hbm>>
      %dma_start3A_1441 = tpu.memref_squeeze %dma_start3A_1440 : memref<1x128x256xf32, #tpu.memory_space<hbm>> -> memref<128x256xf32, #tpu.memory_space<hbm>>
      %dma_start3A_1442 = arith.constant 0 : i32
      %dma_start3A_1443 = arith.constant 0 : i32
      %dma_start3A_1444 = tpu.memref_slice %arg5[%squeeze3A_573, %dma_start3A_1442, %dma_start3A_1443] : memref<2048x128x256xf32, #tpu.memory_space<hbm>> -> memref<1x128x256xf32, #tpu.memory_space<hbm>>
      %dma_start3A_1445 = tpu.memref_squeeze %dma_start3A_1444 : memref<1x128x256xf32, #tpu.memory_space<hbm>> -> memref<128x256xf32, #tpu.memory_space<hbm>>
      tpu.enqueue_dma source(%dma_start3A_1445 : memref<128x256xf32, #tpu.memory_space<hbm>>) target(%dma_start3A_1441 : memref<128x256xf32, #tpu.memory_space<hbm>>) target_semaphore(%arg13 : memref<!tpu.dma_semaphore, #tpu.memory_space<semaphore_mem>>)
    } else {
    }
    %not3A_883 = arith.constant true
    %not3A_884 = arith.xori %ne3A_579, %not3A_883 : i1
    %convert_element_type3A_885 = arith.extui %not3A_884 : i1 to i32
    %cond3A_886 = arith.constant 0 : i32
    %cond3A_887 = arith.cmpi ne, %convert_element_type3A_885, %cond3A_886 : i32
    scf.if %cond3A_887 {
      %dma_start3A = arith.constant 0 : i32
      %dma_start3A_1439 = arith.constant 0 : i32
      %dma_start3A_1440 = tpu.memref_slice %arg8[%add3A_571, %dma_start3A, %dma_start3A_1439] : memref<1024x128x256xf32, #tpu.memory_space<hbm>> -> memref<1x128x256xf32, #tpu.memory_space<hbm>>
      %dma_start3A_1441 = tpu.memref_squeeze %dma_start3A_1440 : memref<1x128x256xf32, #tpu.memory_space<hbm>> -> memref<128x256xf32, #tpu.memory_space<hbm>>
      %dma_start3A_1442 = arith.constant 0 : i32
      %dma_start3A_1443 = arith.constant 0 : i32
      %dma_start3A_1444 = tpu.memref_slice %arg6[%add3A_571, %dma_start3A_1442, %dma_start3A_1443] : memref<1024x128x256xf32, #tpu.memory_space<hbm>> -> memref<1x128x256xf32, #tpu.memory_space<hbm>>
      %dma_start3A_1445 = tpu.memref_squeeze %dma_start3A_1444 : memref<1x128x256xf32, #tpu.memory_space<hbm>> -> memref<128x256xf32, #tpu.memory_space<hbm>>
      tpu.enqueue_dma source(%dma_start3A_1445 : memref<128x256xf32, #tpu.memory_space<hbm>>) target(%dma_start3A_1441 : memref<128x256xf32, #tpu.memory_space<hbm>>) target_semaphore(%arg13 : memref<!tpu.dma_semaphore, #tpu.memory_space<semaphore_mem>>)
    } else {
    }
    %convert_element_type3A_888 = arith.extui %ne3A_593 : i1 to i32
    %cond3A_889 = arith.constant 0 : i32
    %cond3A_890 = arith.cmpi ne, %convert_element_type3A_888, %cond3A_889 : i32
    scf.if %cond3A_890 {
      %dma_start3A = arith.constant 0 : i32
      %dma_start3A_1439 = arith.constant 0 : i32
      %dma_start3A_1440 = tpu.memref_slice %arg8[%add3A_585, %dma_start3A, %dma_start3A_1439] : memref<1024x128x256xf32, #tpu.memory_space<hbm>> -> memref<1x128x256xf32, #tpu.memory_space<hbm>>
      %dma_start3A_1441 = tpu.memref_squeeze %dma_start3A_1440 : memref<1x128x256xf32, #tpu.memory_space<hbm>> -> memref<128x256xf32, #tpu.memory_space<hbm>>
      %dma_start3A_1442 = arith.constant 0 : i32
      %dma_start3A_1443 = arith.constant 0 : i32
      %dma_start3A_1444 = tpu.memref_slice %arg5[%squeeze3A_587, %dma_start3A_1442, %dma_start3A_1443] : memref<2048x128x256xf32, #tpu.memory_space<hbm>> -> memref<1x128x256xf32, #tpu.memory_space<hbm>>
      %dma_start3A_1445 = tpu.memref_squeeze %dma_start3A_1444 : memref<1x128x256xf32, #tpu.memory_space<hbm>> -> memref<128x256xf32, #tpu.memory_space<hbm>>
      tpu.enqueue_dma source(%dma_start3A_1445 : memref<128x256xf32, #tpu.memory_space<hbm>>) target(%dma_start3A_1441 : memref<128x256xf32, #tpu.memory_space<hbm>>) target_semaphore(%arg13 : memref<!tpu.dma_semaphore, #tpu.memory_space<semaphore_mem>>)
    } else {
    }
    %not3A_891 = arith.constant true
    %not3A_892 = arith.xori %ne3A_593, %not3A_891 : i1
    %convert_element_type3A_893 = arith.extui %not3A_892 : i1 to i32
    %cond3A_894 = arith.constant 0 : i32
    %cond3A_895 = arith.cmpi ne, %convert_element_type3A_893, %cond3A_894 : i32
    scf.if %cond3A_895 {
      %dma_start3A = arith.constant 0 : i32
      %dma_start3A_1439 = arith.constant 0 : i32
      %dma_start3A_1440 = tpu.memref_slice %arg8[%add3A_585, %dma_start3A, %dma_start3A_1439] : memref<1024x128x256xf32, #tpu.memory_space<hbm>> -> memref<1x128x256xf32, #tpu.memory_space<hbm>>
      %dma_start3A_1441 = tpu.memref_squeeze %dma_start3A_1440 : memref<1x128x256xf32, #tpu.memory_space<hbm>> -> memref<128x256xf32, #tpu.memory_space<hbm>>
      %dma_start3A_1442 = arith.constant 0 : i32
      %dma_start3A_1443 = arith.constant 0 : i32
      %dma_start3A_1444 = tpu.memref_slice %arg6[%add3A_585, %dma_start3A_1442, %dma_start3A_1443] : memref<1024x128x256xf32, #tpu.memory_space<hbm>> -> memref<1x128x256xf32, #tpu.memory_space<hbm>>
      %dma_start3A_1445 = tpu.memref_squeeze %dma_start3A_1444 : memref<1x128x256xf32, #tpu.memory_space<hbm>> -> memref<128x256xf32, #tpu.memory_space<hbm>>
      tpu.enqueue_dma source(%dma_start3A_1445 : memref<128x256xf32, #tpu.memory_space<hbm>>) target(%dma_start3A_1441 : memref<128x256xf32, #tpu.memory_space<hbm>>) target_semaphore(%arg13 : memref<!tpu.dma_semaphore, #tpu.memory_space<semaphore_mem>>)
    } else {
    }
    %convert_element_type3A_896 = arith.extui %ne3A_607 : i1 to i32
    %cond3A_897 = arith.constant 0 : i32
    %cond3A_898 = arith.cmpi ne, %convert_element_type3A_896, %cond3A_897 : i32
    scf.if %cond3A_898 {
      %dma_start3A = arith.constant 0 : i32
      %dma_start3A_1439 = arith.constant 0 : i32
      %dma_start3A_1440 = tpu.memref_slice %arg8[%add3A_599, %dma_start3A, %dma_start3A_1439] : memref<1024x128x256xf32, #tpu.memory_space<hbm>> -> memref<1x128x256xf32, #tpu.memory_space<hbm>>
      %dma_start3A_1441 = tpu.memref_squeeze %dma_start3A_1440 : memref<1x128x256xf32, #tpu.memory_space<hbm>> -> memref<128x256xf32, #tpu.memory_space<hbm>>
      %dma_start3A_1442 = arith.constant 0 : i32
      %dma_start3A_1443 = arith.constant 0 : i32
      %dma_start3A_1444 = tpu.memref_slice %arg5[%squeeze3A_601, %dma_start3A_1442, %dma_start3A_1443] : memref<2048x128x256xf32, #tpu.memory_space<hbm>> -> memref<1x128x256xf32, #tpu.memory_space<hbm>>
      %dma_start3A_1445 = tpu.memref_squeeze %dma_start3A_1444 : memref<1x128x256xf32, #tpu.memory_space<hbm>> -> memref<128x256xf32, #tpu.memory_space<hbm>>
      tpu.enqueue_dma source(%dma_start3A_1445 : memref<128x256xf32, #tpu.memory_space<hbm>>) target(%dma_start3A_1441 : memref<128x256xf32, #tpu.memory_space<hbm>>) target_semaphore(%arg13 : memref<!tpu.dma_semaphore, #tpu.memory_space<semaphore_mem>>)
    } else {
    }
    %not3A_899 = arith.constant true
    %not3A_900 = arith.xori %ne3A_607, %not3A_899 : i1
    %convert_element_type3A_901 = arith.extui %not3A_900 : i1 to i32
    %cond3A_902 = arith.constant 0 : i32
    %cond3A_903 = arith.cmpi ne, %convert_element_type3A_901, %cond3A_902 : i32
    scf.if %cond3A_903 {
      %dma_start3A = arith.constant 0 : i32
      %dma_start3A_1439 = arith.constant 0 : i32
      %dma_start3A_1440 = tpu.memref_slice %arg8[%add3A_599, %dma_start3A, %dma_start3A_1439] : memref<1024x128x256xf32, #tpu.memory_space<hbm>> -> memref<1x128x256xf32, #tpu.memory_space<hbm>>
      %dma_start3A_1441 = tpu.memref_squeeze %dma_start3A_1440 : memref<1x128x256xf32, #tpu.memory_space<hbm>> -> memref<128x256xf32, #tpu.memory_space<hbm>>
      %dma_start3A_1442 = arith.constant 0 : i32
      %dma_start3A_1443 = arith.constant 0 : i32
      %dma_start3A_1444 = tpu.memref_slice %arg6[%add3A_599, %dma_start3A_1442, %dma_start3A_1443] : memref<1024x128x256xf32, #tpu.memory_space<hbm>> -> memref<1x128x256xf32, #tpu.memory_space<hbm>>
      %dma_start3A_1445 = tpu.memref_squeeze %dma_start3A_1444 : memref<1x128x256xf32, #tpu.memory_space<hbm>> -> memref<128x256xf32, #tpu.memory_space<hbm>>
      tpu.enqueue_dma source(%dma_start3A_1445 : memref<128x256xf32, #tpu.memory_space<hbm>>) target(%dma_start3A_1441 : memref<128x256xf32, #tpu.memory_space<hbm>>) target_semaphore(%arg13 : memref<!tpu.dma_semaphore, #tpu.memory_space<semaphore_mem>>)
    } else {
    }
    %convert_element_type3A_904 = arith.extui %ne3A_621 : i1 to i32
    %cond3A_905 = arith.constant 0 : i32
    %cond3A_906 = arith.cmpi ne, %convert_element_type3A_904, %cond3A_905 : i32
    scf.if %cond3A_906 {
      %dma_start3A = arith.constant 0 : i32
      %dma_start3A_1439 = arith.constant 0 : i32
      %dma_start3A_1440 = tpu.memref_slice %arg8[%add3A_613, %dma_start3A, %dma_start3A_1439] : memref<1024x128x256xf32, #tpu.memory_space<hbm>> -> memref<1x128x256xf32, #tpu.memory_space<hbm>>
      %dma_start3A_1441 = tpu.memref_squeeze %dma_start3A_1440 : memref<1x128x256xf32, #tpu.memory_space<hbm>> -> memref<128x256xf32, #tpu.memory_space<hbm>>
      %dma_start3A_1442 = arith.constant 0 : i32
      %dma_start3A_1443 = arith.constant 0 : i32
      %dma_start3A_1444 = tpu.memref_slice %arg5[%squeeze3A_615, %dma_start3A_1442, %dma_start3A_1443] : memref<2048x128x256xf32, #tpu.memory_space<hbm>> -> memref<1x128x256xf32, #tpu.memory_space<hbm>>
      %dma_start3A_1445 = tpu.memref_squeeze %dma_start3A_1444 : memref<1x128x256xf32, #tpu.memory_space<hbm>> -> memref<128x256xf32, #tpu.memory_space<hbm>>
      tpu.enqueue_dma source(%dma_start3A_1445 : memref<128x256xf32, #tpu.memory_space<hbm>>) target(%dma_start3A_1441 : memref<128x256xf32, #tpu.memory_space<hbm>>) target_semaphore(%arg13 : memref<!tpu.dma_semaphore, #tpu.memory_space<semaphore_mem>>)
    } else {
    }
    %not3A_907 = arith.constant true
    %not3A_908 = arith.xori %ne3A_621, %not3A_907 : i1
    %convert_element_type3A_909 = arith.extui %not3A_908 : i1 to i32
    %cond3A_910 = arith.constant 0 : i32
    %cond3A_911 = arith.cmpi ne, %convert_element_type3A_909, %cond3A_910 : i32
    scf.if %cond3A_911 {
      %dma_start3A = arith.constant 0 : i32
      %dma_start3A_1439 = arith.constant 0 : i32
      %dma_start3A_1440 = tpu.memref_slice %arg8[%add3A_613, %dma_start3A, %dma_start3A_1439] : memref<1024x128x256xf32, #tpu.memory_space<hbm>> -> memref<1x128x256xf32, #tpu.memory_space<hbm>>
      %dma_start3A_1441 = tpu.memref_squeeze %dma_start3A_1440 : memref<1x128x256xf32, #tpu.memory_space<hbm>> -> memref<128x256xf32, #tpu.memory_space<hbm>>
      %dma_start3A_1442 = arith.constant 0 : i32
      %dma_start3A_1443 = arith.constant 0 : i32
      %dma_start3A_1444 = tpu.memref_slice %arg6[%add3A_613, %dma_start3A_1442, %dma_start3A_1443] : memref<1024x128x256xf32, #tpu.memory_space<hbm>> -> memref<1x128x256xf32, #tpu.memory_space<hbm>>
      %dma_start3A_1445 = tpu.memref_squeeze %dma_start3A_1444 : memref<1x128x256xf32, #tpu.memory_space<hbm>> -> memref<128x256xf32, #tpu.memory_space<hbm>>
      tpu.enqueue_dma source(%dma_start3A_1445 : memref<128x256xf32, #tpu.memory_space<hbm>>) target(%dma_start3A_1441 : memref<128x256xf32, #tpu.memory_space<hbm>>) target_semaphore(%arg13 : memref<!tpu.dma_semaphore, #tpu.memory_space<semaphore_mem>>)
    } else {
    }
    %convert_element_type3A_912 = arith.extui %ne3A_635 : i1 to i32
    %cond3A_913 = arith.constant 0 : i32
    %cond3A_914 = arith.cmpi ne, %convert_element_type3A_912, %cond3A_913 : i32
    scf.if %cond3A_914 {
      %dma_start3A = arith.constant 0 : i32
      %dma_start3A_1439 = arith.constant 0 : i32
      %dma_start3A_1440 = tpu.memref_slice %arg8[%add3A_627, %dma_start3A, %dma_start3A_1439] : memref<1024x128x256xf32, #tpu.memory_space<hbm>> -> memref<1x128x256xf32, #tpu.memory_space<hbm>>
      %dma_start3A_1441 = tpu.memref_squeeze %dma_start3A_1440 : memref<1x128x256xf32, #tpu.memory_space<hbm>> -> memref<128x256xf32, #tpu.memory_space<hbm>>
      %dma_start3A_1442 = arith.constant 0 : i32
      %dma_start3A_1443 = arith.constant 0 : i32
      %dma_start3A_1444 = tpu.memref_slice %arg5[%squeeze3A_629, %dma_start3A_1442, %dma_start3A_1443] : memref<2048x128x256xf32, #tpu.memory_space<hbm>> -> memref<1x128x256xf32, #tpu.memory_space<hbm>>
      %dma_start3A_1445 = tpu.memref_squeeze %dma_start3A_1444 : memref<1x128x256xf32, #tpu.memory_space<hbm>> -> memref<128x256xf32, #tpu.memory_space<hbm>>
      tpu.enqueue_dma source(%dma_start3A_1445 : memref<128x256xf32, #tpu.memory_space<hbm>>) target(%dma_start3A_1441 : memref<128x256xf32, #tpu.memory_space<hbm>>) target_semaphore(%arg13 : memref<!tpu.dma_semaphore, #tpu.memory_space<semaphore_mem>>)
    } else {
    }
    %not3A_915 = arith.constant true
    %not3A_916 = arith.xori %ne3A_635, %not3A_915 : i1
    %convert_element_type3A_917 = arith.extui %not3A_916 : i1 to i32
    %cond3A_918 = arith.constant 0 : i32
    %cond3A_919 = arith.cmpi ne, %convert_element_type3A_917, %cond3A_918 : i32
    scf.if %cond3A_919 {
      %dma_start3A = arith.constant 0 : i32
      %dma_start3A_1439 = arith.constant 0 : i32
      %dma_start3A_1440 = tpu.memref_slice %arg8[%add3A_627, %dma_start3A, %dma_start3A_1439] : memref<1024x128x256xf32, #tpu.memory_space<hbm>> -> memref<1x128x256xf32, #tpu.memory_space<hbm>>
      %dma_start3A_1441 = tpu.memref_squeeze %dma_start3A_1440 : memref<1x128x256xf32, #tpu.memory_space<hbm>> -> memref<128x256xf32, #tpu.memory_space<hbm>>
      %dma_start3A_1442 = arith.constant 0 : i32
      %dma_start3A_1443 = arith.constant 0 : i32
      %dma_start3A_1444 = tpu.memref_slice %arg6[%add3A_627, %dma_start3A_1442, %dma_start3A_1443] : memref<1024x128x256xf32, #tpu.memory_space<hbm>> -> memref<1x128x256xf32, #tpu.memory_space<hbm>>
      %dma_start3A_1445 = tpu.memref_squeeze %dma_start3A_1444 : memref<1x128x256xf32, #tpu.memory_space<hbm>> -> memref<128x256xf32, #tpu.memory_space<hbm>>
      tpu.enqueue_dma source(%dma_start3A_1445 : memref<128x256xf32, #tpu.memory_space<hbm>>) target(%dma_start3A_1441 : memref<128x256xf32, #tpu.memory_space<hbm>>) target_semaphore(%arg13 : memref<!tpu.dma_semaphore, #tpu.memory_space<semaphore_mem>>)
    } else {
    }
    %convert_element_type3A_920 = arith.extui %ne3A_649 : i1 to i32
    %cond3A_921 = arith.constant 0 : i32
    %cond3A_922 = arith.cmpi ne, %convert_element_type3A_920, %cond3A_921 : i32
    scf.if %cond3A_922 {
      %dma_start3A = arith.constant 0 : i32
      %dma_start3A_1439 = arith.constant 0 : i32
      %dma_start3A_1440 = tpu.memref_slice %arg8[%add3A_641, %dma_start3A, %dma_start3A_1439] : memref<1024x128x256xf32, #tpu.memory_space<hbm>> -> memref<1x128x256xf32, #tpu.memory_space<hbm>>
      %dma_start3A_1441 = tpu.memref_squeeze %dma_start3A_1440 : memref<1x128x256xf32, #tpu.memory_space<hbm>> -> memref<128x256xf32, #tpu.memory_space<hbm>>
      %dma_start3A_1442 = arith.constant 0 : i32
      %dma_start3A_1443 = arith.constant 0 : i32
      %dma_start3A_1444 = tpu.memref_slice %arg5[%squeeze3A_643, %dma_start3A_1442, %dma_start3A_1443] : memref<2048x128x256xf32, #tpu.memory_space<hbm>> -> memref<1x128x256xf32, #tpu.memory_space<hbm>>
      %dma_start3A_1445 = tpu.memref_squeeze %dma_start3A_1444 : memref<1x128x256xf32, #tpu.memory_space<hbm>> -> memref<128x256xf32, #tpu.memory_space<hbm>>
      tpu.enqueue_dma source(%dma_start3A_1445 : memref<128x256xf32, #tpu.memory_space<hbm>>) target(%dma_start3A_1441 : memref<128x256xf32, #tpu.memory_space<hbm>>) target_semaphore(%arg13 : memref<!tpu.dma_semaphore, #tpu.memory_space<semaphore_mem>>)
    } else {
    }
    %not3A_923 = arith.constant true
    %not3A_924 = arith.xori %ne3A_649, %not3A_923 : i1
    %convert_element_type3A_925 = arith.extui %not3A_924 : i1 to i32
    %cond3A_926 = arith.constant 0 : i32
    %cond3A_927 = arith.cmpi ne, %convert_element_type3A_925, %cond3A_926 : i32
    scf.if %cond3A_927 {
      %dma_start3A = arith.constant 0 : i32
      %dma_start3A_1439 = arith.constant 0 : i32
      %dma_start3A_1440 = tpu.memref_slice %arg8[%add3A_641, %dma_start3A, %dma_start3A_1439] : memref<1024x128x256xf32, #tpu.memory_space<hbm>> -> memref<1x128x256xf32, #tpu.memory_space<hbm>>
      %dma_start3A_1441 = tpu.memref_squeeze %dma_start3A_1440 : memref<1x128x256xf32, #tpu.memory_space<hbm>> -> memref<128x256xf32, #tpu.memory_space<hbm>>
      %dma_start3A_1442 = arith.constant 0 : i32
      %dma_start3A_1443 = arith.constant 0 : i32
      %dma_start3A_1444 = tpu.memref_slice %arg6[%add3A_641, %dma_start3A_1442, %dma_start3A_1443] : memref<1024x128x256xf32, #tpu.memory_space<hbm>> -> memref<1x128x256xf32, #tpu.memory_space<hbm>>
      %dma_start3A_1445 = tpu.memref_squeeze %dma_start3A_1444 : memref<1x128x256xf32, #tpu.memory_space<hbm>> -> memref<128x256xf32, #tpu.memory_space<hbm>>
      tpu.enqueue_dma source(%dma_start3A_1445 : memref<128x256xf32, #tpu.memory_space<hbm>>) target(%dma_start3A_1441 : memref<128x256xf32, #tpu.memory_space<hbm>>) target_semaphore(%arg13 : memref<!tpu.dma_semaphore, #tpu.memory_space<semaphore_mem>>)
    } else {
    }
    %convert_element_type3A_928 = arith.extui %ne3A_663 : i1 to i32
    %cond3A_929 = arith.constant 0 : i32
    %cond3A_930 = arith.cmpi ne, %convert_element_type3A_928, %cond3A_929 : i32
    scf.if %cond3A_930 {
      %dma_start3A = arith.constant 0 : i32
      %dma_start3A_1439 = arith.constant 0 : i32
      %dma_start3A_1440 = tpu.memref_slice %arg8[%add3A_655, %dma_start3A, %dma_start3A_1439] : memref<1024x128x256xf32, #tpu.memory_space<hbm>> -> memref<1x128x256xf32, #tpu.memory_space<hbm>>
      %dma_start3A_1441 = tpu.memref_squeeze %dma_start3A_1440 : memref<1x128x256xf32, #tpu.memory_space<hbm>> -> memref<128x256xf32, #tpu.memory_space<hbm>>
      %dma_start3A_1442 = arith.constant 0 : i32
      %dma_start3A_1443 = arith.constant 0 : i32
      %dma_start3A_1444 = tpu.memref_slice %arg5[%squeeze3A_657, %dma_start3A_1442, %dma_start3A_1443] : memref<2048x128x256xf32, #tpu.memory_space<hbm>> -> memref<1x128x256xf32, #tpu.memory_space<hbm>>
      %dma_start3A_1445 = tpu.memref_squeeze %dma_start3A_1444 : memref<1x128x256xf32, #tpu.memory_space<hbm>> -> memref<128x256xf32, #tpu.memory_space<hbm>>
      tpu.enqueue_dma source(%dma_start3A_1445 : memref<128x256xf32, #tpu.memory_space<hbm>>) target(%dma_start3A_1441 : memref<128x256xf32, #tpu.memory_space<hbm>>) target_semaphore(%arg13 : memref<!tpu.dma_semaphore, #tpu.memory_space<semaphore_mem>>)
    } else {
    }
    %not3A_931 = arith.constant true
    %not3A_932 = arith.xori %ne3A_663, %not3A_931 : i1
    %convert_element_type3A_933 = arith.extui %not3A_932 : i1 to i32
    %cond3A_934 = arith.constant 0 : i32
    %cond3A_935 = arith.cmpi ne, %convert_element_type3A_933, %cond3A_934 : i32
    scf.if %cond3A_935 {
      %dma_start3A = arith.constant 0 : i32
      %dma_start3A_1439 = arith.constant 0 : i32
      %dma_start3A_1440 = tpu.memref_slice %arg8[%add3A_655, %dma_start3A, %dma_start3A_1439] : memref<1024x128x256xf32, #tpu.memory_space<hbm>> -> memref<1x128x256xf32, #tpu.memory_space<hbm>>
      %dma_start3A_1441 = tpu.memref_squeeze %dma_start3A_1440 : memref<1x128x256xf32, #tpu.memory_space<hbm>> -> memref<128x256xf32, #tpu.memory_space<hbm>>
      %dma_start3A_1442 = arith.constant 0 : i32
      %dma_start3A_1443 = arith.constant 0 : i32
      %dma_start3A_1444 = tpu.memref_slice %arg6[%add3A_655, %dma_start3A_1442, %dma_start3A_1443] : memref<1024x128x256xf32, #tpu.memory_space<hbm>> -> memref<1x128x256xf32, #tpu.memory_space<hbm>>
      %dma_start3A_1445 = tpu.memref_squeeze %dma_start3A_1444 : memref<1x128x256xf32, #tpu.memory_space<hbm>> -> memref<128x256xf32, #tpu.memory_space<hbm>>
      tpu.enqueue_dma source(%dma_start3A_1445 : memref<128x256xf32, #tpu.memory_space<hbm>>) target(%dma_start3A_1441 : memref<128x256xf32, #tpu.memory_space<hbm>>) target_semaphore(%arg13 : memref<!tpu.dma_semaphore, #tpu.memory_space<semaphore_mem>>)
    } else {
    }
    %convert_element_type3A_936 = arith.extui %ne3A_677 : i1 to i32
    %cond3A_937 = arith.constant 0 : i32
    %cond3A_938 = arith.cmpi ne, %convert_element_type3A_936, %cond3A_937 : i32
    scf.if %cond3A_938 {
      %dma_start3A = arith.constant 0 : i32
      %dma_start3A_1439 = arith.constant 0 : i32
      %dma_start3A_1440 = tpu.memref_slice %arg8[%add3A_669, %dma_start3A, %dma_start3A_1439] : memref<1024x128x256xf32, #tpu.memory_space<hbm>> -> memref<1x128x256xf32, #tpu.memory_space<hbm>>
      %dma_start3A_1441 = tpu.memref_squeeze %dma_start3A_1440 : memref<1x128x256xf32, #tpu.memory_space<hbm>> -> memref<128x256xf32, #tpu.memory_space<hbm>>
      %dma_start3A_1442 = arith.constant 0 : i32
      %dma_start3A_1443 = arith.constant 0 : i32
      %dma_start3A_1444 = tpu.memref_slice %arg5[%squeeze3A_671, %dma_start3A_1442, %dma_start3A_1443] : memref<2048x128x256xf32, #tpu.memory_space<hbm>> -> memref<1x128x256xf32, #tpu.memory_space<hbm>>
      %dma_start3A_1445 = tpu.memref_squeeze %dma_start3A_1444 : memref<1x128x256xf32, #tpu.memory_space<hbm>> -> memref<128x256xf32, #tpu.memory_space<hbm>>
      tpu.enqueue_dma source(%dma_start3A_1445 : memref<128x256xf32, #tpu.memory_space<hbm>>) target(%dma_start3A_1441 : memref<128x256xf32, #tpu.memory_space<hbm>>) target_semaphore(%arg13 : memref<!tpu.dma_semaphore, #tpu.memory_space<semaphore_mem>>)
    } else {
    }
    %not3A_939 = arith.constant true
    %not3A_940 = arith.xori %ne3A_677, %not3A_939 : i1
    %convert_element_type3A_941 = arith.extui %not3A_940 : i1 to i32
    %cond3A_942 = arith.constant 0 : i32
    %cond3A_943 = arith.cmpi ne, %convert_element_type3A_941, %cond3A_942 : i32
    scf.if %cond3A_943 {
      %dma_start3A = arith.constant 0 : i32
      %dma_start3A_1439 = arith.constant 0 : i32
      %dma_start3A_1440 = tpu.memref_slice %arg8[%add3A_669, %dma_start3A, %dma_start3A_1439] : memref<1024x128x256xf32, #tpu.memory_space<hbm>> -> memref<1x128x256xf32, #tpu.memory_space<hbm>>
      %dma_start3A_1441 = tpu.memref_squeeze %dma_start3A_1440 : memref<1x128x256xf32, #tpu.memory_space<hbm>> -> memref<128x256xf32, #tpu.memory_space<hbm>>
      %dma_start3A_1442 = arith.constant 0 : i32
      %dma_start3A_1443 = arith.constant 0 : i32
      %dma_start3A_1444 = tpu.memref_slice %arg6[%add3A_669, %dma_start3A_1442, %dma_start3A_1443] : memref<1024x128x256xf32, #tpu.memory_space<hbm>> -> memref<1x128x256xf32, #tpu.memory_space<hbm>>
      %dma_start3A_1445 = tpu.memref_squeeze %dma_start3A_1444 : memref<1x128x256xf32, #tpu.memory_space<hbm>> -> memref<128x256xf32, #tpu.memory_space<hbm>>
      tpu.enqueue_dma source(%dma_start3A_1445 : memref<128x256xf32, #tpu.memory_space<hbm>>) target(%dma_start3A_1441 : memref<128x256xf32, #tpu.memory_space<hbm>>) target_semaphore(%arg13 : memref<!tpu.dma_semaphore, #tpu.memory_space<semaphore_mem>>)
    } else {
    }
    %convert_element_type3A_944 = arith.extui %ne3A_691 : i1 to i32
    %cond3A_945 = arith.constant 0 : i32
    %cond3A_946 = arith.cmpi ne, %convert_element_type3A_944, %cond3A_945 : i32
    scf.if %cond3A_946 {
      %dma_start3A = arith.constant 0 : i32
      %dma_start3A_1439 = arith.constant 0 : i32
      %dma_start3A_1440 = tpu.memref_slice %arg8[%add3A_683, %dma_start3A, %dma_start3A_1439] : memref<1024x128x256xf32, #tpu.memory_space<hbm>> -> memref<1x128x256xf32, #tpu.memory_space<hbm>>
      %dma_start3A_1441 = tpu.memref_squeeze %dma_start3A_1440 : memref<1x128x256xf32, #tpu.memory_space<hbm>> -> memref<128x256xf32, #tpu.memory_space<hbm>>
      %dma_start3A_1442 = arith.constant 0 : i32
      %dma_start3A_1443 = arith.constant 0 : i32
      %dma_start3A_1444 = tpu.memref_slice %arg5[%squeeze3A_685, %dma_start3A_1442, %dma_start3A_1443] : memref<2048x128x256xf32, #tpu.memory_space<hbm>> -> memref<1x128x256xf32, #tpu.memory_space<hbm>>
      %dma_start3A_1445 = tpu.memref_squeeze %dma_start3A_1444 : memref<1x128x256xf32, #tpu.memory_space<hbm>> -> memref<128x256xf32, #tpu.memory_space<hbm>>
      tpu.enqueue_dma source(%dma_start3A_1445 : memref<128x256xf32, #tpu.memory_space<hbm>>) target(%dma_start3A_1441 : memref<128x256xf32, #tpu.memory_space<hbm>>) target_semaphore(%arg13 : memref<!tpu.dma_semaphore, #tpu.memory_space<semaphore_mem>>)
    } else {
    }
    %not3A_947 = arith.constant true
    %not3A_948 = arith.xori %ne3A_691, %not3A_947 : i1
    %convert_element_type3A_949 = arith.extui %not3A_948 : i1 to i32
    %cond3A_950 = arith.constant 0 : i32
    %cond3A_951 = arith.cmpi ne, %convert_element_type3A_949, %cond3A_950 : i32
    scf.if %cond3A_951 {
      %dma_start3A = arith.constant 0 : i32
      %dma_start3A_1439 = arith.constant 0 : i32
      %dma_start3A_1440 = tpu.memref_slice %arg8[%add3A_683, %dma_start3A, %dma_start3A_1439] : memref<1024x128x256xf32, #tpu.memory_space<hbm>> -> memref<1x128x256xf32, #tpu.memory_space<hbm>>
      %dma_start3A_1441 = tpu.memref_squeeze %dma_start3A_1440 : memref<1x128x256xf32, #tpu.memory_space<hbm>> -> memref<128x256xf32, #tpu.memory_space<hbm>>
      %dma_start3A_1442 = arith.constant 0 : i32
      %dma_start3A_1443 = arith.constant 0 : i32
      %dma_start3A_1444 = tpu.memref_slice %arg6[%add3A_683, %dma_start3A_1442, %dma_start3A_1443] : memref<1024x128x256xf32, #tpu.memory_space<hbm>> -> memref<1x128x256xf32, #tpu.memory_space<hbm>>
      %dma_start3A_1445 = tpu.memref_squeeze %dma_start3A_1444 : memref<1x128x256xf32, #tpu.memory_space<hbm>> -> memref<128x256xf32, #tpu.memory_space<hbm>>
      tpu.enqueue_dma source(%dma_start3A_1445 : memref<128x256xf32, #tpu.memory_space<hbm>>) target(%dma_start3A_1441 : memref<128x256xf32, #tpu.memory_space<hbm>>) target_semaphore(%arg13 : memref<!tpu.dma_semaphore, #tpu.memory_space<semaphore_mem>>)
    } else {
    }
    %convert_element_type3A_952 = arith.extui %ne3A_705 : i1 to i32
    %cond3A_953 = arith.constant 0 : i32
    %cond3A_954 = arith.cmpi ne, %convert_element_type3A_952, %cond3A_953 : i32
    scf.if %cond3A_954 {
      %dma_start3A = arith.constant 0 : i32
      %dma_start3A_1439 = arith.constant 0 : i32
      %dma_start3A_1440 = tpu.memref_slice %arg8[%add3A_697, %dma_start3A, %dma_start3A_1439] : memref<1024x128x256xf32, #tpu.memory_space<hbm>> -> memref<1x128x256xf32, #tpu.memory_space<hbm>>
      %dma_start3A_1441 = tpu.memref_squeeze %dma_start3A_1440 : memref<1x128x256xf32, #tpu.memory_space<hbm>> -> memref<128x256xf32, #tpu.memory_space<hbm>>
      %dma_start3A_1442 = arith.constant 0 : i32
      %dma_start3A_1443 = arith.constant 0 : i32
      %dma_start3A_1444 = tpu.memref_slice %arg5[%squeeze3A_699, %dma_start3A_1442, %dma_start3A_1443] : memref<2048x128x256xf32, #tpu.memory_space<hbm>> -> memref<1x128x256xf32, #tpu.memory_space<hbm>>
      %dma_start3A_1445 = tpu.memref_squeeze %dma_start3A_1444 : memref<1x128x256xf32, #tpu.memory_space<hbm>> -> memref<128x256xf32, #tpu.memory_space<hbm>>
      tpu.enqueue_dma source(%dma_start3A_1445 : memref<128x256xf32, #tpu.memory_space<hbm>>) target(%dma_start3A_1441 : memref<128x256xf32, #tpu.memory_space<hbm>>) target_semaphore(%arg13 : memref<!tpu.dma_semaphore, #tpu.memory_space<semaphore_mem>>)
    } else {
    }
    %not3A_955 = arith.constant true
    %not3A_956 = arith.xori %ne3A_705, %not3A_955 : i1
    %convert_element_type3A_957 = arith.extui %not3A_956 : i1 to i32
    %cond3A_958 = arith.constant 0 : i32
    %cond3A_959 = arith.cmpi ne, %convert_element_type3A_957, %cond3A_958 : i32
    scf.if %cond3A_959 {
      %dma_start3A = arith.constant 0 : i32
      %dma_start3A_1439 = arith.constant 0 : i32
      %dma_start3A_1440 = tpu.memref_slice %arg8[%add3A_697, %dma_start3A, %dma_start3A_1439] : memref<1024x128x256xf32, #tpu.memory_space<hbm>> -> memref<1x128x256xf32, #tpu.memory_space<hbm>>
      %dma_start3A_1441 = tpu.memref_squeeze %dma_start3A_1440 : memref<1x128x256xf32, #tpu.memory_space<hbm>> -> memref<128x256xf32, #tpu.memory_space<hbm>>
      %dma_start3A_1442 = arith.constant 0 : i32
      %dma_start3A_1443 = arith.constant 0 : i32
      %dma_start3A_1444 = tpu.memref_slice %arg6[%add3A_697, %dma_start3A_1442, %dma_start3A_1443] : memref<1024x128x256xf32, #tpu.memory_space<hbm>> -> memref<1x128x256xf32, #tpu.memory_space<hbm>>
      %dma_start3A_1445 = tpu.memref_squeeze %dma_start3A_1444 : memref<1x128x256xf32, #tpu.memory_space<hbm>> -> memref<128x256xf32, #tpu.memory_space<hbm>>
      tpu.enqueue_dma source(%dma_start3A_1445 : memref<128x256xf32, #tpu.memory_space<hbm>>) target(%dma_start3A_1441 : memref<128x256xf32, #tpu.memory_space<hbm>>) target_semaphore(%arg13 : memref<!tpu.dma_semaphore, #tpu.memory_space<semaphore_mem>>)
    } else {
    }
    %dma_wait3A = arith.constant 0 : i32
    %dma_wait3A_960 = arith.constant 0 : i32
    %dma_wait3A_961 = arith.constant 0 : i32
    %dma_wait3A_962 = tpu.memref_slice %arg8[%add3A_143, %dma_wait3A_960, %dma_wait3A_961] : memref<1024x128x256xf32, #tpu.memory_space<hbm>> -> memref<1x128x256xf32, #tpu.memory_space<hbm>>
    %dma_wait3A_963 = tpu.memref_squeeze %dma_wait3A_962 : memref<1x128x256xf32, #tpu.memory_space<hbm>> -> memref<128x256xf32, #tpu.memory_space<hbm>>
    %dma_wait3A_964 = arith.constant 0 : i32
    %dma_wait3A_965 = arith.constant 0 : i32
    %dma_wait3A_966 = tpu.memref_slice %arg5[%dma_wait3A, %dma_wait3A_964, %dma_wait3A_965] : memref<2048x128x256xf32, #tpu.memory_space<hbm>> -> memref<1x128x256xf32, #tpu.memory_space<hbm>>
    %dma_wait3A_967 = tpu.memref_squeeze %dma_wait3A_966 : memref<1x128x256xf32, #tpu.memory_space<hbm>> -> memref<128x256xf32, #tpu.memory_space<hbm>>
    tpu.wait_dma2 semaphore(%arg13 : memref<!tpu.dma_semaphore, #tpu.memory_space<semaphore_mem>>) src(%dma_wait3A_967 : memref<128x256xf32, #tpu.memory_space<hbm>>) dst(%dma_wait3A_963 : memref<128x256xf32, #tpu.memory_space<hbm>>)
    %dma_wait3A_968 = arith.constant 0 : i32
    %dma_wait3A_969 = arith.constant 0 : i32
    %dma_wait3A_970 = arith.constant 0 : i32
    %dma_wait3A_971 = tpu.memref_slice %arg8[%add3A_157, %dma_wait3A_969, %dma_wait3A_970] : memref<1024x128x256xf32, #tpu.memory_space<hbm>> -> memref<1x128x256xf32, #tpu.memory_space<hbm>>
    %dma_wait3A_972 = tpu.memref_squeeze %dma_wait3A_971 : memref<1x128x256xf32, #tpu.memory_space<hbm>> -> memref<128x256xf32, #tpu.memory_space<hbm>>
    %dma_wait3A_973 = arith.constant 0 : i32
    %dma_wait3A_974 = arith.constant 0 : i32
    %dma_wait3A_975 = tpu.memref_slice %arg5[%dma_wait3A_968, %dma_wait3A_973, %dma_wait3A_974] : memref<2048x128x256xf32, #tpu.memory_space<hbm>> -> memref<1x128x256xf32, #tpu.memory_space<hbm>>
    %dma_wait3A_976 = tpu.memref_squeeze %dma_wait3A_975 : memref<1x128x256xf32, #tpu.memory_space<hbm>> -> memref<128x256xf32, #tpu.memory_space<hbm>>
    tpu.wait_dma2 semaphore(%arg13 : memref<!tpu.dma_semaphore, #tpu.memory_space<semaphore_mem>>) src(%dma_wait3A_976 : memref<128x256xf32, #tpu.memory_space<hbm>>) dst(%dma_wait3A_972 : memref<128x256xf32, #tpu.memory_space<hbm>>)
    %dma_wait3A_977 = arith.constant 0 : i32
    %dma_wait3A_978 = arith.constant 0 : i32
    %dma_wait3A_979 = arith.constant 0 : i32
    %dma_wait3A_980 = tpu.memref_slice %arg8[%add3A_171, %dma_wait3A_978, %dma_wait3A_979] : memref<1024x128x256xf32, #tpu.memory_space<hbm>> -> memref<1x128x256xf32, #tpu.memory_space<hbm>>
    %dma_wait3A_981 = tpu.memref_squeeze %dma_wait3A_980 : memref<1x128x256xf32, #tpu.memory_space<hbm>> -> memref<128x256xf32, #tpu.memory_space<hbm>>
    %dma_wait3A_982 = arith.constant 0 : i32
    %dma_wait3A_983 = arith.constant 0 : i32
    %dma_wait3A_984 = tpu.memref_slice %arg5[%dma_wait3A_977, %dma_wait3A_982, %dma_wait3A_983] : memref<2048x128x256xf32, #tpu.memory_space<hbm>> -> memref<1x128x256xf32, #tpu.memory_space<hbm>>
    %dma_wait3A_985 = tpu.memref_squeeze %dma_wait3A_984 : memref<1x128x256xf32, #tpu.memory_space<hbm>> -> memref<128x256xf32, #tpu.memory_space<hbm>>
    tpu.wait_dma2 semaphore(%arg13 : memref<!tpu.dma_semaphore, #tpu.memory_space<semaphore_mem>>) src(%dma_wait3A_985 : memref<128x256xf32, #tpu.memory_space<hbm>>) dst(%dma_wait3A_981 : memref<128x256xf32, #tpu.memory_space<hbm>>)
    %dma_wait3A_986 = arith.constant 0 : i32
    %dma_wait3A_987 = arith.constant 0 : i32
    %dma_wait3A_988 = arith.constant 0 : i32
    %dma_wait3A_989 = tpu.memref_slice %arg8[%add3A_185, %dma_wait3A_987, %dma_wait3A_988] : memref<1024x128x256xf32, #tpu.memory_space<hbm>> -> memref<1x128x256xf32, #tpu.memory_space<hbm>>
    %dma_wait3A_990 = tpu.memref_squeeze %dma_wait3A_989 : memref<1x128x256xf32, #tpu.memory_space<hbm>> -> memref<128x256xf32, #tpu.memory_space<hbm>>
    %dma_wait3A_991 = arith.constant 0 : i32
    %dma_wait3A_992 = arith.constant 0 : i32
    %dma_wait3A_993 = tpu.memref_slice %arg5[%dma_wait3A_986, %dma_wait3A_991, %dma_wait3A_992] : memref<2048x128x256xf32, #tpu.memory_space<hbm>> -> memref<1x128x256xf32, #tpu.memory_space<hbm>>
    %dma_wait3A_994 = tpu.memref_squeeze %dma_wait3A_993 : memref<1x128x256xf32, #tpu.memory_space<hbm>> -> memref<128x256xf32, #tpu.memory_space<hbm>>
    tpu.wait_dma2 semaphore(%arg13 : memref<!tpu.dma_semaphore, #tpu.memory_space<semaphore_mem>>) src(%dma_wait3A_994 : memref<128x256xf32, #tpu.memory_space<hbm>>) dst(%dma_wait3A_990 : memref<128x256xf32, #tpu.memory_space<hbm>>)
    %dma_wait3A_995 = arith.constant 0 : i32
    %dma_wait3A_996 = arith.constant 0 : i32
    %dma_wait3A_997 = arith.constant 0 : i32
    %dma_wait3A_998 = tpu.memref_slice %arg8[%add3A_199, %dma_wait3A_996, %dma_wait3A_997] : memref<1024x128x256xf32, #tpu.memory_space<hbm>> -> memref<1x128x256xf32, #tpu.memory_space<hbm>>
    %dma_wait3A_999 = tpu.memref_squeeze %dma_wait3A_998 : memref<1x128x256xf32, #tpu.memory_space<hbm>> -> memref<128x256xf32, #tpu.memory_space<hbm>>
    %dma_wait3A_1000 = arith.constant 0 : i32
    %dma_wait3A_1001 = arith.constant 0 : i32
    %dma_wait3A_1002 = tpu.memref_slice %arg5[%dma_wait3A_995, %dma_wait3A_1000, %dma_wait3A_1001] : memref<2048x128x256xf32, #tpu.memory_space<hbm>> -> memref<1x128x256xf32, #tpu.memory_space<hbm>>
    %dma_wait3A_1003 = tpu.memref_squeeze %dma_wait3A_1002 : memref<1x128x256xf32, #tpu.memory_space<hbm>> -> memref<128x256xf32, #tpu.memory_space<hbm>>
    tpu.wait_dma2 semaphore(%arg13 : memref<!tpu.dma_semaphore, #tpu.memory_space<semaphore_mem>>) src(%dma_wait3A_1003 : memref<128x256xf32, #tpu.memory_space<hbm>>) dst(%dma_wait3A_999 : memref<128x256xf32, #tpu.memory_space<hbm>>)
    %dma_wait3A_1004 = arith.constant 0 : i32
    %dma_wait3A_1005 = arith.constant 0 : i32
    %dma_wait3A_1006 = arith.constant 0 : i32
    %dma_wait3A_1007 = tpu.memref_slice %arg8[%add3A_213, %dma_wait3A_1005, %dma_wait3A_1006] : memref<1024x128x256xf32, #tpu.memory_space<hbm>> -> memref<1x128x256xf32, #tpu.memory_space<hbm>>
    %dma_wait3A_1008 = tpu.memref_squeeze %dma_wait3A_1007 : memref<1x128x256xf32, #tpu.memory_space<hbm>> -> memref<128x256xf32, #tpu.memory_space<hbm>>
    %dma_wait3A_1009 = arith.constant 0 : i32
    %dma_wait3A_1010 = arith.constant 0 : i32
    %dma_wait3A_1011 = tpu.memref_slice %arg5[%dma_wait3A_1004, %dma_wait3A_1009, %dma_wait3A_1010] : memref<2048x128x256xf32, #tpu.memory_space<hbm>> -> memref<1x128x256xf32, #tpu.memory_space<hbm>>
    %dma_wait3A_1012 = tpu.memref_squeeze %dma_wait3A_1011 : memref<1x128x256xf32, #tpu.memory_space<hbm>> -> memref<128x256xf32, #tpu.memory_space<hbm>>
    tpu.wait_dma2 semaphore(%arg13 : memref<!tpu.dma_semaphore, #tpu.memory_space<semaphore_mem>>) src(%dma_wait3A_1012 : memref<128x256xf32, #tpu.memory_space<hbm>>) dst(%dma_wait3A_1008 : memref<128x256xf32, #tpu.memory_space<hbm>>)
    %dma_wait3A_1013 = arith.constant 0 : i32
    %dma_wait3A_1014 = arith.constant 0 : i32
    %dma_wait3A_1015 = arith.constant 0 : i32
    %dma_wait3A_1016 = tpu.memref_slice %arg8[%add3A_227, %dma_wait3A_1014, %dma_wait3A_1015] : memref<1024x128x256xf32, #tpu.memory_space<hbm>> -> memref<1x128x256xf32, #tpu.memory_space<hbm>>
    %dma_wait3A_1017 = tpu.memref_squeeze %dma_wait3A_1016 : memref<1x128x256xf32, #tpu.memory_space<hbm>> -> memref<128x256xf32, #tpu.memory_space<hbm>>
    %dma_wait3A_1018 = arith.constant 0 : i32
    %dma_wait3A_1019 = arith.constant 0 : i32
    %dma_wait3A_1020 = tpu.memref_slice %arg5[%dma_wait3A_1013, %dma_wait3A_1018, %dma_wait3A_1019] : memref<2048x128x256xf32, #tpu.memory_space<hbm>> -> memref<1x128x256xf32, #tpu.memory_space<hbm>>
    %dma_wait3A_1021 = tpu.memref_squeeze %dma_wait3A_1020 : memref<1x128x256xf32, #tpu.memory_space<hbm>> -> memref<128x256xf32, #tpu.memory_space<hbm>>
    tpu.wait_dma2 semaphore(%arg13 : memref<!tpu.dma_semaphore, #tpu.memory_space<semaphore_mem>>) src(%dma_wait3A_1021 : memref<128x256xf32, #tpu.memory_space<hbm>>) dst(%dma_wait3A_1017 : memref<128x256xf32, #tpu.memory_space<hbm>>)
    %dma_wait3A_1022 = arith.constant 0 : i32
    %dma_wait3A_1023 = arith.constant 0 : i32
    %dma_wait3A_1024 = arith.constant 0 : i32
    %dma_wait3A_1025 = tpu.memref_slice %arg8[%add3A_241, %dma_wait3A_1023, %dma_wait3A_1024] : memref<1024x128x256xf32, #tpu.memory_space<hbm>> -> memref<1x128x256xf32, #tpu.memory_space<hbm>>
    %dma_wait3A_1026 = tpu.memref_squeeze %dma_wait3A_1025 : memref<1x128x256xf32, #tpu.memory_space<hbm>> -> memref<128x256xf32, #tpu.memory_space<hbm>>
    %dma_wait3A_1027 = arith.constant 0 : i32
    %dma_wait3A_1028 = arith.constant 0 : i32
    %dma_wait3A_1029 = tpu.memref_slice %arg5[%dma_wait3A_1022, %dma_wait3A_1027, %dma_wait3A_1028] : memref<2048x128x256xf32, #tpu.memory_space<hbm>> -> memref<1x128x256xf32, #tpu.memory_space<hbm>>
    %dma_wait3A_1030 = tpu.memref_squeeze %dma_wait3A_1029 : memref<1x128x256xf32, #tpu.memory_space<hbm>> -> memref<128x256xf32, #tpu.memory_space<hbm>>
    tpu.wait_dma2 semaphore(%arg13 : memref<!tpu.dma_semaphore, #tpu.memory_space<semaphore_mem>>) src(%dma_wait3A_1030 : memref<128x256xf32, #tpu.memory_space<hbm>>) dst(%dma_wait3A_1026 : memref<128x256xf32, #tpu.memory_space<hbm>>)
    %dma_wait3A_1031 = arith.constant 0 : i32
    %dma_wait3A_1032 = arith.constant 0 : i32
    %dma_wait3A_1033 = arith.constant 0 : i32
    %dma_wait3A_1034 = tpu.memref_slice %arg8[%add3A_255, %dma_wait3A_1032, %dma_wait3A_1033] : memref<1024x128x256xf32, #tpu.memory_space<hbm>> -> memref<1x128x256xf32, #tpu.memory_space<hbm>>
    %dma_wait3A_1035 = tpu.memref_squeeze %dma_wait3A_1034 : memref<1x128x256xf32, #tpu.memory_space<hbm>> -> memref<128x256xf32, #tpu.memory_space<hbm>>
    %dma_wait3A_1036 = arith.constant 0 : i32
    %dma_wait3A_1037 = arith.constant 0 : i32
    %dma_wait3A_1038 = tpu.memref_slice %arg5[%dma_wait3A_1031, %dma_wait3A_1036, %dma_wait3A_1037] : memref<2048x128x256xf32, #tpu.memory_space<hbm>> -> memref<1x128x256xf32, #tpu.memory_space<hbm>>
    %dma_wait3A_1039 = tpu.memref_squeeze %dma_wait3A_1038 : memref<1x128x256xf32, #tpu.memory_space<hbm>> -> memref<128x256xf32, #tpu.memory_space<hbm>>
    tpu.wait_dma2 semaphore(%arg13 : memref<!tpu.dma_semaphore, #tpu.memory_space<semaphore_mem>>) src(%dma_wait3A_1039 : memref<128x256xf32, #tpu.memory_space<hbm>>) dst(%dma_wait3A_1035 : memref<128x256xf32, #tpu.memory_space<hbm>>)
    %dma_wait3A_1040 = arith.constant 0 : i32
    %dma_wait3A_1041 = arith.constant 0 : i32
    %dma_wait3A_1042 = arith.constant 0 : i32
    %dma_wait3A_1043 = tpu.memref_slice %arg8[%add3A_269, %dma_wait3A_1041, %dma_wait3A_1042] : memref<1024x128x256xf32, #tpu.memory_space<hbm>> -> memref<1x128x256xf32, #tpu.memory_space<hbm>>
    %dma_wait3A_1044 = tpu.memref_squeeze %dma_wait3A_1043 : memref<1x128x256xf32, #tpu.memory_space<hbm>> -> memref<128x256xf32, #tpu.memory_space<hbm>>
    %dma_wait3A_1045 = arith.constant 0 : i32
    %dma_wait3A_1046 = arith.constant 0 : i32
    %dma_wait3A_1047 = tpu.memref_slice %arg5[%dma_wait3A_1040, %dma_wait3A_1045, %dma_wait3A_1046] : memref<2048x128x256xf32, #tpu.memory_space<hbm>> -> memref<1x128x256xf32, #tpu.memory_space<hbm>>
    %dma_wait3A_1048 = tpu.memref_squeeze %dma_wait3A_1047 : memref<1x128x256xf32, #tpu.memory_space<hbm>> -> memref<128x256xf32, #tpu.memory_space<hbm>>
    tpu.wait_dma2 semaphore(%arg13 : memref<!tpu.dma_semaphore, #tpu.memory_space<semaphore_mem>>) src(%dma_wait3A_1048 : memref<128x256xf32, #tpu.memory_space<hbm>>) dst(%dma_wait3A_1044 : memref<128x256xf32, #tpu.memory_space<hbm>>)
    %dma_wait3A_1049 = arith.constant 0 : i32
    %dma_wait3A_1050 = arith.constant 0 : i32
    %dma_wait3A_1051 = arith.constant 0 : i32
    %dma_wait3A_1052 = tpu.memref_slice %arg8[%add3A_283, %dma_wait3A_1050, %dma_wait3A_1051] : memref<1024x128x256xf32, #tpu.memory_space<hbm>> -> memref<1x128x256xf32, #tpu.memory_space<hbm>>
    %dma_wait3A_1053 = tpu.memref_squeeze %dma_wait3A_1052 : memref<1x128x256xf32, #tpu.memory_space<hbm>> -> memref<128x256xf32, #tpu.memory_space<hbm>>
    %dma_wait3A_1054 = arith.constant 0 : i32
    %dma_wait3A_1055 = arith.constant 0 : i32
    %dma_wait3A_1056 = tpu.memref_slice %arg5[%dma_wait3A_1049, %dma_wait3A_1054, %dma_wait3A_1055] : memref<2048x128x256xf32, #tpu.memory_space<hbm>> -> memref<1x128x256xf32, #tpu.memory_space<hbm>>
    %dma_wait3A_1057 = tpu.memref_squeeze %dma_wait3A_1056 : memref<1x128x256xf32, #tpu.memory_space<hbm>> -> memref<128x256xf32, #tpu.memory_space<hbm>>
    tpu.wait_dma2 semaphore(%arg13 : memref<!tpu.dma_semaphore, #tpu.memory_space<semaphore_mem>>) src(%dma_wait3A_1057 : memref<128x256xf32, #tpu.memory_space<hbm>>) dst(%dma_wait3A_1053 : memref<128x256xf32, #tpu.memory_space<hbm>>)
    %dma_wait3A_1058 = arith.constant 0 : i32
    %dma_wait3A_1059 = arith.constant 0 : i32
    %dma_wait3A_1060 = arith.constant 0 : i32
    %dma_wait3A_1061 = tpu.memref_slice %arg8[%add3A_297, %dma_wait3A_1059, %dma_wait3A_1060] : memref<1024x128x256xf32, #tpu.memory_space<hbm>> -> memref<1x128x256xf32, #tpu.memory_space<hbm>>
    %dma_wait3A_1062 = tpu.memref_squeeze %dma_wait3A_1061 : memref<1x128x256xf32, #tpu.memory_space<hbm>> -> memref<128x256xf32, #tpu.memory_space<hbm>>
    %dma_wait3A_1063 = arith.constant 0 : i32
    %dma_wait3A_1064 = arith.constant 0 : i32
    %dma_wait3A_1065 = tpu.memref_slice %arg5[%dma_wait3A_1058, %dma_wait3A_1063, %dma_wait3A_1064] : memref<2048x128x256xf32, #tpu.memory_space<hbm>> -> memref<1x128x256xf32, #tpu.memory_space<hbm>>
    %dma_wait3A_1066 = tpu.memref_squeeze %dma_wait3A_1065 : memref<1x128x256xf32, #tpu.memory_space<hbm>> -> memref<128x256xf32, #tpu.memory_space<hbm>>
    tpu.wait_dma2 semaphore(%arg13 : memref<!tpu.dma_semaphore, #tpu.memory_space<semaphore_mem>>) src(%dma_wait3A_1066 : memref<128x256xf32, #tpu.memory_space<hbm>>) dst(%dma_wait3A_1062 : memref<128x256xf32, #tpu.memory_space<hbm>>)
    %dma_wait3A_1067 = arith.constant 0 : i32
    %dma_wait3A_1068 = arith.constant 0 : i32
    %dma_wait3A_1069 = arith.constant 0 : i32
    %dma_wait3A_1070 = tpu.memref_slice %arg8[%add3A_311, %dma_wait3A_1068, %dma_wait3A_1069] : memref<1024x128x256xf32, #tpu.memory_space<hbm>> -> memref<1x128x256xf32, #tpu.memory_space<hbm>>
    %dma_wait3A_1071 = tpu.memref_squeeze %dma_wait3A_1070 : memref<1x128x256xf32, #tpu.memory_space<hbm>> -> memref<128x256xf32, #tpu.memory_space<hbm>>
    %dma_wait3A_1072 = arith.constant 0 : i32
    %dma_wait3A_1073 = arith.constant 0 : i32
    %dma_wait3A_1074 = tpu.memref_slice %arg5[%dma_wait3A_1067, %dma_wait3A_1072, %dma_wait3A_1073] : memref<2048x128x256xf32, #tpu.memory_space<hbm>> -> memref<1x128x256xf32, #tpu.memory_space<hbm>>
    %dma_wait3A_1075 = tpu.memref_squeeze %dma_wait3A_1074 : memref<1x128x256xf32, #tpu.memory_space<hbm>> -> memref<128x256xf32, #tpu.memory_space<hbm>>
    tpu.wait_dma2 semaphore(%arg13 : memref<!tpu.dma_semaphore, #tpu.memory_space<semaphore_mem>>) src(%dma_wait3A_1075 : memref<128x256xf32, #tpu.memory_space<hbm>>) dst(%dma_wait3A_1071 : memref<128x256xf32, #tpu.memory_space<hbm>>)
    %dma_wait3A_1076 = arith.constant 0 : i32
    %dma_wait3A_1077 = arith.constant 0 : i32
    %dma_wait3A_1078 = arith.constant 0 : i32
    %dma_wait3A_1079 = tpu.memref_slice %arg8[%add3A_325, %dma_wait3A_1077, %dma_wait3A_1078] : memref<1024x128x256xf32, #tpu.memory_space<hbm>> -> memref<1x128x256xf32, #tpu.memory_space<hbm>>
    %dma_wait3A_1080 = tpu.memref_squeeze %dma_wait3A_1079 : memref<1x128x256xf32, #tpu.memory_space<hbm>> -> memref<128x256xf32, #tpu.memory_space<hbm>>
    %dma_wait3A_1081 = arith.constant 0 : i32
    %dma_wait3A_1082 = arith.constant 0 : i32
    %dma_wait3A_1083 = tpu.memref_slice %arg5[%dma_wait3A_1076, %dma_wait3A_1081, %dma_wait3A_1082] : memref<2048x128x256xf32, #tpu.memory_space<hbm>> -> memref<1x128x256xf32, #tpu.memory_space<hbm>>
    %dma_wait3A_1084 = tpu.memref_squeeze %dma_wait3A_1083 : memref<1x128x256xf32, #tpu.memory_space<hbm>> -> memref<128x256xf32, #tpu.memory_space<hbm>>
    tpu.wait_dma2 semaphore(%arg13 : memref<!tpu.dma_semaphore, #tpu.memory_space<semaphore_mem>>) src(%dma_wait3A_1084 : memref<128x256xf32, #tpu.memory_space<hbm>>) dst(%dma_wait3A_1080 : memref<128x256xf32, #tpu.memory_space<hbm>>)
    %dma_wait3A_1085 = arith.constant 0 : i32
    %dma_wait3A_1086 = arith.constant 0 : i32
    %dma_wait3A_1087 = arith.constant 0 : i32
    %dma_wait3A_1088 = tpu.memref_slice %arg8[%add3A_339, %dma_wait3A_1086, %dma_wait3A_1087] : memref<1024x128x256xf32, #tpu.memory_space<hbm>> -> memref<1x128x256xf32, #tpu.memory_space<hbm>>
    %dma_wait3A_1089 = tpu.memref_squeeze %dma_wait3A_1088 : memref<1x128x256xf32, #tpu.memory_space<hbm>> -> memref<128x256xf32, #tpu.memory_space<hbm>>
    %dma_wait3A_1090 = arith.constant 0 : i32
    %dma_wait3A_1091 = arith.constant 0 : i32
    %dma_wait3A_1092 = tpu.memref_slice %arg5[%dma_wait3A_1085, %dma_wait3A_1090, %dma_wait3A_1091] : memref<2048x128x256xf32, #tpu.memory_space<hbm>> -> memref<1x128x256xf32, #tpu.memory_space<hbm>>
    %dma_wait3A_1093 = tpu.memref_squeeze %dma_wait3A_1092 : memref<1x128x256xf32, #tpu.memory_space<hbm>> -> memref<128x256xf32, #tpu.memory_space<hbm>>
    tpu.wait_dma2 semaphore(%arg13 : memref<!tpu.dma_semaphore, #tpu.memory_space<semaphore_mem>>) src(%dma_wait3A_1093 : memref<128x256xf32, #tpu.memory_space<hbm>>) dst(%dma_wait3A_1089 : memref<128x256xf32, #tpu.memory_space<hbm>>)
    %dma_wait3A_1094 = arith.constant 0 : i32
    %dma_wait3A_1095 = arith.constant 0 : i32
    %dma_wait3A_1096 = arith.constant 0 : i32
    %dma_wait3A_1097 = tpu.memref_slice %arg8[%add3A_353, %dma_wait3A_1095, %dma_wait3A_1096] : memref<1024x128x256xf32, #tpu.memory_space<hbm>> -> memref<1x128x256xf32, #tpu.memory_space<hbm>>
    %dma_wait3A_1098 = tpu.memref_squeeze %dma_wait3A_1097 : memref<1x128x256xf32, #tpu.memory_space<hbm>> -> memref<128x256xf32, #tpu.memory_space<hbm>>
    %dma_wait3A_1099 = arith.constant 0 : i32
    %dma_wait3A_1100 = arith.constant 0 : i32
    %dma_wait3A_1101 = tpu.memref_slice %arg5[%dma_wait3A_1094, %dma_wait3A_1099, %dma_wait3A_1100] : memref<2048x128x256xf32, #tpu.memory_space<hbm>> -> memref<1x128x256xf32, #tpu.memory_space<hbm>>
    %dma_wait3A_1102 = tpu.memref_squeeze %dma_wait3A_1101 : memref<1x128x256xf32, #tpu.memory_space<hbm>> -> memref<128x256xf32, #tpu.memory_space<hbm>>
    tpu.wait_dma2 semaphore(%arg13 : memref<!tpu.dma_semaphore, #tpu.memory_space<semaphore_mem>>) src(%dma_wait3A_1102 : memref<128x256xf32, #tpu.memory_space<hbm>>) dst(%dma_wait3A_1098 : memref<128x256xf32, #tpu.memory_space<hbm>>)
    %dma_wait3A_1103 = arith.constant 0 : i32
    %dma_wait3A_1104 = arith.constant 0 : i32
    %dma_wait3A_1105 = arith.constant 0 : i32
    %dma_wait3A_1106 = tpu.memref_slice %arg8[%add3A_487, %dma_wait3A_1104, %dma_wait3A_1105] : memref<1024x128x256xf32, #tpu.memory_space<hbm>> -> memref<1x128x256xf32, #tpu.memory_space<hbm>>
    %dma_wait3A_1107 = tpu.memref_squeeze %dma_wait3A_1106 : memref<1x128x256xf32, #tpu.memory_space<hbm>> -> memref<128x256xf32, #tpu.memory_space<hbm>>
    %dma_wait3A_1108 = arith.constant 0 : i32
    %dma_wait3A_1109 = arith.constant 0 : i32
    %dma_wait3A_1110 = tpu.memref_slice %arg5[%dma_wait3A_1103, %dma_wait3A_1108, %dma_wait3A_1109] : memref<2048x128x256xf32, #tpu.memory_space<hbm>> -> memref<1x128x256xf32, #tpu.memory_space<hbm>>
    %dma_wait3A_1111 = tpu.memref_squeeze %dma_wait3A_1110 : memref<1x128x256xf32, #tpu.memory_space<hbm>> -> memref<128x256xf32, #tpu.memory_space<hbm>>
    tpu.wait_dma2 semaphore(%arg13 : memref<!tpu.dma_semaphore, #tpu.memory_space<semaphore_mem>>) src(%dma_wait3A_1111 : memref<128x256xf32, #tpu.memory_space<hbm>>) dst(%dma_wait3A_1107 : memref<128x256xf32, #tpu.memory_space<hbm>>)
    %dma_wait3A_1112 = arith.constant 0 : i32
    %dma_wait3A_1113 = arith.constant 0 : i32
    %dma_wait3A_1114 = arith.constant 0 : i32
    %dma_wait3A_1115 = tpu.memref_slice %arg8[%add3A_501, %dma_wait3A_1113, %dma_wait3A_1114] : memref<1024x128x256xf32, #tpu.memory_space<hbm>> -> memref<1x128x256xf32, #tpu.memory_space<hbm>>
    %dma_wait3A_1116 = tpu.memref_squeeze %dma_wait3A_1115 : memref<1x128x256xf32, #tpu.memory_space<hbm>> -> memref<128x256xf32, #tpu.memory_space<hbm>>
    %dma_wait3A_1117 = arith.constant 0 : i32
    %dma_wait3A_1118 = arith.constant 0 : i32
    %dma_wait3A_1119 = tpu.memref_slice %arg5[%dma_wait3A_1112, %dma_wait3A_1117, %dma_wait3A_1118] : memref<2048x128x256xf32, #tpu.memory_space<hbm>> -> memref<1x128x256xf32, #tpu.memory_space<hbm>>
    %dma_wait3A_1120 = tpu.memref_squeeze %dma_wait3A_1119 : memref<1x128x256xf32, #tpu.memory_space<hbm>> -> memref<128x256xf32, #tpu.memory_space<hbm>>
    tpu.wait_dma2 semaphore(%arg13 : memref<!tpu.dma_semaphore, #tpu.memory_space<semaphore_mem>>) src(%dma_wait3A_1120 : memref<128x256xf32, #tpu.memory_space<hbm>>) dst(%dma_wait3A_1116 : memref<128x256xf32, #tpu.memory_space<hbm>>)
    %dma_wait3A_1121 = arith.constant 0 : i32
    %dma_wait3A_1122 = arith.constant 0 : i32
    %dma_wait3A_1123 = arith.constant 0 : i32
    %dma_wait3A_1124 = tpu.memref_slice %arg8[%add3A_515, %dma_wait3A_1122, %dma_wait3A_1123] : memref<1024x128x256xf32, #tpu.memory_space<hbm>> -> memref<1x128x256xf32, #tpu.memory_space<hbm>>
    %dma_wait3A_1125 = tpu.memref_squeeze %dma_wait3A_1124 : memref<1x128x256xf32, #tpu.memory_space<hbm>> -> memref<128x256xf32, #tpu.memory_space<hbm>>
    %dma_wait3A_1126 = arith.constant 0 : i32
    %dma_wait3A_1127 = arith.constant 0 : i32
    %dma_wait3A_1128 = tpu.memref_slice %arg5[%dma_wait3A_1121, %dma_wait3A_1126, %dma_wait3A_1127] : memref<2048x128x256xf32, #tpu.memory_space<hbm>> -> memref<1x128x256xf32, #tpu.memory_space<hbm>>
    %dma_wait3A_1129 = tpu.memref_squeeze %dma_wait3A_1128 : memref<1x128x256xf32, #tpu.memory_space<hbm>> -> memref<128x256xf32, #tpu.memory_space<hbm>>
    tpu.wait_dma2 semaphore(%arg13 : memref<!tpu.dma_semaphore, #tpu.memory_space<semaphore_mem>>) src(%dma_wait3A_1129 : memref<128x256xf32, #tpu.memory_space<hbm>>) dst(%dma_wait3A_1125 : memref<128x256xf32, #tpu.memory_space<hbm>>)
    %dma_wait3A_1130 = arith.constant 0 : i32
    %dma_wait3A_1131 = arith.constant 0 : i32
    %dma_wait3A_1132 = arith.constant 0 : i32
    %dma_wait3A_1133 = tpu.memref_slice %arg8[%add3A_529, %dma_wait3A_1131, %dma_wait3A_1132] : memref<1024x128x256xf32, #tpu.memory_space<hbm>> -> memref<1x128x256xf32, #tpu.memory_space<hbm>>
    %dma_wait3A_1134 = tpu.memref_squeeze %dma_wait3A_1133 : memref<1x128x256xf32, #tpu.memory_space<hbm>> -> memref<128x256xf32, #tpu.memory_space<hbm>>
    %dma_wait3A_1135 = arith.constant 0 : i32
    %dma_wait3A_1136 = arith.constant 0 : i32
    %dma_wait3A_1137 = tpu.memref_slice %arg5[%dma_wait3A_1130, %dma_wait3A_1135, %dma_wait3A_1136] : memref<2048x128x256xf32, #tpu.memory_space<hbm>> -> memref<1x128x256xf32, #tpu.memory_space<hbm>>
    %dma_wait3A_1138 = tpu.memref_squeeze %dma_wait3A_1137 : memref<1x128x256xf32, #tpu.memory_space<hbm>> -> memref<128x256xf32, #tpu.memory_space<hbm>>
    tpu.wait_dma2 semaphore(%arg13 : memref<!tpu.dma_semaphore, #tpu.memory_space<semaphore_mem>>) src(%dma_wait3A_1138 : memref<128x256xf32, #tpu.memory_space<hbm>>) dst(%dma_wait3A_1134 : memref<128x256xf32, #tpu.memory_space<hbm>>)
    %dma_wait3A_1139 = arith.constant 0 : i32
    %dma_wait3A_1140 = arith.constant 0 : i32
    %dma_wait3A_1141 = arith.constant 0 : i32
    %dma_wait3A_1142 = tpu.memref_slice %arg8[%add3A_543, %dma_wait3A_1140, %dma_wait3A_1141] : memref<1024x128x256xf32, #tpu.memory_space<hbm>> -> memref<1x128x256xf32, #tpu.memory_space<hbm>>
    %dma_wait3A_1143 = tpu.memref_squeeze %dma_wait3A_1142 : memref<1x128x256xf32, #tpu.memory_space<hbm>> -> memref<128x256xf32, #tpu.memory_space<hbm>>
    %dma_wait3A_1144 = arith.constant 0 : i32
    %dma_wait3A_1145 = arith.constant 0 : i32
    %dma_wait3A_1146 = tpu.memref_slice %arg5[%dma_wait3A_1139, %dma_wait3A_1144, %dma_wait3A_1145] : memref<2048x128x256xf32, #tpu.memory_space<hbm>> -> memref<1x128x256xf32, #tpu.memory_space<hbm>>
    %dma_wait3A_1147 = tpu.memref_squeeze %dma_wait3A_1146 : memref<1x128x256xf32, #tpu.memory_space<hbm>> -> memref<128x256xf32, #tpu.memory_space<hbm>>
    tpu.wait_dma2 semaphore(%arg13 : memref<!tpu.dma_semaphore, #tpu.memory_space<semaphore_mem>>) src(%dma_wait3A_1147 : memref<128x256xf32, #tpu.memory_space<hbm>>) dst(%dma_wait3A_1143 : memref<128x256xf32, #tpu.memory_space<hbm>>)
    %dma_wait3A_1148 = arith.constant 0 : i32
    %dma_wait3A_1149 = arith.constant 0 : i32
    %dma_wait3A_1150 = arith.constant 0 : i32
    %dma_wait3A_1151 = tpu.memref_slice %arg8[%add3A_557, %dma_wait3A_1149, %dma_wait3A_1150] : memref<1024x128x256xf32, #tpu.memory_space<hbm>> -> memref<1x128x256xf32, #tpu.memory_space<hbm>>
    %dma_wait3A_1152 = tpu.memref_squeeze %dma_wait3A_1151 : memref<1x128x256xf32, #tpu.memory_space<hbm>> -> memref<128x256xf32, #tpu.memory_space<hbm>>
    %dma_wait3A_1153 = arith.constant 0 : i32
    %dma_wait3A_1154 = arith.constant 0 : i32
    %dma_wait3A_1155 = tpu.memref_slice %arg5[%dma_wait3A_1148, %dma_wait3A_1153, %dma_wait3A_1154] : memref<2048x128x256xf32, #tpu.memory_space<hbm>> -> memref<1x128x256xf32, #tpu.memory_space<hbm>>
    %dma_wait3A_1156 = tpu.memref_squeeze %dma_wait3A_1155 : memref<1x128x256xf32, #tpu.memory_space<hbm>> -> memref<128x256xf32, #tpu.memory_space<hbm>>
    tpu.wait_dma2 semaphore(%arg13 : memref<!tpu.dma_semaphore, #tpu.memory_space<semaphore_mem>>) src(%dma_wait3A_1156 : memref<128x256xf32, #tpu.memory_space<hbm>>) dst(%dma_wait3A_1152 : memref<128x256xf32, #tpu.memory_space<hbm>>)
    %dma_wait3A_1157 = arith.constant 0 : i32
    %dma_wait3A_1158 = arith.constant 0 : i32
    %dma_wait3A_1159 = arith.constant 0 : i32
    %dma_wait3A_1160 = tpu.memref_slice %arg8[%add3A_571, %dma_wait3A_1158, %dma_wait3A_1159] : memref<1024x128x256xf32, #tpu.memory_space<hbm>> -> memref<1x128x256xf32, #tpu.memory_space<hbm>>
    %dma_wait3A_1161 = tpu.memref_squeeze %dma_wait3A_1160 : memref<1x128x256xf32, #tpu.memory_space<hbm>> -> memref<128x256xf32, #tpu.memory_space<hbm>>
    %dma_wait3A_1162 = arith.constant 0 : i32
    %dma_wait3A_1163 = arith.constant 0 : i32
    %dma_wait3A_1164 = tpu.memref_slice %arg5[%dma_wait3A_1157, %dma_wait3A_1162, %dma_wait3A_1163] : memref<2048x128x256xf32, #tpu.memory_space<hbm>> -> memref<1x128x256xf32, #tpu.memory_space<hbm>>
    %dma_wait3A_1165 = tpu.memref_squeeze %dma_wait3A_1164 : memref<1x128x256xf32, #tpu.memory_space<hbm>> -> memref<128x256xf32, #tpu.memory_space<hbm>>
    tpu.wait_dma2 semaphore(%arg13 : memref<!tpu.dma_semaphore, #tpu.memory_space<semaphore_mem>>) src(%dma_wait3A_1165 : memref<128x256xf32, #tpu.memory_space<hbm>>) dst(%dma_wait3A_1161 : memref<128x256xf32, #tpu.memory_space<hbm>>)
    %dma_wait3A_1166 = arith.constant 0 : i32
    %dma_wait3A_1167 = arith.constant 0 : i32
    %dma_wait3A_1168 = arith.constant 0 : i32
    %dma_wait3A_1169 = tpu.memref_slice %arg8[%add3A_585, %dma_wait3A_1167, %dma_wait3A_1168] : memref<1024x128x256xf32, #tpu.memory_space<hbm>> -> memref<1x128x256xf32, #tpu.memory_space<hbm>>
    %dma_wait3A_1170 = tpu.memref_squeeze %dma_wait3A_1169 : memref<1x128x256xf32, #tpu.memory_space<hbm>> -> memref<128x256xf32, #tpu.memory_space<hbm>>
    %dma_wait3A_1171 = arith.constant 0 : i32
    %dma_wait3A_1172 = arith.constant 0 : i32
    %dma_wait3A_1173 = tpu.memref_slice %arg5[%dma_wait3A_1166, %dma_wait3A_1171, %dma_wait3A_1172] : memref<2048x128x256xf32, #tpu.memory_space<hbm>> -> memref<1x128x256xf32, #tpu.memory_space<hbm>>
    %dma_wait3A_1174 = tpu.memref_squeeze %dma_wait3A_1173 : memref<1x128x256xf32, #tpu.memory_space<hbm>> -> memref<128x256xf32, #tpu.memory_space<hbm>>
    tpu.wait_dma2 semaphore(%arg13 : memref<!tpu.dma_semaphore, #tpu.memory_space<semaphore_mem>>) src(%dma_wait3A_1174 : memref<128x256xf32, #tpu.memory_space<hbm>>) dst(%dma_wait3A_1170 : memref<128x256xf32, #tpu.memory_space<hbm>>)
    %dma_wait3A_1175 = arith.constant 0 : i32
    %dma_wait3A_1176 = arith.constant 0 : i32
    %dma_wait3A_1177 = arith.constant 0 : i32
    %dma_wait3A_1178 = tpu.memref_slice %arg8[%add3A_599, %dma_wait3A_1176, %dma_wait3A_1177] : memref<1024x128x256xf32, #tpu.memory_space<hbm>> -> memref<1x128x256xf32, #tpu.memory_space<hbm>>
    %dma_wait3A_1179 = tpu.memref_squeeze %dma_wait3A_1178 : memref<1x128x256xf32, #tpu.memory_space<hbm>> -> memref<128x256xf32, #tpu.memory_space<hbm>>
    %dma_wait3A_1180 = arith.constant 0 : i32
    %dma_wait3A_1181 = arith.constant 0 : i32
    %dma_wait3A_1182 = tpu.memref_slice %arg5[%dma_wait3A_1175, %dma_wait3A_1180, %dma_wait3A_1181] : memref<2048x128x256xf32, #tpu.memory_space<hbm>> -> memref<1x128x256xf32, #tpu.memory_space<hbm>>
    %dma_wait3A_1183 = tpu.memref_squeeze %dma_wait3A_1182 : memref<1x128x256xf32, #tpu.memory_space<hbm>> -> memref<128x256xf32, #tpu.memory_space<hbm>>
    tpu.wait_dma2 semaphore(%arg13 : memref<!tpu.dma_semaphore, #tpu.memory_space<semaphore_mem>>) src(%dma_wait3A_1183 : memref<128x256xf32, #tpu.memory_space<hbm>>) dst(%dma_wait3A_1179 : memref<128x256xf32, #tpu.memory_space<hbm>>)
    %dma_wait3A_1184 = arith.constant 0 : i32
    %dma_wait3A_1185 = arith.constant 0 : i32
    %dma_wait3A_1186 = arith.constant 0 : i32
    %dma_wait3A_1187 = tpu.memref_slice %arg8[%add3A_613, %dma_wait3A_1185, %dma_wait3A_1186] : memref<1024x128x256xf32, #tpu.memory_space<hbm>> -> memref<1x128x256xf32, #tpu.memory_space<hbm>>
    %dma_wait3A_1188 = tpu.memref_squeeze %dma_wait3A_1187 : memref<1x128x256xf32, #tpu.memory_space<hbm>> -> memref<128x256xf32, #tpu.memory_space<hbm>>
    %dma_wait3A_1189 = arith.constant 0 : i32
    %dma_wait3A_1190 = arith.constant 0 : i32
    %dma_wait3A_1191 = tpu.memref_slice %arg5[%dma_wait3A_1184, %dma_wait3A_1189, %dma_wait3A_1190] : memref<2048x128x256xf32, #tpu.memory_space<hbm>> -> memref<1x128x256xf32, #tpu.memory_space<hbm>>
    %dma_wait3A_1192 = tpu.memref_squeeze %dma_wait3A_1191 : memref<1x128x256xf32, #tpu.memory_space<hbm>> -> memref<128x256xf32, #tpu.memory_space<hbm>>
    tpu.wait_dma2 semaphore(%arg13 : memref<!tpu.dma_semaphore, #tpu.memory_space<semaphore_mem>>) src(%dma_wait3A_1192 : memref<128x256xf32, #tpu.memory_space<hbm>>) dst(%dma_wait3A_1188 : memref<128x256xf32, #tpu.memory_space<hbm>>)
    %dma_wait3A_1193 = arith.constant 0 : i32
    %dma_wait3A_1194 = arith.constant 0 : i32
    %dma_wait3A_1195 = arith.constant 0 : i32
    %dma_wait3A_1196 = tpu.memref_slice %arg8[%add3A_627, %dma_wait3A_1194, %dma_wait3A_1195] : memref<1024x128x256xf32, #tpu.memory_space<hbm>> -> memref<1x128x256xf32, #tpu.memory_space<hbm>>
    %dma_wait3A_1197 = tpu.memref_squeeze %dma_wait3A_1196 : memref<1x128x256xf32, #tpu.memory_space<hbm>> -> memref<128x256xf32, #tpu.memory_space<hbm>>
    %dma_wait3A_1198 = arith.constant 0 : i32
    %dma_wait3A_1199 = arith.constant 0 : i32
    %dma_wait3A_1200 = tpu.memref_slice %arg5[%dma_wait3A_1193, %dma_wait3A_1198, %dma_wait3A_1199] : memref<2048x128x256xf32, #tpu.memory_space<hbm>> -> memref<1x128x256xf32, #tpu.memory_space<hbm>>
    %dma_wait3A_1201 = tpu.memref_squeeze %dma_wait3A_1200 : memref<1x128x256xf32, #tpu.memory_space<hbm>> -> memref<128x256xf32, #tpu.memory_space<hbm>>
    tpu.wait_dma2 semaphore(%arg13 : memref<!tpu.dma_semaphore, #tpu.memory_space<semaphore_mem>>) src(%dma_wait3A_1201 : memref<128x256xf32, #tpu.memory_space<hbm>>) dst(%dma_wait3A_1197 : memref<128x256xf32, #tpu.memory_space<hbm>>)
    %dma_wait3A_1202 = arith.constant 0 : i32
    %dma_wait3A_1203 = arith.constant 0 : i32
    %dma_wait3A_1204 = arith.constant 0 : i32
    %dma_wait3A_1205 = tpu.memref_slice %arg8[%add3A_641, %dma_wait3A_1203, %dma_wait3A_1204] : memref<1024x128x256xf32, #tpu.memory_space<hbm>> -> memref<1x128x256xf32, #tpu.memory_space<hbm>>
    %dma_wait3A_1206 = tpu.memref_squeeze %dma_wait3A_1205 : memref<1x128x256xf32, #tpu.memory_space<hbm>> -> memref<128x256xf32, #tpu.memory_space<hbm>>
    %dma_wait3A_1207 = arith.constant 0 : i32
    %dma_wait3A_1208 = arith.constant 0 : i32
    %dma_wait3A_1209 = tpu.memref_slice %arg5[%dma_wait3A_1202, %dma_wait3A_1207, %dma_wait3A_1208] : memref<2048x128x256xf32, #tpu.memory_space<hbm>> -> memref<1x128x256xf32, #tpu.memory_space<hbm>>
    %dma_wait3A_1210 = tpu.memref_squeeze %dma_wait3A_1209 : memref<1x128x256xf32, #tpu.memory_space<hbm>> -> memref<128x256xf32, #tpu.memory_space<hbm>>
    tpu.wait_dma2 semaphore(%arg13 : memref<!tpu.dma_semaphore, #tpu.memory_space<semaphore_mem>>) src(%dma_wait3A_1210 : memref<128x256xf32, #tpu.memory_space<hbm>>) dst(%dma_wait3A_1206 : memref<128x256xf32, #tpu.memory_space<hbm>>)
    %dma_wait3A_1211 = arith.constant 0 : i32
    %dma_wait3A_1212 = arith.constant 0 : i32
    %dma_wait3A_1213 = arith.constant 0 : i32
    %dma_wait3A_1214 = tpu.memref_slice %arg8[%add3A_655, %dma_wait3A_1212, %dma_wait3A_1213] : memref<1024x128x256xf32, #tpu.memory_space<hbm>> -> memref<1x128x256xf32, #tpu.memory_space<hbm>>
    %dma_wait3A_1215 = tpu.memref_squeeze %dma_wait3A_1214 : memref<1x128x256xf32, #tpu.memory_space<hbm>> -> memref<128x256xf32, #tpu.memory_space<hbm>>
    %dma_wait3A_1216 = arith.constant 0 : i32
    %dma_wait3A_1217 = arith.constant 0 : i32
    %dma_wait3A_1218 = tpu.memref_slice %arg5[%dma_wait3A_1211, %dma_wait3A_1216, %dma_wait3A_1217] : memref<2048x128x256xf32, #tpu.memory_space<hbm>> -> memref<1x128x256xf32, #tpu.memory_space<hbm>>
    %dma_wait3A_1219 = tpu.memref_squeeze %dma_wait3A_1218 : memref<1x128x256xf32, #tpu.memory_space<hbm>> -> memref<128x256xf32, #tpu.memory_space<hbm>>
    tpu.wait_dma2 semaphore(%arg13 : memref<!tpu.dma_semaphore, #tpu.memory_space<semaphore_mem>>) src(%dma_wait3A_1219 : memref<128x256xf32, #tpu.memory_space<hbm>>) dst(%dma_wait3A_1215 : memref<128x256xf32, #tpu.memory_space<hbm>>)
    %dma_wait3A_1220 = arith.constant 0 : i32
    %dma_wait3A_1221 = arith.constant 0 : i32
    %dma_wait3A_1222 = arith.constant 0 : i32
    %dma_wait3A_1223 = tpu.memref_slice %arg8[%add3A_669, %dma_wait3A_1221, %dma_wait3A_1222] : memref<1024x128x256xf32, #tpu.memory_space<hbm>> -> memref<1x128x256xf32, #tpu.memory_space<hbm>>
    %dma_wait3A_1224 = tpu.memref_squeeze %dma_wait3A_1223 : memref<1x128x256xf32, #tpu.memory_space<hbm>> -> memref<128x256xf32, #tpu.memory_space<hbm>>
    %dma_wait3A_1225 = arith.constant 0 : i32
    %dma_wait3A_1226 = arith.constant 0 : i32
    %dma_wait3A_1227 = tpu.memref_slice %arg5[%dma_wait3A_1220, %dma_wait3A_1225, %dma_wait3A_1226] : memref<2048x128x256xf32, #tpu.memory_space<hbm>> -> memref<1x128x256xf32, #tpu.memory_space<hbm>>
    %dma_wait3A_1228 = tpu.memref_squeeze %dma_wait3A_1227 : memref<1x128x256xf32, #tpu.memory_space<hbm>> -> memref<128x256xf32, #tpu.memory_space<hbm>>
    tpu.wait_dma2 semaphore(%arg13 : memref<!tpu.dma_semaphore, #tpu.memory_space<semaphore_mem>>) src(%dma_wait3A_1228 : memref<128x256xf32, #tpu.memory_space<hbm>>) dst(%dma_wait3A_1224 : memref<128x256xf32, #tpu.memory_space<hbm>>)
    %dma_wait3A_1229 = arith.constant 0 : i32
    %dma_wait3A_1230 = arith.constant 0 : i32
    %dma_wait3A_1231 = arith.constant 0 : i32
    %dma_wait3A_1232 = tpu.memref_slice %arg8[%add3A_683, %dma_wait3A_1230, %dma_wait3A_1231] : memref<1024x128x256xf32, #tpu.memory_space<hbm>> -> memref<1x128x256xf32, #tpu.memory_space<hbm>>
    %dma_wait3A_1233 = tpu.memref_squeeze %dma_wait3A_1232 : memref<1x128x256xf32, #tpu.memory_space<hbm>> -> memref<128x256xf32, #tpu.memory_space<hbm>>
    %dma_wait3A_1234 = arith.constant 0 : i32
    %dma_wait3A_1235 = arith.constant 0 : i32
    %dma_wait3A_1236 = tpu.memref_slice %arg5[%dma_wait3A_1229, %dma_wait3A_1234, %dma_wait3A_1235] : memref<2048x128x256xf32, #tpu.memory_space<hbm>> -> memref<1x128x256xf32, #tpu.memory_space<hbm>>
    %dma_wait3A_1237 = tpu.memref_squeeze %dma_wait3A_1236 : memref<1x128x256xf32, #tpu.memory_space<hbm>> -> memref<128x256xf32, #tpu.memory_space<hbm>>
    tpu.wait_dma2 semaphore(%arg13 : memref<!tpu.dma_semaphore, #tpu.memory_space<semaphore_mem>>) src(%dma_wait3A_1237 : memref<128x256xf32, #tpu.memory_space<hbm>>) dst(%dma_wait3A_1233 : memref<128x256xf32, #tpu.memory_space<hbm>>)
    %dma_wait3A_1238 = arith.constant 0 : i32
    %dma_wait3A_1239 = arith.constant 0 : i32
    %dma_wait3A_1240 = arith.constant 0 : i32
    %dma_wait3A_1241 = tpu.memref_slice %arg8[%add3A_697, %dma_wait3A_1239, %dma_wait3A_1240] : memref<1024x128x256xf32, #tpu.memory_space<hbm>> -> memref<1x128x256xf32, #tpu.memory_space<hbm>>
    %dma_wait3A_1242 = tpu.memref_squeeze %dma_wait3A_1241 : memref<1x128x256xf32, #tpu.memory_space<hbm>> -> memref<128x256xf32, #tpu.memory_space<hbm>>
    %dma_wait3A_1243 = arith.constant 0 : i32
    %dma_wait3A_1244 = arith.constant 0 : i32
    %dma_wait3A_1245 = tpu.memref_slice %arg5[%dma_wait3A_1238, %dma_wait3A_1243, %dma_wait3A_1244] : memref<2048x128x256xf32, #tpu.memory_space<hbm>> -> memref<1x128x256xf32, #tpu.memory_space<hbm>>
    %dma_wait3A_1246 = tpu.memref_squeeze %dma_wait3A_1245 : memref<1x128x256xf32, #tpu.memory_space<hbm>> -> memref<128x256xf32, #tpu.memory_space<hbm>>
    tpu.wait_dma2 semaphore(%arg13 : memref<!tpu.dma_semaphore, #tpu.memory_space<semaphore_mem>>) src(%dma_wait3A_1246 : memref<128x256xf32, #tpu.memory_space<hbm>>) dst(%dma_wait3A_1242 : memref<128x256xf32, #tpu.memory_space<hbm>>)
    %convert_element_type3A_1247 = arith.extui %ne3A_151 : i1 to i32
    %cond3A_1248 = arith.constant 0 : i32
    %cond3A_1249 = arith.cmpi ne, %convert_element_type3A_1247, %cond3A_1248 : i32
    scf.if %cond3A_1249 {
      %dma_start3A = arith.constant 0 : i32
      %dma_start3A_1439 = arith.constant 0 : i32
      %dma_start3A_1440 = tpu.memref_slice %arg8[%add3A_143, %dma_start3A, %dma_start3A_1439] : memref<1024x128x256xf32, #tpu.memory_space<hbm>> -> memref<1x128x256xf32, #tpu.memory_space<hbm>>
      %dma_start3A_1441 = tpu.memref_squeeze %dma_start3A_1440 : memref<1x128x256xf32, #tpu.memory_space<hbm>> -> memref<128x256xf32, #tpu.memory_space<hbm>>
      %dma_start3A_1442 = arith.constant 0 : i32
      %dma_start3A_1443 = tpu.memref_slice %dma_start3A_1441[%squeeze3A_147, %dma_start3A_1442] : memref<128x256xf32, #tpu.memory_space<hbm>> -> memref<1x256xf32, #tpu.memory_space<hbm>>
      %dma_start3A_1444 = tpu.memref_squeeze %dma_start3A_1443 : memref<1x256xf32, #tpu.memory_space<hbm>> -> memref<256xf32, #tpu.memory_space<hbm>>
      %dma_start3A_1445 = arith.constant 0 : i32
      %dma_start3A_1446 = tpu.memref_slice %arg2[%squeeze3A_145, %dma_start3A_1445] : memref<2048x256xf32, #tpu.memory_space<hbm>> -> memref<1x256xf32, #tpu.memory_space<hbm>>
      %dma_start3A_1447 = tpu.memref_squeeze %dma_start3A_1446 : memref<1x256xf32, #tpu.memory_space<hbm>> -> memref<256xf32, #tpu.memory_space<hbm>>
      tpu.enqueue_dma source(%dma_start3A_1447 : memref<256xf32, #tpu.memory_space<hbm>>) target(%dma_start3A_1444 : memref<256xf32, #tpu.memory_space<hbm>>) target_semaphore(%arg14 : memref<!tpu.dma_semaphore, #tpu.memory_space<semaphore_mem>>)
    } else {
    }
    %convert_element_type3A_1250 = arith.extui %ne3A_165 : i1 to i32
    %cond3A_1251 = arith.constant 0 : i32
    %cond3A_1252 = arith.cmpi ne, %convert_element_type3A_1250, %cond3A_1251 : i32
    scf.if %cond3A_1252 {
      %dma_start3A = arith.constant 0 : i32
      %dma_start3A_1439 = arith.constant 0 : i32
      %dma_start3A_1440 = tpu.memref_slice %arg8[%add3A_157, %dma_start3A, %dma_start3A_1439] : memref<1024x128x256xf32, #tpu.memory_space<hbm>> -> memref<1x128x256xf32, #tpu.memory_space<hbm>>
      %dma_start3A_1441 = tpu.memref_squeeze %dma_start3A_1440 : memref<1x128x256xf32, #tpu.memory_space<hbm>> -> memref<128x256xf32, #tpu.memory_space<hbm>>
      %dma_start3A_1442 = arith.constant 0 : i32
      %dma_start3A_1443 = tpu.memref_slice %dma_start3A_1441[%squeeze3A_161, %dma_start3A_1442] : memref<128x256xf32, #tpu.memory_space<hbm>> -> memref<1x256xf32, #tpu.memory_space<hbm>>
      %dma_start3A_1444 = tpu.memref_squeeze %dma_start3A_1443 : memref<1x256xf32, #tpu.memory_space<hbm>> -> memref<256xf32, #tpu.memory_space<hbm>>
      %dma_start3A_1445 = arith.constant 0 : i32
      %dma_start3A_1446 = tpu.memref_slice %arg2[%squeeze3A_159, %dma_start3A_1445] : memref<2048x256xf32, #tpu.memory_space<hbm>> -> memref<1x256xf32, #tpu.memory_space<hbm>>
      %dma_start3A_1447 = tpu.memref_squeeze %dma_start3A_1446 : memref<1x256xf32, #tpu.memory_space<hbm>> -> memref<256xf32, #tpu.memory_space<hbm>>
      tpu.enqueue_dma source(%dma_start3A_1447 : memref<256xf32, #tpu.memory_space<hbm>>) target(%dma_start3A_1444 : memref<256xf32, #tpu.memory_space<hbm>>) target_semaphore(%arg14 : memref<!tpu.dma_semaphore, #tpu.memory_space<semaphore_mem>>)
    } else {
    }
    %convert_element_type3A_1253 = arith.extui %ne3A_179 : i1 to i32
    %cond3A_1254 = arith.constant 0 : i32
    %cond3A_1255 = arith.cmpi ne, %convert_element_type3A_1253, %cond3A_1254 : i32
    scf.if %cond3A_1255 {
      %dma_start3A = arith.constant 0 : i32
      %dma_start3A_1439 = arith.constant 0 : i32
      %dma_start3A_1440 = tpu.memref_slice %arg8[%add3A_171, %dma_start3A, %dma_start3A_1439] : memref<1024x128x256xf32, #tpu.memory_space<hbm>> -> memref<1x128x256xf32, #tpu.memory_space<hbm>>
      %dma_start3A_1441 = tpu.memref_squeeze %dma_start3A_1440 : memref<1x128x256xf32, #tpu.memory_space<hbm>> -> memref<128x256xf32, #tpu.memory_space<hbm>>
      %dma_start3A_1442 = arith.constant 0 : i32
      %dma_start3A_1443 = tpu.memref_slice %dma_start3A_1441[%squeeze3A_175, %dma_start3A_1442] : memref<128x256xf32, #tpu.memory_space<hbm>> -> memref<1x256xf32, #tpu.memory_space<hbm>>
      %dma_start3A_1444 = tpu.memref_squeeze %dma_start3A_1443 : memref<1x256xf32, #tpu.memory_space<hbm>> -> memref<256xf32, #tpu.memory_space<hbm>>
      %dma_start3A_1445 = arith.constant 0 : i32
      %dma_start3A_1446 = tpu.memref_slice %arg2[%squeeze3A_173, %dma_start3A_1445] : memref<2048x256xf32, #tpu.memory_space<hbm>> -> memref<1x256xf32, #tpu.memory_space<hbm>>
      %dma_start3A_1447 = tpu.memref_squeeze %dma_start3A_1446 : memref<1x256xf32, #tpu.memory_space<hbm>> -> memref<256xf32, #tpu.memory_space<hbm>>
      tpu.enqueue_dma source(%dma_start3A_1447 : memref<256xf32, #tpu.memory_space<hbm>>) target(%dma_start3A_1444 : memref<256xf32, #tpu.memory_space<hbm>>) target_semaphore(%arg14 : memref<!tpu.dma_semaphore, #tpu.memory_space<semaphore_mem>>)
    } else {
    }
    %convert_element_type3A_1256 = arith.extui %ne3A_193 : i1 to i32
    %cond3A_1257 = arith.constant 0 : i32
    %cond3A_1258 = arith.cmpi ne, %convert_element_type3A_1256, %cond3A_1257 : i32
    scf.if %cond3A_1258 {
      %dma_start3A = arith.constant 0 : i32
      %dma_start3A_1439 = arith.constant 0 : i32
      %dma_start3A_1440 = tpu.memref_slice %arg8[%add3A_185, %dma_start3A, %dma_start3A_1439] : memref<1024x128x256xf32, #tpu.memory_space<hbm>> -> memref<1x128x256xf32, #tpu.memory_space<hbm>>
      %dma_start3A_1441 = tpu.memref_squeeze %dma_start3A_1440 : memref<1x128x256xf32, #tpu.memory_space<hbm>> -> memref<128x256xf32, #tpu.memory_space<hbm>>
      %dma_start3A_1442 = arith.constant 0 : i32
      %dma_start3A_1443 = tpu.memref_slice %dma_start3A_1441[%squeeze3A_189, %dma_start3A_1442] : memref<128x256xf32, #tpu.memory_space<hbm>> -> memref<1x256xf32, #tpu.memory_space<hbm>>
      %dma_start3A_1444 = tpu.memref_squeeze %dma_start3A_1443 : memref<1x256xf32, #tpu.memory_space<hbm>> -> memref<256xf32, #tpu.memory_space<hbm>>
      %dma_start3A_1445 = arith.constant 0 : i32
      %dma_start3A_1446 = tpu.memref_slice %arg2[%squeeze3A_187, %dma_start3A_1445] : memref<2048x256xf32, #tpu.memory_space<hbm>> -> memref<1x256xf32, #tpu.memory_space<hbm>>
      %dma_start3A_1447 = tpu.memref_squeeze %dma_start3A_1446 : memref<1x256xf32, #tpu.memory_space<hbm>> -> memref<256xf32, #tpu.memory_space<hbm>>
      tpu.enqueue_dma source(%dma_start3A_1447 : memref<256xf32, #tpu.memory_space<hbm>>) target(%dma_start3A_1444 : memref<256xf32, #tpu.memory_space<hbm>>) target_semaphore(%arg14 : memref<!tpu.dma_semaphore, #tpu.memory_space<semaphore_mem>>)
    } else {
    }
    %convert_element_type3A_1259 = arith.extui %ne3A_207 : i1 to i32
    %cond3A_1260 = arith.constant 0 : i32
    %cond3A_1261 = arith.cmpi ne, %convert_element_type3A_1259, %cond3A_1260 : i32
    scf.if %cond3A_1261 {
      %dma_start3A = arith.constant 0 : i32
      %dma_start3A_1439 = arith.constant 0 : i32
      %dma_start3A_1440 = tpu.memref_slice %arg8[%add3A_199, %dma_start3A, %dma_start3A_1439] : memref<1024x128x256xf32, #tpu.memory_space<hbm>> -> memref<1x128x256xf32, #tpu.memory_space<hbm>>
      %dma_start3A_1441 = tpu.memref_squeeze %dma_start3A_1440 : memref<1x128x256xf32, #tpu.memory_space<hbm>> -> memref<128x256xf32, #tpu.memory_space<hbm>>
      %dma_start3A_1442 = arith.constant 0 : i32
      %dma_start3A_1443 = tpu.memref_slice %dma_start3A_1441[%squeeze3A_203, %dma_start3A_1442] : memref<128x256xf32, #tpu.memory_space<hbm>> -> memref<1x256xf32, #tpu.memory_space<hbm>>
      %dma_start3A_1444 = tpu.memref_squeeze %dma_start3A_1443 : memref<1x256xf32, #tpu.memory_space<hbm>> -> memref<256xf32, #tpu.memory_space<hbm>>
      %dma_start3A_1445 = arith.constant 0 : i32
      %dma_start3A_1446 = tpu.memref_slice %arg2[%squeeze3A_201, %dma_start3A_1445] : memref<2048x256xf32, #tpu.memory_space<hbm>> -> memref<1x256xf32, #tpu.memory_space<hbm>>
      %dma_start3A_1447 = tpu.memref_squeeze %dma_start3A_1446 : memref<1x256xf32, #tpu.memory_space<hbm>> -> memref<256xf32, #tpu.memory_space<hbm>>
      tpu.enqueue_dma source(%dma_start3A_1447 : memref<256xf32, #tpu.memory_space<hbm>>) target(%dma_start3A_1444 : memref<256xf32, #tpu.memory_space<hbm>>) target_semaphore(%arg14 : memref<!tpu.dma_semaphore, #tpu.memory_space<semaphore_mem>>)
    } else {
    }
    %convert_element_type3A_1262 = arith.extui %ne3A_221 : i1 to i32
    %cond3A_1263 = arith.constant 0 : i32
    %cond3A_1264 = arith.cmpi ne, %convert_element_type3A_1262, %cond3A_1263 : i32
    scf.if %cond3A_1264 {
      %dma_start3A = arith.constant 0 : i32
      %dma_start3A_1439 = arith.constant 0 : i32
      %dma_start3A_1440 = tpu.memref_slice %arg8[%add3A_213, %dma_start3A, %dma_start3A_1439] : memref<1024x128x256xf32, #tpu.memory_space<hbm>> -> memref<1x128x256xf32, #tpu.memory_space<hbm>>
      %dma_start3A_1441 = tpu.memref_squeeze %dma_start3A_1440 : memref<1x128x256xf32, #tpu.memory_space<hbm>> -> memref<128x256xf32, #tpu.memory_space<hbm>>
      %dma_start3A_1442 = arith.constant 0 : i32
      %dma_start3A_1443 = tpu.memref_slice %dma_start3A_1441[%squeeze3A_217, %dma_start3A_1442] : memref<128x256xf32, #tpu.memory_space<hbm>> -> memref<1x256xf32, #tpu.memory_space<hbm>>
      %dma_start3A_1444 = tpu.memref_squeeze %dma_start3A_1443 : memref<1x256xf32, #tpu.memory_space<hbm>> -> memref<256xf32, #tpu.memory_space<hbm>>
      %dma_start3A_1445 = arith.constant 0 : i32
      %dma_start3A_1446 = tpu.memref_slice %arg2[%squeeze3A_215, %dma_start3A_1445] : memref<2048x256xf32, #tpu.memory_space<hbm>> -> memref<1x256xf32, #tpu.memory_space<hbm>>
      %dma_start3A_1447 = tpu.memref_squeeze %dma_start3A_1446 : memref<1x256xf32, #tpu.memory_space<hbm>> -> memref<256xf32, #tpu.memory_space<hbm>>
      tpu.enqueue_dma source(%dma_start3A_1447 : memref<256xf32, #tpu.memory_space<hbm>>) target(%dma_start3A_1444 : memref<256xf32, #tpu.memory_space<hbm>>) target_semaphore(%arg14 : memref<!tpu.dma_semaphore, #tpu.memory_space<semaphore_mem>>)
    } else {
    }
    %convert_element_type3A_1265 = arith.extui %ne3A_235 : i1 to i32
    %cond3A_1266 = arith.constant 0 : i32
    %cond3A_1267 = arith.cmpi ne, %convert_element_type3A_1265, %cond3A_1266 : i32
    scf.if %cond3A_1267 {
      %dma_start3A = arith.constant 0 : i32
      %dma_start3A_1439 = arith.constant 0 : i32
      %dma_start3A_1440 = tpu.memref_slice %arg8[%add3A_227, %dma_start3A, %dma_start3A_1439] : memref<1024x128x256xf32, #tpu.memory_space<hbm>> -> memref<1x128x256xf32, #tpu.memory_space<hbm>>
      %dma_start3A_1441 = tpu.memref_squeeze %dma_start3A_1440 : memref<1x128x256xf32, #tpu.memory_space<hbm>> -> memref<128x256xf32, #tpu.memory_space<hbm>>
      %dma_start3A_1442 = arith.constant 0 : i32
      %dma_start3A_1443 = tpu.memref_slice %dma_start3A_1441[%squeeze3A_231, %dma_start3A_1442] : memref<128x256xf32, #tpu.memory_space<hbm>> -> memref<1x256xf32, #tpu.memory_space<hbm>>
      %dma_start3A_1444 = tpu.memref_squeeze %dma_start3A_1443 : memref<1x256xf32, #tpu.memory_space<hbm>> -> memref<256xf32, #tpu.memory_space<hbm>>
      %dma_start3A_1445 = arith.constant 0 : i32
      %dma_start3A_1446 = tpu.memref_slice %arg2[%squeeze3A_229, %dma_start3A_1445] : memref<2048x256xf32, #tpu.memory_space<hbm>> -> memref<1x256xf32, #tpu.memory_space<hbm>>
      %dma_start3A_1447 = tpu.memref_squeeze %dma_start3A_1446 : memref<1x256xf32, #tpu.memory_space<hbm>> -> memref<256xf32, #tpu.memory_space<hbm>>
      tpu.enqueue_dma source(%dma_start3A_1447 : memref<256xf32, #tpu.memory_space<hbm>>) target(%dma_start3A_1444 : memref<256xf32, #tpu.memory_space<hbm>>) target_semaphore(%arg14 : memref<!tpu.dma_semaphore, #tpu.memory_space<semaphore_mem>>)
    } else {
    }
    %convert_element_type3A_1268 = arith.extui %ne3A_249 : i1 to i32
    %cond3A_1269 = arith.constant 0 : i32
    %cond3A_1270 = arith.cmpi ne, %convert_element_type3A_1268, %cond3A_1269 : i32
    scf.if %cond3A_1270 {
      %dma_start3A = arith.constant 0 : i32
      %dma_start3A_1439 = arith.constant 0 : i32
      %dma_start3A_1440 = tpu.memref_slice %arg8[%add3A_241, %dma_start3A, %dma_start3A_1439] : memref<1024x128x256xf32, #tpu.memory_space<hbm>> -> memref<1x128x256xf32, #tpu.memory_space<hbm>>
      %dma_start3A_1441 = tpu.memref_squeeze %dma_start3A_1440 : memref<1x128x256xf32, #tpu.memory_space<hbm>> -> memref<128x256xf32, #tpu.memory_space<hbm>>
      %dma_start3A_1442 = arith.constant 0 : i32
      %dma_start3A_1443 = tpu.memref_slice %dma_start3A_1441[%squeeze3A_245, %dma_start3A_1442] : memref<128x256xf32, #tpu.memory_space<hbm>> -> memref<1x256xf32, #tpu.memory_space<hbm>>
      %dma_start3A_1444 = tpu.memref_squeeze %dma_start3A_1443 : memref<1x256xf32, #tpu.memory_space<hbm>> -> memref<256xf32, #tpu.memory_space<hbm>>
      %dma_start3A_1445 = arith.constant 0 : i32
      %dma_start3A_1446 = tpu.memref_slice %arg2[%squeeze3A_243, %dma_start3A_1445] : memref<2048x256xf32, #tpu.memory_space<hbm>> -> memref<1x256xf32, #tpu.memory_space<hbm>>
      %dma_start3A_1447 = tpu.memref_squeeze %dma_start3A_1446 : memref<1x256xf32, #tpu.memory_space<hbm>> -> memref<256xf32, #tpu.memory_space<hbm>>
      tpu.enqueue_dma source(%dma_start3A_1447 : memref<256xf32, #tpu.memory_space<hbm>>) target(%dma_start3A_1444 : memref<256xf32, #tpu.memory_space<hbm>>) target_semaphore(%arg14 : memref<!tpu.dma_semaphore, #tpu.memory_space<semaphore_mem>>)
    } else {
    }
    %convert_element_type3A_1271 = arith.extui %ne3A_263 : i1 to i32
    %cond3A_1272 = arith.constant 0 : i32
    %cond3A_1273 = arith.cmpi ne, %convert_element_type3A_1271, %cond3A_1272 : i32
    scf.if %cond3A_1273 {
      %dma_start3A = arith.constant 0 : i32
      %dma_start3A_1439 = arith.constant 0 : i32
      %dma_start3A_1440 = tpu.memref_slice %arg8[%add3A_255, %dma_start3A, %dma_start3A_1439] : memref<1024x128x256xf32, #tpu.memory_space<hbm>> -> memref<1x128x256xf32, #tpu.memory_space<hbm>>
      %dma_start3A_1441 = tpu.memref_squeeze %dma_start3A_1440 : memref<1x128x256xf32, #tpu.memory_space<hbm>> -> memref<128x256xf32, #tpu.memory_space<hbm>>
      %dma_start3A_1442 = arith.constant 0 : i32
      %dma_start3A_1443 = tpu.memref_slice %dma_start3A_1441[%squeeze3A_259, %dma_start3A_1442] : memref<128x256xf32, #tpu.memory_space<hbm>> -> memref<1x256xf32, #tpu.memory_space<hbm>>
      %dma_start3A_1444 = tpu.memref_squeeze %dma_start3A_1443 : memref<1x256xf32, #tpu.memory_space<hbm>> -> memref<256xf32, #tpu.memory_space<hbm>>
      %dma_start3A_1445 = arith.constant 0 : i32
      %dma_start3A_1446 = tpu.memref_slice %arg2[%squeeze3A_257, %dma_start3A_1445] : memref<2048x256xf32, #tpu.memory_space<hbm>> -> memref<1x256xf32, #tpu.memory_space<hbm>>
      %dma_start3A_1447 = tpu.memref_squeeze %dma_start3A_1446 : memref<1x256xf32, #tpu.memory_space<hbm>> -> memref<256xf32, #tpu.memory_space<hbm>>
      tpu.enqueue_dma source(%dma_start3A_1447 : memref<256xf32, #tpu.memory_space<hbm>>) target(%dma_start3A_1444 : memref<256xf32, #tpu.memory_space<hbm>>) target_semaphore(%arg14 : memref<!tpu.dma_semaphore, #tpu.memory_space<semaphore_mem>>)
    } else {
    }
    %convert_element_type3A_1274 = arith.extui %ne3A_277 : i1 to i32
    %cond3A_1275 = arith.constant 0 : i32
    %cond3A_1276 = arith.cmpi ne, %convert_element_type3A_1274, %cond3A_1275 : i32
    scf.if %cond3A_1276 {
      %dma_start3A = arith.constant 0 : i32
      %dma_start3A_1439 = arith.constant 0 : i32
      %dma_start3A_1440 = tpu.memref_slice %arg8[%add3A_269, %dma_start3A, %dma_start3A_1439] : memref<1024x128x256xf32, #tpu.memory_space<hbm>> -> memref<1x128x256xf32, #tpu.memory_space<hbm>>
      %dma_start3A_1441 = tpu.memref_squeeze %dma_start3A_1440 : memref<1x128x256xf32, #tpu.memory_space<hbm>> -> memref<128x256xf32, #tpu.memory_space<hbm>>
      %dma_start3A_1442 = arith.constant 0 : i32
      %dma_start3A_1443 = tpu.memref_slice %dma_start3A_1441[%squeeze3A_273, %dma_start3A_1442] : memref<128x256xf32, #tpu.memory_space<hbm>> -> memref<1x256xf32, #tpu.memory_space<hbm>>
      %dma_start3A_1444 = tpu.memref_squeeze %dma_start3A_1443 : memref<1x256xf32, #tpu.memory_space<hbm>> -> memref<256xf32, #tpu.memory_space<hbm>>
      %dma_start3A_1445 = arith.constant 0 : i32
      %dma_start3A_1446 = tpu.memref_slice %arg2[%squeeze3A_271, %dma_start3A_1445] : memref<2048x256xf32, #tpu.memory_space<hbm>> -> memref<1x256xf32, #tpu.memory_space<hbm>>
      %dma_start3A_1447 = tpu.memref_squeeze %dma_start3A_1446 : memref<1x256xf32, #tpu.memory_space<hbm>> -> memref<256xf32, #tpu.memory_space<hbm>>
      tpu.enqueue_dma source(%dma_start3A_1447 : memref<256xf32, #tpu.memory_space<hbm>>) target(%dma_start3A_1444 : memref<256xf32, #tpu.memory_space<hbm>>) target_semaphore(%arg14 : memref<!tpu.dma_semaphore, #tpu.memory_space<semaphore_mem>>)
    } else {
    }
    %convert_element_type3A_1277 = arith.extui %ne3A_291 : i1 to i32
    %cond3A_1278 = arith.constant 0 : i32
    %cond3A_1279 = arith.cmpi ne, %convert_element_type3A_1277, %cond3A_1278 : i32
    scf.if %cond3A_1279 {
      %dma_start3A = arith.constant 0 : i32
      %dma_start3A_1439 = arith.constant 0 : i32
      %dma_start3A_1440 = tpu.memref_slice %arg8[%add3A_283, %dma_start3A, %dma_start3A_1439] : memref<1024x128x256xf32, #tpu.memory_space<hbm>> -> memref<1x128x256xf32, #tpu.memory_space<hbm>>
      %dma_start3A_1441 = tpu.memref_squeeze %dma_start3A_1440 : memref<1x128x256xf32, #tpu.memory_space<hbm>> -> memref<128x256xf32, #tpu.memory_space<hbm>>
      %dma_start3A_1442 = arith.constant 0 : i32
      %dma_start3A_1443 = tpu.memref_slice %dma_start3A_1441[%squeeze3A_287, %dma_start3A_1442] : memref<128x256xf32, #tpu.memory_space<hbm>> -> memref<1x256xf32, #tpu.memory_space<hbm>>
      %dma_start3A_1444 = tpu.memref_squeeze %dma_start3A_1443 : memref<1x256xf32, #tpu.memory_space<hbm>> -> memref<256xf32, #tpu.memory_space<hbm>>
      %dma_start3A_1445 = arith.constant 0 : i32
      %dma_start3A_1446 = tpu.memref_slice %arg2[%squeeze3A_285, %dma_start3A_1445] : memref<2048x256xf32, #tpu.memory_space<hbm>> -> memref<1x256xf32, #tpu.memory_space<hbm>>
      %dma_start3A_1447 = tpu.memref_squeeze %dma_start3A_1446 : memref<1x256xf32, #tpu.memory_space<hbm>> -> memref<256xf32, #tpu.memory_space<hbm>>
      tpu.enqueue_dma source(%dma_start3A_1447 : memref<256xf32, #tpu.memory_space<hbm>>) target(%dma_start3A_1444 : memref<256xf32, #tpu.memory_space<hbm>>) target_semaphore(%arg14 : memref<!tpu.dma_semaphore, #tpu.memory_space<semaphore_mem>>)
    } else {
    }
    %convert_element_type3A_1280 = arith.extui %ne3A_305 : i1 to i32
    %cond3A_1281 = arith.constant 0 : i32
    %cond3A_1282 = arith.cmpi ne, %convert_element_type3A_1280, %cond3A_1281 : i32
    scf.if %cond3A_1282 {
      %dma_start3A = arith.constant 0 : i32
      %dma_start3A_1439 = arith.constant 0 : i32
      %dma_start3A_1440 = tpu.memref_slice %arg8[%add3A_297, %dma_start3A, %dma_start3A_1439] : memref<1024x128x256xf32, #tpu.memory_space<hbm>> -> memref<1x128x256xf32, #tpu.memory_space<hbm>>
      %dma_start3A_1441 = tpu.memref_squeeze %dma_start3A_1440 : memref<1x128x256xf32, #tpu.memory_space<hbm>> -> memref<128x256xf32, #tpu.memory_space<hbm>>
      %dma_start3A_1442 = arith.constant 0 : i32
      %dma_start3A_1443 = tpu.memref_slice %dma_start3A_1441[%squeeze3A_301, %dma_start3A_1442] : memref<128x256xf32, #tpu.memory_space<hbm>> -> memref<1x256xf32, #tpu.memory_space<hbm>>
      %dma_start3A_1444 = tpu.memref_squeeze %dma_start3A_1443 : memref<1x256xf32, #tpu.memory_space<hbm>> -> memref<256xf32, #tpu.memory_space<hbm>>
      %dma_start3A_1445 = arith.constant 0 : i32
      %dma_start3A_1446 = tpu.memref_slice %arg2[%squeeze3A_299, %dma_start3A_1445] : memref<2048x256xf32, #tpu.memory_space<hbm>> -> memref<1x256xf32, #tpu.memory_space<hbm>>
      %dma_start3A_1447 = tpu.memref_squeeze %dma_start3A_1446 : memref<1x256xf32, #tpu.memory_space<hbm>> -> memref<256xf32, #tpu.memory_space<hbm>>
      tpu.enqueue_dma source(%dma_start3A_1447 : memref<256xf32, #tpu.memory_space<hbm>>) target(%dma_start3A_1444 : memref<256xf32, #tpu.memory_space<hbm>>) target_semaphore(%arg14 : memref<!tpu.dma_semaphore, #tpu.memory_space<semaphore_mem>>)
    } else {
    }
    %convert_element_type3A_1283 = arith.extui %ne3A_319 : i1 to i32
    %cond3A_1284 = arith.constant 0 : i32
    %cond3A_1285 = arith.cmpi ne, %convert_element_type3A_1283, %cond3A_1284 : i32
    scf.if %cond3A_1285 {
      %dma_start3A = arith.constant 0 : i32
      %dma_start3A_1439 = arith.constant 0 : i32
      %dma_start3A_1440 = tpu.memref_slice %arg8[%add3A_311, %dma_start3A, %dma_start3A_1439] : memref<1024x128x256xf32, #tpu.memory_space<hbm>> -> memref<1x128x256xf32, #tpu.memory_space<hbm>>
      %dma_start3A_1441 = tpu.memref_squeeze %dma_start3A_1440 : memref<1x128x256xf32, #tpu.memory_space<hbm>> -> memref<128x256xf32, #tpu.memory_space<hbm>>
      %dma_start3A_1442 = arith.constant 0 : i32
      %dma_start3A_1443 = tpu.memref_slice %dma_start3A_1441[%squeeze3A_315, %dma_start3A_1442] : memref<128x256xf32, #tpu.memory_space<hbm>> -> memref<1x256xf32, #tpu.memory_space<hbm>>
      %dma_start3A_1444 = tpu.memref_squeeze %dma_start3A_1443 : memref<1x256xf32, #tpu.memory_space<hbm>> -> memref<256xf32, #tpu.memory_space<hbm>>
      %dma_start3A_1445 = arith.constant 0 : i32
      %dma_start3A_1446 = tpu.memref_slice %arg2[%squeeze3A_313, %dma_start3A_1445] : memref<2048x256xf32, #tpu.memory_space<hbm>> -> memref<1x256xf32, #tpu.memory_space<hbm>>
      %dma_start3A_1447 = tpu.memref_squeeze %dma_start3A_1446 : memref<1x256xf32, #tpu.memory_space<hbm>> -> memref<256xf32, #tpu.memory_space<hbm>>
      tpu.enqueue_dma source(%dma_start3A_1447 : memref<256xf32, #tpu.memory_space<hbm>>) target(%dma_start3A_1444 : memref<256xf32, #tpu.memory_space<hbm>>) target_semaphore(%arg14 : memref<!tpu.dma_semaphore, #tpu.memory_space<semaphore_mem>>)
    } else {
    }
    %convert_element_type3A_1286 = arith.extui %ne3A_333 : i1 to i32
    %cond3A_1287 = arith.constant 0 : i32
    %cond3A_1288 = arith.cmpi ne, %convert_element_type3A_1286, %cond3A_1287 : i32
    scf.if %cond3A_1288 {
      %dma_start3A = arith.constant 0 : i32
      %dma_start3A_1439 = arith.constant 0 : i32
      %dma_start3A_1440 = tpu.memref_slice %arg8[%add3A_325, %dma_start3A, %dma_start3A_1439] : memref<1024x128x256xf32, #tpu.memory_space<hbm>> -> memref<1x128x256xf32, #tpu.memory_space<hbm>>
      %dma_start3A_1441 = tpu.memref_squeeze %dma_start3A_1440 : memref<1x128x256xf32, #tpu.memory_space<hbm>> -> memref<128x256xf32, #tpu.memory_space<hbm>>
      %dma_start3A_1442 = arith.constant 0 : i32
      %dma_start3A_1443 = tpu.memref_slice %dma_start3A_1441[%squeeze3A_329, %dma_start3A_1442] : memref<128x256xf32, #tpu.memory_space<hbm>> -> memref<1x256xf32, #tpu.memory_space<hbm>>
      %dma_start3A_1444 = tpu.memref_squeeze %dma_start3A_1443 : memref<1x256xf32, #tpu.memory_space<hbm>> -> memref<256xf32, #tpu.memory_space<hbm>>
      %dma_start3A_1445 = arith.constant 0 : i32
      %dma_start3A_1446 = tpu.memref_slice %arg2[%squeeze3A_327, %dma_start3A_1445] : memref<2048x256xf32, #tpu.memory_space<hbm>> -> memref<1x256xf32, #tpu.memory_space<hbm>>
      %dma_start3A_1447 = tpu.memref_squeeze %dma_start3A_1446 : memref<1x256xf32, #tpu.memory_space<hbm>> -> memref<256xf32, #tpu.memory_space<hbm>>
      tpu.enqueue_dma source(%dma_start3A_1447 : memref<256xf32, #tpu.memory_space<hbm>>) target(%dma_start3A_1444 : memref<256xf32, #tpu.memory_space<hbm>>) target_semaphore(%arg14 : memref<!tpu.dma_semaphore, #tpu.memory_space<semaphore_mem>>)
    } else {
    }
    %convert_element_type3A_1289 = arith.extui %ne3A_347 : i1 to i32
    %cond3A_1290 = arith.constant 0 : i32
    %cond3A_1291 = arith.cmpi ne, %convert_element_type3A_1289, %cond3A_1290 : i32
    scf.if %cond3A_1291 {
      %dma_start3A = arith.constant 0 : i32
      %dma_start3A_1439 = arith.constant 0 : i32
      %dma_start3A_1440 = tpu.memref_slice %arg8[%add3A_339, %dma_start3A, %dma_start3A_1439] : memref<1024x128x256xf32, #tpu.memory_space<hbm>> -> memref<1x128x256xf32, #tpu.memory_space<hbm>>
      %dma_start3A_1441 = tpu.memref_squeeze %dma_start3A_1440 : memref<1x128x256xf32, #tpu.memory_space<hbm>> -> memref<128x256xf32, #tpu.memory_space<hbm>>
      %dma_start3A_1442 = arith.constant 0 : i32
      %dma_start3A_1443 = tpu.memref_slice %dma_start3A_1441[%squeeze3A_343, %dma_start3A_1442] : memref<128x256xf32, #tpu.memory_space<hbm>> -> memref<1x256xf32, #tpu.memory_space<hbm>>
      %dma_start3A_1444 = tpu.memref_squeeze %dma_start3A_1443 : memref<1x256xf32, #tpu.memory_space<hbm>> -> memref<256xf32, #tpu.memory_space<hbm>>
      %dma_start3A_1445 = arith.constant 0 : i32
      %dma_start3A_1446 = tpu.memref_slice %arg2[%squeeze3A_341, %dma_start3A_1445] : memref<2048x256xf32, #tpu.memory_space<hbm>> -> memref<1x256xf32, #tpu.memory_space<hbm>>
      %dma_start3A_1447 = tpu.memref_squeeze %dma_start3A_1446 : memref<1x256xf32, #tpu.memory_space<hbm>> -> memref<256xf32, #tpu.memory_space<hbm>>
      tpu.enqueue_dma source(%dma_start3A_1447 : memref<256xf32, #tpu.memory_space<hbm>>) target(%dma_start3A_1444 : memref<256xf32, #tpu.memory_space<hbm>>) target_semaphore(%arg14 : memref<!tpu.dma_semaphore, #tpu.memory_space<semaphore_mem>>)
    } else {
    }
    %convert_element_type3A_1292 = arith.extui %ne3A_361 : i1 to i32
    %cond3A_1293 = arith.constant 0 : i32
    %cond3A_1294 = arith.cmpi ne, %convert_element_type3A_1292, %cond3A_1293 : i32
    scf.if %cond3A_1294 {
      %dma_start3A = arith.constant 0 : i32
      %dma_start3A_1439 = arith.constant 0 : i32
      %dma_start3A_1440 = tpu.memref_slice %arg8[%add3A_353, %dma_start3A, %dma_start3A_1439] : memref<1024x128x256xf32, #tpu.memory_space<hbm>> -> memref<1x128x256xf32, #tpu.memory_space<hbm>>
      %dma_start3A_1441 = tpu.memref_squeeze %dma_start3A_1440 : memref<1x128x256xf32, #tpu.memory_space<hbm>> -> memref<128x256xf32, #tpu.memory_space<hbm>>
      %dma_start3A_1442 = arith.constant 0 : i32
      %dma_start3A_1443 = tpu.memref_slice %dma_start3A_1441[%squeeze3A_357, %dma_start3A_1442] : memref<128x256xf32, #tpu.memory_space<hbm>> -> memref<1x256xf32, #tpu.memory_space<hbm>>
      %dma_start3A_1444 = tpu.memref_squeeze %dma_start3A_1443 : memref<1x256xf32, #tpu.memory_space<hbm>> -> memref<256xf32, #tpu.memory_space<hbm>>
      %dma_start3A_1445 = arith.constant 0 : i32
      %dma_start3A_1446 = tpu.memref_slice %arg2[%squeeze3A_355, %dma_start3A_1445] : memref<2048x256xf32, #tpu.memory_space<hbm>> -> memref<1x256xf32, #tpu.memory_space<hbm>>
      %dma_start3A_1447 = tpu.memref_squeeze %dma_start3A_1446 : memref<1x256xf32, #tpu.memory_space<hbm>> -> memref<256xf32, #tpu.memory_space<hbm>>
      tpu.enqueue_dma source(%dma_start3A_1447 : memref<256xf32, #tpu.memory_space<hbm>>) target(%dma_start3A_1444 : memref<256xf32, #tpu.memory_space<hbm>>) target_semaphore(%arg14 : memref<!tpu.dma_semaphore, #tpu.memory_space<semaphore_mem>>)
    } else {
    }
    %convert_element_type3A_1295 = arith.extui %ne3A_495 : i1 to i32
    %cond3A_1296 = arith.constant 0 : i32
    %cond3A_1297 = arith.cmpi ne, %convert_element_type3A_1295, %cond3A_1296 : i32
    scf.if %cond3A_1297 {
      %dma_start3A = arith.constant 0 : i32
      %dma_start3A_1439 = arith.constant 0 : i32
      %dma_start3A_1440 = tpu.memref_slice %arg8[%add3A_487, %dma_start3A, %dma_start3A_1439] : memref<1024x128x256xf32, #tpu.memory_space<hbm>> -> memref<1x128x256xf32, #tpu.memory_space<hbm>>
      %dma_start3A_1441 = tpu.memref_squeeze %dma_start3A_1440 : memref<1x128x256xf32, #tpu.memory_space<hbm>> -> memref<128x256xf32, #tpu.memory_space<hbm>>
      %dma_start3A_1442 = arith.constant 0 : i32
      %dma_start3A_1443 = tpu.memref_slice %dma_start3A_1441[%squeeze3A_491, %dma_start3A_1442] : memref<128x256xf32, #tpu.memory_space<hbm>> -> memref<1x256xf32, #tpu.memory_space<hbm>>
      %dma_start3A_1444 = tpu.memref_squeeze %dma_start3A_1443 : memref<1x256xf32, #tpu.memory_space<hbm>> -> memref<256xf32, #tpu.memory_space<hbm>>
      %dma_start3A_1445 = arith.constant 0 : i32
      %dma_start3A_1446 = tpu.memref_slice %arg2[%squeeze3A_489, %dma_start3A_1445] : memref<2048x256xf32, #tpu.memory_space<hbm>> -> memref<1x256xf32, #tpu.memory_space<hbm>>
      %dma_start3A_1447 = tpu.memref_squeeze %dma_start3A_1446 : memref<1x256xf32, #tpu.memory_space<hbm>> -> memref<256xf32, #tpu.memory_space<hbm>>
      tpu.enqueue_dma source(%dma_start3A_1447 : memref<256xf32, #tpu.memory_space<hbm>>) target(%dma_start3A_1444 : memref<256xf32, #tpu.memory_space<hbm>>) target_semaphore(%arg14 : memref<!tpu.dma_semaphore, #tpu.memory_space<semaphore_mem>>)
    } else {
    }
    %convert_element_type3A_1298 = arith.extui %ne3A_509 : i1 to i32
    %cond3A_1299 = arith.constant 0 : i32
    %cond3A_1300 = arith.cmpi ne, %convert_element_type3A_1298, %cond3A_1299 : i32
    scf.if %cond3A_1300 {
      %dma_start3A = arith.constant 0 : i32
      %dma_start3A_1439 = arith.constant 0 : i32
      %dma_start3A_1440 = tpu.memref_slice %arg8[%add3A_501, %dma_start3A, %dma_start3A_1439] : memref<1024x128x256xf32, #tpu.memory_space<hbm>> -> memref<1x128x256xf32, #tpu.memory_space<hbm>>
      %dma_start3A_1441 = tpu.memref_squeeze %dma_start3A_1440 : memref<1x128x256xf32, #tpu.memory_space<hbm>> -> memref<128x256xf32, #tpu.memory_space<hbm>>
      %dma_start3A_1442 = arith.constant 0 : i32
      %dma_start3A_1443 = tpu.memref_slice %dma_start3A_1441[%squeeze3A_505, %dma_start3A_1442] : memref<128x256xf32, #tpu.memory_space<hbm>> -> memref<1x256xf32, #tpu.memory_space<hbm>>
      %dma_start3A_1444 = tpu.memref_squeeze %dma_start3A_1443 : memref<1x256xf32, #tpu.memory_space<hbm>> -> memref<256xf32, #tpu.memory_space<hbm>>
      %dma_start3A_1445 = arith.constant 0 : i32
      %dma_start3A_1446 = tpu.memref_slice %arg2[%squeeze3A_503, %dma_start3A_1445] : memref<2048x256xf32, #tpu.memory_space<hbm>> -> memref<1x256xf32, #tpu.memory_space<hbm>>
      %dma_start3A_1447 = tpu.memref_squeeze %dma_start3A_1446 : memref<1x256xf32, #tpu.memory_space<hbm>> -> memref<256xf32, #tpu.memory_space<hbm>>
      tpu.enqueue_dma source(%dma_start3A_1447 : memref<256xf32, #tpu.memory_space<hbm>>) target(%dma_start3A_1444 : memref<256xf32, #tpu.memory_space<hbm>>) target_semaphore(%arg14 : memref<!tpu.dma_semaphore, #tpu.memory_space<semaphore_mem>>)
    } else {
    }
    %convert_element_type3A_1301 = arith.extui %ne3A_523 : i1 to i32
    %cond3A_1302 = arith.constant 0 : i32
    %cond3A_1303 = arith.cmpi ne, %convert_element_type3A_1301, %cond3A_1302 : i32
    scf.if %cond3A_1303 {
      %dma_start3A = arith.constant 0 : i32
      %dma_start3A_1439 = arith.constant 0 : i32
      %dma_start3A_1440 = tpu.memref_slice %arg8[%add3A_515, %dma_start3A, %dma_start3A_1439] : memref<1024x128x256xf32, #tpu.memory_space<hbm>> -> memref<1x128x256xf32, #tpu.memory_space<hbm>>
      %dma_start3A_1441 = tpu.memref_squeeze %dma_start3A_1440 : memref<1x128x256xf32, #tpu.memory_space<hbm>> -> memref<128x256xf32, #tpu.memory_space<hbm>>
      %dma_start3A_1442 = arith.constant 0 : i32
      %dma_start3A_1443 = tpu.memref_slice %dma_start3A_1441[%squeeze3A_519, %dma_start3A_1442] : memref<128x256xf32, #tpu.memory_space<hbm>> -> memref<1x256xf32, #tpu.memory_space<hbm>>
      %dma_start3A_1444 = tpu.memref_squeeze %dma_start3A_1443 : memref<1x256xf32, #tpu.memory_space<hbm>> -> memref<256xf32, #tpu.memory_space<hbm>>
      %dma_start3A_1445 = arith.constant 0 : i32
      %dma_start3A_1446 = tpu.memref_slice %arg2[%squeeze3A_517, %dma_start3A_1445] : memref<2048x256xf32, #tpu.memory_space<hbm>> -> memref<1x256xf32, #tpu.memory_space<hbm>>
      %dma_start3A_1447 = tpu.memref_squeeze %dma_start3A_1446 : memref<1x256xf32, #tpu.memory_space<hbm>> -> memref<256xf32, #tpu.memory_space<hbm>>
      tpu.enqueue_dma source(%dma_start3A_1447 : memref<256xf32, #tpu.memory_space<hbm>>) target(%dma_start3A_1444 : memref<256xf32, #tpu.memory_space<hbm>>) target_semaphore(%arg14 : memref<!tpu.dma_semaphore, #tpu.memory_space<semaphore_mem>>)
    } else {
    }
    %convert_element_type3A_1304 = arith.extui %ne3A_537 : i1 to i32
    %cond3A_1305 = arith.constant 0 : i32
    %cond3A_1306 = arith.cmpi ne, %convert_element_type3A_1304, %cond3A_1305 : i32
    scf.if %cond3A_1306 {
      %dma_start3A = arith.constant 0 : i32
      %dma_start3A_1439 = arith.constant 0 : i32
      %dma_start3A_1440 = tpu.memref_slice %arg8[%add3A_529, %dma_start3A, %dma_start3A_1439] : memref<1024x128x256xf32, #tpu.memory_space<hbm>> -> memref<1x128x256xf32, #tpu.memory_space<hbm>>
      %dma_start3A_1441 = tpu.memref_squeeze %dma_start3A_1440 : memref<1x128x256xf32, #tpu.memory_space<hbm>> -> memref<128x256xf32, #tpu.memory_space<hbm>>
      %dma_start3A_1442 = arith.constant 0 : i32
      %dma_start3A_1443 = tpu.memref_slice %dma_start3A_1441[%squeeze3A_533, %dma_start3A_1442] : memref<128x256xf32, #tpu.memory_space<hbm>> -> memref<1x256xf32, #tpu.memory_space<hbm>>
      %dma_start3A_1444 = tpu.memref_squeeze %dma_start3A_1443 : memref<1x256xf32, #tpu.memory_space<hbm>> -> memref<256xf32, #tpu.memory_space<hbm>>
      %dma_start3A_1445 = arith.constant 0 : i32
      %dma_start3A_1446 = tpu.memref_slice %arg2[%squeeze3A_531, %dma_start3A_1445] : memref<2048x256xf32, #tpu.memory_space<hbm>> -> memref<1x256xf32, #tpu.memory_space<hbm>>
      %dma_start3A_1447 = tpu.memref_squeeze %dma_start3A_1446 : memref<1x256xf32, #tpu.memory_space<hbm>> -> memref<256xf32, #tpu.memory_space<hbm>>
      tpu.enqueue_dma source(%dma_start3A_1447 : memref<256xf32, #tpu.memory_space<hbm>>) target(%dma_start3A_1444 : memref<256xf32, #tpu.memory_space<hbm>>) target_semaphore(%arg14 : memref<!tpu.dma_semaphore, #tpu.memory_space<semaphore_mem>>)
    } else {
    }
    %convert_element_type3A_1307 = arith.extui %ne3A_551 : i1 to i32
    %cond3A_1308 = arith.constant 0 : i32
    %cond3A_1309 = arith.cmpi ne, %convert_element_type3A_1307, %cond3A_1308 : i32
    scf.if %cond3A_1309 {
      %dma_start3A = arith.constant 0 : i32
      %dma_start3A_1439 = arith.constant 0 : i32
      %dma_start3A_1440 = tpu.memref_slice %arg8[%add3A_543, %dma_start3A, %dma_start3A_1439] : memref<1024x128x256xf32, #tpu.memory_space<hbm>> -> memref<1x128x256xf32, #tpu.memory_space<hbm>>
      %dma_start3A_1441 = tpu.memref_squeeze %dma_start3A_1440 : memref<1x128x256xf32, #tpu.memory_space<hbm>> -> memref<128x256xf32, #tpu.memory_space<hbm>>
      %dma_start3A_1442 = arith.constant 0 : i32
      %dma_start3A_1443 = tpu.memref_slice %dma_start3A_1441[%squeeze3A_547, %dma_start3A_1442] : memref<128x256xf32, #tpu.memory_space<hbm>> -> memref<1x256xf32, #tpu.memory_space<hbm>>
      %dma_start3A_1444 = tpu.memref_squeeze %dma_start3A_1443 : memref<1x256xf32, #tpu.memory_space<hbm>> -> memref<256xf32, #tpu.memory_space<hbm>>
      %dma_start3A_1445 = arith.constant 0 : i32
      %dma_start3A_1446 = tpu.memref_slice %arg2[%squeeze3A_545, %dma_start3A_1445] : memref<2048x256xf32, #tpu.memory_space<hbm>> -> memref<1x256xf32, #tpu.memory_space<hbm>>
      %dma_start3A_1447 = tpu.memref_squeeze %dma_start3A_1446 : memref<1x256xf32, #tpu.memory_space<hbm>> -> memref<256xf32, #tpu.memory_space<hbm>>
      tpu.enqueue_dma source(%dma_start3A_1447 : memref<256xf32, #tpu.memory_space<hbm>>) target(%dma_start3A_1444 : memref<256xf32, #tpu.memory_space<hbm>>) target_semaphore(%arg14 : memref<!tpu.dma_semaphore, #tpu.memory_space<semaphore_mem>>)
    } else {
    }
    %convert_element_type3A_1310 = arith.extui %ne3A_565 : i1 to i32
    %cond3A_1311 = arith.constant 0 : i32
    %cond3A_1312 = arith.cmpi ne, %convert_element_type3A_1310, %cond3A_1311 : i32
    scf.if %cond3A_1312 {
      %dma_start3A = arith.constant 0 : i32
      %dma_start3A_1439 = arith.constant 0 : i32
      %dma_start3A_1440 = tpu.memref_slice %arg8[%add3A_557, %dma_start3A, %dma_start3A_1439] : memref<1024x128x256xf32, #tpu.memory_space<hbm>> -> memref<1x128x256xf32, #tpu.memory_space<hbm>>
      %dma_start3A_1441 = tpu.memref_squeeze %dma_start3A_1440 : memref<1x128x256xf32, #tpu.memory_space<hbm>> -> memref<128x256xf32, #tpu.memory_space<hbm>>
      %dma_start3A_1442 = arith.constant 0 : i32
      %dma_start3A_1443 = tpu.memref_slice %dma_start3A_1441[%squeeze3A_561, %dma_start3A_1442] : memref<128x256xf32, #tpu.memory_space<hbm>> -> memref<1x256xf32, #tpu.memory_space<hbm>>
      %dma_start3A_1444 = tpu.memref_squeeze %dma_start3A_1443 : memref<1x256xf32, #tpu.memory_space<hbm>> -> memref<256xf32, #tpu.memory_space<hbm>>
      %dma_start3A_1445 = arith.constant 0 : i32
      %dma_start3A_1446 = tpu.memref_slice %arg2[%squeeze3A_559, %dma_start3A_1445] : memref<2048x256xf32, #tpu.memory_space<hbm>> -> memref<1x256xf32, #tpu.memory_space<hbm>>
      %dma_start3A_1447 = tpu.memref_squeeze %dma_start3A_1446 : memref<1x256xf32, #tpu.memory_space<hbm>> -> memref<256xf32, #tpu.memory_space<hbm>>
      tpu.enqueue_dma source(%dma_start3A_1447 : memref<256xf32, #tpu.memory_space<hbm>>) target(%dma_start3A_1444 : memref<256xf32, #tpu.memory_space<hbm>>) target_semaphore(%arg14 : memref<!tpu.dma_semaphore, #tpu.memory_space<semaphore_mem>>)
    } else {
    }
    %convert_element_type3A_1313 = arith.extui %ne3A_579 : i1 to i32
    %cond3A_1314 = arith.constant 0 : i32
    %cond3A_1315 = arith.cmpi ne, %convert_element_type3A_1313, %cond3A_1314 : i32
    scf.if %cond3A_1315 {
      %dma_start3A = arith.constant 0 : i32
      %dma_start3A_1439 = arith.constant 0 : i32
      %dma_start3A_1440 = tpu.memref_slice %arg8[%add3A_571, %dma_start3A, %dma_start3A_1439] : memref<1024x128x256xf32, #tpu.memory_space<hbm>> -> memref<1x128x256xf32, #tpu.memory_space<hbm>>
      %dma_start3A_1441 = tpu.memref_squeeze %dma_start3A_1440 : memref<1x128x256xf32, #tpu.memory_space<hbm>> -> memref<128x256xf32, #tpu.memory_space<hbm>>
      %dma_start3A_1442 = arith.constant 0 : i32
      %dma_start3A_1443 = tpu.memref_slice %dma_start3A_1441[%squeeze3A_575, %dma_start3A_1442] : memref<128x256xf32, #tpu.memory_space<hbm>> -> memref<1x256xf32, #tpu.memory_space<hbm>>
      %dma_start3A_1444 = tpu.memref_squeeze %dma_start3A_1443 : memref<1x256xf32, #tpu.memory_space<hbm>> -> memref<256xf32, #tpu.memory_space<hbm>>
      %dma_start3A_1445 = arith.constant 0 : i32
      %dma_start3A_1446 = tpu.memref_slice %arg2[%squeeze3A_573, %dma_start3A_1445] : memref<2048x256xf32, #tpu.memory_space<hbm>> -> memref<1x256xf32, #tpu.memory_space<hbm>>
      %dma_start3A_1447 = tpu.memref_squeeze %dma_start3A_1446 : memref<1x256xf32, #tpu.memory_space<hbm>> -> memref<256xf32, #tpu.memory_space<hbm>>
      tpu.enqueue_dma source(%dma_start3A_1447 : memref<256xf32, #tpu.memory_space<hbm>>) target(%dma_start3A_1444 : memref<256xf32, #tpu.memory_space<hbm>>) target_semaphore(%arg14 : memref<!tpu.dma_semaphore, #tpu.memory_space<semaphore_mem>>)
    } else {
    }
    %convert_element_type3A_1316 = arith.extui %ne3A_593 : i1 to i32
    %cond3A_1317 = arith.constant 0 : i32
    %cond3A_1318 = arith.cmpi ne, %convert_element_type3A_1316, %cond3A_1317 : i32
    scf.if %cond3A_1318 {
      %dma_start3A = arith.constant 0 : i32
      %dma_start3A_1439 = arith.constant 0 : i32
      %dma_start3A_1440 = tpu.memref_slice %arg8[%add3A_585, %dma_start3A, %dma_start3A_1439] : memref<1024x128x256xf32, #tpu.memory_space<hbm>> -> memref<1x128x256xf32, #tpu.memory_space<hbm>>
      %dma_start3A_1441 = tpu.memref_squeeze %dma_start3A_1440 : memref<1x128x256xf32, #tpu.memory_space<hbm>> -> memref<128x256xf32, #tpu.memory_space<hbm>>
      %dma_start3A_1442 = arith.constant 0 : i32
      %dma_start3A_1443 = tpu.memref_slice %dma_start3A_1441[%squeeze3A_589, %dma_start3A_1442] : memref<128x256xf32, #tpu.memory_space<hbm>> -> memref<1x256xf32, #tpu.memory_space<hbm>>
      %dma_start3A_1444 = tpu.memref_squeeze %dma_start3A_1443 : memref<1x256xf32, #tpu.memory_space<hbm>> -> memref<256xf32, #tpu.memory_space<hbm>>
      %dma_start3A_1445 = arith.constant 0 : i32
      %dma_start3A_1446 = tpu.memref_slice %arg2[%squeeze3A_587, %dma_start3A_1445] : memref<2048x256xf32, #tpu.memory_space<hbm>> -> memref<1x256xf32, #tpu.memory_space<hbm>>
      %dma_start3A_1447 = tpu.memref_squeeze %dma_start3A_1446 : memref<1x256xf32, #tpu.memory_space<hbm>> -> memref<256xf32, #tpu.memory_space<hbm>>
      tpu.enqueue_dma source(%dma_start3A_1447 : memref<256xf32, #tpu.memory_space<hbm>>) target(%dma_start3A_1444 : memref<256xf32, #tpu.memory_space<hbm>>) target_semaphore(%arg14 : memref<!tpu.dma_semaphore, #tpu.memory_space<semaphore_mem>>)
    } else {
    }
    %convert_element_type3A_1319 = arith.extui %ne3A_607 : i1 to i32
    %cond3A_1320 = arith.constant 0 : i32
    %cond3A_1321 = arith.cmpi ne, %convert_element_type3A_1319, %cond3A_1320 : i32
    scf.if %cond3A_1321 {
      %dma_start3A = arith.constant 0 : i32
      %dma_start3A_1439 = arith.constant 0 : i32
      %dma_start3A_1440 = tpu.memref_slice %arg8[%add3A_599, %dma_start3A, %dma_start3A_1439] : memref<1024x128x256xf32, #tpu.memory_space<hbm>> -> memref<1x128x256xf32, #tpu.memory_space<hbm>>
      %dma_start3A_1441 = tpu.memref_squeeze %dma_start3A_1440 : memref<1x128x256xf32, #tpu.memory_space<hbm>> -> memref<128x256xf32, #tpu.memory_space<hbm>>
      %dma_start3A_1442 = arith.constant 0 : i32
      %dma_start3A_1443 = tpu.memref_slice %dma_start3A_1441[%squeeze3A_603, %dma_start3A_1442] : memref<128x256xf32, #tpu.memory_space<hbm>> -> memref<1x256xf32, #tpu.memory_space<hbm>>
      %dma_start3A_1444 = tpu.memref_squeeze %dma_start3A_1443 : memref<1x256xf32, #tpu.memory_space<hbm>> -> memref<256xf32, #tpu.memory_space<hbm>>
      %dma_start3A_1445 = arith.constant 0 : i32
      %dma_start3A_1446 = tpu.memref_slice %arg2[%squeeze3A_601, %dma_start3A_1445] : memref<2048x256xf32, #tpu.memory_space<hbm>> -> memref<1x256xf32, #tpu.memory_space<hbm>>
      %dma_start3A_1447 = tpu.memref_squeeze %dma_start3A_1446 : memref<1x256xf32, #tpu.memory_space<hbm>> -> memref<256xf32, #tpu.memory_space<hbm>>
      tpu.enqueue_dma source(%dma_start3A_1447 : memref<256xf32, #tpu.memory_space<hbm>>) target(%dma_start3A_1444 : memref<256xf32, #tpu.memory_space<hbm>>) target_semaphore(%arg14 : memref<!tpu.dma_semaphore, #tpu.memory_space<semaphore_mem>>)
    } else {
    }
    %convert_element_type3A_1322 = arith.extui %ne3A_621 : i1 to i32
    %cond3A_1323 = arith.constant 0 : i32
    %cond3A_1324 = arith.cmpi ne, %convert_element_type3A_1322, %cond3A_1323 : i32
    scf.if %cond3A_1324 {
      %dma_start3A = arith.constant 0 : i32
      %dma_start3A_1439 = arith.constant 0 : i32
      %dma_start3A_1440 = tpu.memref_slice %arg8[%add3A_613, %dma_start3A, %dma_start3A_1439] : memref<1024x128x256xf32, #tpu.memory_space<hbm>> -> memref<1x128x256xf32, #tpu.memory_space<hbm>>
      %dma_start3A_1441 = tpu.memref_squeeze %dma_start3A_1440 : memref<1x128x256xf32, #tpu.memory_space<hbm>> -> memref<128x256xf32, #tpu.memory_space<hbm>>
      %dma_start3A_1442 = arith.constant 0 : i32
      %dma_start3A_1443 = tpu.memref_slice %dma_start3A_1441[%squeeze3A_617, %dma_start3A_1442] : memref<128x256xf32, #tpu.memory_space<hbm>> -> memref<1x256xf32, #tpu.memory_space<hbm>>
      %dma_start3A_1444 = tpu.memref_squeeze %dma_start3A_1443 : memref<1x256xf32, #tpu.memory_space<hbm>> -> memref<256xf32, #tpu.memory_space<hbm>>
      %dma_start3A_1445 = arith.constant 0 : i32
      %dma_start3A_1446 = tpu.memref_slice %arg2[%squeeze3A_615, %dma_start3A_1445] : memref<2048x256xf32, #tpu.memory_space<hbm>> -> memref<1x256xf32, #tpu.memory_space<hbm>>
      %dma_start3A_1447 = tpu.memref_squeeze %dma_start3A_1446 : memref<1x256xf32, #tpu.memory_space<hbm>> -> memref<256xf32, #tpu.memory_space<hbm>>
      tpu.enqueue_dma source(%dma_start3A_1447 : memref<256xf32, #tpu.memory_space<hbm>>) target(%dma_start3A_1444 : memref<256xf32, #tpu.memory_space<hbm>>) target_semaphore(%arg14 : memref<!tpu.dma_semaphore, #tpu.memory_space<semaphore_mem>>)
    } else {
    }
    %convert_element_type3A_1325 = arith.extui %ne3A_635 : i1 to i32
    %cond3A_1326 = arith.constant 0 : i32
    %cond3A_1327 = arith.cmpi ne, %convert_element_type3A_1325, %cond3A_1326 : i32
    scf.if %cond3A_1327 {
      %dma_start3A = arith.constant 0 : i32
      %dma_start3A_1439 = arith.constant 0 : i32
      %dma_start3A_1440 = tpu.memref_slice %arg8[%add3A_627, %dma_start3A, %dma_start3A_1439] : memref<1024x128x256xf32, #tpu.memory_space<hbm>> -> memref<1x128x256xf32, #tpu.memory_space<hbm>>
      %dma_start3A_1441 = tpu.memref_squeeze %dma_start3A_1440 : memref<1x128x256xf32, #tpu.memory_space<hbm>> -> memref<128x256xf32, #tpu.memory_space<hbm>>
      %dma_start3A_1442 = arith.constant 0 : i32
      %dma_start3A_1443 = tpu.memref_slice %dma_start3A_1441[%squeeze3A_631, %dma_start3A_1442] : memref<128x256xf32, #tpu.memory_space<hbm>> -> memref<1x256xf32, #tpu.memory_space<hbm>>
      %dma_start3A_1444 = tpu.memref_squeeze %dma_start3A_1443 : memref<1x256xf32, #tpu.memory_space<hbm>> -> memref<256xf32, #tpu.memory_space<hbm>>
      %dma_start3A_1445 = arith.constant 0 : i32
      %dma_start3A_1446 = tpu.memref_slice %arg2[%squeeze3A_629, %dma_start3A_1445] : memref<2048x256xf32, #tpu.memory_space<hbm>> -> memref<1x256xf32, #tpu.memory_space<hbm>>
      %dma_start3A_1447 = tpu.memref_squeeze %dma_start3A_1446 : memref<1x256xf32, #tpu.memory_space<hbm>> -> memref<256xf32, #tpu.memory_space<hbm>>
      tpu.enqueue_dma source(%dma_start3A_1447 : memref<256xf32, #tpu.memory_space<hbm>>) target(%dma_start3A_1444 : memref<256xf32, #tpu.memory_space<hbm>>) target_semaphore(%arg14 : memref<!tpu.dma_semaphore, #tpu.memory_space<semaphore_mem>>)
    } else {
    }
    %convert_element_type3A_1328 = arith.extui %ne3A_649 : i1 to i32
    %cond3A_1329 = arith.constant 0 : i32
    %cond3A_1330 = arith.cmpi ne, %convert_element_type3A_1328, %cond3A_1329 : i32
    scf.if %cond3A_1330 {
      %dma_start3A = arith.constant 0 : i32
      %dma_start3A_1439 = arith.constant 0 : i32
      %dma_start3A_1440 = tpu.memref_slice %arg8[%add3A_641, %dma_start3A, %dma_start3A_1439] : memref<1024x128x256xf32, #tpu.memory_space<hbm>> -> memref<1x128x256xf32, #tpu.memory_space<hbm>>
      %dma_start3A_1441 = tpu.memref_squeeze %dma_start3A_1440 : memref<1x128x256xf32, #tpu.memory_space<hbm>> -> memref<128x256xf32, #tpu.memory_space<hbm>>
      %dma_start3A_1442 = arith.constant 0 : i32
      %dma_start3A_1443 = tpu.memref_slice %dma_start3A_1441[%squeeze3A_645, %dma_start3A_1442] : memref<128x256xf32, #tpu.memory_space<hbm>> -> memref<1x256xf32, #tpu.memory_space<hbm>>
      %dma_start3A_1444 = tpu.memref_squeeze %dma_start3A_1443 : memref<1x256xf32, #tpu.memory_space<hbm>> -> memref<256xf32, #tpu.memory_space<hbm>>
      %dma_start3A_1445 = arith.constant 0 : i32
      %dma_start3A_1446 = tpu.memref_slice %arg2[%squeeze3A_643, %dma_start3A_1445] : memref<2048x256xf32, #tpu.memory_space<hbm>> -> memref<1x256xf32, #tpu.memory_space<hbm>>
      %dma_start3A_1447 = tpu.memref_squeeze %dma_start3A_1446 : memref<1x256xf32, #tpu.memory_space<hbm>> -> memref<256xf32, #tpu.memory_space<hbm>>
      tpu.enqueue_dma source(%dma_start3A_1447 : memref<256xf32, #tpu.memory_space<hbm>>) target(%dma_start3A_1444 : memref<256xf32, #tpu.memory_space<hbm>>) target_semaphore(%arg14 : memref<!tpu.dma_semaphore, #tpu.memory_space<semaphore_mem>>)
    } else {
    }
    %convert_element_type3A_1331 = arith.extui %ne3A_663 : i1 to i32
    %cond3A_1332 = arith.constant 0 : i32
    %cond3A_1333 = arith.cmpi ne, %convert_element_type3A_1331, %cond3A_1332 : i32
    scf.if %cond3A_1333 {
      %dma_start3A = arith.constant 0 : i32
      %dma_start3A_1439 = arith.constant 0 : i32
      %dma_start3A_1440 = tpu.memref_slice %arg8[%add3A_655, %dma_start3A, %dma_start3A_1439] : memref<1024x128x256xf32, #tpu.memory_space<hbm>> -> memref<1x128x256xf32, #tpu.memory_space<hbm>>
      %dma_start3A_1441 = tpu.memref_squeeze %dma_start3A_1440 : memref<1x128x256xf32, #tpu.memory_space<hbm>> -> memref<128x256xf32, #tpu.memory_space<hbm>>
      %dma_start3A_1442 = arith.constant 0 : i32
      %dma_start3A_1443 = tpu.memref_slice %dma_start3A_1441[%squeeze3A_659, %dma_start3A_1442] : memref<128x256xf32, #tpu.memory_space<hbm>> -> memref<1x256xf32, #tpu.memory_space<hbm>>
      %dma_start3A_1444 = tpu.memref_squeeze %dma_start3A_1443 : memref<1x256xf32, #tpu.memory_space<hbm>> -> memref<256xf32, #tpu.memory_space<hbm>>
      %dma_start3A_1445 = arith.constant 0 : i32
      %dma_start3A_1446 = tpu.memref_slice %arg2[%squeeze3A_657, %dma_start3A_1445] : memref<2048x256xf32, #tpu.memory_space<hbm>> -> memref<1x256xf32, #tpu.memory_space<hbm>>
      %dma_start3A_1447 = tpu.memref_squeeze %dma_start3A_1446 : memref<1x256xf32, #tpu.memory_space<hbm>> -> memref<256xf32, #tpu.memory_space<hbm>>
      tpu.enqueue_dma source(%dma_start3A_1447 : memref<256xf32, #tpu.memory_space<hbm>>) target(%dma_start3A_1444 : memref<256xf32, #tpu.memory_space<hbm>>) target_semaphore(%arg14 : memref<!tpu.dma_semaphore, #tpu.memory_space<semaphore_mem>>)
    } else {
    }
    %convert_element_type3A_1334 = arith.extui %ne3A_677 : i1 to i32
    %cond3A_1335 = arith.constant 0 : i32
    %cond3A_1336 = arith.cmpi ne, %convert_element_type3A_1334, %cond3A_1335 : i32
    scf.if %cond3A_1336 {
      %dma_start3A = arith.constant 0 : i32
      %dma_start3A_1439 = arith.constant 0 : i32
      %dma_start3A_1440 = tpu.memref_slice %arg8[%add3A_669, %dma_start3A, %dma_start3A_1439] : memref<1024x128x256xf32, #tpu.memory_space<hbm>> -> memref<1x128x256xf32, #tpu.memory_space<hbm>>
      %dma_start3A_1441 = tpu.memref_squeeze %dma_start3A_1440 : memref<1x128x256xf32, #tpu.memory_space<hbm>> -> memref<128x256xf32, #tpu.memory_space<hbm>>
      %dma_start3A_1442 = arith.constant 0 : i32
      %dma_start3A_1443 = tpu.memref_slice %dma_start3A_1441[%squeeze3A_673, %dma_start3A_1442] : memref<128x256xf32, #tpu.memory_space<hbm>> -> memref<1x256xf32, #tpu.memory_space<hbm>>
      %dma_start3A_1444 = tpu.memref_squeeze %dma_start3A_1443 : memref<1x256xf32, #tpu.memory_space<hbm>> -> memref<256xf32, #tpu.memory_space<hbm>>
      %dma_start3A_1445 = arith.constant 0 : i32
      %dma_start3A_1446 = tpu.memref_slice %arg2[%squeeze3A_671, %dma_start3A_1445] : memref<2048x256xf32, #tpu.memory_space<hbm>> -> memref<1x256xf32, #tpu.memory_space<hbm>>
      %dma_start3A_1447 = tpu.memref_squeeze %dma_start3A_1446 : memref<1x256xf32, #tpu.memory_space<hbm>> -> memref<256xf32, #tpu.memory_space<hbm>>
      tpu.enqueue_dma source(%dma_start3A_1447 : memref<256xf32, #tpu.memory_space<hbm>>) target(%dma_start3A_1444 : memref<256xf32, #tpu.memory_space<hbm>>) target_semaphore(%arg14 : memref<!tpu.dma_semaphore, #tpu.memory_space<semaphore_mem>>)
    } else {
    }
    %convert_element_type3A_1337 = arith.extui %ne3A_691 : i1 to i32
    %cond3A_1338 = arith.constant 0 : i32
    %cond3A_1339 = arith.cmpi ne, %convert_element_type3A_1337, %cond3A_1338 : i32
    scf.if %cond3A_1339 {
      %dma_start3A = arith.constant 0 : i32
      %dma_start3A_1439 = arith.constant 0 : i32
      %dma_start3A_1440 = tpu.memref_slice %arg8[%add3A_683, %dma_start3A, %dma_start3A_1439] : memref<1024x128x256xf32, #tpu.memory_space<hbm>> -> memref<1x128x256xf32, #tpu.memory_space<hbm>>
      %dma_start3A_1441 = tpu.memref_squeeze %dma_start3A_1440 : memref<1x128x256xf32, #tpu.memory_space<hbm>> -> memref<128x256xf32, #tpu.memory_space<hbm>>
      %dma_start3A_1442 = arith.constant 0 : i32
      %dma_start3A_1443 = tpu.memref_slice %dma_start3A_1441[%squeeze3A_687, %dma_start3A_1442] : memref<128x256xf32, #tpu.memory_space<hbm>> -> memref<1x256xf32, #tpu.memory_space<hbm>>
      %dma_start3A_1444 = tpu.memref_squeeze %dma_start3A_1443 : memref<1x256xf32, #tpu.memory_space<hbm>> -> memref<256xf32, #tpu.memory_space<hbm>>
      %dma_start3A_1445 = arith.constant 0 : i32
      %dma_start3A_1446 = tpu.memref_slice %arg2[%squeeze3A_685, %dma_start3A_1445] : memref<2048x256xf32, #tpu.memory_space<hbm>> -> memref<1x256xf32, #tpu.memory_space<hbm>>
      %dma_start3A_1447 = tpu.memref_squeeze %dma_start3A_1446 : memref<1x256xf32, #tpu.memory_space<hbm>> -> memref<256xf32, #tpu.memory_space<hbm>>
      tpu.enqueue_dma source(%dma_start3A_1447 : memref<256xf32, #tpu.memory_space<hbm>>) target(%dma_start3A_1444 : memref<256xf32, #tpu.memory_space<hbm>>) target_semaphore(%arg14 : memref<!tpu.dma_semaphore, #tpu.memory_space<semaphore_mem>>)
    } else {
    }
    %convert_element_type3A_1340 = arith.extui %ne3A_705 : i1 to i32
    %cond3A_1341 = arith.constant 0 : i32
    %cond3A_1342 = arith.cmpi ne, %convert_element_type3A_1340, %cond3A_1341 : i32
    scf.if %cond3A_1342 {
      %dma_start3A = arith.constant 0 : i32
      %dma_start3A_1439 = arith.constant 0 : i32
      %dma_start3A_1440 = tpu.memref_slice %arg8[%add3A_697, %dma_start3A, %dma_start3A_1439] : memref<1024x128x256xf32, #tpu.memory_space<hbm>> -> memref<1x128x256xf32, #tpu.memory_space<hbm>>
      %dma_start3A_1441 = tpu.memref_squeeze %dma_start3A_1440 : memref<1x128x256xf32, #tpu.memory_space<hbm>> -> memref<128x256xf32, #tpu.memory_space<hbm>>
      %dma_start3A_1442 = arith.constant 0 : i32
      %dma_start3A_1443 = tpu.memref_slice %dma_start3A_1441[%squeeze3A_701, %dma_start3A_1442] : memref<128x256xf32, #tpu.memory_space<hbm>> -> memref<1x256xf32, #tpu.memory_space<hbm>>
      %dma_start3A_1444 = tpu.memref_squeeze %dma_start3A_1443 : memref<1x256xf32, #tpu.memory_space<hbm>> -> memref<256xf32, #tpu.memory_space<hbm>>
      %dma_start3A_1445 = arith.constant 0 : i32
      %dma_start3A_1446 = tpu.memref_slice %arg2[%squeeze3A_699, %dma_start3A_1445] : memref<2048x256xf32, #tpu.memory_space<hbm>> -> memref<1x256xf32, #tpu.memory_space<hbm>>
      %dma_start3A_1447 = tpu.memref_squeeze %dma_start3A_1446 : memref<1x256xf32, #tpu.memory_space<hbm>> -> memref<256xf32, #tpu.memory_space<hbm>>
      tpu.enqueue_dma source(%dma_start3A_1447 : memref<256xf32, #tpu.memory_space<hbm>>) target(%dma_start3A_1444 : memref<256xf32, #tpu.memory_space<hbm>>) target_semaphore(%arg14 : memref<!tpu.dma_semaphore, #tpu.memory_space<semaphore_mem>>)
    } else {
    }
    %convert_element_type3A_1343 = arith.extui %ne3A_151 : i1 to i32
    %cond3A_1344 = arith.constant 0 : i32
    %cond3A_1345 = arith.cmpi ne, %convert_element_type3A_1343, %cond3A_1344 : i32
    scf.if %cond3A_1345 {
      %dma_wait3A_1439 = arith.constant 0 : i32
      %dma_wait3A_1440 = arith.constant 0 : i32
      %dma_wait3A_1441 = arith.constant 0 : i32
      %dma_wait3A_1442 = arith.constant 0 : i32
      %dma_wait3A_1443 = tpu.memref_slice %arg8[%add3A_143, %dma_wait3A_1441, %dma_wait3A_1442] : memref<1024x128x256xf32, #tpu.memory_space<hbm>> -> memref<1x128x256xf32, #tpu.memory_space<hbm>>
      %dma_wait3A_1444 = tpu.memref_squeeze %dma_wait3A_1443 : memref<1x128x256xf32, #tpu.memory_space<hbm>> -> memref<128x256xf32, #tpu.memory_space<hbm>>
      %dma_wait3A_1445 = arith.constant 0 : i32
      %dma_wait3A_1446 = tpu.memref_slice %dma_wait3A_1444[%dma_wait3A_1440, %dma_wait3A_1445] : memref<128x256xf32, #tpu.memory_space<hbm>> -> memref<1x256xf32, #tpu.memory_space<hbm>>
      %dma_wait3A_1447 = tpu.memref_squeeze %dma_wait3A_1446 : memref<1x256xf32, #tpu.memory_space<hbm>> -> memref<256xf32, #tpu.memory_space<hbm>>
      %dma_wait3A_1448 = arith.constant 0 : i32
      %dma_wait3A_1449 = tpu.memref_slice %arg2[%dma_wait3A_1439, %dma_wait3A_1448] : memref<2048x256xf32, #tpu.memory_space<hbm>> -> memref<1x256xf32, #tpu.memory_space<hbm>>
      %dma_wait3A_1450 = tpu.memref_squeeze %dma_wait3A_1449 : memref<1x256xf32, #tpu.memory_space<hbm>> -> memref<256xf32, #tpu.memory_space<hbm>>
      tpu.wait_dma2 semaphore(%arg14 : memref<!tpu.dma_semaphore, #tpu.memory_space<semaphore_mem>>) src(%dma_wait3A_1450 : memref<256xf32, #tpu.memory_space<hbm>>) dst(%dma_wait3A_1447 : memref<256xf32, #tpu.memory_space<hbm>>)
    } else {
    }
    %convert_element_type3A_1346 = arith.extui %ne3A_165 : i1 to i32
    %cond3A_1347 = arith.constant 0 : i32
    %cond3A_1348 = arith.cmpi ne, %convert_element_type3A_1346, %cond3A_1347 : i32
    scf.if %cond3A_1348 {
      %dma_wait3A_1439 = arith.constant 0 : i32
      %dma_wait3A_1440 = arith.constant 0 : i32
      %dma_wait3A_1441 = arith.constant 0 : i32
      %dma_wait3A_1442 = arith.constant 0 : i32
      %dma_wait3A_1443 = tpu.memref_slice %arg8[%add3A_157, %dma_wait3A_1441, %dma_wait3A_1442] : memref<1024x128x256xf32, #tpu.memory_space<hbm>> -> memref<1x128x256xf32, #tpu.memory_space<hbm>>
      %dma_wait3A_1444 = tpu.memref_squeeze %dma_wait3A_1443 : memref<1x128x256xf32, #tpu.memory_space<hbm>> -> memref<128x256xf32, #tpu.memory_space<hbm>>
      %dma_wait3A_1445 = arith.constant 0 : i32
      %dma_wait3A_1446 = tpu.memref_slice %dma_wait3A_1444[%dma_wait3A_1440, %dma_wait3A_1445] : memref<128x256xf32, #tpu.memory_space<hbm>> -> memref<1x256xf32, #tpu.memory_space<hbm>>
      %dma_wait3A_1447 = tpu.memref_squeeze %dma_wait3A_1446 : memref<1x256xf32, #tpu.memory_space<hbm>> -> memref<256xf32, #tpu.memory_space<hbm>>
      %dma_wait3A_1448 = arith.constant 0 : i32
      %dma_wait3A_1449 = tpu.memref_slice %arg2[%dma_wait3A_1439, %dma_wait3A_1448] : memref<2048x256xf32, #tpu.memory_space<hbm>> -> memref<1x256xf32, #tpu.memory_space<hbm>>
      %dma_wait3A_1450 = tpu.memref_squeeze %dma_wait3A_1449 : memref<1x256xf32, #tpu.memory_space<hbm>> -> memref<256xf32, #tpu.memory_space<hbm>>
      tpu.wait_dma2 semaphore(%arg14 : memref<!tpu.dma_semaphore, #tpu.memory_space<semaphore_mem>>) src(%dma_wait3A_1450 : memref<256xf32, #tpu.memory_space<hbm>>) dst(%dma_wait3A_1447 : memref<256xf32, #tpu.memory_space<hbm>>)
    } else {
    }
    %convert_element_type3A_1349 = arith.extui %ne3A_179 : i1 to i32
    %cond3A_1350 = arith.constant 0 : i32
    %cond3A_1351 = arith.cmpi ne, %convert_element_type3A_1349, %cond3A_1350 : i32
    scf.if %cond3A_1351 {
      %dma_wait3A_1439 = arith.constant 0 : i32
      %dma_wait3A_1440 = arith.constant 0 : i32
      %dma_wait3A_1441 = arith.constant 0 : i32
      %dma_wait3A_1442 = arith.constant 0 : i32
      %dma_wait3A_1443 = tpu.memref_slice %arg8[%add3A_171, %dma_wait3A_1441, %dma_wait3A_1442] : memref<1024x128x256xf32, #tpu.memory_space<hbm>> -> memref<1x128x256xf32, #tpu.memory_space<hbm>>
      %dma_wait3A_1444 = tpu.memref_squeeze %dma_wait3A_1443 : memref<1x128x256xf32, #tpu.memory_space<hbm>> -> memref<128x256xf32, #tpu.memory_space<hbm>>
      %dma_wait3A_1445 = arith.constant 0 : i32
      %dma_wait3A_1446 = tpu.memref_slice %dma_wait3A_1444[%dma_wait3A_1440, %dma_wait3A_1445] : memref<128x256xf32, #tpu.memory_space<hbm>> -> memref<1x256xf32, #tpu.memory_space<hbm>>
      %dma_wait3A_1447 = tpu.memref_squeeze %dma_wait3A_1446 : memref<1x256xf32, #tpu.memory_space<hbm>> -> memref<256xf32, #tpu.memory_space<hbm>>
      %dma_wait3A_1448 = arith.constant 0 : i32
      %dma_wait3A_1449 = tpu.memref_slice %arg2[%dma_wait3A_1439, %dma_wait3A_1448] : memref<2048x256xf32, #tpu.memory_space<hbm>> -> memref<1x256xf32, #tpu.memory_space<hbm>>
      %dma_wait3A_1450 = tpu.memref_squeeze %dma_wait3A_1449 : memref<1x256xf32, #tpu.memory_space<hbm>> -> memref<256xf32, #tpu.memory_space<hbm>>
      tpu.wait_dma2 semaphore(%arg14 : memref<!tpu.dma_semaphore, #tpu.memory_space<semaphore_mem>>) src(%dma_wait3A_1450 : memref<256xf32, #tpu.memory_space<hbm>>) dst(%dma_wait3A_1447 : memref<256xf32, #tpu.memory_space<hbm>>)
    } else {
    }
    %convert_element_type3A_1352 = arith.extui %ne3A_193 : i1 to i32
    %cond3A_1353 = arith.constant 0 : i32
    %cond3A_1354 = arith.cmpi ne, %convert_element_type3A_1352, %cond3A_1353 : i32
    scf.if %cond3A_1354 {
      %dma_wait3A_1439 = arith.constant 0 : i32
      %dma_wait3A_1440 = arith.constant 0 : i32
      %dma_wait3A_1441 = arith.constant 0 : i32
      %dma_wait3A_1442 = arith.constant 0 : i32
      %dma_wait3A_1443 = tpu.memref_slice %arg8[%add3A_185, %dma_wait3A_1441, %dma_wait3A_1442] : memref<1024x128x256xf32, #tpu.memory_space<hbm>> -> memref<1x128x256xf32, #tpu.memory_space<hbm>>
      %dma_wait3A_1444 = tpu.memref_squeeze %dma_wait3A_1443 : memref<1x128x256xf32, #tpu.memory_space<hbm>> -> memref<128x256xf32, #tpu.memory_space<hbm>>
      %dma_wait3A_1445 = arith.constant 0 : i32
      %dma_wait3A_1446 = tpu.memref_slice %dma_wait3A_1444[%dma_wait3A_1440, %dma_wait3A_1445] : memref<128x256xf32, #tpu.memory_space<hbm>> -> memref<1x256xf32, #tpu.memory_space<hbm>>
      %dma_wait3A_1447 = tpu.memref_squeeze %dma_wait3A_1446 : memref<1x256xf32, #tpu.memory_space<hbm>> -> memref<256xf32, #tpu.memory_space<hbm>>
      %dma_wait3A_1448 = arith.constant 0 : i32
      %dma_wait3A_1449 = tpu.memref_slice %arg2[%dma_wait3A_1439, %dma_wait3A_1448] : memref<2048x256xf32, #tpu.memory_space<hbm>> -> memref<1x256xf32, #tpu.memory_space<hbm>>
      %dma_wait3A_1450 = tpu.memref_squeeze %dma_wait3A_1449 : memref<1x256xf32, #tpu.memory_space<hbm>> -> memref<256xf32, #tpu.memory_space<hbm>>
      tpu.wait_dma2 semaphore(%arg14 : memref<!tpu.dma_semaphore, #tpu.memory_space<semaphore_mem>>) src(%dma_wait3A_1450 : memref<256xf32, #tpu.memory_space<hbm>>) dst(%dma_wait3A_1447 : memref<256xf32, #tpu.memory_space<hbm>>)
    } else {
    }
    %convert_element_type3A_1355 = arith.extui %ne3A_207 : i1 to i32
    %cond3A_1356 = arith.constant 0 : i32
    %cond3A_1357 = arith.cmpi ne, %convert_element_type3A_1355, %cond3A_1356 : i32
    scf.if %cond3A_1357 {
      %dma_wait3A_1439 = arith.constant 0 : i32
      %dma_wait3A_1440 = arith.constant 0 : i32
      %dma_wait3A_1441 = arith.constant 0 : i32
      %dma_wait3A_1442 = arith.constant 0 : i32
      %dma_wait3A_1443 = tpu.memref_slice %arg8[%add3A_199, %dma_wait3A_1441, %dma_wait3A_1442] : memref<1024x128x256xf32, #tpu.memory_space<hbm>> -> memref<1x128x256xf32, #tpu.memory_space<hbm>>
      %dma_wait3A_1444 = tpu.memref_squeeze %dma_wait3A_1443 : memref<1x128x256xf32, #tpu.memory_space<hbm>> -> memref<128x256xf32, #tpu.memory_space<hbm>>
      %dma_wait3A_1445 = arith.constant 0 : i32
      %dma_wait3A_1446 = tpu.memref_slice %dma_wait3A_1444[%dma_wait3A_1440, %dma_wait3A_1445] : memref<128x256xf32, #tpu.memory_space<hbm>> -> memref<1x256xf32, #tpu.memory_space<hbm>>
      %dma_wait3A_1447 = tpu.memref_squeeze %dma_wait3A_1446 : memref<1x256xf32, #tpu.memory_space<hbm>> -> memref<256xf32, #tpu.memory_space<hbm>>
      %dma_wait3A_1448 = arith.constant 0 : i32
      %dma_wait3A_1449 = tpu.memref_slice %arg2[%dma_wait3A_1439, %dma_wait3A_1448] : memref<2048x256xf32, #tpu.memory_space<hbm>> -> memref<1x256xf32, #tpu.memory_space<hbm>>
      %dma_wait3A_1450 = tpu.memref_squeeze %dma_wait3A_1449 : memref<1x256xf32, #tpu.memory_space<hbm>> -> memref<256xf32, #tpu.memory_space<hbm>>
      tpu.wait_dma2 semaphore(%arg14 : memref<!tpu.dma_semaphore, #tpu.memory_space<semaphore_mem>>) src(%dma_wait3A_1450 : memref<256xf32, #tpu.memory_space<hbm>>) dst(%dma_wait3A_1447 : memref<256xf32, #tpu.memory_space<hbm>>)
    } else {
    }
    %convert_element_type3A_1358 = arith.extui %ne3A_221 : i1 to i32
    %cond3A_1359 = arith.constant 0 : i32
    %cond3A_1360 = arith.cmpi ne, %convert_element_type3A_1358, %cond3A_1359 : i32
    scf.if %cond3A_1360 {
      %dma_wait3A_1439 = arith.constant 0 : i32
      %dma_wait3A_1440 = arith.constant 0 : i32
      %dma_wait3A_1441 = arith.constant 0 : i32
      %dma_wait3A_1442 = arith.constant 0 : i32
      %dma_wait3A_1443 = tpu.memref_slice %arg8[%add3A_213, %dma_wait3A_1441, %dma_wait3A_1442] : memref<1024x128x256xf32, #tpu.memory_space<hbm>> -> memref<1x128x256xf32, #tpu.memory_space<hbm>>
      %dma_wait3A_1444 = tpu.memref_squeeze %dma_wait3A_1443 : memref<1x128x256xf32, #tpu.memory_space<hbm>> -> memref<128x256xf32, #tpu.memory_space<hbm>>
      %dma_wait3A_1445 = arith.constant 0 : i32
      %dma_wait3A_1446 = tpu.memref_slice %dma_wait3A_1444[%dma_wait3A_1440, %dma_wait3A_1445] : memref<128x256xf32, #tpu.memory_space<hbm>> -> memref<1x256xf32, #tpu.memory_space<hbm>>
      %dma_wait3A_1447 = tpu.memref_squeeze %dma_wait3A_1446 : memref<1x256xf32, #tpu.memory_space<hbm>> -> memref<256xf32, #tpu.memory_space<hbm>>
      %dma_wait3A_1448 = arith.constant 0 : i32
      %dma_wait3A_1449 = tpu.memref_slice %arg2[%dma_wait3A_1439, %dma_wait3A_1448] : memref<2048x256xf32, #tpu.memory_space<hbm>> -> memref<1x256xf32, #tpu.memory_space<hbm>>
      %dma_wait3A_1450 = tpu.memref_squeeze %dma_wait3A_1449 : memref<1x256xf32, #tpu.memory_space<hbm>> -> memref<256xf32, #tpu.memory_space<hbm>>
      tpu.wait_dma2 semaphore(%arg14 : memref<!tpu.dma_semaphore, #tpu.memory_space<semaphore_mem>>) src(%dma_wait3A_1450 : memref<256xf32, #tpu.memory_space<hbm>>) dst(%dma_wait3A_1447 : memref<256xf32, #tpu.memory_space<hbm>>)
    } else {
    }
    %convert_element_type3A_1361 = arith.extui %ne3A_235 : i1 to i32
    %cond3A_1362 = arith.constant 0 : i32
    %cond3A_1363 = arith.cmpi ne, %convert_element_type3A_1361, %cond3A_1362 : i32
    scf.if %cond3A_1363 {
      %dma_wait3A_1439 = arith.constant 0 : i32
      %dma_wait3A_1440 = arith.constant 0 : i32
      %dma_wait3A_1441 = arith.constant 0 : i32
      %dma_wait3A_1442 = arith.constant 0 : i32
      %dma_wait3A_1443 = tpu.memref_slice %arg8[%add3A_227, %dma_wait3A_1441, %dma_wait3A_1442] : memref<1024x128x256xf32, #tpu.memory_space<hbm>> -> memref<1x128x256xf32, #tpu.memory_space<hbm>>
      %dma_wait3A_1444 = tpu.memref_squeeze %dma_wait3A_1443 : memref<1x128x256xf32, #tpu.memory_space<hbm>> -> memref<128x256xf32, #tpu.memory_space<hbm>>
      %dma_wait3A_1445 = arith.constant 0 : i32
      %dma_wait3A_1446 = tpu.memref_slice %dma_wait3A_1444[%dma_wait3A_1440, %dma_wait3A_1445] : memref<128x256xf32, #tpu.memory_space<hbm>> -> memref<1x256xf32, #tpu.memory_space<hbm>>
      %dma_wait3A_1447 = tpu.memref_squeeze %dma_wait3A_1446 : memref<1x256xf32, #tpu.memory_space<hbm>> -> memref<256xf32, #tpu.memory_space<hbm>>
      %dma_wait3A_1448 = arith.constant 0 : i32
      %dma_wait3A_1449 = tpu.memref_slice %arg2[%dma_wait3A_1439, %dma_wait3A_1448] : memref<2048x256xf32, #tpu.memory_space<hbm>> -> memref<1x256xf32, #tpu.memory_space<hbm>>
      %dma_wait3A_1450 = tpu.memref_squeeze %dma_wait3A_1449 : memref<1x256xf32, #tpu.memory_space<hbm>> -> memref<256xf32, #tpu.memory_space<hbm>>
      tpu.wait_dma2 semaphore(%arg14 : memref<!tpu.dma_semaphore, #tpu.memory_space<semaphore_mem>>) src(%dma_wait3A_1450 : memref<256xf32, #tpu.memory_space<hbm>>) dst(%dma_wait3A_1447 : memref<256xf32, #tpu.memory_space<hbm>>)
    } else {
    }
    %convert_element_type3A_1364 = arith.extui %ne3A_249 : i1 to i32
    %cond3A_1365 = arith.constant 0 : i32
    %cond3A_1366 = arith.cmpi ne, %convert_element_type3A_1364, %cond3A_1365 : i32
    scf.if %cond3A_1366 {
      %dma_wait3A_1439 = arith.constant 0 : i32
      %dma_wait3A_1440 = arith.constant 0 : i32
      %dma_wait3A_1441 = arith.constant 0 : i32
      %dma_wait3A_1442 = arith.constant 0 : i32
      %dma_wait3A_1443 = tpu.memref_slice %arg8[%add3A_241, %dma_wait3A_1441, %dma_wait3A_1442] : memref<1024x128x256xf32, #tpu.memory_space<hbm>> -> memref<1x128x256xf32, #tpu.memory_space<hbm>>
      %dma_wait3A_1444 = tpu.memref_squeeze %dma_wait3A_1443 : memref<1x128x256xf32, #tpu.memory_space<hbm>> -> memref<128x256xf32, #tpu.memory_space<hbm>>
      %dma_wait3A_1445 = arith.constant 0 : i32
      %dma_wait3A_1446 = tpu.memref_slice %dma_wait3A_1444[%dma_wait3A_1440, %dma_wait3A_1445] : memref<128x256xf32, #tpu.memory_space<hbm>> -> memref<1x256xf32, #tpu.memory_space<hbm>>
      %dma_wait3A_1447 = tpu.memref_squeeze %dma_wait3A_1446 : memref<1x256xf32, #tpu.memory_space<hbm>> -> memref<256xf32, #tpu.memory_space<hbm>>
      %dma_wait3A_1448 = arith.constant 0 : i32
      %dma_wait3A_1449 = tpu.memref_slice %arg2[%dma_wait3A_1439, %dma_wait3A_1448] : memref<2048x256xf32, #tpu.memory_space<hbm>> -> memref<1x256xf32, #tpu.memory_space<hbm>>
      %dma_wait3A_1450 = tpu.memref_squeeze %dma_wait3A_1449 : memref<1x256xf32, #tpu.memory_space<hbm>> -> memref<256xf32, #tpu.memory_space<hbm>>
      tpu.wait_dma2 semaphore(%arg14 : memref<!tpu.dma_semaphore, #tpu.memory_space<semaphore_mem>>) src(%dma_wait3A_1450 : memref<256xf32, #tpu.memory_space<hbm>>) dst(%dma_wait3A_1447 : memref<256xf32, #tpu.memory_space<hbm>>)
    } else {
    }
    %convert_element_type3A_1367 = arith.extui %ne3A_263 : i1 to i32
    %cond3A_1368 = arith.constant 0 : i32
    %cond3A_1369 = arith.cmpi ne, %convert_element_type3A_1367, %cond3A_1368 : i32
    scf.if %cond3A_1369 {
      %dma_wait3A_1439 = arith.constant 0 : i32
      %dma_wait3A_1440 = arith.constant 0 : i32
      %dma_wait3A_1441 = arith.constant 0 : i32
      %dma_wait3A_1442 = arith.constant 0 : i32
      %dma_wait3A_1443 = tpu.memref_slice %arg8[%add3A_255, %dma_wait3A_1441, %dma_wait3A_1442] : memref<1024x128x256xf32, #tpu.memory_space<hbm>> -> memref<1x128x256xf32, #tpu.memory_space<hbm>>
      %dma_wait3A_1444 = tpu.memref_squeeze %dma_wait3A_1443 : memref<1x128x256xf32, #tpu.memory_space<hbm>> -> memref<128x256xf32, #tpu.memory_space<hbm>>
      %dma_wait3A_1445 = arith.constant 0 : i32
      %dma_wait3A_1446 = tpu.memref_slice %dma_wait3A_1444[%dma_wait3A_1440, %dma_wait3A_1445] : memref<128x256xf32, #tpu.memory_space<hbm>> -> memref<1x256xf32, #tpu.memory_space<hbm>>
      %dma_wait3A_1447 = tpu.memref_squeeze %dma_wait3A_1446 : memref<1x256xf32, #tpu.memory_space<hbm>> -> memref<256xf32, #tpu.memory_space<hbm>>
      %dma_wait3A_1448 = arith.constant 0 : i32
      %dma_wait3A_1449 = tpu.memref_slice %arg2[%dma_wait3A_1439, %dma_wait3A_1448] : memref<2048x256xf32, #tpu.memory_space<hbm>> -> memref<1x256xf32, #tpu.memory_space<hbm>>
      %dma_wait3A_1450 = tpu.memref_squeeze %dma_wait3A_1449 : memref<1x256xf32, #tpu.memory_space<hbm>> -> memref<256xf32, #tpu.memory_space<hbm>>
      tpu.wait_dma2 semaphore(%arg14 : memref<!tpu.dma_semaphore, #tpu.memory_space<semaphore_mem>>) src(%dma_wait3A_1450 : memref<256xf32, #tpu.memory_space<hbm>>) dst(%dma_wait3A_1447 : memref<256xf32, #tpu.memory_space<hbm>>)
    } else {
    }
    %convert_element_type3A_1370 = arith.extui %ne3A_277 : i1 to i32
    %cond3A_1371 = arith.constant 0 : i32
    %cond3A_1372 = arith.cmpi ne, %convert_element_type3A_1370, %cond3A_1371 : i32
    scf.if %cond3A_1372 {
      %dma_wait3A_1439 = arith.constant 0 : i32
      %dma_wait3A_1440 = arith.constant 0 : i32
      %dma_wait3A_1441 = arith.constant 0 : i32
      %dma_wait3A_1442 = arith.constant 0 : i32
      %dma_wait3A_1443 = tpu.memref_slice %arg8[%add3A_269, %dma_wait3A_1441, %dma_wait3A_1442] : memref<1024x128x256xf32, #tpu.memory_space<hbm>> -> memref<1x128x256xf32, #tpu.memory_space<hbm>>
      %dma_wait3A_1444 = tpu.memref_squeeze %dma_wait3A_1443 : memref<1x128x256xf32, #tpu.memory_space<hbm>> -> memref<128x256xf32, #tpu.memory_space<hbm>>
      %dma_wait3A_1445 = arith.constant 0 : i32
      %dma_wait3A_1446 = tpu.memref_slice %dma_wait3A_1444[%dma_wait3A_1440, %dma_wait3A_1445] : memref<128x256xf32, #tpu.memory_space<hbm>> -> memref<1x256xf32, #tpu.memory_space<hbm>>
      %dma_wait3A_1447 = tpu.memref_squeeze %dma_wait3A_1446 : memref<1x256xf32, #tpu.memory_space<hbm>> -> memref<256xf32, #tpu.memory_space<hbm>>
      %dma_wait3A_1448 = arith.constant 0 : i32
      %dma_wait3A_1449 = tpu.memref_slice %arg2[%dma_wait3A_1439, %dma_wait3A_1448] : memref<2048x256xf32, #tpu.memory_space<hbm>> -> memref<1x256xf32, #tpu.memory_space<hbm>>
      %dma_wait3A_1450 = tpu.memref_squeeze %dma_wait3A_1449 : memref<1x256xf32, #tpu.memory_space<hbm>> -> memref<256xf32, #tpu.memory_space<hbm>>
      tpu.wait_dma2 semaphore(%arg14 : memref<!tpu.dma_semaphore, #tpu.memory_space<semaphore_mem>>) src(%dma_wait3A_1450 : memref<256xf32, #tpu.memory_space<hbm>>) dst(%dma_wait3A_1447 : memref<256xf32, #tpu.memory_space<hbm>>)
    } else {
    }
    %convert_element_type3A_1373 = arith.extui %ne3A_291 : i1 to i32
    %cond3A_1374 = arith.constant 0 : i32
    %cond3A_1375 = arith.cmpi ne, %convert_element_type3A_1373, %cond3A_1374 : i32
    scf.if %cond3A_1375 {
      %dma_wait3A_1439 = arith.constant 0 : i32
      %dma_wait3A_1440 = arith.constant 0 : i32
      %dma_wait3A_1441 = arith.constant 0 : i32
      %dma_wait3A_1442 = arith.constant 0 : i32
      %dma_wait3A_1443 = tpu.memref_slice %arg8[%add3A_283, %dma_wait3A_1441, %dma_wait3A_1442] : memref<1024x128x256xf32, #tpu.memory_space<hbm>> -> memref<1x128x256xf32, #tpu.memory_space<hbm>>
      %dma_wait3A_1444 = tpu.memref_squeeze %dma_wait3A_1443 : memref<1x128x256xf32, #tpu.memory_space<hbm>> -> memref<128x256xf32, #tpu.memory_space<hbm>>
      %dma_wait3A_1445 = arith.constant 0 : i32
      %dma_wait3A_1446 = tpu.memref_slice %dma_wait3A_1444[%dma_wait3A_1440, %dma_wait3A_1445] : memref<128x256xf32, #tpu.memory_space<hbm>> -> memref<1x256xf32, #tpu.memory_space<hbm>>
      %dma_wait3A_1447 = tpu.memref_squeeze %dma_wait3A_1446 : memref<1x256xf32, #tpu.memory_space<hbm>> -> memref<256xf32, #tpu.memory_space<hbm>>
      %dma_wait3A_1448 = arith.constant 0 : i32
      %dma_wait3A_1449 = tpu.memref_slice %arg2[%dma_wait3A_1439, %dma_wait3A_1448] : memref<2048x256xf32, #tpu.memory_space<hbm>> -> memref<1x256xf32, #tpu.memory_space<hbm>>
      %dma_wait3A_1450 = tpu.memref_squeeze %dma_wait3A_1449 : memref<1x256xf32, #tpu.memory_space<hbm>> -> memref<256xf32, #tpu.memory_space<hbm>>
      tpu.wait_dma2 semaphore(%arg14 : memref<!tpu.dma_semaphore, #tpu.memory_space<semaphore_mem>>) src(%dma_wait3A_1450 : memref<256xf32, #tpu.memory_space<hbm>>) dst(%dma_wait3A_1447 : memref<256xf32, #tpu.memory_space<hbm>>)
    } else {
    }
    %convert_element_type3A_1376 = arith.extui %ne3A_305 : i1 to i32
    %cond3A_1377 = arith.constant 0 : i32
    %cond3A_1378 = arith.cmpi ne, %convert_element_type3A_1376, %cond3A_1377 : i32
    scf.if %cond3A_1378 {
      %dma_wait3A_1439 = arith.constant 0 : i32
      %dma_wait3A_1440 = arith.constant 0 : i32
      %dma_wait3A_1441 = arith.constant 0 : i32
      %dma_wait3A_1442 = arith.constant 0 : i32
      %dma_wait3A_1443 = tpu.memref_slice %arg8[%add3A_297, %dma_wait3A_1441, %dma_wait3A_1442] : memref<1024x128x256xf32, #tpu.memory_space<hbm>> -> memref<1x128x256xf32, #tpu.memory_space<hbm>>
      %dma_wait3A_1444 = tpu.memref_squeeze %dma_wait3A_1443 : memref<1x128x256xf32, #tpu.memory_space<hbm>> -> memref<128x256xf32, #tpu.memory_space<hbm>>
      %dma_wait3A_1445 = arith.constant 0 : i32
      %dma_wait3A_1446 = tpu.memref_slice %dma_wait3A_1444[%dma_wait3A_1440, %dma_wait3A_1445] : memref<128x256xf32, #tpu.memory_space<hbm>> -> memref<1x256xf32, #tpu.memory_space<hbm>>
      %dma_wait3A_1447 = tpu.memref_squeeze %dma_wait3A_1446 : memref<1x256xf32, #tpu.memory_space<hbm>> -> memref<256xf32, #tpu.memory_space<hbm>>
      %dma_wait3A_1448 = arith.constant 0 : i32
      %dma_wait3A_1449 = tpu.memref_slice %arg2[%dma_wait3A_1439, %dma_wait3A_1448] : memref<2048x256xf32, #tpu.memory_space<hbm>> -> memref<1x256xf32, #tpu.memory_space<hbm>>
      %dma_wait3A_1450 = tpu.memref_squeeze %dma_wait3A_1449 : memref<1x256xf32, #tpu.memory_space<hbm>> -> memref<256xf32, #tpu.memory_space<hbm>>
      tpu.wait_dma2 semaphore(%arg14 : memref<!tpu.dma_semaphore, #tpu.memory_space<semaphore_mem>>) src(%dma_wait3A_1450 : memref<256xf32, #tpu.memory_space<hbm>>) dst(%dma_wait3A_1447 : memref<256xf32, #tpu.memory_space<hbm>>)
    } else {
    }
    %convert_element_type3A_1379 = arith.extui %ne3A_319 : i1 to i32
    %cond3A_1380 = arith.constant 0 : i32
    %cond3A_1381 = arith.cmpi ne, %convert_element_type3A_1379, %cond3A_1380 : i32
    scf.if %cond3A_1381 {
      %dma_wait3A_1439 = arith.constant 0 : i32
      %dma_wait3A_1440 = arith.constant 0 : i32
      %dma_wait3A_1441 = arith.constant 0 : i32
      %dma_wait3A_1442 = arith.constant 0 : i32
      %dma_wait3A_1443 = tpu.memref_slice %arg8[%add3A_311, %dma_wait3A_1441, %dma_wait3A_1442] : memref<1024x128x256xf32, #tpu.memory_space<hbm>> -> memref<1x128x256xf32, #tpu.memory_space<hbm>>
      %dma_wait3A_1444 = tpu.memref_squeeze %dma_wait3A_1443 : memref<1x128x256xf32, #tpu.memory_space<hbm>> -> memref<128x256xf32, #tpu.memory_space<hbm>>
      %dma_wait3A_1445 = arith.constant 0 : i32
      %dma_wait3A_1446 = tpu.memref_slice %dma_wait3A_1444[%dma_wait3A_1440, %dma_wait3A_1445] : memref<128x256xf32, #tpu.memory_space<hbm>> -> memref<1x256xf32, #tpu.memory_space<hbm>>
      %dma_wait3A_1447 = tpu.memref_squeeze %dma_wait3A_1446 : memref<1x256xf32, #tpu.memory_space<hbm>> -> memref<256xf32, #tpu.memory_space<hbm>>
      %dma_wait3A_1448 = arith.constant 0 : i32
      %dma_wait3A_1449 = tpu.memref_slice %arg2[%dma_wait3A_1439, %dma_wait3A_1448] : memref<2048x256xf32, #tpu.memory_space<hbm>> -> memref<1x256xf32, #tpu.memory_space<hbm>>
      %dma_wait3A_1450 = tpu.memref_squeeze %dma_wait3A_1449 : memref<1x256xf32, #tpu.memory_space<hbm>> -> memref<256xf32, #tpu.memory_space<hbm>>
      tpu.wait_dma2 semaphore(%arg14 : memref<!tpu.dma_semaphore, #tpu.memory_space<semaphore_mem>>) src(%dma_wait3A_1450 : memref<256xf32, #tpu.memory_space<hbm>>) dst(%dma_wait3A_1447 : memref<256xf32, #tpu.memory_space<hbm>>)
    } else {
    }
    %convert_element_type3A_1382 = arith.extui %ne3A_333 : i1 to i32
    %cond3A_1383 = arith.constant 0 : i32
    %cond3A_1384 = arith.cmpi ne, %convert_element_type3A_1382, %cond3A_1383 : i32
    scf.if %cond3A_1384 {
      %dma_wait3A_1439 = arith.constant 0 : i32
      %dma_wait3A_1440 = arith.constant 0 : i32
      %dma_wait3A_1441 = arith.constant 0 : i32
      %dma_wait3A_1442 = arith.constant 0 : i32
      %dma_wait3A_1443 = tpu.memref_slice %arg8[%add3A_325, %dma_wait3A_1441, %dma_wait3A_1442] : memref<1024x128x256xf32, #tpu.memory_space<hbm>> -> memref<1x128x256xf32, #tpu.memory_space<hbm>>
      %dma_wait3A_1444 = tpu.memref_squeeze %dma_wait3A_1443 : memref<1x128x256xf32, #tpu.memory_space<hbm>> -> memref<128x256xf32, #tpu.memory_space<hbm>>
      %dma_wait3A_1445 = arith.constant 0 : i32
      %dma_wait3A_1446 = tpu.memref_slice %dma_wait3A_1444[%dma_wait3A_1440, %dma_wait3A_1445] : memref<128x256xf32, #tpu.memory_space<hbm>> -> memref<1x256xf32, #tpu.memory_space<hbm>>
      %dma_wait3A_1447 = tpu.memref_squeeze %dma_wait3A_1446 : memref<1x256xf32, #tpu.memory_space<hbm>> -> memref<256xf32, #tpu.memory_space<hbm>>
      %dma_wait3A_1448 = arith.constant 0 : i32
      %dma_wait3A_1449 = tpu.memref_slice %arg2[%dma_wait3A_1439, %dma_wait3A_1448] : memref<2048x256xf32, #tpu.memory_space<hbm>> -> memref<1x256xf32, #tpu.memory_space<hbm>>
      %dma_wait3A_1450 = tpu.memref_squeeze %dma_wait3A_1449 : memref<1x256xf32, #tpu.memory_space<hbm>> -> memref<256xf32, #tpu.memory_space<hbm>>
      tpu.wait_dma2 semaphore(%arg14 : memref<!tpu.dma_semaphore, #tpu.memory_space<semaphore_mem>>) src(%dma_wait3A_1450 : memref<256xf32, #tpu.memory_space<hbm>>) dst(%dma_wait3A_1447 : memref<256xf32, #tpu.memory_space<hbm>>)
    } else {
    }
    %convert_element_type3A_1385 = arith.extui %ne3A_347 : i1 to i32
    %cond3A_1386 = arith.constant 0 : i32
    %cond3A_1387 = arith.cmpi ne, %convert_element_type3A_1385, %cond3A_1386 : i32
    scf.if %cond3A_1387 {
      %dma_wait3A_1439 = arith.constant 0 : i32
      %dma_wait3A_1440 = arith.constant 0 : i32
      %dma_wait3A_1441 = arith.constant 0 : i32
      %dma_wait3A_1442 = arith.constant 0 : i32
      %dma_wait3A_1443 = tpu.memref_slice %arg8[%add3A_339, %dma_wait3A_1441, %dma_wait3A_1442] : memref<1024x128x256xf32, #tpu.memory_space<hbm>> -> memref<1x128x256xf32, #tpu.memory_space<hbm>>
      %dma_wait3A_1444 = tpu.memref_squeeze %dma_wait3A_1443 : memref<1x128x256xf32, #tpu.memory_space<hbm>> -> memref<128x256xf32, #tpu.memory_space<hbm>>
      %dma_wait3A_1445 = arith.constant 0 : i32
      %dma_wait3A_1446 = tpu.memref_slice %dma_wait3A_1444[%dma_wait3A_1440, %dma_wait3A_1445] : memref<128x256xf32, #tpu.memory_space<hbm>> -> memref<1x256xf32, #tpu.memory_space<hbm>>
      %dma_wait3A_1447 = tpu.memref_squeeze %dma_wait3A_1446 : memref<1x256xf32, #tpu.memory_space<hbm>> -> memref<256xf32, #tpu.memory_space<hbm>>
      %dma_wait3A_1448 = arith.constant 0 : i32
      %dma_wait3A_1449 = tpu.memref_slice %arg2[%dma_wait3A_1439, %dma_wait3A_1448] : memref<2048x256xf32, #tpu.memory_space<hbm>> -> memref<1x256xf32, #tpu.memory_space<hbm>>
      %dma_wait3A_1450 = tpu.memref_squeeze %dma_wait3A_1449 : memref<1x256xf32, #tpu.memory_space<hbm>> -> memref<256xf32, #tpu.memory_space<hbm>>
      tpu.wait_dma2 semaphore(%arg14 : memref<!tpu.dma_semaphore, #tpu.memory_space<semaphore_mem>>) src(%dma_wait3A_1450 : memref<256xf32, #tpu.memory_space<hbm>>) dst(%dma_wait3A_1447 : memref<256xf32, #tpu.memory_space<hbm>>)
    } else {
    }
    %convert_element_type3A_1388 = arith.extui %ne3A_361 : i1 to i32
    %cond3A_1389 = arith.constant 0 : i32
    %cond3A_1390 = arith.cmpi ne, %convert_element_type3A_1388, %cond3A_1389 : i32
    scf.if %cond3A_1390 {
      %dma_wait3A_1439 = arith.constant 0 : i32
      %dma_wait3A_1440 = arith.constant 0 : i32
      %dma_wait3A_1441 = arith.constant 0 : i32
      %dma_wait3A_1442 = arith.constant 0 : i32
      %dma_wait3A_1443 = tpu.memref_slice %arg8[%add3A_353, %dma_wait3A_1441, %dma_wait3A_1442] : memref<1024x128x256xf32, #tpu.memory_space<hbm>> -> memref<1x128x256xf32, #tpu.memory_space<hbm>>
      %dma_wait3A_1444 = tpu.memref_squeeze %dma_wait3A_1443 : memref<1x128x256xf32, #tpu.memory_space<hbm>> -> memref<128x256xf32, #tpu.memory_space<hbm>>
      %dma_wait3A_1445 = arith.constant 0 : i32
      %dma_wait3A_1446 = tpu.memref_slice %dma_wait3A_1444[%dma_wait3A_1440, %dma_wait3A_1445] : memref<128x256xf32, #tpu.memory_space<hbm>> -> memref<1x256xf32, #tpu.memory_space<hbm>>
      %dma_wait3A_1447 = tpu.memref_squeeze %dma_wait3A_1446 : memref<1x256xf32, #tpu.memory_space<hbm>> -> memref<256xf32, #tpu.memory_space<hbm>>
      %dma_wait3A_1448 = arith.constant 0 : i32
      %dma_wait3A_1449 = tpu.memref_slice %arg2[%dma_wait3A_1439, %dma_wait3A_1448] : memref<2048x256xf32, #tpu.memory_space<hbm>> -> memref<1x256xf32, #tpu.memory_space<hbm>>
      %dma_wait3A_1450 = tpu.memref_squeeze %dma_wait3A_1449 : memref<1x256xf32, #tpu.memory_space<hbm>> -> memref<256xf32, #tpu.memory_space<hbm>>
      tpu.wait_dma2 semaphore(%arg14 : memref<!tpu.dma_semaphore, #tpu.memory_space<semaphore_mem>>) src(%dma_wait3A_1450 : memref<256xf32, #tpu.memory_space<hbm>>) dst(%dma_wait3A_1447 : memref<256xf32, #tpu.memory_space<hbm>>)
    } else {
    }
    %convert_element_type3A_1391 = arith.extui %ne3A_495 : i1 to i32
    %cond3A_1392 = arith.constant 0 : i32
    %cond3A_1393 = arith.cmpi ne, %convert_element_type3A_1391, %cond3A_1392 : i32
    scf.if %cond3A_1393 {
      %dma_wait3A_1439 = arith.constant 0 : i32
      %dma_wait3A_1440 = arith.constant 0 : i32
      %dma_wait3A_1441 = arith.constant 0 : i32
      %dma_wait3A_1442 = arith.constant 0 : i32
      %dma_wait3A_1443 = tpu.memref_slice %arg8[%add3A_487, %dma_wait3A_1441, %dma_wait3A_1442] : memref<1024x128x256xf32, #tpu.memory_space<hbm>> -> memref<1x128x256xf32, #tpu.memory_space<hbm>>
      %dma_wait3A_1444 = tpu.memref_squeeze %dma_wait3A_1443 : memref<1x128x256xf32, #tpu.memory_space<hbm>> -> memref<128x256xf32, #tpu.memory_space<hbm>>
      %dma_wait3A_1445 = arith.constant 0 : i32
      %dma_wait3A_1446 = tpu.memref_slice %dma_wait3A_1444[%dma_wait3A_1440, %dma_wait3A_1445] : memref<128x256xf32, #tpu.memory_space<hbm>> -> memref<1x256xf32, #tpu.memory_space<hbm>>
      %dma_wait3A_1447 = tpu.memref_squeeze %dma_wait3A_1446 : memref<1x256xf32, #tpu.memory_space<hbm>> -> memref<256xf32, #tpu.memory_space<hbm>>
      %dma_wait3A_1448 = arith.constant 0 : i32
      %dma_wait3A_1449 = tpu.memref_slice %arg2[%dma_wait3A_1439, %dma_wait3A_1448] : memref<2048x256xf32, #tpu.memory_space<hbm>> -> memref<1x256xf32, #tpu.memory_space<hbm>>
      %dma_wait3A_1450 = tpu.memref_squeeze %dma_wait3A_1449 : memref<1x256xf32, #tpu.memory_space<hbm>> -> memref<256xf32, #tpu.memory_space<hbm>>
      tpu.wait_dma2 semaphore(%arg14 : memref<!tpu.dma_semaphore, #tpu.memory_space<semaphore_mem>>) src(%dma_wait3A_1450 : memref<256xf32, #tpu.memory_space<hbm>>) dst(%dma_wait3A_1447 : memref<256xf32, #tpu.memory_space<hbm>>)
    } else {
    }
    %convert_element_type3A_1394 = arith.extui %ne3A_509 : i1 to i32
    %cond3A_1395 = arith.constant 0 : i32
    %cond3A_1396 = arith.cmpi ne, %convert_element_type3A_1394, %cond3A_1395 : i32
    scf.if %cond3A_1396 {
      %dma_wait3A_1439 = arith.constant 0 : i32
      %dma_wait3A_1440 = arith.constant 0 : i32
      %dma_wait3A_1441 = arith.constant 0 : i32
      %dma_wait3A_1442 = arith.constant 0 : i32
      %dma_wait3A_1443 = tpu.memref_slice %arg8[%add3A_501, %dma_wait3A_1441, %dma_wait3A_1442] : memref<1024x128x256xf32, #tpu.memory_space<hbm>> -> memref<1x128x256xf32, #tpu.memory_space<hbm>>
      %dma_wait3A_1444 = tpu.memref_squeeze %dma_wait3A_1443 : memref<1x128x256xf32, #tpu.memory_space<hbm>> -> memref<128x256xf32, #tpu.memory_space<hbm>>
      %dma_wait3A_1445 = arith.constant 0 : i32
      %dma_wait3A_1446 = tpu.memref_slice %dma_wait3A_1444[%dma_wait3A_1440, %dma_wait3A_1445] : memref<128x256xf32, #tpu.memory_space<hbm>> -> memref<1x256xf32, #tpu.memory_space<hbm>>
      %dma_wait3A_1447 = tpu.memref_squeeze %dma_wait3A_1446 : memref<1x256xf32, #tpu.memory_space<hbm>> -> memref<256xf32, #tpu.memory_space<hbm>>
      %dma_wait3A_1448 = arith.constant 0 : i32
      %dma_wait3A_1449 = tpu.memref_slice %arg2[%dma_wait3A_1439, %dma_wait3A_1448] : memref<2048x256xf32, #tpu.memory_space<hbm>> -> memref<1x256xf32, #tpu.memory_space<hbm>>
      %dma_wait3A_1450 = tpu.memref_squeeze %dma_wait3A_1449 : memref<1x256xf32, #tpu.memory_space<hbm>> -> memref<256xf32, #tpu.memory_space<hbm>>
      tpu.wait_dma2 semaphore(%arg14 : memref<!tpu.dma_semaphore, #tpu.memory_space<semaphore_mem>>) src(%dma_wait3A_1450 : memref<256xf32, #tpu.memory_space<hbm>>) dst(%dma_wait3A_1447 : memref<256xf32, #tpu.memory_space<hbm>>)
    } else {
    }
    %convert_element_type3A_1397 = arith.extui %ne3A_523 : i1 to i32
    %cond3A_1398 = arith.constant 0 : i32
    %cond3A_1399 = arith.cmpi ne, %convert_element_type3A_1397, %cond3A_1398 : i32
    scf.if %cond3A_1399 {
      %dma_wait3A_1439 = arith.constant 0 : i32
      %dma_wait3A_1440 = arith.constant 0 : i32
      %dma_wait3A_1441 = arith.constant 0 : i32
      %dma_wait3A_1442 = arith.constant 0 : i32
      %dma_wait3A_1443 = tpu.memref_slice %arg8[%add3A_515, %dma_wait3A_1441, %dma_wait3A_1442] : memref<1024x128x256xf32, #tpu.memory_space<hbm>> -> memref<1x128x256xf32, #tpu.memory_space<hbm>>
      %dma_wait3A_1444 = tpu.memref_squeeze %dma_wait3A_1443 : memref<1x128x256xf32, #tpu.memory_space<hbm>> -> memref<128x256xf32, #tpu.memory_space<hbm>>
      %dma_wait3A_1445 = arith.constant 0 : i32
      %dma_wait3A_1446 = tpu.memref_slice %dma_wait3A_1444[%dma_wait3A_1440, %dma_wait3A_1445] : memref<128x256xf32, #tpu.memory_space<hbm>> -> memref<1x256xf32, #tpu.memory_space<hbm>>
      %dma_wait3A_1447 = tpu.memref_squeeze %dma_wait3A_1446 : memref<1x256xf32, #tpu.memory_space<hbm>> -> memref<256xf32, #tpu.memory_space<hbm>>
      %dma_wait3A_1448 = arith.constant 0 : i32
      %dma_wait3A_1449 = tpu.memref_slice %arg2[%dma_wait3A_1439, %dma_wait3A_1448] : memref<2048x256xf32, #tpu.memory_space<hbm>> -> memref<1x256xf32, #tpu.memory_space<hbm>>
      %dma_wait3A_1450 = tpu.memref_squeeze %dma_wait3A_1449 : memref<1x256xf32, #tpu.memory_space<hbm>> -> memref<256xf32, #tpu.memory_space<hbm>>
      tpu.wait_dma2 semaphore(%arg14 : memref<!tpu.dma_semaphore, #tpu.memory_space<semaphore_mem>>) src(%dma_wait3A_1450 : memref<256xf32, #tpu.memory_space<hbm>>) dst(%dma_wait3A_1447 : memref<256xf32, #tpu.memory_space<hbm>>)
    } else {
    }
    %convert_element_type3A_1400 = arith.extui %ne3A_537 : i1 to i32
    %cond3A_1401 = arith.constant 0 : i32
    %cond3A_1402 = arith.cmpi ne, %convert_element_type3A_1400, %cond3A_1401 : i32
    scf.if %cond3A_1402 {
      %dma_wait3A_1439 = arith.constant 0 : i32
      %dma_wait3A_1440 = arith.constant 0 : i32
      %dma_wait3A_1441 = arith.constant 0 : i32
      %dma_wait3A_1442 = arith.constant 0 : i32
      %dma_wait3A_1443 = tpu.memref_slice %arg8[%add3A_529, %dma_wait3A_1441, %dma_wait3A_1442] : memref<1024x128x256xf32, #tpu.memory_space<hbm>> -> memref<1x128x256xf32, #tpu.memory_space<hbm>>
      %dma_wait3A_1444 = tpu.memref_squeeze %dma_wait3A_1443 : memref<1x128x256xf32, #tpu.memory_space<hbm>> -> memref<128x256xf32, #tpu.memory_space<hbm>>
      %dma_wait3A_1445 = arith.constant 0 : i32
      %dma_wait3A_1446 = tpu.memref_slice %dma_wait3A_1444[%dma_wait3A_1440, %dma_wait3A_1445] : memref<128x256xf32, #tpu.memory_space<hbm>> -> memref<1x256xf32, #tpu.memory_space<hbm>>
      %dma_wait3A_1447 = tpu.memref_squeeze %dma_wait3A_1446 : memref<1x256xf32, #tpu.memory_space<hbm>> -> memref<256xf32, #tpu.memory_space<hbm>>
      %dma_wait3A_1448 = arith.constant 0 : i32
      %dma_wait3A_1449 = tpu.memref_slice %arg2[%dma_wait3A_1439, %dma_wait3A_1448] : memref<2048x256xf32, #tpu.memory_space<hbm>> -> memref<1x256xf32, #tpu.memory_space<hbm>>
      %dma_wait3A_1450 = tpu.memref_squeeze %dma_wait3A_1449 : memref<1x256xf32, #tpu.memory_space<hbm>> -> memref<256xf32, #tpu.memory_space<hbm>>
      tpu.wait_dma2 semaphore(%arg14 : memref<!tpu.dma_semaphore, #tpu.memory_space<semaphore_mem>>) src(%dma_wait3A_1450 : memref<256xf32, #tpu.memory_space<hbm>>) dst(%dma_wait3A_1447 : memref<256xf32, #tpu.memory_space<hbm>>)
    } else {
    }
    %convert_element_type3A_1403 = arith.extui %ne3A_551 : i1 to i32
    %cond3A_1404 = arith.constant 0 : i32
    %cond3A_1405 = arith.cmpi ne, %convert_element_type3A_1403, %cond3A_1404 : i32
    scf.if %cond3A_1405 {
      %dma_wait3A_1439 = arith.constant 0 : i32
      %dma_wait3A_1440 = arith.constant 0 : i32
      %dma_wait3A_1441 = arith.constant 0 : i32
      %dma_wait3A_1442 = arith.constant 0 : i32
      %dma_wait3A_1443 = tpu.memref_slice %arg8[%add3A_543, %dma_wait3A_1441, %dma_wait3A_1442] : memref<1024x128x256xf32, #tpu.memory_space<hbm>> -> memref<1x128x256xf32, #tpu.memory_space<hbm>>
      %dma_wait3A_1444 = tpu.memref_squeeze %dma_wait3A_1443 : memref<1x128x256xf32, #tpu.memory_space<hbm>> -> memref<128x256xf32, #tpu.memory_space<hbm>>
      %dma_wait3A_1445 = arith.constant 0 : i32
      %dma_wait3A_1446 = tpu.memref_slice %dma_wait3A_1444[%dma_wait3A_1440, %dma_wait3A_1445] : memref<128x256xf32, #tpu.memory_space<hbm>> -> memref<1x256xf32, #tpu.memory_space<hbm>>
      %dma_wait3A_1447 = tpu.memref_squeeze %dma_wait3A_1446 : memref<1x256xf32, #tpu.memory_space<hbm>> -> memref<256xf32, #tpu.memory_space<hbm>>
      %dma_wait3A_1448 = arith.constant 0 : i32
      %dma_wait3A_1449 = tpu.memref_slice %arg2[%dma_wait3A_1439, %dma_wait3A_1448] : memref<2048x256xf32, #tpu.memory_space<hbm>> -> memref<1x256xf32, #tpu.memory_space<hbm>>
      %dma_wait3A_1450 = tpu.memref_squeeze %dma_wait3A_1449 : memref<1x256xf32, #tpu.memory_space<hbm>> -> memref<256xf32, #tpu.memory_space<hbm>>
      tpu.wait_dma2 semaphore(%arg14 : memref<!tpu.dma_semaphore, #tpu.memory_space<semaphore_mem>>) src(%dma_wait3A_1450 : memref<256xf32, #tpu.memory_space<hbm>>) dst(%dma_wait3A_1447 : memref<256xf32, #tpu.memory_space<hbm>>)
    } else {
    }
    %convert_element_type3A_1406 = arith.extui %ne3A_565 : i1 to i32
    %cond3A_1407 = arith.constant 0 : i32
    %cond3A_1408 = arith.cmpi ne, %convert_element_type3A_1406, %cond3A_1407 : i32
    scf.if %cond3A_1408 {
      %dma_wait3A_1439 = arith.constant 0 : i32
      %dma_wait3A_1440 = arith.constant 0 : i32
      %dma_wait3A_1441 = arith.constant 0 : i32
      %dma_wait3A_1442 = arith.constant 0 : i32
      %dma_wait3A_1443 = tpu.memref_slice %arg8[%add3A_557, %dma_wait3A_1441, %dma_wait3A_1442] : memref<1024x128x256xf32, #tpu.memory_space<hbm>> -> memref<1x128x256xf32, #tpu.memory_space<hbm>>
      %dma_wait3A_1444 = tpu.memref_squeeze %dma_wait3A_1443 : memref<1x128x256xf32, #tpu.memory_space<hbm>> -> memref<128x256xf32, #tpu.memory_space<hbm>>
      %dma_wait3A_1445 = arith.constant 0 : i32
      %dma_wait3A_1446 = tpu.memref_slice %dma_wait3A_1444[%dma_wait3A_1440, %dma_wait3A_1445] : memref<128x256xf32, #tpu.memory_space<hbm>> -> memref<1x256xf32, #tpu.memory_space<hbm>>
      %dma_wait3A_1447 = tpu.memref_squeeze %dma_wait3A_1446 : memref<1x256xf32, #tpu.memory_space<hbm>> -> memref<256xf32, #tpu.memory_space<hbm>>
      %dma_wait3A_1448 = arith.constant 0 : i32
      %dma_wait3A_1449 = tpu.memref_slice %arg2[%dma_wait3A_1439, %dma_wait3A_1448] : memref<2048x256xf32, #tpu.memory_space<hbm>> -> memref<1x256xf32, #tpu.memory_space<hbm>>
      %dma_wait3A_1450 = tpu.memref_squeeze %dma_wait3A_1449 : memref<1x256xf32, #tpu.memory_space<hbm>> -> memref<256xf32, #tpu.memory_space<hbm>>
      tpu.wait_dma2 semaphore(%arg14 : memref<!tpu.dma_semaphore, #tpu.memory_space<semaphore_mem>>) src(%dma_wait3A_1450 : memref<256xf32, #tpu.memory_space<hbm>>) dst(%dma_wait3A_1447 : memref<256xf32, #tpu.memory_space<hbm>>)
    } else {
    }
    %convert_element_type3A_1409 = arith.extui %ne3A_579 : i1 to i32
    %cond3A_1410 = arith.constant 0 : i32
    %cond3A_1411 = arith.cmpi ne, %convert_element_type3A_1409, %cond3A_1410 : i32
    scf.if %cond3A_1411 {
      %dma_wait3A_1439 = arith.constant 0 : i32
      %dma_wait3A_1440 = arith.constant 0 : i32
      %dma_wait3A_1441 = arith.constant 0 : i32
      %dma_wait3A_1442 = arith.constant 0 : i32
      %dma_wait3A_1443 = tpu.memref_slice %arg8[%add3A_571, %dma_wait3A_1441, %dma_wait3A_1442] : memref<1024x128x256xf32, #tpu.memory_space<hbm>> -> memref<1x128x256xf32, #tpu.memory_space<hbm>>
      %dma_wait3A_1444 = tpu.memref_squeeze %dma_wait3A_1443 : memref<1x128x256xf32, #tpu.memory_space<hbm>> -> memref<128x256xf32, #tpu.memory_space<hbm>>
      %dma_wait3A_1445 = arith.constant 0 : i32
      %dma_wait3A_1446 = tpu.memref_slice %dma_wait3A_1444[%dma_wait3A_1440, %dma_wait3A_1445] : memref<128x256xf32, #tpu.memory_space<hbm>> -> memref<1x256xf32, #tpu.memory_space<hbm>>
      %dma_wait3A_1447 = tpu.memref_squeeze %dma_wait3A_1446 : memref<1x256xf32, #tpu.memory_space<hbm>> -> memref<256xf32, #tpu.memory_space<hbm>>
      %dma_wait3A_1448 = arith.constant 0 : i32
      %dma_wait3A_1449 = tpu.memref_slice %arg2[%dma_wait3A_1439, %dma_wait3A_1448] : memref<2048x256xf32, #tpu.memory_space<hbm>> -> memref<1x256xf32, #tpu.memory_space<hbm>>
      %dma_wait3A_1450 = tpu.memref_squeeze %dma_wait3A_1449 : memref<1x256xf32, #tpu.memory_space<hbm>> -> memref<256xf32, #tpu.memory_space<hbm>>
      tpu.wait_dma2 semaphore(%arg14 : memref<!tpu.dma_semaphore, #tpu.memory_space<semaphore_mem>>) src(%dma_wait3A_1450 : memref<256xf32, #tpu.memory_space<hbm>>) dst(%dma_wait3A_1447 : memref<256xf32, #tpu.memory_space<hbm>>)
    } else {
    }
    %convert_element_type3A_1412 = arith.extui %ne3A_593 : i1 to i32
    %cond3A_1413 = arith.constant 0 : i32
    %cond3A_1414 = arith.cmpi ne, %convert_element_type3A_1412, %cond3A_1413 : i32
    scf.if %cond3A_1414 {
      %dma_wait3A_1439 = arith.constant 0 : i32
      %dma_wait3A_1440 = arith.constant 0 : i32
      %dma_wait3A_1441 = arith.constant 0 : i32
      %dma_wait3A_1442 = arith.constant 0 : i32
      %dma_wait3A_1443 = tpu.memref_slice %arg8[%add3A_585, %dma_wait3A_1441, %dma_wait3A_1442] : memref<1024x128x256xf32, #tpu.memory_space<hbm>> -> memref<1x128x256xf32, #tpu.memory_space<hbm>>
      %dma_wait3A_1444 = tpu.memref_squeeze %dma_wait3A_1443 : memref<1x128x256xf32, #tpu.memory_space<hbm>> -> memref<128x256xf32, #tpu.memory_space<hbm>>
      %dma_wait3A_1445 = arith.constant 0 : i32
      %dma_wait3A_1446 = tpu.memref_slice %dma_wait3A_1444[%dma_wait3A_1440, %dma_wait3A_1445] : memref<128x256xf32, #tpu.memory_space<hbm>> -> memref<1x256xf32, #tpu.memory_space<hbm>>
      %dma_wait3A_1447 = tpu.memref_squeeze %dma_wait3A_1446 : memref<1x256xf32, #tpu.memory_space<hbm>> -> memref<256xf32, #tpu.memory_space<hbm>>
      %dma_wait3A_1448 = arith.constant 0 : i32
      %dma_wait3A_1449 = tpu.memref_slice %arg2[%dma_wait3A_1439, %dma_wait3A_1448] : memref<2048x256xf32, #tpu.memory_space<hbm>> -> memref<1x256xf32, #tpu.memory_space<hbm>>
      %dma_wait3A_1450 = tpu.memref_squeeze %dma_wait3A_1449 : memref<1x256xf32, #tpu.memory_space<hbm>> -> memref<256xf32, #tpu.memory_space<hbm>>
      tpu.wait_dma2 semaphore(%arg14 : memref<!tpu.dma_semaphore, #tpu.memory_space<semaphore_mem>>) src(%dma_wait3A_1450 : memref<256xf32, #tpu.memory_space<hbm>>) dst(%dma_wait3A_1447 : memref<256xf32, #tpu.memory_space<hbm>>)
    } else {
    }
    %convert_element_type3A_1415 = arith.extui %ne3A_607 : i1 to i32
    %cond3A_1416 = arith.constant 0 : i32
    %cond3A_1417 = arith.cmpi ne, %convert_element_type3A_1415, %cond3A_1416 : i32
    scf.if %cond3A_1417 {
      %dma_wait3A_1439 = arith.constant 0 : i32
      %dma_wait3A_1440 = arith.constant 0 : i32
      %dma_wait3A_1441 = arith.constant 0 : i32
      %dma_wait3A_1442 = arith.constant 0 : i32
      %dma_wait3A_1443 = tpu.memref_slice %arg8[%add3A_599, %dma_wait3A_1441, %dma_wait3A_1442] : memref<1024x128x256xf32, #tpu.memory_space<hbm>> -> memref<1x128x256xf32, #tpu.memory_space<hbm>>
      %dma_wait3A_1444 = tpu.memref_squeeze %dma_wait3A_1443 : memref<1x128x256xf32, #tpu.memory_space<hbm>> -> memref<128x256xf32, #tpu.memory_space<hbm>>
      %dma_wait3A_1445 = arith.constant 0 : i32
      %dma_wait3A_1446 = tpu.memref_slice %dma_wait3A_1444[%dma_wait3A_1440, %dma_wait3A_1445] : memref<128x256xf32, #tpu.memory_space<hbm>> -> memref<1x256xf32, #tpu.memory_space<hbm>>
      %dma_wait3A_1447 = tpu.memref_squeeze %dma_wait3A_1446 : memref<1x256xf32, #tpu.memory_space<hbm>> -> memref<256xf32, #tpu.memory_space<hbm>>
      %dma_wait3A_1448 = arith.constant 0 : i32
      %dma_wait3A_1449 = tpu.memref_slice %arg2[%dma_wait3A_1439, %dma_wait3A_1448] : memref<2048x256xf32, #tpu.memory_space<hbm>> -> memref<1x256xf32, #tpu.memory_space<hbm>>
      %dma_wait3A_1450 = tpu.memref_squeeze %dma_wait3A_1449 : memref<1x256xf32, #tpu.memory_space<hbm>> -> memref<256xf32, #tpu.memory_space<hbm>>
      tpu.wait_dma2 semaphore(%arg14 : memref<!tpu.dma_semaphore, #tpu.memory_space<semaphore_mem>>) src(%dma_wait3A_1450 : memref<256xf32, #tpu.memory_space<hbm>>) dst(%dma_wait3A_1447 : memref<256xf32, #tpu.memory_space<hbm>>)
    } else {
    }
    %convert_element_type3A_1418 = arith.extui %ne3A_621 : i1 to i32
    %cond3A_1419 = arith.constant 0 : i32
    %cond3A_1420 = arith.cmpi ne, %convert_element_type3A_1418, %cond3A_1419 : i32
    scf.if %cond3A_1420 {
      %dma_wait3A_1439 = arith.constant 0 : i32
      %dma_wait3A_1440 = arith.constant 0 : i32
      %dma_wait3A_1441 = arith.constant 0 : i32
      %dma_wait3A_1442 = arith.constant 0 : i32
      %dma_wait3A_1443 = tpu.memref_slice %arg8[%add3A_613, %dma_wait3A_1441, %dma_wait3A_1442] : memref<1024x128x256xf32, #tpu.memory_space<hbm>> -> memref<1x128x256xf32, #tpu.memory_space<hbm>>
      %dma_wait3A_1444 = tpu.memref_squeeze %dma_wait3A_1443 : memref<1x128x256xf32, #tpu.memory_space<hbm>> -> memref<128x256xf32, #tpu.memory_space<hbm>>
      %dma_wait3A_1445 = arith.constant 0 : i32
      %dma_wait3A_1446 = tpu.memref_slice %dma_wait3A_1444[%dma_wait3A_1440, %dma_wait3A_1445] : memref<128x256xf32, #tpu.memory_space<hbm>> -> memref<1x256xf32, #tpu.memory_space<hbm>>
      %dma_wait3A_1447 = tpu.memref_squeeze %dma_wait3A_1446 : memref<1x256xf32, #tpu.memory_space<hbm>> -> memref<256xf32, #tpu.memory_space<hbm>>
      %dma_wait3A_1448 = arith.constant 0 : i32
      %dma_wait3A_1449 = tpu.memref_slice %arg2[%dma_wait3A_1439, %dma_wait3A_1448] : memref<2048x256xf32, #tpu.memory_space<hbm>> -> memref<1x256xf32, #tpu.memory_space<hbm>>
      %dma_wait3A_1450 = tpu.memref_squeeze %dma_wait3A_1449 : memref<1x256xf32, #tpu.memory_space<hbm>> -> memref<256xf32, #tpu.memory_space<hbm>>
      tpu.wait_dma2 semaphore(%arg14 : memref<!tpu.dma_semaphore, #tpu.memory_space<semaphore_mem>>) src(%dma_wait3A_1450 : memref<256xf32, #tpu.memory_space<hbm>>) dst(%dma_wait3A_1447 : memref<256xf32, #tpu.memory_space<hbm>>)
    } else {
    }
    %convert_element_type3A_1421 = arith.extui %ne3A_635 : i1 to i32
    %cond3A_1422 = arith.constant 0 : i32
    %cond3A_1423 = arith.cmpi ne, %convert_element_type3A_1421, %cond3A_1422 : i32
    scf.if %cond3A_1423 {
      %dma_wait3A_1439 = arith.constant 0 : i32
      %dma_wait3A_1440 = arith.constant 0 : i32
      %dma_wait3A_1441 = arith.constant 0 : i32
      %dma_wait3A_1442 = arith.constant 0 : i32
      %dma_wait3A_1443 = tpu.memref_slice %arg8[%add3A_627, %dma_wait3A_1441, %dma_wait3A_1442] : memref<1024x128x256xf32, #tpu.memory_space<hbm>> -> memref<1x128x256xf32, #tpu.memory_space<hbm>>
      %dma_wait3A_1444 = tpu.memref_squeeze %dma_wait3A_1443 : memref<1x128x256xf32, #tpu.memory_space<hbm>> -> memref<128x256xf32, #tpu.memory_space<hbm>>
      %dma_wait3A_1445 = arith.constant 0 : i32
      %dma_wait3A_1446 = tpu.memref_slice %dma_wait3A_1444[%dma_wait3A_1440, %dma_wait3A_1445] : memref<128x256xf32, #tpu.memory_space<hbm>> -> memref<1x256xf32, #tpu.memory_space<hbm>>
      %dma_wait3A_1447 = tpu.memref_squeeze %dma_wait3A_1446 : memref<1x256xf32, #tpu.memory_space<hbm>> -> memref<256xf32, #tpu.memory_space<hbm>>
      %dma_wait3A_1448 = arith.constant 0 : i32
      %dma_wait3A_1449 = tpu.memref_slice %arg2[%dma_wait3A_1439, %dma_wait3A_1448] : memref<2048x256xf32, #tpu.memory_space<hbm>> -> memref<1x256xf32, #tpu.memory_space<hbm>>
      %dma_wait3A_1450 = tpu.memref_squeeze %dma_wait3A_1449 : memref<1x256xf32, #tpu.memory_space<hbm>> -> memref<256xf32, #tpu.memory_space<hbm>>
      tpu.wait_dma2 semaphore(%arg14 : memref<!tpu.dma_semaphore, #tpu.memory_space<semaphore_mem>>) src(%dma_wait3A_1450 : memref<256xf32, #tpu.memory_space<hbm>>) dst(%dma_wait3A_1447 : memref<256xf32, #tpu.memory_space<hbm>>)
    } else {
    }
    %convert_element_type3A_1424 = arith.extui %ne3A_649 : i1 to i32
    %cond3A_1425 = arith.constant 0 : i32
    %cond3A_1426 = arith.cmpi ne, %convert_element_type3A_1424, %cond3A_1425 : i32
    scf.if %cond3A_1426 {
      %dma_wait3A_1439 = arith.constant 0 : i32
      %dma_wait3A_1440 = arith.constant 0 : i32
      %dma_wait3A_1441 = arith.constant 0 : i32
      %dma_wait3A_1442 = arith.constant 0 : i32
      %dma_wait3A_1443 = tpu.memref_slice %arg8[%add3A_641, %dma_wait3A_1441, %dma_wait3A_1442] : memref<1024x128x256xf32, #tpu.memory_space<hbm>> -> memref<1x128x256xf32, #tpu.memory_space<hbm>>
      %dma_wait3A_1444 = tpu.memref_squeeze %dma_wait3A_1443 : memref<1x128x256xf32, #tpu.memory_space<hbm>> -> memref<128x256xf32, #tpu.memory_space<hbm>>
      %dma_wait3A_1445 = arith.constant 0 : i32
      %dma_wait3A_1446 = tpu.memref_slice %dma_wait3A_1444[%dma_wait3A_1440, %dma_wait3A_1445] : memref<128x256xf32, #tpu.memory_space<hbm>> -> memref<1x256xf32, #tpu.memory_space<hbm>>
      %dma_wait3A_1447 = tpu.memref_squeeze %dma_wait3A_1446 : memref<1x256xf32, #tpu.memory_space<hbm>> -> memref<256xf32, #tpu.memory_space<hbm>>
      %dma_wait3A_1448 = arith.constant 0 : i32
      %dma_wait3A_1449 = tpu.memref_slice %arg2[%dma_wait3A_1439, %dma_wait3A_1448] : memref<2048x256xf32, #tpu.memory_space<hbm>> -> memref<1x256xf32, #tpu.memory_space<hbm>>
      %dma_wait3A_1450 = tpu.memref_squeeze %dma_wait3A_1449 : memref<1x256xf32, #tpu.memory_space<hbm>> -> memref<256xf32, #tpu.memory_space<hbm>>
      tpu.wait_dma2 semaphore(%arg14 : memref<!tpu.dma_semaphore, #tpu.memory_space<semaphore_mem>>) src(%dma_wait3A_1450 : memref<256xf32, #tpu.memory_space<hbm>>) dst(%dma_wait3A_1447 : memref<256xf32, #tpu.memory_space<hbm>>)
    } else {
    }
    %convert_element_type3A_1427 = arith.extui %ne3A_663 : i1 to i32
    %cond3A_1428 = arith.constant 0 : i32
    %cond3A_1429 = arith.cmpi ne, %convert_element_type3A_1427, %cond3A_1428 : i32
    scf.if %cond3A_1429 {
      %dma_wait3A_1439 = arith.constant 0 : i32
      %dma_wait3A_1440 = arith.constant 0 : i32
      %dma_wait3A_1441 = arith.constant 0 : i32
      %dma_wait3A_1442 = arith.constant 0 : i32
      %dma_wait3A_1443 = tpu.memref_slice %arg8[%add3A_655, %dma_wait3A_1441, %dma_wait3A_1442] : memref<1024x128x256xf32, #tpu.memory_space<hbm>> -> memref<1x128x256xf32, #tpu.memory_space<hbm>>
      %dma_wait3A_1444 = tpu.memref_squeeze %dma_wait3A_1443 : memref<1x128x256xf32, #tpu.memory_space<hbm>> -> memref<128x256xf32, #tpu.memory_space<hbm>>
      %dma_wait3A_1445 = arith.constant 0 : i32
      %dma_wait3A_1446 = tpu.memref_slice %dma_wait3A_1444[%dma_wait3A_1440, %dma_wait3A_1445] : memref<128x256xf32, #tpu.memory_space<hbm>> -> memref<1x256xf32, #tpu.memory_space<hbm>>
      %dma_wait3A_1447 = tpu.memref_squeeze %dma_wait3A_1446 : memref<1x256xf32, #tpu.memory_space<hbm>> -> memref<256xf32, #tpu.memory_space<hbm>>
      %dma_wait3A_1448 = arith.constant 0 : i32
      %dma_wait3A_1449 = tpu.memref_slice %arg2[%dma_wait3A_1439, %dma_wait3A_1448] : memref<2048x256xf32, #tpu.memory_space<hbm>> -> memref<1x256xf32, #tpu.memory_space<hbm>>
      %dma_wait3A_1450 = tpu.memref_squeeze %dma_wait3A_1449 : memref<1x256xf32, #tpu.memory_space<hbm>> -> memref<256xf32, #tpu.memory_space<hbm>>
      tpu.wait_dma2 semaphore(%arg14 : memref<!tpu.dma_semaphore, #tpu.memory_space<semaphore_mem>>) src(%dma_wait3A_1450 : memref<256xf32, #tpu.memory_space<hbm>>) dst(%dma_wait3A_1447 : memref<256xf32, #tpu.memory_space<hbm>>)
    } else {
    }
    %convert_element_type3A_1430 = arith.extui %ne3A_677 : i1 to i32
    %cond3A_1431 = arith.constant 0 : i32
    %cond3A_1432 = arith.cmpi ne, %convert_element_type3A_1430, %cond3A_1431 : i32
    scf.if %cond3A_1432 {
      %dma_wait3A_1439 = arith.constant 0 : i32
      %dma_wait3A_1440 = arith.constant 0 : i32
      %dma_wait3A_1441 = arith.constant 0 : i32
      %dma_wait3A_1442 = arith.constant 0 : i32
      %dma_wait3A_1443 = tpu.memref_slice %arg8[%add3A_669, %dma_wait3A_1441, %dma_wait3A_1442] : memref<1024x128x256xf32, #tpu.memory_space<hbm>> -> memref<1x128x256xf32, #tpu.memory_space<hbm>>
      %dma_wait3A_1444 = tpu.memref_squeeze %dma_wait3A_1443 : memref<1x128x256xf32, #tpu.memory_space<hbm>> -> memref<128x256xf32, #tpu.memory_space<hbm>>
      %dma_wait3A_1445 = arith.constant 0 : i32
      %dma_wait3A_1446 = tpu.memref_slice %dma_wait3A_1444[%dma_wait3A_1440, %dma_wait3A_1445] : memref<128x256xf32, #tpu.memory_space<hbm>> -> memref<1x256xf32, #tpu.memory_space<hbm>>
      %dma_wait3A_1447 = tpu.memref_squeeze %dma_wait3A_1446 : memref<1x256xf32, #tpu.memory_space<hbm>> -> memref<256xf32, #tpu.memory_space<hbm>>
      %dma_wait3A_1448 = arith.constant 0 : i32
      %dma_wait3A_1449 = tpu.memref_slice %arg2[%dma_wait3A_1439, %dma_wait3A_1448] : memref<2048x256xf32, #tpu.memory_space<hbm>> -> memref<1x256xf32, #tpu.memory_space<hbm>>
      %dma_wait3A_1450 = tpu.memref_squeeze %dma_wait3A_1449 : memref<1x256xf32, #tpu.memory_space<hbm>> -> memref<256xf32, #tpu.memory_space<hbm>>
      tpu.wait_dma2 semaphore(%arg14 : memref<!tpu.dma_semaphore, #tpu.memory_space<semaphore_mem>>) src(%dma_wait3A_1450 : memref<256xf32, #tpu.memory_space<hbm>>) dst(%dma_wait3A_1447 : memref<256xf32, #tpu.memory_space<hbm>>)
    } else {
    }
    %convert_element_type3A_1433 = arith.extui %ne3A_691 : i1 to i32
    %cond3A_1434 = arith.constant 0 : i32
    %cond3A_1435 = arith.cmpi ne, %convert_element_type3A_1433, %cond3A_1434 : i32
    scf.if %cond3A_1435 {
      %dma_wait3A_1439 = arith.constant 0 : i32
      %dma_wait3A_1440 = arith.constant 0 : i32
      %dma_wait3A_1441 = arith.constant 0 : i32
      %dma_wait3A_1442 = arith.constant 0 : i32
      %dma_wait3A_1443 = tpu.memref_slice %arg8[%add3A_683, %dma_wait3A_1441, %dma_wait3A_1442] : memref<1024x128x256xf32, #tpu.memory_space<hbm>> -> memref<1x128x256xf32, #tpu.memory_space<hbm>>
      %dma_wait3A_1444 = tpu.memref_squeeze %dma_wait3A_1443 : memref<1x128x256xf32, #tpu.memory_space<hbm>> -> memref<128x256xf32, #tpu.memory_space<hbm>>
      %dma_wait3A_1445 = arith.constant 0 : i32
      %dma_wait3A_1446 = tpu.memref_slice %dma_wait3A_1444[%dma_wait3A_1440, %dma_wait3A_1445] : memref<128x256xf32, #tpu.memory_space<hbm>> -> memref<1x256xf32, #tpu.memory_space<hbm>>
      %dma_wait3A_1447 = tpu.memref_squeeze %dma_wait3A_1446 : memref<1x256xf32, #tpu.memory_space<hbm>> -> memref<256xf32, #tpu.memory_space<hbm>>
      %dma_wait3A_1448 = arith.constant 0 : i32
      %dma_wait3A_1449 = tpu.memref_slice %arg2[%dma_wait3A_1439, %dma_wait3A_1448] : memref<2048x256xf32, #tpu.memory_space<hbm>> -> memref<1x256xf32, #tpu.memory_space<hbm>>
      %dma_wait3A_1450 = tpu.memref_squeeze %dma_wait3A_1449 : memref<1x256xf32, #tpu.memory_space<hbm>> -> memref<256xf32, #tpu.memory_space<hbm>>
      tpu.wait_dma2 semaphore(%arg14 : memref<!tpu.dma_semaphore, #tpu.memory_space<semaphore_mem>>) src(%dma_wait3A_1450 : memref<256xf32, #tpu.memory_space<hbm>>) dst(%dma_wait3A_1447 : memref<256xf32, #tpu.memory_space<hbm>>)
    } else {
    }
    %convert_element_type3A_1436 = arith.extui %ne3A_705 : i1 to i32
    %cond3A_1437 = arith.constant 0 : i32
    %cond3A_1438 = arith.cmpi ne, %convert_element_type3A_1436, %cond3A_1437 : i32
    scf.if %cond3A_1438 {
      %dma_wait3A_1439 = arith.constant 0 : i32
      %dma_wait3A_1440 = arith.constant 0 : i32
      %dma_wait3A_1441 = arith.constant 0 : i32
      %dma_wait3A_1442 = arith.constant 0 : i32
      %dma_wait3A_1443 = tpu.memref_slice %arg8[%add3A_697, %dma_wait3A_1441, %dma_wait3A_1442] : memref<1024x128x256xf32, #tpu.memory_space<hbm>> -> memref<1x128x256xf32, #tpu.memory_space<hbm>>
      %dma_wait3A_1444 = tpu.memref_squeeze %dma_wait3A_1443 : memref<1x128x256xf32, #tpu.memory_space<hbm>> -> memref<128x256xf32, #tpu.memory_space<hbm>>
      %dma_wait3A_1445 = arith.constant 0 : i32
      %dma_wait3A_1446 = tpu.memref_slice %dma_wait3A_1444[%dma_wait3A_1440, %dma_wait3A_1445] : memref<128x256xf32, #tpu.memory_space<hbm>> -> memref<1x256xf32, #tpu.memory_space<hbm>>
      %dma_wait3A_1447 = tpu.memref_squeeze %dma_wait3A_1446 : memref<1x256xf32, #tpu.memory_space<hbm>> -> memref<256xf32, #tpu.memory_space<hbm>>
      %dma_wait3A_1448 = arith.constant 0 : i32
      %dma_wait3A_1449 = tpu.memref_slice %arg2[%dma_wait3A_1439, %dma_wait3A_1448] : memref<2048x256xf32, #tpu.memory_space<hbm>> -> memref<1x256xf32, #tpu.memory_space<hbm>>
      %dma_wait3A_1450 = tpu.memref_squeeze %dma_wait3A_1449 : memref<1x256xf32, #tpu.memory_space<hbm>> -> memref<256xf32, #tpu.memory_space<hbm>>
      tpu.wait_dma2 semaphore(%arg14 : memref<!tpu.dma_semaphore, #tpu.memory_space<semaphore_mem>>) src(%dma_wait3A_1450 : memref<256xf32, #tpu.memory_space<hbm>>) dst(%dma_wait3A_1447 : memref<256xf32, #tpu.memory_space<hbm>>)
    } else {
    }
    return
  }
}

</mosaic_0001>

<sc_bundles>
// kernel: kernel.3.cloned.1.call-start
scs
__scs_entry_jumppad:
0x0: {  	(pc) =	sbr.rel $0x88, $3  }
0x1: {  	(tag) =	ssettag $0x0;
	lr =	simm.s32 $0x1  }
0x2: {  	[smem:$0x3F9A] =	sst lr;
	_ =	strace $0xD0000000  }
0x3: {  	_ = 	snop  }
0x4: {  	_ = 	snop  }
0x5: {  	_ = 	snop  }
0x6: {  	_ = 	snop  }
0x7: {  	_ = 	snop  }
__scs_overlays_trampoline_lowered:
0x8: {  	[smem:$0x3FA9] =	sst s0  }
0x9: {  	[smem:$0x3FAA] =	sst s1  }
0xa: {  	[smem:$0x3FAB] =	sst s2  }
0xb: {  	[smem:$0x3FAC] =	sst s3  }
0xc: {  	[smem:$0x3FAD] =	sst s4  }
0xd: {  	[smem:$0x3FAE] =	sst s5  }
0xe: {  	[smem:$0x3FAF] =	sst s6  }
0xf: {  	[smem:$0x3FB0] =	sst s7  }
0x10: {  	[smem:$0x3FB1] =	sst s8  }
0x11: {  	[smem:$0x3FB2] =	sst s9;
	s0 =	simm.s32 @!p0 $0x0  }
0x12: {  	s1 =	sld [smem:$0x3F98];
	s0 =	simm.s32 @p0 $0x1  }
0x13: {  	[smem:$0x3FB3] =	sst s0;
	s0 =	simm.s32 @!p1 $0x0  }
0x14: {  	s2 =	sld [smem:$0x3F97];
	s0 =	simm.s32 @p1 $0x1  }
0x15: {  	[smem:$0x3FB4] =	sst s0;
	s0 =	simm.s32 @!p2 $0x0  }
0x16: {  	s3 =	sld [smem:$0x3FDB];
	s0 =	simm.s32 @p2 $0x1  }
0x17: {  	s4 =	simm.s32 $0x1BF5;
	[smem:$0x3FB6] =	sst s0  }
0x18: {  	s0 =	sld [smem:$0x3F99];
	_ =	swait.ge [sflag:s4], $0x0  }
0x19: {  	s7 =	sld [smem:$0x3F9A]  }
0x1a: {  	s8 =	sadd.s32 $0xFFFFE003, lr  }
0x1b: {  	s9 =	sadd.s32 $0xFFFFFEF7, lr;
	s5 =	simm.s32 $0xFFFFFFFF;
	p2 =	slt.u32 s8, $0xFFFFF086  }
0x1c: {  	p1 =	slt.u32 s9, $0xF7A;
	s5 =	simm.s32 @!p2 $0x0  }
0x1d: {  	s5 =	simm.s32 @p1 $0x1;
	p0 =	seq.s32 s7, s2  }
0x1e: {  	s7 =	smul.u32 @!p0 $0xF7A, s2;
	p2 =	seq.s32 @!p0 s5, $0x0  }
0x1f: {  	s9 =	smul.u32 $0xF7A, s1;
	s8 =	simm.s32 @!p0 $0x1BF5;
	p2 =	por !p2, p0  }
0x20: {  	[sflag:s8] =	ssyncset.s32 @!p0 $0xFFFFF086;
	s6 =	sadd.s32 @!p0 s3, s7;
	s7 =	simm.s32 @!p0 $0x108  }
0x21: {  	s3 =	sadd.s32 s3, s9;
	s6 =	sadd.s32 @!p0 $0x88, s6;
	s7 =	simm.s32 @p2 $0x1082  }
0x22: {  	[simem:s7], [sflag:s8] =	dma.local @!p0 [hbm:s6], $0xF7A  }
0x23: {  	s9 =	sor.u32 $0xD0000000, s2;
	s6 =	simm.s32 $0x108;
	_ =	swait.ge @!p0 [sflag:s8], $0x0  }
0x24: {  	s3 =	sadd.s32 $0x88, s3;
	s6 =	simm.s32 @!p1 $0x1082;
	[sflag:s4] =	ssyncset.s32 $0xFFFFF086  }
0x25: {  	[simem:s6], [sflag:s4] =	dma.local [hbm:s3], $0xF7A  }
0x26: {  	[smem:$0x3F9A] =	sst s1;
	(tag) =	ssettag s2;
	_ =	strace s9  }
0x27: {  	s1 =	sld [smem:$0x3FAA]  }
0x28: {  	s2 =	sld [smem:$0x3FAB]  }
0x29: {  	s4 =	sld [smem:$0x3FAD]  }
0x2a: {  	p0 =	seq.s32 s5, $0x0;
	s5 =	sld [smem:$0x3FAE]  }
0x2b: {  	s6 =	sld [smem:$0x3FAF]  }
0x2c: {  	s7 =	sld [smem:$0x3FB0]  }
0x2d: {  	s3 =	simm.s32 $0x108;
	s8 =	sld [smem:$0x3FB1]  }
0x2e: {  	s3 =	simm.s32 @!p0 $0x1082;
	s9 =	sld [smem:$0x3FB2]  }
0x2f: {  	lr =	sadd.s32 s0, s3;
	s0 =	sld [smem:$0x3FA9]  }
0x30: {  	s3 =	sld [smem:$0x3FAC]  }
0x31: {  	[smem:$0x3FB5] =	sst s10  }
0x32: {  	s10 =	sld [smem:$0x3FB3];
	_ =	sdelay $0x3  }
0x33: {  	p0 =	seq.s32 s10, $0x1;
	s10 =	sld [smem:$0x3FB5];
	_ =	sdelay $0x3  }
0x34: {  	[smem:$0x3FB5] =	sst s10  }
0x35: {  	s10 =	sld [smem:$0x3FB4];
	_ =	sdelay $0x3  }
0x36: {  	p1 =	seq.s32 s10, $0x1;
	s10 =	sld [smem:$0x3FB5];
	_ =	sdelay $0x3  }
0x37: {  	[smem:$0x3FB5] =	sst s10  }
0x38: {  	s10 =	sld [smem:$0x3FB6]  }
0x39: {  	_ = 	snop;
	(pc) =	sbr.ind lr, $3  }
0x3a: {  	_ = 	snop  }
0x3b: {  	_ = 	snop  }
0x3c: {  	p2 =	seq.s32 s10, $0x1;
	s10 =	sld [smem:$0x3FB5]  }
0x3d: {  	_ =	shalt  }
0x3e: {  	_ =	shalt  }
0x3f: {  	_ =	shalt  }
0x40: {  	_ =	shalt  }
0x41: {  	_ =	shalt  }
0x42: {  	_ =	shalt  }
0x43: {  	_ =	shalt  }
0x44: {  	_ =	shalt  }
0x45: {  	_ =	shalt  }
0x46: {  	_ =	shalt  }
0x47: {  	_ =	shalt  }
0x48: {  	_ =	shalt  }
0x49: {  	_ =	shalt  }
0x4a: {  	_ =	shalt  }
0x4b: {  	_ =	shalt  }
0x4c: {  	_ =	shalt  }
0x4d: {  	_ =	shalt  }
0x4e: {  	_ =	shalt  }
0x4f: {  	_ =	shalt  }
0x50: {  	_ =	shalt  }
0x51: {  	_ =	shalt  }
0x52: {  	_ =	shalt  }
0x53: {  	_ =	shalt  }
0x54: {  	_ =	shalt  }
0x55: {  	_ =	shalt  }
0x56: {  	_ =	shalt  }
0x57: {  	_ =	shalt  }
0x58: {  	_ =	shalt  }
0x59: {  	_ =	shalt  }
0x5a: {  	_ =	shalt  }
0x5b: {  	_ =	shalt  }
0x5c: {  	_ =	shalt  }
0x5d: {  	_ =	shalt  }
0x5e: {  	_ =	shalt  }
0x5f: {  	_ =	shalt  }
0x60: {  	_ =	shalt  }
0x61: {  	_ =	shalt  }
0x62: {  	_ =	shalt  }
0x63: {  	_ =	shalt  }
0x64: {  	_ =	shalt  }
0x65: {  	_ =	shalt  }
0x66: {  	_ =	shalt  }
0x67: {  	_ =	shalt  }
0x68: {  	_ =	shalt  }
0x69: {  	_ =	shalt  }
0x6a: {  	_ =	shalt  }
0x6b: {  	_ =	shalt  }
0x6c: {  	_ =	shalt  }
0x6d: {  	_ =	shalt  }
0x6e: {  	_ =	shalt  }
0x6f: {  	_ =	shalt  }
0x70: {  	_ =	shalt  }
0x71: {  	_ =	shalt  }
0x72: {  	_ =	shalt  }
0x73: {  	_ =	shalt  }
0x74: {  	_ =	shalt  }
0x75: {  	_ =	shalt  }
0x76: {  	_ =	shalt  }
0x77: {  	_ =	shalt  }
0x78: {  	_ =	shalt  }
0x79: {  	_ =	shalt  }
0x7a: {  	_ =	shalt  }
0x7b: {  	_ =	shalt  }
0x7c: {  	_ =	shalt  }
0x7d: {  	_ =	shalt  }
0x7e: {  	_ =	shalt  }
0x7f: {  	_ =	shalt  }
0x80: {  	_ =	shalt  }
0x81: {  	_ =	shalt  }
0x82: {  	_ =	shalt  }
0x83: {  	_ =	shalt  }
0x84: {  	_ =	shalt  }
0x85: {  	_ =	shalt  }
0x86: {  	_ =	shalt  }
0x87: {  	_ =	shalt  }
.Lfunc_end0:
.L_simem_size_0:
called_computation_lowered:
.L_overlay_start_0:
0x88: {  	s2 =	sld [smem:$0x3FD9]  }
0x89: {  	s3 =	sld [smem:$0x3FFE];
	_ =	sdelay $0x1  }
0x8a: {  	s1 =	srdreg.scid  }
0x8b: {  	s0 =	sand.u32 $0x1, s1  }
0x8c: {  	s17 =	sshll.u32 s0, $0xA;
	s2 =	sadd.s32 s3, s2  }
0x8d: {  	s2 =	sadd.s32 s2, s17  }
0x8e: {  	[smem:$0x3FC1] =	sst s2  }
0x8f: {  	_ = 	snop  }
0x90: {  	s2 =	sld [smem:$0x3FC9]  }
0x91: {  	s18 =	sld [smem:$0x3FC8]  }
0x92: {  	s4 =	sld [smem:$0x3FC6]  }
0x93: {  	s5 =	sld [smem:$0x3FC5]  }
0x94: {  	s6 =	sld [smem:$0x3FC4]  }
0x95: {  	s7 =	sld [smem:$0x3FD0];
	(tm) =	ssettm $0x1  }
0x96: {  	s8 =	sld [smem:$0x3FFB];
	_ =	sdelay $0x3  }
0x97: {  	_ =	strace s8  }
0x98: {  	s8 =	sld [smem:$0x3FFC];
	_ =	sdelay $0x3  }
0x99: {  	_ =	strace s8  }
0x9a: {  	s8 =	sld [smem:$0x3FFD];
	_ =	sdelay $0x3  }
0x9b: {  	_ =	strace s8  }
0x9c: {  	_ =	strace $0x8FFFFFFF  }
0x9d: {  	s19 =	sld [smem:$0x3FDB];
	_ =	sdelay $0x1  }
0x9e: {  	s9 =	simm.s32 $_scs_section_size  }
0x9f: {  	s10 =	simm.s32 $_size__tile_overlayer_lowered;
	s11 =	simm.s32 $_tile_overlayer_lowered  }
0xa0: {  	s22 =	simm.s32 $0x1BFF;
	s21 =	sshll.u32 s11, $0x1;
	s8 =	sadd.s32 s9, s19  }
0xa1: {  	s12 =	simm.s32 $0x0;
	s20 =	sshll.u32 s10, $0x1;
	s10 =	sadd.s32 s21, s8  }
0xa2: {  	[timem:s12], [sflag:s22] =	dma.local [hbm:s10], s20  }
0xa3: {  	_ =	swait.ge [sflag:s22], s20  }
0xa4: {  	s9 =	ssub.s32 $0x0, s20;
	[sflag:s22] =	ssyncset.done $0x0  }
0xa5: {  	[sflag:s22] =	ssyncadd.s32 s9;
	_ =	sdelay $0x1  }
0xa6: {  	s23 =	simm.s32 $0x1B8B  }
0xa7: {  	_ =	swait.ge [sflag:s23], $0x1  }
0xa8: {  	[sflag:s23] =	ssyncset.done $0x0  }
0xa9: {  	s25 =	simm.s32 $0x1B8E;
	s24 =	sld [smem:$0x3FFE];
	[sflag:s23] =	ssyncadd.s32 $0xFFFFFFFF  }
0xaa: {  	s26 =	simm.s32 $execute0_lowered;
	[smem:$0x3FD2] =	sst s25  }
0xab: {  	s10 =	sshll.u32 s26, $0x1;
	_ =	strace $0x80000046;
	[dreg:$0x1] =	wrdreg $0xFFFFFFFF  }
0xac: {  	s28 =	simm.s32 $_size_execute0_lowered;
	s8 =	sadd.s32 s8, s10;
	[dreg:$0x0] =	wrdreg $0x0  }
0xad: {  	s10 =	sshll.u32 s28, $0x1;
	[dreg:$0x2] =	wrdreg s8  }
0xae: {  	[dreg:$0x3] =	wrdreg s10  }
0xaf: {  	[dreg:$0x4] =	wrdreg $0xC0  }
0xb0: {  	_ =	task [dreg:s12], $0x5FFFF  }
0xb1: {  	[dreg:$0x1] =	wrdreg $0xFFFFFFFF  }
0xb2: {  	[dreg:$0x0] =	wrdreg $0x60  }
0xb3: {  	[dreg:$0x2] =	wrdreg s2  }
0xb4: {  	[dreg:$0x3] =	wrdreg s18  }
0xb5: {  	[dreg:$0x4] =	wrdreg s6  }
0xb6: {  	[dreg:$0x5] =	wrdreg s5  }
0xb7: {  	[dreg:$0x6] =	wrdreg s4  }
0xb8: {  	[dreg:$0x7] =	wrdreg s24  }
0xb9: {  	[dreg:$0x8] =	wrdreg s7  }
0xba: {  	[dreg:$0x9] =	wrdreg $0x9  }
0xbb: {  	_ =	task.clear_ibuf [dreg:s12], $0xAFFFF;
	_ =	strace $0x90000046  }
0xbc: {  	s29 =	simm.s32 $0x9;
	_ =	strace $0x80000048  }
0xbd: {  	_ =	swait.ge [sflag:s29], $0x1  }
0xbe: {  	[sflag:s29] =	ssyncadd.s32 $0xFFFFFFFF  }
0xbf: {  	_ =	strace $0x90000048  }
0xc0: {  	_ =	sfence  }
0xc1: {  	s30 =	sld [smem:$0x0];
	_ =	sdelay $0x2  }
0xc2: {  	s31 =	sshll.u32 s1, $0xD;
	s1 =	sshrl.u32 s1, $0x2  }
0xc3: {  	s3 =	sand.u32 $0x4000, s31;
	s1 =	sadd.s32 s1, s30  }
0xc4: {  	s0 =	sor.u32 s3, s0;
	s1 =	sshll.u32 s1, $0x11  }
0xc5: {  	s0 =	sor.u32 s1, s0  }
0xc6: {  	s0 =	sadd.s32 $0x8F2B, s0  }
0xc7: {  	[sflag:s0] =	ssyncadd.remote.s32 $0x1  }
0xc8: {  	_ =	sfence.sel $0xFFFF  }
0xc9: {  	[dreg:$0x0] =	wrdreg $0xFFFFFFFF;
	(pc) =	sbr.abs _section_cstart, $3  }
0xca: {  	[dreg:$0x1] =	wrdreg $0xFFFFFFFF  }
0xcb: {  	_ =	task.clear_ibuf [dreg:s12], $0x2FFFF;
	_ =	strace $0x9FFFFFFF  }
0xcc: {  	(tm) =	ssettm $0x7FFFFFFF  }
0xcd: {  	_ =	shalt  }
tec
execute0_lowered:
.L_overlay_start_1:
0x0: {  	(tag) =	ssettag $0x1  }
0x1: {  	s0 =	srdreg.scid  }
0x2: {  	s2 =	stileid.u32;
	s3 =	sand.u32 $0x1, s0  }
0x3: {  	s4 =	sshll.u32 s2, $0x6;
	s0 =	sshll.u32 s3, $0x5  }
0x4: {  	s1 =	rddreg [dreg:$0x4];
	s0 =	sor.u32 s0, s4  }
0x5: {  	[dreg:$0x8] =	wrdreg s4;
	s4 =	sshll.u32 s0, $0xC  }
0x6: {  	s5 =	simm.s32 $0x0;
	s2 =	rddreg [dreg:$0x6];
	s6 =	sor.u32 $0x1000, s4  }
0x7: {  	[smem:$0x7FF] =	sst s5;
	s7 =	sadd.s32 s2, s6  }
0x8: {  	s8 =	sor.u32 $0x2000, s4;
	s6 =	sadd.s32 s1, s6;
	[dreg:$0x9] =	wrdreg s7  }
0x9: {  	s3 =	ssub.s32 $0x2, s3;
	s9 =	sadd.s32 s2, s8;
	[dreg:$0xa] =	wrdreg s6  }
0xa: {  	s10 =	sor.u32 $0x3000, s4;
	s5 =	sadd.s32 s1, s8;
	[dreg:$0xb] =	wrdreg s9  }
0xb: {  	s12 =	sor.u32 $0x4000, s4;
	s11 =	sadd.s32 s2, s10;
	[dreg:$0xc] =	wrdreg s5  }
0xc: {  	s14 =	sor.u32 $0x5000, s4;
	s13 =	sadd.s32 s2, s12;
	[dreg:$0xd] =	wrdreg s11  }
0xd: {  	s16 =	sor.u32 $0x6000, s4;
	s15 =	sadd.s32 s2, s14;
	[dreg:$0xf] =	wrdreg s13  }
0xe: {  	s18 =	sor.u32 $0x7000, s4;
	s17 =	sadd.s32 s2, s16;
	[dreg:$0x11] =	wrdreg s15  }
0xf: {  	s20 =	sor.u32 $0x8000, s4;
	s19 =	sadd.s32 s2, s18;
	[dreg:$0x13] =	wrdreg s17  }
0x10: {  	s22 =	sor.u32 $0x9000, s4;
	s21 =	sadd.s32 s2, s20;
	[dreg:$0x15] =	wrdreg s19  }
0x11: {  	s24 =	sor.u32 $0xA000, s4;
	s23 =	sadd.s32 s2, s22;
	[dreg:$0x17] =	wrdreg s21  }
0x12: {  	s26 =	sor.u32 $0xB000, s4;
	s25 =	sadd.s32 s2, s24;
	[dreg:$0x19] =	wrdreg s23  }
0x13: {  	s29 =	sor.u32 $0xC000, s4;
	s28 =	sadd.s32 s2, s26;
	[dreg:$0x1b] =	wrdreg s25  }
0x14: {  	s31 =	sshrl.u32 s3, $0x1;
	s30 =	sadd.s32 s2, s29;
	[dreg:$0x1d] =	wrdreg s28  }
0x15: {  	s3 =	ssub.s32 s3, s31;
	s6 =	sadd.s32 s1, s10;
	[dreg:$0x1f] =	wrdreg s30  }
0x16: {  	s31 =	sor.u32 $0xD000, s4;
	s5 =	sadd.s32 s1, s12;
	[dreg:$0xe] =	wrdreg s6  }
0x17: {  	s7 =	sadd.s32 s2, s31;
	[dreg:$0x10] =	wrdreg s5  }
0x18: {  	s6 =	sadd.s32 s1, s14;
	[smem:$0x7D4] =	sst s7  }
0x19: {  	s8 =	sor.u32 $0xE000, s4;
	s5 =	sadd.s32 s1, s16;
	[dreg:$0x12] =	wrdreg s6  }
0x1a: {  	s13 =	sor.u32 $0x11000, s4;
	s7 =	sadd.s32 s2, s8;
	[dreg:$0x14] =	wrdreg s5  }
0x1b: {  	s19 =	sor.u32 $0x14000, s4;
	s15 =	sadd.s32 s2, s13;
	[smem:$0x7D6] =	sst s7  }
0x1c: {  	s23 =	sor.u32 $0x15000, s4;
	s21 =	sadd.s32 s2, s19;
	[smem:$0x7DC] =	sst s15  }
0x1d: {  	s25 =	sadd.s32 s2, s23;
	[smem:$0x7E2] =	sst s21  }
0x1e: {  	s6 =	sadd.s32 s1, s18;
	[smem:$0x7E4] =	sst s25  }
0x1f: {  	s14 =	sor.u32 $0x12000, s4;
	s5 =	sadd.s32 s1, s20;
	[dreg:$0x16] =	wrdreg s6  }
0x20: {  	s16 =	sadd.s32 s2, s14;
	[dreg:$0x18] =	wrdreg s5  }
0x21: {  	s17 =	sadd.s32 s1, s14;
	[smem:$0x7DE] =	sst s16  }
0x22: {  	s6 =	sadd.s32 s1, s22;
	[smem:$0x7DF] =	sst s17  }
0x23: {  	s18 =	sor.u32 $0x13000, s4;
	s5 =	sadd.s32 s1, s24;
	[dreg:$0x1a] =	wrdreg s6  }
0x24: {  	s20 =	sadd.s32 s2, s18;
	[dreg:$0x1c] =	wrdreg s5  }
0x25: {  	s22 =	sadd.s32 s1, s19;
	[smem:$0x7E0] =	sst s20  }
0x26: {  	s6 =	sadd.s32 s1, s26;
	[smem:$0x7E3] =	sst s22  }
0x27: {  	s24 =	sor.u32 $0x16000, s4;
	s5 =	sadd.s32 s1, s29;
	[dreg:$0x1e] =	wrdreg s6  }
0x28: {  	s26 =	sadd.s32 s2, s24;
	[smem:$0x7D3] =	sst s5  }
0x29: {  	s17 =	sor.u32 $0x1C000, s4;
	s28 =	sadd.s32 s1, s24;
	[smem:$0x7E6] =	sst s26  }
0x2a: {  	s19 =	sadd.s32 s2, s17;
	[smem:$0x7E7] =	sst s28  }
0x2b: {  	s21 =	sor.u32 $0x1D000, s4;
	s20 =	sadd.s32 s1, s17;
	[smem:$0x7F2] =	sst s19  }
0x2c: {  	s22 =	sadd.s32 s2, s21;
	[smem:$0x7F3] =	sst s20  }
0x2d: {  	s6 =	sadd.s32 s1, s31;
	[smem:$0x7F4] =	sst s22  }
0x2e: {  	s9 =	sor.u32 $0xF000, s4;
	s5 =	sadd.s32 s1, s8;
	[smem:$0x7D5] =	sst s6  }
0x2f: {  	s29 =	sor.u32 $0x17000, s4;
	s8 =	sadd.s32 s2, s9;
	[smem:$0x7D7] =	sst s5  }
0x30: {  	s31 =	sadd.s32 s2, s29;
	[smem:$0x7D8] =	sst s8  }
0x31: {  	s26 =	sadd.s32 s2, s4;
	[smem:$0x7E8] =	sst s31  }
0x32: {  	s28 =	sadd.s32 s1, s4;
	[smem:$0x7F8] =	sst s26  }
0x33: {  	s30 =	sor.u32 $0x18000, s4;
	s5 =	sadd.s32 s1, s9;
	[smem:$0x7F9] =	sst s28  }
0x34: {  	s6 =	sor.u32 $0x10, s0;
	s9 =	sadd.s32 s2, s30;
	[smem:$0x7D9] =	sst s5  }
0x35: {  	s10 =	sshll.u32 s6, $0xC;
	s5 =	sadd.s32 s1, s13;
	[smem:$0x7EA] =	sst s9  }
0x36: {  	s11 =	sadd.s32 s2, s10;
	[smem:$0x7DD] =	sst s5  }
0x37: {  	s12 =	sadd.s32 s1, s10;
	[smem:$0x7DA] =	sst s11  }
0x38: {  	s5 =	sadd.s32 s1, s18;
	[smem:$0x7DB] =	sst s12  }
0x39: {  	s16 =	sor.u32 $0x1B000, s4;
	s10 =	sadd.s32 s1, s30;
	[smem:$0x7E1] =	sst s5  }
0x3a: {  	s18 =	sadd.s32 s2, s16;
	[smem:$0x7EB] =	sst s10  }
0x3b: {  	s5 =	sadd.s32 s1, s23;
	[smem:$0x7F0] =	sst s18  }
0x3c: {  	[smem:$0x7E5] =	sst s5  }
0x3d: {  	s11 =	sor.u32 $0x19000, s4;
	s5 =	sadd.s32 s1, s29;
	s29 =	rddreg [dreg:$0x5]  }
0x3e: {  	s12 =	sor.u32 $0x1A000, s4;
	s13 =	sadd.s32 s2, s11;
	[smem:$0x7E9] =	sst s5  }
0x3f: {  	s14 =	sadd.s32 s2, s12;
	[smem:$0x7EC] =	sst s13  }
0x40: {  	s23 =	sor.u32 $0x1E000, s4;
	s15 =	sadd.s32 s1, s12;
	[smem:$0x7EE] =	sst s14  }
0x41: {  	s24 =	sadd.s32 s2, s23;
	[smem:$0x7EF] =	sst s15  }
0x42: {  	s4 =	sor.u32 $0x1F000, s4;
	s25 =	sadd.s32 s1, s23;
	[smem:$0x7F6] =	sst s24  }
0x43: {  	s2 =	sadd.s32 s2, s4;
	[smem:$0x7F7] =	sst s25  }
0x44: {  	s5 =	sadd.s32 s1, s11;
	[smem:$0x7FA] =	sst s2  }
0x45: {  	[smem:$0x7ED] =	sst s5;
	s5 =	sadd.s32 s1, s16  }
0x46: {  	[smem:$0x7F1] =	sst s5;
	s5 =	sadd.s32 s1, s21  }
0x47: {  	s1 =	sadd.s32 s1, s4;
	[smem:$0x7F5] =	sst s5  }
0x48: {  	s31 =	smax.u32 s3, $0x1;
	s30 =	sadd.s32 $0x600, s29;
	[smem:$0x7FB] =	sst s1  }
0x49: {  	v1 =	vlaneseq.u32;
	v2 =	vimm.s32 $0x0;
	v3 =	vimm.s32 $0x3FF;
	s3 =	simm.s32 $0x800;
	_ =	strace $0x80000047;
	[smem:$0x7FC] =	sst s30  }
0x4a: {  	v4 =	vimm.s32 $0x400;
	v0 =	vor.u32 s0, v1;
	v1 =	vor.u32 s6, v1;
	s15 =	simm.s32 $0x1;
	s2 =	simm.s32 $0x0;
	[smem:$0x7FD] =	sst s31  }
.LBB2_1:
0x4b: {  	[smem:$0x7D2] =	sst s2  }
0x4c: {  	s1 =	simm.s32 $0x0;
	s0 =	rddreg [dreg:$0x1];
	s28 =	simm.s32 $0x3  }
0x4d: {  	[tilespmem:s1], [sflag:$0x3] =	stream.linear.gather [hbm4b:s0+s1], $0x800, $0x38;
	[tilespmem:$0x1880] =	vst v63  }
0x4e: {  	_ =	swait.ge [sflag:s28], $0x800  }
0x4f: {  	[sflag:s28] =	ssyncset.done $0x0  }
0x50: {  	[sflag:s28] =	ssyncadd.s32 $0xFFFFF800  }
0x51: {  	s29 =	rddreg [dreg:$0x2]  }
0x52: {  	[tilespmem:s3], [sflag:$0x3] =	stream.linear.gather [hbm4b:s29+s1], $0x800, $0x38;
	[tilespmem:$0x1880] =	vst v63  }
0x53: {  	_ =	swait.ge [sflag:s28], $0x800  }
0x54: {  	s30 =	sld [smem:$0x7FC]  }
0x55: {  	[sflag:s28] =	ssyncset.done $0x0  }
0x56: {  	s4 =	simm.s32 $0x1800;
	[sflag:s28] =	ssyncadd.s32 $0xFFFFF800  }
0x57: {  	[tilespmem:s4], [sflag:$0x3] =	stream.linear.gather [hbm4b:s30+s1], $0x80, $0x38;
	[tilespmem:$0x1880] =	vst v63  }
0x58: {  	_ =	swait.ge [sflag:s28], $0x80  }
0x59: {  	[sflag:s28] =	ssyncset.done $0x0  }
0x5a: {  	[sflag:s28] =	ssyncadd.s32 $0xFFFFFF80  }
0x5b: {  	s31 =	simm.s32 $0x0;
	v5 =	vld [tilespmem:$0x1800]  }
0x5c: {  	v7 =	vld [tilespmem:s31+$0x0]  }
0x5d: {  	v8 =	vld [tilespmem:s31+$0x800];
	_ =	sdelay $0x2  }
0x5e: {  	v6 =	vbroadcast v5, $0x1  }
0x5f: {  	vm0 =	vgt.s32 v7, $0x0  }
0x60: {  	vm1 =	veq.s32 v8, $0x7F;
	vm3 =	vmneg vm0;
	vm2 =	vge.s32 v8, v6  }
0x61: {  	vm1 =	vmand vm3, vm1;
	vm0 =	vmand vm0, vm2  }
0x62: {  	vm0 =	vmor vm0, vm1  }
0x63: {  	v7 =	vsel vm0, $0x1, v2  }
0x64: {  	(xrf0) =	vadd.scan.msk.s32 $0xffff, v7;
	_ =	sdelay $0x5  }
0x65: {  	v7, _, _ =	vpop (xrf0)  }
0x66: {  	v7 =	vadd.s32 s1, v7  }
0x67: {  	v8 =	vxor.u32 $0x80000000, v7  }
0x68: {  	(xrf0) =	vmax.scan.msk.u32 $0xffff, v8;
	_ =	sdelay $0x5  }
0x69: {  	s0 =	simm.s32 $0x10;
	s1 =	simm.s32 $0x80;
	[tilespmem:s31+$0x1000] =	vst v7;
	v7, _, _ =	vpop (xrf0)  }
.LBB2_2:
0x6a: {  	p0 =	sne.s32 s1, $0x1FC0;
	v8 =	vld [tilespmem:s0+$0x0];
	(v2sf) =	vpush v7, $0xF  }
0x6b: {  	v7 =	vld [tilespmem:s0+$0x800];
	_ =	sdelay $0x3  }
0x6c: {  	vm0 =	vgt.s32 v8, $0x0  }
0x6d: {  	vm1 =	veq.s32 v7, $0x7F;
	vm2 =	vge.s32 v7, v6;
	vm3 =	vmneg vm0  }
0x6e: {  	vm0 =	vmand vm0, vm2;
	vm1 =	vmand vm3, vm1  }
0x6f: {  	vm0 =	vmor vm0, vm1  }
0x70: {  	v7 =	vsel vm0, $0x1, v2  }
0x71: {  	(xrf0) =	vadd.scan.msk.s32 $0xffff, v7;
	_ =	sdelay $0x4  }
0x72: {  	s2 =	spop (v2sf)  }
0x73: {  	v7, _, _ =	vpop (xrf0);
	s2 =	sxor.u32 $0x80000000, s2  }
0x74: {  	v7 =	vadd.s32 s2, v7  }
0x75: {  	[tilespmem:s0+$0x1000] =	vst v7;
	v7 =	vxor.u32 $0x80000000, v7  }
0x76: {  	(xrf0) =	vmax.scan.msk.u32 $0xffff, v7;
	_ =	sdelay $0x1  }
.Ltmp0:
0x77: {  	(pc) =	sbr.rel @p0 .LBB2_2-.Ltmp0, $2  }
0x78: {  	_ =	sdelay $0x2  }
0x79: {  	s0 =	sshra.s32 s1, $0x2;
	s1 =	sadd.s32 $0x40, s1;
	v7, _, _ =	vpop (xrf0)  }
0x7a: {  	v8 =	vld [tilespmem:s0+$0x0];
	(v2sf) =	vpush v7, $0xF  }
0x7b: {  	v7 =	vld [tilespmem:s0+$0x800];
	_ =	sdelay $0x3  }
0x7c: {  	vm0 =	vgt.s32 v8, $0x0  }
0x7d: {  	vm1 =	veq.s32 v7, $0x7F;
	vm2 =	vge.s32 v7, v6;
	vm3 =	vmneg vm0  }
0x7e: {  	vm0 =	vmand vm0, vm2;
	vm1 =	vmand vm3, vm1  }
0x7f: {  	vm0 =	vmor vm0, vm1  }
0x80: {  	v6 =	vsel vm0, $0x1, v2  }
0x81: {  	(xrf0) =	vadd.scan.msk.s32 $0xffff, v6;
	_ =	sdelay $0x4  }
0x82: {  	s1 =	spop (v2sf)  }
0x83: {  	v6, _, _ =	vpop (xrf0);
	s1 =	sxor.u32 $0x80000000, s1  }
0x84: {  	v6 =	vadd.s32 s1, v6  }
0x85: {  	v7 =	vxor.u32 $0x80000000, v6  }
0x86: {  	(xrf0) =	vmax.scan.msk.u32 $0xffff, v7;
	_ =	sdelay $0x5  }
0x87: {  	v7, _, _ =	vpop (xrf0)  }
0x88: {  	(v2sf) =	vpush v7, $0xF  }
0x89: {  	(v2sf) =	vpush v5, $0x0;
	_ =	sdelay $0xc  }
0x8a: {  	s21 =	simm.s32 $0x1000;
	[tilespmem:s0+$0x1000] =	vst v6  }
0x8b: {  	v5 =	vld.idx.msk [tilespmem:v3+s21+$0x0], $0xffff;
	s20 =	spop (v2sf)  }
0x8c: {  	s0 =	spop (v2sf)  }
0x8d: {  	s0 =	sand.u32 $0x3FF, s0  }
0x8e: {  	v6 =	vmov s0  }
0x8f: {  	v30 =	vsub.s32 v0, v6  }
0x90: {  	vm14 =	vgt.s32 v5, v30  }
0x91: {  	v7 =	vsel vm14, $0x0, v4  }
0x92: {  	v9 =	vor.u32 $0x1FF, v7;
	_ =	sdelay $0x4  }
0x93: {  	v9 =	vld.idx.msk [tilespmem:v9+s21+$0x0], $0xffff;
	_ =	sdelay $0x4  }
0x94: {  	v10 =	vor.u32 $0x200, v7;
	vm15 =	vgt.s32 v9, v30  }
0x95: {  	v7 =	vsel vm15, v7, v10  }
0x96: {  	v31 =	vor.u32 $0xFF, v7;
	_ =	sdelay $0x4  }
0x97: {  	v9 =	vld.idx.msk [tilespmem:v31+s21+$0x0], $0xffff;
	_ =	sdelay $0x4  }
0x98: {  	v10 =	vor.u32 $0x100, v7;
	vm4 =	vgt.s32 v9, v30  }
0x99: {  	v7 =	vsel vm4, v7, v10  }
0x9a: {  	v32 =	vor.u32 $0x7F, v7;
	_ =	sdelay $0x4  }
0x9b: {  	v9 =	vld.idx.msk [tilespmem:v32+s21+$0x0], $0xffff;
	_ =	sdelay $0x4  }
0x9c: {  	v10 =	vor.u32 $0x80, v7;
	vm5 =	vgt.s32 v9, v30  }
0x9d: {  	v9 =	vsel vm5, v7, v10  }
0x9e: {  	v7 =	vadd.s32 $0x3F, v9;
	_ =	sdelay $0x4  }
0x9f: {  	v6 =	vsub.s32 v1, v6;
	v33 =	vld.idx.msk [tilespmem:v7+s21+$0x0], $0xffff  }
0xa0: {  	v7 =	vadd.s32 $0x1, v6  }
0xa1: {  	vm6 =	vlt.s32 v5, v7  }
0xa2: {  	v5 =	vsel vm6, $0x400, v2  }
0xa3: {  	v11 =	vor.u32 $0x1FF, v5  }
0xa4: {  	v12 =	vadd.s32 $0x40, v9;
	vm7 =	vgt.s32 v33, v30  }
0xa5: {  	v9 =	vsel vm7, v9, v12  }
0xa6: {  	v34 =	vadd.s32 $0x1F, v9;
	_ =	sdelay $0x1  }
0xa7: {  	v11 =	vld.idx.msk [tilespmem:v11+s21+$0x0], $0xffff;
	_ =	sdelay $0x2  }
0xa8: {  	v10 =	vld.idx.msk [tilespmem:v34+s21+$0x0], $0xffff;
	_ =	sdelay $0x1  }
0xa9: {  	v35 =	vor.u32 $0x200, v5;
	vm8 =	vlt.s32 v11, v7  }
0xaa: {  	v5 =	vsel vm8, v35, v5  }
0xab: {  	v36 =	vor.u32 $0xFF, v5  }
0xac: {  	v37 =	vadd.s32 $0x20, v9;
	vm9 =	vgt.s32 v10, v30  }
0xad: {  	v9 =	vsel vm9, v9, v37  }
0xae: {  	v38 =	vadd.s32 $0xF, v9;
	_ =	sdelay $0x1  }
0xaf: {  	v11 =	vld.idx.msk [tilespmem:v36+s21+$0x0], $0xffff;
	_ =	sdelay $0x2  }
0xb0: {  	v10 =	vld.idx.msk [tilespmem:v38+s21+$0x0], $0xffff;
	_ =	sdelay $0x1  }
0xb1: {  	v39 =	vor.u32 $0x100, v5;
	vm10 =	vlt.s32 v11, v7  }
0xb2: {  	v5 =	vsel vm10, v39, v5  }
0xb3: {  	v40 =	vor.u32 $0x7F, v5  }
0xb4: {  	v41 =	vadd.s32 $0x10, v9;
	vm11 =	vgt.s32 v10, v30  }
0xb5: {  	v9 =	vsel vm11, v9, v41  }
0xb6: {  	v42 =	vadd.s32 $0x7, v9;
	_ =	sdelay $0x1  }
0xb7: {  	v11 =	vld.idx.msk [tilespmem:v40+s21+$0x0], $0xffff;
	_ =	sdelay $0x2  }
0xb8: {  	v10 =	vld.idx.msk [tilespmem:v42+s21+$0x0], $0xffff;
	_ =	sdelay $0x1  }
0xb9: {  	v43 =	vor.u32 $0x80, v5;
	vm12 =	vlt.s32 v11, v7  }
0xba: {  	v5 =	vsel vm12, v43, v5  }
0xbb: {  	v44 =	vadd.s32 $0x3F, v5  }
0xbc: {  	v45 =	vadd.s32 $0x8, v9;
	vm13 =	vgt.s32 v10, v30  }
0xbd: {  	v9 =	vsel vm13, v9, v45  }
0xbe: {  	v46 =	vadd.s32 $0x3, v9;
	_ =	sdelay $0x1  }
0xbf: {  	v11 =	vld.idx.msk [tilespmem:v44+s21+$0x0], $0xffff;
	_ =	sdelay $0x2  }
0xc0: {  	v10 =	vld.idx.msk [tilespmem:v46+s21+$0x0], $0xffff;
	_ =	sdelay $0x1  }
0xc1: {  	v47 =	vadd.s32 $0x40, v5;
	vm14 =	vlt.s32 v11, v7  }
0xc2: {  	v5 =	vsel vm14, v47, v5  }
0xc3: {  	v48 =	vadd.s32 $0x1F, v5  }
0xc4: {  	v49 =	vadd.s32 $0x4, v9;
	vm15 =	vgt.s32 v10, v30  }
0xc5: {  	v9 =	vsel vm15, v9, v49  }
0xc6: {  	v50 =	vadd.s32 $0x1, v9;
	_ =	sdelay $0x1  }
0xc7: {  	v11 =	vld.idx.msk [tilespmem:v48+s21+$0x0], $0xffff;
	_ =	sdelay $0x2  }
0xc8: {  	v10 =	vld.idx.msk [tilespmem:v50+s21+$0x0], $0xffff;
	_ =	sdelay $0x1  }
0xc9: {  	v51 =	vadd.s32 $0x20, v5;
	vm4 =	vlt.s32 v11, v7  }
0xca: {  	v5 =	vsel vm4, v51, v5  }
0xcb: {  	v52 =	vadd.s32 $0xF, v5  }
0xcc: {  	v53 =	vadd.s32 $0x2, v9;
	vm5 =	vgt.s32 v10, v30  }
0xcd: {  	v9 =	vsel vm5, v9, v53;
	_ =	sdelay $0x2  }
0xce: {  	v54 =	vld.idx.msk [tilespmem:v52+s21+$0x0], $0xffff;
	_ =	sdelay $0x1  }
0xcf: {  	v55 =	vld.idx.msk [tilespmem:v9+s21+$0x0], $0xffff;
	_ =	sdelay $0x2  }
0xd0: {  	v56 =	vadd.s32 $0x10, v5;
	vm6 =	vlt.s32 v54, v7  }
0xd1: {  	v10 =	vsel vm6, v56, v5  }
0xd2: {  	v5 =	vld [tilespmem:$0x17F0];
	v57 =	vadd.s32 $0x7, v10;
	vm7 =	vle.s32 v55, v30  }
0xd3: {  	v58 =	vsel vm7, $0x1, v2  }
0xd4: {  	v9 =	vadd.s32 v58, v9;
	_ =	sdelay $0x2  }
0xd5: {  	v59 =	vbroadcast v5, $0xF;
	v11 =	vld.idx.msk [tilespmem:v57+s21+$0x0], $0xffff;
	_ =	sdelay $0x1  }
0xd6: {  	vm8 =	vgt.s32 v30, $0xFFFFFFFF;
	vm9 =	vlt.s32 v30, v59;
	v5 =	vld.idx.msk [tilespmem:v9+s3+$0x0], $0xffff  }
0xd7: {  	vm0 =	vmand vm8, vm9  }
0xd8: {  	(v2sf) =	vpush v9, $0x0;
	v60 =	vsel vm0, $0x1, v2  }
0xd9: {  	v61 =	vadd.s32 $0x8, v10;
	(v2sf) =	vpush v60, $0x0;
	vm10 =	vlt.s32 v11, v7  }
0xda: {  	(v2sf) =	vpush v9, $0x1;
	v10 =	vsel vm10, v61, v10  }
0xdb: {  	v11 =	vadd.s32 $0x3, v10;
	(v2sf) =	vpush v5, $0x1  }
0xdc: {  	(v2sf) =	vpush v60, $0x1  }
0xdd: {  	(v2sf) =	vpush v9, $0x2  }
0xde: {  	(v2sf) =	vpush v5, $0x2  }
0xdf: {  	(v2sf) =	vpush v60, $0x2  }
0xe0: {  	v11 =	vld.idx.msk [tilespmem:v11+s21+$0x0], $0xffff;
	(v2sf) =	vpush v9, $0x3  }
0xe1: {  	(v2sf) =	vpush v5, $0x3  }
0xe2: {  	(v2sf) =	vpush v60, $0x3  }
0xe3: {  	(v2sf) =	vpush v9, $0x4  }
0xe4: {  	(v2sf) =	vpush v5, $0x4  }
0xe5: {  	v62 =	vadd.s32 $0x4, v10;
	vm11 =	vlt.s32 v11, v7;
	(v2sf) =	vpush v60, $0x4  }
0xe6: {  	v10 =	vsel vm11, v62, v10;
	(v2sf) =	vpush v9, $0x5  }
0xe7: {  	s28 =	spop (v2sf);
	v11 =	vadd.s32 $0x1, v10;
	(v2sf) =	vpush v5, $0x5  }
0xe8: {  	s8 =	spop (v2sf);
	(v2sf) =	vpush v60, $0x5  }
0xe9: {  	[smem:$0x77B] =	sst s28;
	s22 =	spop (v2sf);
	(v2sf) =	vpush v9, $0x6  }
0xea: {  	[smem:$0x77D] =	sst s22;
	s23 =	spop (v2sf);
	(v2sf) =	vpush v5, $0x6  }
0xeb: {  	[smem:$0x77C] =	sst s23;
	s24 =	spop (v2sf);
	(v2sf) =	vpush v60, $0x6  }
0xec: {  	v11 =	vld.idx.msk [tilespmem:v11+s21+$0x0], $0xffff;
	[smem:$0x75C] =	sst s24;
	s25 =	spop (v2sf);
	(v2sf) =	vpush v9, $0x7  }
0xed: {  	[smem:$0x77F] =	sst s25;
	s26 =	spop (v2sf);
	(v2sf) =	vpush v5, $0x7  }
0xee: {  	[smem:$0x77E] =	sst s26;
	s29 =	spop (v2sf);
	(v2sf) =	vpush v60, $0x7  }
0xef: {  	[smem:$0x75D] =	sst s29;
	s30 =	spop (v2sf);
	(v2sf) =	vpush v9, $0x8  }
0xf0: {  	[smem:$0x781] =	sst s30;
	s31 =	spop (v2sf);
	(v2sf) =	vpush v5, $0x8  }
0xf1: {  	v63 =	vadd.s32 $0x2, v10;
	vm12 =	vlt.s32 v11, v7;
	[smem:$0x780] =	sst s31;
	s2 =	spop (v2sf);
	(v2sf) =	vpush v60, $0x8  }
0xf2: {  	v10 =	vsel vm12, v63, v10;
	[smem:$0x75E] =	sst s2;
	s4 =	spop (v2sf);
	(v2sf) =	vpush v9, $0x9  }
0xf3: {  	[smem:$0x783] =	sst s4;
	s5 =	spop (v2sf);
	(v2sf) =	vpush v5, $0x9  }
0xf4: {  	[smem:$0x782] =	sst s5;
	s6 =	spop (v2sf);
	(v2sf) =	vpush v60, $0x9  }
0xf5: {  	[smem:$0x75F] =	sst s6;
	s24 =	spop (v2sf);
	(v2sf) =	vpush v9, $0xA  }
0xf6: {  	[smem:$0x785] =	sst s24;
	s7 =	spop (v2sf);
	(v2sf) =	vpush v5, $0xA  }
0xf7: {  	v11 =	vld.idx.msk [tilespmem:v10+s21+$0x0], $0xffff;
	[smem:$0x784] =	sst s7;
	s9 =	spop (v2sf);
	(v2sf) =	vpush v60, $0xA  }
0xf8: {  	[smem:$0x760] =	sst s9;
	s23 =	spop (v2sf);
	(v2sf) =	vpush v9, $0xB  }
0xf9: {  	[smem:$0x787] =	sst s23;
	s10 =	spop (v2sf);
	(v2sf) =	vpush v5, $0xB  }
0xfa: {  	[smem:$0x786] =	sst s10;
	s11 =	spop (v2sf);
	(v2sf) =	vpush v60, $0xB  }
0xfb: {  	[smem:$0x761] =	sst s11;
	s22 =	spop (v2sf);
	(v2sf) =	vpush v9, $0xC  }
0xfc: {  	vm13 =	vlt.s32 v11, v7;
	[smem:$0x789] =	sst s22;
	s12 =	spop (v2sf);
	(v2sf) =	vpush v5, $0xC  }
0xfd: {  	v7 =	vsel vm13, $0x1, v2;
	[smem:$0x788] =	sst s12;
	s13 =	spop (v2sf);
	(v2sf) =	vpush v60, $0xC  }
0xfe: {  	v7 =	vadd.s32 v7, v10;
	[smem:$0x762] =	sst s13;
	s21 =	spop (v2sf);
	(v2sf) =	vpush v9, $0xD  }
0xff: {  	[smem:$0x78B] =	sst s21;
	s14 =	spop (v2sf);
	(v2sf) =	vpush v5, $0xD  }
0x100: {  	[smem:$0x78A] =	sst s14;
	s16 =	spop (v2sf);
	(v2sf) =	vpush v60, $0xD  }
0x101: {  	[smem:$0x763] =	sst s16;
	(v2sf) =	vpush v9, $0xE;
	s19 =	spop (v2sf)  }
0x102: {  	[smem:$0x78D] =	sst s19;
	(v2sf) =	vpush v5, $0xE;
	s17 =	spop (v2sf)  }
0x103: {  	v10 =	vld.idx.msk [tilespmem:v7+s3+$0x0], $0xffff;
	[smem:$0x78C] =	sst s17;
	(v2sf) =	vpush v60, $0xE;
	s18 =	spop (v2sf)  }
0x104: {  	[smem:$0x764] =	sst s18;
	(v2sf) =	vpush v9, $0xF;
	s18 =	spop (v2sf)  }
0x105: {  	[smem:$0x78F] =	sst s18;
	(v2sf) =	vpush v5, $0xF;
	s20 =	spop (v2sf)  }
0x106: {  	vm14 =	vgt.s32 v6, $0xFFFFFFFF;
	vm15 =	vlt.s32 v6, v59;
	[smem:$0x78E] =	sst s20;
	(v2sf) =	vpush v60, $0xF;
	s25 =	spop (v2sf)  }
0x107: {  	vm0 =	vmand vm14, vm15;
	[smem:$0x765] =	sst s25;
	(v2sf) =	vpush v7, $0x0;
	s14 =	spop (v2sf)  }
0x108: {  	v6 =	vsel vm0, $0x1, v2;
	[smem:$0x791] =	sst s14;
	(v2sf) =	vpush v10, $0x0;
	s26 =	spop (v2sf)  }
0x109: {  	[smem:$0x790] =	sst s26;
	(v2sf) =	vpush v6, $0x0;
	s29 =	spop (v2sf)  }
0x10a: {  	[smem:$0x766] =	sst s29;
	(v2sf) =	vpush v7, $0x1;
	s12 =	spop (v2sf)  }
0x10b: {  	[smem:$0x793] =	sst s12;
	s30 =	spop (v2sf)  }
0x10c: {  	(v2sf) =	vpush v10, $0x1;
	[smem:$0x792] =	sst s30;
	s31 =	spop (v2sf)  }
0x10d: {  	(v2sf) =	vpush v6, $0x1;
	[smem:$0x767] =	sst s31;
	s9 =	spop (v2sf)  }
0x10e: {  	(v2sf) =	vpush v7, $0x2;
	[smem:$0x795] =	sst s9;
	s1 =	spop (v2sf)  }
0x10f: {  	(v2sf) =	vpush v10, $0x2;
	[smem:$0x794] =	sst s1;
	s2 =	spop (v2sf)  }
0x110: {  	(v2sf) =	vpush v6, $0x2;
	[smem:$0x768] =	sst s2;
	s6 =	spop (v2sf)  }
0x111: {  	(v2sf) =	vpush v7, $0x3;
	[smem:$0x797] =	sst s6;
	s3 =	spop (v2sf)  }
0x112: {  	(v2sf) =	vpush v10, $0x3;
	[smem:$0x796] =	sst s3;
	s4 =	spop (v2sf)  }
0x113: {  	(v2sf) =	vpush v6, $0x3;
	[smem:$0x769] =	sst s4;
	s7 =	spop (v2sf)  }
0x114: {  	(v2sf) =	vpush v7, $0x4;
	[smem:$0x799] =	sst s7;
	s5 =	spop (v2sf)  }
0x115: {  	(v2sf) =	vpush v10, $0x4;
	[smem:$0x798] =	sst s5;
	s10 =	spop (v2sf)  }
0x116: {  	(v2sf) =	vpush v6, $0x4;
	[smem:$0x76A] =	sst s10;
	s2 =	spop (v2sf)  }
0x117: {  	(v2sf) =	vpush v7, $0x5;
	[smem:$0x79B] =	sst s2;
	s11 =	spop (v2sf)  }
0x118: {  	(v2sf) =	vpush v10, $0x5;
	[smem:$0x79A] =	sst s11;
	s13 =	spop (v2sf)  }
0x119: {  	(v2sf) =	vpush v6, $0x5;
	[smem:$0x76B] =	sst s13;
	s0 =	spop (v2sf)  }
0x11a: {  	(v2sf) =	vpush v7, $0x6;
	[smem:$0x79D] =	sst s0  }
0x11b: {  	(v2sf) =	vpush v10, $0x6;
	s16 =	spop (v2sf)  }
0x11c: {  	(v2sf) =	vpush v6, $0x6;
	s17 =	spop (v2sf)  }
0x11d: {  	(v2sf) =	vpush v7, $0x7;
	s1 =	spop (v2sf)  }
0x11e: {  	(v2sf) =	vpush v10, $0x7;
	s20 =	spop (v2sf)  }
0x11f: {  	p1 =	seq.s32 s8, $0x0;
	s8 =	sld [smem:$0x7F9];
	(v2sf) =	vpush v6, $0x7;
	s25 =	spop (v2sf)  }
0x120: {  	[smem:$0x79C] =	sst s16;
	(v2sf) =	vpush v7, $0x8;
	s5 =	spop (v2sf)  }
0x121: {  	[smem:$0x76C] =	sst s17;
	(v2sf) =	vpush v10, $0x8;
	s26 =	spop (v2sf)  }
0x122: {  	[smem:$0x79F] =	sst s1;
	(v2sf) =	vpush v6, $0x8;
	s29 =	spop (v2sf)  }
0x123: {  	[smem:$0x79E] =	sst s20;
	(v2sf) =	vpush v7, $0x9;
	s17 =	spop (v2sf)  }
0x124: {  	[smem:$0x76D] =	sst s25;
	(v2sf) =	vpush v10, $0x9;
	s30 =	spop (v2sf)  }
0x125: {  	[smem:$0x7A1] =	sst s5;
	(v2sf) =	vpush v6, $0x9;
	s31 =	spop (v2sf)  }
0x126: {  	[smem:$0x7A0] =	sst s26;
	(v2sf) =	vpush v7, $0xA;
	s16 =	spop (v2sf)  }
0x127: {  	[smem:$0x76E] =	sst s29;
	(v2sf) =	vpush v10, $0xA;
	s4 =	spop (v2sf)  }
0x128: {  	[smem:$0x7A3] =	sst s17;
	(v2sf) =	vpush v6, $0xA;
	s10 =	spop (v2sf)  }
0x129: {  	[smem:$0x7A2] =	sst s30;
	(v2sf) =	vpush v7, $0xB;
	s13 =	spop (v2sf)  }
0x12a: {  	[smem:$0x76F] =	sst s31;
	(v2sf) =	vpush v10, $0xB;
	s11 =	spop (v2sf)  }
0x12b: {  	[smem:$0x7A5] =	sst s16;
	(v2sf) =	vpush v6, $0xB;
	s20 =	spop (v2sf)  }
0x12c: {  	[smem:$0x7A6] =	sst s11;
	(v2sf) =	vpush v7, $0xC;
	s11 =	spop (v2sf)  }
0x12d: {  	[smem:$0x7A4] =	sst s4;
	(v2sf) =	vpush v10, $0xC;
	s25 =	spop (v2sf)  }
0x12e: {  	[smem:$0x770] =	sst s10;
	(v2sf) =	vpush v6, $0xC;
	s26 =	spop (v2sf)  }
0x12f: {  	[smem:$0x7A7] =	sst s13;
	(v2sf) =	vpush v7, $0xD;
	s10 =	spop (v2sf)  }
0x130: {  	[smem:$0x771] =	sst s20;
	(v2sf) =	vpush v10, $0xD;
	s29 =	spop (v2sf)  }
0x131: {  	[smem:$0x7A9] =	sst s11;
	(v2sf) =	vpush v6, $0xD;
	s30 =	spop (v2sf)  }
0x132: {  	[smem:$0x7A8] =	sst s25;
	(v2sf) =	vpush v7, $0xE;
	s4 =	spop (v2sf)  }
0x133: {  	[smem:$0x772] =	sst s26;
	(v2sf) =	vpush v10, $0xE;
	s31 =	spop (v2sf)  }
0x134: {  	[smem:$0x7AB] =	sst s10;
	(v2sf) =	vpush v6, $0xE;
	s20 =	spop (v2sf)  }
0x135: {  	[smem:$0x7AA] =	sst s29;
	s29 =	spop (v2sf)  }
0x136: {  	[smem:$0x773] =	sst s30;
	(v2sf) =	vpush v7, $0xF;
	s25 =	spop (v2sf)  }
0x137: {  	[smem:$0x7AD] =	sst s4;
	(v2sf) =	vpush v10, $0xF;
	s26 =	spop (v2sf)  }
0x138: {  	(v2sf) =	vpush v6, $0xF;
	[smem:$0x775] =	sst s26;
	s26 =	spop (v2sf)  }
0x139: {  	[smem:$0x774] =	sst s20;
	s20 =	spop (v2sf)  }
0x13a: {  	[smem:$0x7AC] =	sst s31;
	s30 =	spop (v2sf)  }
0x13b: {  	[smem:$0x7B1] =	sst s20;
	s20 =	spop (v2sf)  }
0x13c: {  	[smem:$0x7AF] =	sst s25;
	s25 =	spop (v2sf)  }
0x13d: {  	[smem:$0x7B0] =	sst s29;
	s31 =	spop (v2sf)  }
0x13e: {  	[smem:$0x777] =	sst s31;
	s31 =	spop (v2sf)  }
0x13f: {  	[smem:$0x776] =	sst s30;
	s3 =	spop (v2sf)  }
0x140: {  	[smem:$0x7B3] =	sst s25;
	s30 =	spop (v2sf)  }
0x141: {  	[smem:$0x778] =	sst s30;
	s30 =	spop (v2sf)  }
0x142: {  	[smem:$0x7B5] =	sst s3;
	s3 =	spop (v2sf)  }
0x143: {  	[smem:$0x7B6] =	sst s3;
	s25 =	spop (v2sf)  }
0x144: {  	s3 =	sshll.u32 s28, $0xC;
	[smem:$0x779] =	sst s25  }
0x145: {  	s25 =	sand.u32 $0x1FFFF000, s3;
	s28 =	spop (v2sf);
	s3 =	rddreg [dreg:$0x3]  }
0x146: {  	[smem:$0x7B8] =	sst s28;
	s28 =	sadd.s32 s3, s25;
	s25 =	spop (v2sf)  }
0x147: {  	[smem:$0x7B7] =	sst s25;
	s25 =	spop (v2sf)  }
0x148: {  	[smem:$0x77A] =	sst s25  }
0x149: {  	s25 =	rddreg [dreg:$0x8]  }
0x14a: {  	s28 =	smov.u32 @p1 s8;
	s8 =	sor.u32 $0x1C01, s25;
	s25 =	sld [smem:$0x7F8]  }
0x14b: {  	[smem:$0x7B2] =	sst s26  }
0x14c: {  	[smem:$0x7B4] =	sst s20  }
0x14d: {  	[hbm:s25], [sflag:s8] =	dma.local [hbm:s28], $0x1000  }
0x14e: {  	s25 =	sld [smem:$0x77D];
	_ =	sdelay $0x2  }
0x14f: {  	s25 =	sshll.u32 s25, $0xC  }
0x150: {  	s28 =	sand.u32 $0x1FFFF000, s25;
	s25 =	sld [smem:$0x75C];
	_ =	sdelay $0x2  }
0x151: {  	p0 =	seq.s32 s25, $0x0  }
0x152: {  	s25 =	simm.s32 @!p0 $0x0  }
0x153: {  	s25 =	simm.s32 @p0 $0x1  }
0x154: {  	[smem:$0x7B9] =	sst s25  }
0x155: {  	s28 =	sadd.s32 s3, s28;
	s25 =	rddreg [dreg:$0xa]  }
0x156: {  	s28 =	smov.u32 @p0 s25;
	s25 =	rddreg [dreg:$0x9]  }
0x157: {  	[hbm:s25], [sflag:s8] =	dma.local [hbm:s28], $0x1000  }
0x158: {  	s25 =	sld [smem:$0x77F];
	_ =	sdelay $0x2  }
0x159: {  	s25 =	sshll.u32 s25, $0xC  }
0x15a: {  	s28 =	sand.u32 $0x1FFFF000, s25;
	s25 =	sld [smem:$0x75D];
	_ =	sdelay $0x2  }
0x15b: {  	p0 =	seq.s32 s25, $0x0  }
0x15c: {  	s25 =	simm.s32 @!p0 $0x0  }
0x15d: {  	s25 =	simm.s32 @p0 $0x1  }
0x15e: {  	[smem:$0x7BA] =	sst s25  }
0x15f: {  	s28 =	sadd.s32 s3, s28;
	s25 =	rddreg [dreg:$0xc]  }
0x160: {  	s28 =	smov.u32 @p0 s25;
	s25 =	rddreg [dreg:$0xb]  }
0x161: {  	[hbm:s25], [sflag:s8] =	dma.local [hbm:s28], $0x1000  }
0x162: {  	s25 =	sld [smem:$0x781];
	_ =	sdelay $0x2  }
0x163: {  	s25 =	sshll.u32 s25, $0xC  }
0x164: {  	s28 =	sand.u32 $0x1FFFF000, s25;
	s25 =	sld [smem:$0x75E];
	_ =	sdelay $0x2  }
0x165: {  	p0 =	seq.s32 s25, $0x0  }
0x166: {  	s25 =	simm.s32 @!p0 $0x0  }
0x167: {  	s25 =	simm.s32 @p0 $0x1  }
0x168: {  	[smem:$0x7BB] =	sst s25  }
0x169: {  	s28 =	sadd.s32 s3, s28;
	s25 =	rddreg [dreg:$0xe]  }
0x16a: {  	s28 =	smov.u32 @p0 s25;
	s25 =	rddreg [dreg:$0xd]  }
0x16b: {  	[hbm:s25], [sflag:s8] =	dma.local [hbm:s28], $0x1000  }
0x16c: {  	s25 =	sld [smem:$0x783];
	_ =	sdelay $0x2  }
0x16d: {  	s25 =	sshll.u32 s25, $0xC  }
0x16e: {  	s28 =	sand.u32 $0x1FFFF000, s25;
	s25 =	sld [smem:$0x75F];
	_ =	sdelay $0x2  }
0x16f: {  	p0 =	seq.s32 s25, $0x0  }
0x170: {  	s25 =	simm.s32 @!p0 $0x0  }
0x171: {  	s25 =	simm.s32 @p0 $0x1  }
0x172: {  	[smem:$0x7BC] =	sst s25  }
0x173: {  	s28 =	sadd.s32 s3, s28;
	s25 =	rddreg [dreg:$0x10]  }
0x174: {  	s28 =	smov.u32 @p0 s25;
	s25 =	rddreg [dreg:$0xf]  }
0x175: {  	[hbm:s25], [sflag:s8] =	dma.local [hbm:s28], $0x1000  }
0x176: {  	s25 =	sld [smem:$0x760];
	_ =	sdelay $0x1  }
0x177: {  	s24 =	sshll.u32 s24, $0xC  }
0x178: {  	s28 =	sand.u32 $0x1FFFF000, s24;
	p0 =	seq.s32 s25, $0x0  }
0x179: {  	s28 =	sadd.s32 s3, s28;
	s25 =	rddreg [dreg:$0x12];
	s24 =	simm.s32 @!p0 $0x0  }
0x17a: {  	s28 =	smov.u32 @p0 s25;
	s25 =	rddreg [dreg:$0x11];
	s24 =	simm.s32 @p0 $0x1  }
0x17b: {  	[smem:$0x7BD] =	sst s24  }
0x17c: {  	[hbm:s25], [sflag:s8] =	dma.local [hbm:s28], $0x1000  }
0x17d: {  	s25 =	sld [smem:$0x761];
	_ =	sdelay $0x2  }
0x17e: {  	p0 =	seq.s32 s25, $0x0  }
0x17f: {  	s24 =	sshll.u32 s23, $0xC;
	s23 =	simm.s32 @!p0 $0x0  }
0x180: {  	s28 =	sand.u32 $0x1FFFF000, s24;
	s25 =	rddreg [dreg:$0x14];
	s23 =	simm.s32 @p0 $0x1  }
0x181: {  	[smem:$0x7BE] =	sst s23;
	s23 =	sadd.s32 s3, s28  }
0x182: {  	s23 =	smov.u32 @p0 s25;
	s25 =	rddreg [dreg:$0x13]  }
0x183: {  	[hbm:s25], [sflag:s8] =	dma.local [hbm:s23], $0x1000  }
0x184: {  	s28 =	sld [smem:$0x762];
	_ =	sdelay $0x2  }
0x185: {  	p0 =	seq.s32 s28, $0x0  }
0x186: {  	s24 =	sshll.u32 s22, $0xC;
	s22 =	simm.s32 @!p0 $0x0  }
0x187: {  	s22 =	simm.s32 @p0 $0x1  }
0x188: {  	s23 =	sand.u32 $0x1FFFF000, s24;
	[smem:$0x7BF] =	sst s22  }
0x189: {  	s22 =	sadd.s32 s3, s23;
	s23 =	rddreg [dreg:$0x16]  }
0x18a: {  	s22 =	smov.u32 @p0 s23;
	s23 =	rddreg [dreg:$0x15]  }
0x18b: {  	[hbm:s23], [sflag:s8] =	dma.local [hbm:s22], $0x1000  }
0x18c: {  	s28 =	sld [smem:$0x763];
	_ =	sdelay $0x1  }
0x18d: {  	s24 =	sshll.u32 s21, $0xC  }
0x18e: {  	s22 =	sand.u32 $0x1FFFF000, s24;
	p0 =	seq.s32 s28, $0x0  }
0x18f: {  	s22 =	sadd.s32 s3, s22;
	s24 =	rddreg [dreg:$0x18];
	s21 =	simm.s32 @!p0 $0x0  }
0x190: {  	s22 =	smov.u32 @p0 s24;
	s24 =	rddreg [dreg:$0x17];
	s21 =	simm.s32 @p0 $0x1  }
0x191: {  	[smem:$0x7C0] =	sst s21  }
0x192: {  	[hbm:s24], [sflag:s8] =	dma.local [hbm:s22], $0x1000  }
0x193: {  	s28 =	sld [smem:$0x764];
	_ =	sdelay $0x1  }
0x194: {  	s21 =	sshll.u32 s19, $0xC  }
0x195: {  	s22 =	sand.u32 $0x1FFFF000, s21;
	p0 =	seq.s32 s28, $0x0  }
0x196: {  	s21 =	sadd.s32 s3, s22;
	s22 =	rddreg [dreg:$0x1a];
	s19 =	simm.s32 @!p0 $0x0  }
0x197: {  	s21 =	smov.u32 @p0 s22;
	s22 =	rddreg [dreg:$0x19];
	s19 =	simm.s32 @p0 $0x1  }
0x198: {  	[smem:$0x7C1] =	sst s19  }
0x199: {  	[hbm:s22], [sflag:s8] =	dma.local [hbm:s21], $0x1000  }
0x19a: {  	s28 =	sld [smem:$0x765];
	_ =	sdelay $0x2  }
0x19b: {  	p0 =	seq.s32 s28, $0x0  }
0x19c: {  	s19 =	sshll.u32 s18, $0xC;
	s18 =	simm.s32 @!p0 $0x0  }
0x19d: {  	s18 =	simm.s32 @p0 $0x1  }
0x19e: {  	s21 =	sand.u32 $0x1FFFF000, s19;
	[smem:$0x7C2] =	sst s18  }
0x19f: {  	s18 =	sadd.s32 s3, s21;
	s21 =	rddreg [dreg:$0x1c]  }
0x1a0: {  	s18 =	smov.u32 @p0 s21;
	s21 =	rddreg [dreg:$0x1b]  }
0x1a1: {  	[hbm:s21], [sflag:s8] =	dma.local [hbm:s18], $0x1000  }
0x1a2: {  	s28 =	sld [smem:$0x766];
	_ =	sdelay $0x2  }
0x1a3: {  	p0 =	seq.s32 s28, $0x0  }
0x1a4: {  	s19 =	sshll.u32 s14, $0xC;
	s14 =	simm.s32 @!p0 $0x0  }
0x1a5: {  	s14 =	simm.s32 @p0 $0x1  }
0x1a6: {  	s18 =	sand.u32 $0x1FFFF000, s19;
	[smem:$0x7C3] =	sst s14  }
0x1a7: {  	s14 =	sadd.s32 s3, s18;
	s18 =	rddreg [dreg:$0x1e]  }
0x1a8: {  	s14 =	smov.u32 @p0 s18;
	s18 =	rddreg [dreg:$0x1d]  }
0x1a9: {  	[hbm:s18], [sflag:s8] =	dma.local [hbm:s14], $0x1000  }
0x1aa: {  	s28 =	sld [smem:$0x767]  }
0x1ab: {  	s19 =	sshll.u32 s12, $0xC  }
0x1ac: {  	s14 =	sand.u32 $0x1FFFF000, s19;
	s19 =	sld [smem:$0x7D3]  }
0x1ad: {  	p0 =	seq.s32 s28, $0x0  }
0x1ae: {  	s14 =	sadd.s32 s3, s14;
	s12 =	simm.s32 @!p0 $0x0  }
0x1af: {  	s14 =	smov.u32 @p0 s19;
	s19 =	rddreg [dreg:$0x1f];
	s12 =	simm.s32 @p0 $0x1  }
0x1b0: {  	[smem:$0x7C4] =	sst s12  }
0x1b1: {  	[hbm:s19], [sflag:s8] =	dma.local [hbm:s14], $0x1000  }
0x1b2: {  	s28 =	sld [smem:$0x768];
	_ =	sdelay $0x2  }
0x1b3: {  	p0 =	seq.s32 s28, $0x0  }
0x1b4: {  	s12 =	sshll.u32 s9, $0xC;
	s9 =	simm.s32 @!p0 $0x0  }
0x1b5: {  	s9 =	simm.s32 @p0 $0x1  }
0x1b6: {  	s14 =	sand.u32 $0x1FFFF000, s12;
	[smem:$0x7C5] =	sst s9  }
0x1b7: {  	s9 =	sadd.s32 s3, s14;
	s14 =	sld [smem:$0x7D5];
	_ =	sdelay $0x2  }
0x1b8: {  	s9 =	smov.u32 @p0 s14;
	s14 =	sld [smem:$0x7D4];
	_ =	sdelay $0x2  }
0x1b9: {  	[hbm:s14], [sflag:s8] =	dma.local [hbm:s9], $0x1000  }
0x1ba: {  	s28 =	sld [smem:$0x769];
	_ =	sdelay $0x2  }
0x1bb: {  	p0 =	seq.s32 s28, $0x0  }
0x1bc: {  	s12 =	sshll.u32 s6, $0xC;
	s6 =	simm.s32 @!p0 $0x0  }
0x1bd: {  	s6 =	simm.s32 @p0 $0x1  }
0x1be: {  	s9 =	sand.u32 $0x1FFFF000, s12;
	[smem:$0x7C6] =	sst s6  }
0x1bf: {  	s6 =	sadd.s32 s3, s9;
	s9 =	sld [smem:$0x7D7];
	_ =	sdelay $0x2  }
0x1c0: {  	s6 =	smov.u32 @p0 s9;
	s9 =	sld [smem:$0x7D6];
	_ =	sdelay $0x2  }
0x1c1: {  	[hbm:s9], [sflag:s8] =	dma.local [hbm:s6], $0x1000  }
0x1c2: {  	s12 =	sshll.u32 s7, $0xC;
	s28 =	sld [smem:$0x76A]  }
0x1c3: {  	s6 =	sand.u32 $0x1FFFF000, s12;
	s12 =	sld [smem:$0x7D9];
	_ =	sdelay $0x1  }
0x1c4: {  	s6 =	sadd.s32 s3, s6;
	p0 =	seq.s32 s28, $0x0  }
0x1c5: {  	s7 =	simm.s32 @!p0 $0x0;
	s6 =	smov.u32 @p0 s12;
	s12 =	sld [smem:$0x7D8]  }
0x1c6: {  	s7 =	simm.s32 @p0 $0x1  }
0x1c7: {  	[smem:$0x7C7] =	sst s7  }
0x1c8: {  	[hbm:s12], [sflag:s8] =	dma.local [hbm:s6], $0x1000  }
0x1c9: {  	s28 =	sld [smem:$0x76B];
	_ =	sdelay $0x2  }
0x1ca: {  	p0 =	seq.s32 s28, $0x0  }
0x1cb: {  	s7 =	sshll.u32 s2, $0xC;
	s2 =	simm.s32 @!p0 $0x0  }
0x1cc: {  	s2 =	simm.s32 @p0 $0x1  }
0x1cd: {  	s6 =	sand.u32 $0x1FFFF000, s7;
	[smem:$0x7C8] =	sst s2  }
0x1ce: {  	s2 =	sadd.s32 s3, s6;
	s6 =	sld [smem:$0x7DB];
	_ =	sdelay $0x2  }
0x1cf: {  	s2 =	smov.u32 @p0 s6;
	s6 =	sld [smem:$0x7DA];
	_ =	sdelay $0x2  }
0x1d0: {  	[hbm:s6], [sflag:s8] =	dma.local [hbm:s2], $0x1000  }
0x1d1: {  	s28 =	sld [smem:$0x76C];
	_ =	sdelay $0x2  }
0x1d2: {  	p0 =	seq.s32 s28, $0x0  }
0x1d3: {  	s7 =	sshll.u32 s0, $0xC;
	s0 =	simm.s32 @!p0 $0x0  }
0x1d4: {  	s0 =	simm.s32 @p0 $0x1  }
0x1d5: {  	s2 =	sand.u32 $0x1FFFF000, s7;
	[smem:$0x7C9] =	sst s0  }
0x1d6: {  	s0 =	sadd.s32 s3, s2;
	s2 =	sld [smem:$0x7DD]  }
0x1d7: {  	s28 =	sld [smem:$0x7DC];
	_ =	sdelay $0x1  }
0x1d8: {  	s0 =	smov.u32 @p0 s2  }
0x1d9: {  	[hbm:s28], [sflag:s8] =	dma.local [hbm:s0], $0x1000  }
0x1da: {  	s2 =	sld [smem:$0x76D];
	_ =	sdelay $0x2  }
0x1db: {  	s1 =	sshll.u32 s1, $0xC;
	p0 =	seq.s32 s2, $0x0  }
0x1dc: {  	s0 =	sand.u32 $0x1FFFF000, s1;
	s1 =	simm.s32 @!p0 $0x0  }
0x1dd: {  	s1 =	simm.s32 @p0 $0x1  }
0x1de: {  	[smem:$0x7CA] =	sst s1  }
0x1df: {  	s1 =	sld [smem:$0x7DF]  }
0x1e0: {  	s7 =	sld [smem:$0x7DE]  }
0x1e1: {  	s0 =	sadd.s32 s3, s0  }
0x1e2: {  	s0 =	smov.u32 @p0 s1  }
0x1e3: {  	[hbm:s7], [sflag:s8] =	dma.local [hbm:s0], $0x1000  }
0x1e4: {  	s1 =	sld [smem:$0x76E];
	_ =	sdelay $0x2  }
0x1e5: {  	p0 =	seq.s32 s1, $0x0  }
0x1e6: {  	s1 =	simm.s32 @!p0 $0x0  }
0x1e7: {  	s1 =	simm.s32 @p0 $0x1  }
0x1e8: {  	[smem:$0x7CB] =	sst s1  }
0x1e9: {  	s2 =	sshll.u32 s5, $0xC;
	s1 =	sld [smem:$0x7E1]  }
0x1ea: {  	s0 =	sand.u32 $0x1FFFF000, s2;
	s5 =	sld [smem:$0x7E0]  }
0x1eb: {  	s0 =	sadd.s32 s3, s0  }
0x1ec: {  	s0 =	smov.u32 @p0 s1  }
0x1ed: {  	[hbm:s5], [sflag:s8] =	dma.local [hbm:s0], $0x1000  }
0x1ee: {  	s1 =	sld [smem:$0x76F];
	_ =	sdelay $0x2  }
0x1ef: {  	p0 =	seq.s32 s1, $0x0  }
0x1f0: {  	s1 =	simm.s32 @!p0 $0x0  }
0x1f1: {  	s1 =	simm.s32 @p0 $0x1  }
0x1f2: {  	[smem:$0x7CC] =	sst s1  }
0x1f3: {  	s7 =	sshll.u32 s17, $0xC;
	s1 =	sld [smem:$0x7E3]  }
0x1f4: {  	s0 =	sand.u32 $0x1FFFF000, s7;
	s17 =	sld [smem:$0x7E2]  }
0x1f5: {  	s0 =	sadd.s32 s3, s0  }
0x1f6: {  	s0 =	smov.u32 @p0 s1;
	s1 =	sshll.u32 s16, $0xC  }
0x1f7: {  	[hbm:s17], [sflag:s8] =	dma.local [hbm:s0], $0x1000  }
0x1f8: {  	s0 =	sand.u32 $0x1FFFF000, s1;
	s1 =	sld [smem:$0x770];
	_ =	sdelay $0x2  }
0x1f9: {  	p0 =	seq.s32 s1, $0x0  }
0x1fa: {  	s1 =	simm.s32 @!p0 $0x0  }
0x1fb: {  	s1 =	simm.s32 @p0 $0x1  }
0x1fc: {  	[smem:$0x7CD] =	sst s1  }
0x1fd: {  	s1 =	sld [smem:$0x7E5]  }
0x1fe: {  	s5 =	sld [smem:$0x7E4]  }
0x1ff: {  	s0 =	sadd.s32 s3, s0  }
0x200: {  	s0 =	smov.u32 @p0 s1  }
0x201: {  	[hbm:s5], [sflag:s8] =	dma.local [hbm:s0], $0x1000  }
0x202: {  	s7 =	sld [smem:$0x771];
	_ =	sdelay $0x2  }
0x203: {  	p0 =	seq.s32 s7, $0x0  }
0x204: {  	s1 =	simm.s32 @!p0 $0x0  }
0x205: {  	s1 =	simm.s32 @p0 $0x1  }
0x206: {  	[smem:$0x7CE] =	sst s1  }
0x207: {  	s2 =	sshll.u32 s13, $0xC;
	s1 =	sld [smem:$0x7E7]  }
0x208: {  	s0 =	sand.u32 $0x1FFFF000, s2;
	s13 =	sld [smem:$0x7E6]  }
0x209: {  	s0 =	sadd.s32 s3, s0  }
0x20a: {  	s0 =	smov.u32 @p0 s1  }
0x20b: {  	[hbm:s13], [sflag:s8] =	dma.local [hbm:s0], $0x1000  }
0x20c: {  	s1 =	sld [smem:$0x772];
	_ =	sdelay $0x2  }
0x20d: {  	p0 =	seq.s32 s1, $0x0  }
0x20e: {  	s1 =	simm.s32 @!p0 $0x0  }
0x20f: {  	s1 =	simm.s32 @p0 $0x1  }
0x210: {  	[smem:$0x7CF] =	sst s1  }
0x211: {  	s16 =	sshll.u32 s11, $0xC;
	s1 =	sld [smem:$0x7E9]  }
0x212: {  	s0 =	sand.u32 $0x1FFFF000, s16;
	s17 =	sld [smem:$0x7E8]  }
0x213: {  	s0 =	sadd.s32 s3, s0  }
0x214: {  	s0 =	smov.u32 @p0 s1;
	s1 =	sshll.u32 s10, $0xC  }
0x215: {  	[hbm:s17], [sflag:s8] =	dma.local [hbm:s0], $0x1000  }
0x216: {  	s0 =	sand.u32 $0x1FFFF000, s1;
	s1 =	sld [smem:$0x773];
	_ =	sdelay $0x2  }
0x217: {  	p0 =	seq.s32 s1, $0x0  }
0x218: {  	s1 =	simm.s32 @!p0 $0x0  }
0x219: {  	s1 =	simm.s32 @p0 $0x1  }
0x21a: {  	[smem:$0x7D0] =	sst s1  }
0x21b: {  	s1 =	sld [smem:$0x7EB]  }
0x21c: {  	s10 =	sld [smem:$0x7EA]  }
0x21d: {  	s0 =	sadd.s32 s3, s0  }
0x21e: {  	s0 =	smov.u32 @p0 s1  }
0x21f: {  	[hbm:s10], [sflag:s8] =	dma.local [hbm:s0], $0x1000  }
0x220: {  	s2 =	sshll.u32 s4, $0xC;
	s4 =	sld [smem:$0x774];
	_ =	sdelay $0x2  }
0x221: {  	p0 =	seq.s32 s4, $0x0  }
0x222: {  	s1 =	simm.s32 @!p0 $0x0  }
0x223: {  	s1 =	simm.s32 @p0 $0x1  }
0x224: {  	[smem:$0x7D1] =	sst s1  }
0x225: {  	s1 =	sld [smem:$0x7ED]  }
0x226: {  	s0 =	sand.u32 $0x1FFFF000, s2;
	s11 =	sld [smem:$0x7EC]  }
0x227: {  	s0 =	sadd.s32 s3, s0  }
0x228: {  	s0 =	smov.u32 @p0 s1  }
0x229: {  	[hbm:s11], [sflag:s8] =	dma.local [hbm:s0], $0x1000  }
0x22a: {  	s13 =	sld [smem:$0x775];
	_ =	sdelay $0x2  }
0x22b: {  	p0 =	seq.s32 s13, $0x0  }
0x22c: {  	s1 =	simm.s32 @!p0 $0x0  }
0x22d: {  	s1 =	simm.s32 @p0 $0x1  }
0x22e: {  	[smem:$0x7AE] =	sst s1  }
0x22f: {  	s7 =	sshll.u32 s29, $0xC;
	s1 =	sld [smem:$0x7EF]  }
0x230: {  	s0 =	sand.u32 $0x1FFFF000, s7;
	s13 =	sld [smem:$0x7EE]  }
0x231: {  	s0 =	sadd.s32 s3, s0  }
0x232: {  	s0 =	smov.u32 @p0 s1  }
0x233: {  	[hbm:s13], [sflag:s8] =	dma.local [hbm:s0], $0x1000  }
0x234: {  	s17 =	sld [smem:$0x776]  }
0x235: {  	s16 =	sshll.u32 s26, $0xC;
	s1 =	sld [smem:$0x7F1]  }
0x236: {  	s0 =	sand.u32 $0x1FFFF000, s16;
	s29 =	sld [smem:$0x7F0]  }
0x237: {  	s0 =	sadd.s32 s3, s0;
	p6 =	seq.s32 s17, $0x0  }
0x238: {  	s0 =	smov.u32 @p6 s1  }
0x239: {  	[hbm:s29], [sflag:s8] =	dma.local [hbm:s0], $0x1000  }
0x23a: {  	s26 =	sld [smem:$0x777];
	_ =	sdelay $0x1  }
0x23b: {  	s20 =	sshll.u32 s20, $0xC;
	s1 =	sld [smem:$0x7F3]  }
0x23c: {  	s0 =	sand.u32 $0x1FFFF000, s20;
	p5 =	seq.s32 s26, $0x0;
	s26 =	sld [smem:$0x7F2]  }
0x23d: {  	s0 =	sadd.s32 s3, s0  }
0x23e: {  	s0 =	smov.u32 @p5 s1  }
0x23f: {  	[hbm:s26], [sflag:s8] =	dma.local [hbm:s0], $0x1000  }
0x240: {  	s1 =	sshll.u32 s31, $0xC;
	s2 =	sld [smem:$0x778]  }
0x241: {  	s0 =	sand.u32 $0x1FFFF000, s1;
	s1 =	sld [smem:$0x7F5]  }
0x242: {  	s20 =	sld [smem:$0x7F4]  }
0x243: {  	s0 =	sadd.s32 s3, s0;
	p4 =	seq.s32 s2, $0x0  }
0x244: {  	s0 =	smov.u32 @p4 s1  }
0x245: {  	[hbm:s20], [sflag:s8] =	dma.local [hbm:s0], $0x1000  }
0x246: {  	s7 =	sld [smem:$0x779]  }
0x247: {  	s4 =	sshll.u32 s30, $0xC;
	s1 =	sld [smem:$0x7F7]  }
0x248: {  	s0 =	sand.u32 $0x1FFFF000, s4;
	s17 =	sld [smem:$0x7F6]  }
0x249: {  	s0 =	sadd.s32 s3, s0;
	p3 =	seq.s32 s7, $0x0  }
0x24a: {  	s0 =	smov.u32 @p3 s1  }
0x24b: {  	[hbm:s17], [sflag:s8] =	dma.local [hbm:s0], $0x1000  }
0x24c: {  	s0 =	sld [smem:$0x7B8];
	_ =	sdelay $0x1  }
0x24d: {  	s16 =	sld [smem:$0x77A]  }
0x24e: {  	s1 =	sld [smem:$0x7FB];
	s0 =	sshll.u32 s0, $0xC  }
0x24f: {  	s7 =	sld [smem:$0x7FA];
	s0 =	sand.u32 $0x1FFFF000, s0  }
0x250: {  	p2 =	seq.s32 s16, $0x0;
	s0 =	sadd.s32 s3, s0  }
0x251: {  	s0 =	smov.u32 @p2 s1  }
0x252: {  	[hbm:s7], [sflag:s8] =	dma.local [hbm:s0], $0x1000  }
0x253: {  	_ =	swait.ge [sflag:s15], $0x1000  }
0x254: {  	[sflag:s15] =	ssyncset.done $0x0  }
0x255: {  	[sflag:s15] =	ssyncadd.s32 $0xFFFFF000  }
0x256: {  	_ =	swait.ge [sflag:s15], $0x1000  }
0x257: {  	[sflag:s15] =	ssyncset.done $0x0  }
0x258: {  	[sflag:s15] =	ssyncadd.s32 $0xFFFFF000  }
0x259: {  	_ =	swait.ge [sflag:s15], $0x1000  }
0x25a: {  	[sflag:s15] =	ssyncset.done $0x0  }
0x25b: {  	[sflag:s15] =	ssyncadd.s32 $0xFFFFF000  }
0x25c: {  	_ =	swait.ge [sflag:s15], $0x1000  }
0x25d: {  	[sflag:s15] =	ssyncset.done $0x0  }
0x25e: {  	[sflag:s15] =	ssyncadd.s32 $0xFFFFF000  }
0x25f: {  	_ =	swait.ge [sflag:s15], $0x1000  }
0x260: {  	[sflag:s15] =	ssyncset.done $0x0  }
0x261: {  	[sflag:s15] =	ssyncadd.s32 $0xFFFFF000  }
0x262: {  	_ =	swait.ge [sflag:s15], $0x1000  }
0x263: {  	[sflag:s15] =	ssyncset.done $0x0  }
0x264: {  	[sflag:s15] =	ssyncadd.s32 $0xFFFFF000  }
0x265: {  	_ =	swait.ge [sflag:s15], $0x1000  }
0x266: {  	[sflag:s15] =	ssyncset.done $0x0  }
0x267: {  	[sflag:s15] =	ssyncadd.s32 $0xFFFFF000  }
0x268: {  	_ =	swait.ge [sflag:s15], $0x1000  }
0x269: {  	[sflag:s15] =	ssyncset.done $0x0  }
0x26a: {  	[sflag:s15] =	ssyncadd.s32 $0xFFFFF000  }
0x26b: {  	_ =	swait.ge [sflag:s15], $0x1000  }
0x26c: {  	[sflag:s15] =	ssyncset.done $0x0  }
0x26d: {  	[sflag:s15] =	ssyncadd.s32 $0xFFFFF000  }
0x26e: {  	_ =	swait.ge [sflag:s15], $0x1000  }
0x26f: {  	[sflag:s15] =	ssyncset.done $0x0  }
0x270: {  	[sflag:s15] =	ssyncadd.s32 $0xFFFFF000  }
0x271: {  	_ =	swait.ge [sflag:s15], $0x1000  }
0x272: {  	[sflag:s15] =	ssyncset.done $0x0  }
0x273: {  	[sflag:s15] =	ssyncadd.s32 $0xFFFFF000  }
0x274: {  	_ =	swait.ge [sflag:s15], $0x1000  }
0x275: {  	[sflag:s15] =	ssyncset.done $0x0  }
0x276: {  	[sflag:s15] =	ssyncadd.s32 $0xFFFFF000  }
0x277: {  	_ =	swait.ge [sflag:s15], $0x1000  }
0x278: {  	[sflag:s15] =	ssyncset.done $0x0  }
0x279: {  	[sflag:s15] =	ssyncadd.s32 $0xFFFFF000  }
0x27a: {  	_ =	swait.ge [sflag:s15], $0x1000  }
0x27b: {  	[sflag:s15] =	ssyncset.done $0x0  }
0x27c: {  	[sflag:s15] =	ssyncadd.s32 $0xFFFFF000  }
0x27d: {  	_ =	swait.ge [sflag:s15], $0x1000  }
0x27e: {  	[sflag:s15] =	ssyncset.done $0x0  }
0x27f: {  	[sflag:s15] =	ssyncadd.s32 $0xFFFFF000  }
0x280: {  	_ =	swait.ge [sflag:s15], $0x1000  }
0x281: {  	[sflag:s15] =	ssyncset.done $0x0  }
0x282: {  	[sflag:s15] =	ssyncadd.s32 $0xFFFFF000  }
0x283: {  	_ =	swait.ge [sflag:s15], $0x1000  }
0x284: {  	[sflag:s15] =	ssyncset.done $0x0  }
0x285: {  	[sflag:s15] =	ssyncadd.s32 $0xFFFFF000  }
0x286: {  	_ =	swait.ge [sflag:s15], $0x1000  }
0x287: {  	[sflag:s15] =	ssyncset.done $0x0  }
0x288: {  	[sflag:s15] =	ssyncadd.s32 $0xFFFFF000  }
0x289: {  	_ =	swait.ge [sflag:s15], $0x1000  }
0x28a: {  	[sflag:s15] =	ssyncset.done $0x0  }
0x28b: {  	[sflag:s15] =	ssyncadd.s32 $0xFFFFF000  }
0x28c: {  	_ =	swait.ge [sflag:s15], $0x1000  }
0x28d: {  	[sflag:s15] =	ssyncset.done $0x0  }
0x28e: {  	[sflag:s15] =	ssyncadd.s32 $0xFFFFF000  }
0x28f: {  	_ =	swait.ge [sflag:s15], $0x1000  }
0x290: {  	[sflag:s15] =	ssyncset.done $0x0  }
0x291: {  	[sflag:s15] =	ssyncadd.s32 $0xFFFFF000  }
0x292: {  	_ =	swait.ge [sflag:s15], $0x1000  }
0x293: {  	[sflag:s15] =	ssyncset.done $0x0  }
0x294: {  	[sflag:s15] =	ssyncadd.s32 $0xFFFFF000  }
0x295: {  	_ =	swait.ge [sflag:s15], $0x1000  }
0x296: {  	[sflag:s15] =	ssyncset.done $0x0  }
0x297: {  	[sflag:s15] =	ssyncadd.s32 $0xFFFFF000  }
0x298: {  	_ =	swait.ge [sflag:s15], $0x1000  }
0x299: {  	[sflag:s15] =	ssyncset.done $0x0  }
0x29a: {  	[sflag:s15] =	ssyncadd.s32 $0xFFFFF000  }
0x29b: {  	_ =	swait.ge [sflag:s15], $0x1000  }
0x29c: {  	[sflag:s15] =	ssyncset.done $0x0  }
0x29d: {  	[sflag:s15] =	ssyncadd.s32 $0xFFFFF000  }
0x29e: {  	_ =	swait.ge [sflag:s15], $0x1000  }
0x29f: {  	[sflag:s15] =	ssyncset.done $0x0  }
0x2a0: {  	[sflag:s15] =	ssyncadd.s32 $0xFFFFF000  }
0x2a1: {  	_ =	swait.ge [sflag:s15], $0x1000  }
0x2a2: {  	[sflag:s15] =	ssyncset.done $0x0  }
0x2a3: {  	[sflag:s15] =	ssyncadd.s32 $0xFFFFF000  }
0x2a4: {  	_ =	swait.ge [sflag:s15], $0x1000  }
0x2a5: {  	[sflag:s15] =	ssyncset.done $0x0  }
0x2a6: {  	[sflag:s15] =	ssyncadd.s32 $0xFFFFF000  }
0x2a7: {  	_ =	swait.ge [sflag:s15], $0x1000  }
0x2a8: {  	[sflag:s15] =	ssyncset.done $0x0  }
0x2a9: {  	[sflag:s15] =	ssyncadd.s32 $0xFFFFF000  }
0x2aa: {  	_ =	swait.ge [sflag:s15], $0x1000  }
0x2ab: {  	[sflag:s15] =	ssyncset.done $0x0  }
0x2ac: {  	[sflag:s15] =	ssyncadd.s32 $0xFFFFF000  }
0x2ad: {  	_ =	swait.ge [sflag:s15], $0x1000  }
0x2ae: {  	[sflag:s15] =	ssyncset.done $0x0  }
0x2af: {  	[sflag:s15] =	ssyncadd.s32 $0xFFFFF000  }
0x2b0: {  	_ =	swait.ge [sflag:s15], $0x1000  }
0x2b1: {  	(v2sf) =	vpush @!p1 v5, $0x0;
	_ =	sdelay $0xb  }
0x2b2: {  	s3 =	sld [smem:$0x77B];
	_ =	sdelay $0x1  }
0x2b3: {  	[sflag:s15] =	ssyncset.done $0x0  }
0x2b4: {  	s2 =	sshll.u32 @!p1 s3, $0x8;
	s3 =	sshll.u32 @!p1 s3, $0x7;
	s0 =	spop @!p1 (v2sf)  }
0x2b5: {  	s2 =	sand.u32 @!p1 $0xFFFFF800, s2;
	s1 =	sshll.u32 @!p1 s0, $0x8;
	s0 =	sshll.u32 @!p1 s0, $0x7  }
0x2b6: {  	s3 =	sand.u32 @!p1 $0x380, s3;
	s1 =	sand.u32 @!p1 $0xFFFFF800, s1;
	s0 =	sand.u32 @!p1 $0x380, s0  }
0x2b7: {  	s0 =	sor.u32 @!p1 s0, s1;
	s1 =	sor.u32 @!p1 s3, s2;
	s2 =	sld [smem:$0x7F8]  }
0x2b8: {  	s4 =	simm.s32 @!p1 $0x80;
	[sflag:s15] =	ssyncadd.s32 $0xFFFFF000  }
0x2b9: {  	s8 =	stileid.u32;
	s16 =	rddreg [dreg:$0x0];
	s0 =	sshrl.u32 @!p1 s0, $0x3  }
0x2ba: {  	s1 =	sshrl.u32 @!p1 s1, $0x3;
	s0 =	sadd.s32 @!p1 s0, s2;
	s2 =	sshll.u32 @!p1 s8, $0x6  }
0x2bb: {  	s3 =	simm.s32 @!p1 $0x1;
	s1 =	sadd.s32 @!p1 s16, s1;
	s2 =	sor.u32 @!p1 $0x1C02, s2  }
0x2bc: {  	[hbm:s0@s4], [sflag:s2] =	dma.strided @!p1 [hbm:s1@s4], $0x20, s3, $0x10   }
0x2bd: {  	s0 =	sld [smem:$0x7B9]  }
0x2be: {  	s1 =	sld [smem:$0x77C]  }
0x2bf: {  	s3 =	sld [smem:$0x77D]  }
0x2c0: {  	p0 =	seq.s32 s0, $0x1  }
0x2c1: {  	s0 =	sshll.u32 @!p0 s1, $0x8  }
0x2c2: {  	s1 =	sshll.u32 @!p0 s1, $0x7;
	s2 =	sshll.u32 @!p0 s3, $0x8;
	s3 =	sshll.u32 @!p0 s3, $0x7  }
0x2c3: {  	s4 =	simm.s32 @!p0 $0x80;
	s0 =	sand.u32 @!p0 $0xFFFFF800, s0;
	s1 =	sand.u32 @!p0 $0x380, s1  }
0x2c4: {  	s2 =	sand.u32 @!p0 $0xFFFFF800, s2;
	s3 =	sand.u32 @!p0 $0x380, s3;
	s0 =	sor.u32 @!p0 s1, s0  }
0x2c5: {  	s1 =	sor.u32 @!p0 s3, s2;
	s2 =	rddreg [dreg:$0x9];
	s0 =	sshrl.u32 @!p0 s0, $0x3  }
0x2c6: {  	s1 =	sshrl.u32 @!p0 s1, $0x3;
	s0 =	sadd.s32 @!p0 s0, s2;
	s2 =	sshll.u32 @!p0 s8, $0x6  }
0x2c7: {  	s3 =	simm.s32 @!p0 $0x1;
	s1 =	sadd.s32 @!p0 s16, s1;
	s2 =	sor.u32 @!p0 $0x1C02, s2  }
0x2c8: {  	[hbm:s0@s4], [sflag:s2] =	dma.strided @!p0 [hbm:s1@s4], $0x20, s3, $0x10   }
0x2c9: {  	s0 =	sld [smem:$0x7BA]  }
0x2ca: {  	s1 =	sld [smem:$0x77E]  }
0x2cb: {  	s3 =	sld [smem:$0x77F]  }
0x2cc: {  	p0 =	seq.s32 s0, $0x1  }
0x2cd: {  	s0 =	sshll.u32 @!p0 s1, $0x8  }
0x2ce: {  	s1 =	sshll.u32 @!p0 s1, $0x7;
	s2 =	sshll.u32 @!p0 s3, $0x8;
	s3 =	sshll.u32 @!p0 s3, $0x7  }
0x2cf: {  	s4 =	simm.s32 @!p0 $0x80;
	s0 =	sand.u32 @!p0 $0xFFFFF800, s0;
	s1 =	sand.u32 @!p0 $0x380, s1  }
0x2d0: {  	s2 =	sand.u32 @!p0 $0xFFFFF800, s2;
	s3 =	sand.u32 @!p0 $0x380, s3;
	s0 =	sor.u32 @!p0 s1, s0  }
0x2d1: {  	s1 =	sor.u32 @!p0 s3, s2;
	s2 =	rddreg [dreg:$0xb];
	s0 =	sshrl.u32 @!p0 s0, $0x3  }
0x2d2: {  	s1 =	sshrl.u32 @!p0 s1, $0x3;
	s0 =	sadd.s32 @!p0 s0, s2;
	s2 =	sshll.u32 @!p0 s8, $0x6  }
0x2d3: {  	s3 =	simm.s32 @!p0 $0x1;
	s1 =	sadd.s32 @!p0 s16, s1;
	s2 =	sor.u32 @!p0 $0x1C02, s2  }
0x2d4: {  	[hbm:s0@s4], [sflag:s2] =	dma.strided @!p0 [hbm:s1@s4], $0x20, s3, $0x10   }
0x2d5: {  	s0 =	sld [smem:$0x7BB]  }
0x2d6: {  	s1 =	sld [smem:$0x780]  }
0x2d7: {  	s3 =	sld [smem:$0x781]  }
0x2d8: {  	p0 =	seq.s32 s0, $0x1  }
0x2d9: {  	s0 =	sshll.u32 @!p0 s1, $0x8  }
0x2da: {  	s1 =	sshll.u32 @!p0 s1, $0x7;
	s2 =	sshll.u32 @!p0 s3, $0x8;
	s3 =	sshll.u32 @!p0 s3, $0x7  }
0x2db: {  	s4 =	simm.s32 @!p0 $0x80;
	s0 =	sand.u32 @!p0 $0xFFFFF800, s0;
	s1 =	sand.u32 @!p0 $0x380, s1  }
0x2dc: {  	s2 =	sand.u32 @!p0 $0xFFFFF800, s2;
	s3 =	sand.u32 @!p0 $0x380, s3;
	s0 =	sor.u32 @!p0 s1, s0  }
0x2dd: {  	s1 =	sor.u32 @!p0 s3, s2;
	s2 =	rddreg [dreg:$0xd];
	s0 =	sshrl.u32 @!p0 s0, $0x3  }
0x2de: {  	s1 =	sshrl.u32 @!p0 s1, $0x3;
	s0 =	sadd.s32 @!p0 s0, s2;
	s2 =	sshll.u32 @!p0 s8, $0x6  }
0x2df: {  	s3 =	simm.s32 @!p0 $0x1;
	s1 =	sadd.s32 @!p0 s16, s1;
	s2 =	sor.u32 @!p0 $0x1C02, s2  }
0x2e0: {  	[hbm:s0@s4], [sflag:s2] =	dma.strided @!p0 [hbm:s1@s4], $0x20, s3, $0x10   }
0x2e1: {  	s0 =	sld [smem:$0x7BC]  }
0x2e2: {  	s1 =	sld [smem:$0x782]  }
0x2e3: {  	s3 =	sld [smem:$0x783]  }
0x2e4: {  	p0 =	seq.s32 s0, $0x1  }
0x2e5: {  	s0 =	sshll.u32 @!p0 s1, $0x8  }
0x2e6: {  	s1 =	sshll.u32 @!p0 s1, $0x7;
	s2 =	sshll.u32 @!p0 s3, $0x8;
	s3 =	sshll.u32 @!p0 s3, $0x7  }
0x2e7: {  	s4 =	simm.s32 @!p0 $0x80;
	s0 =	sand.u32 @!p0 $0xFFFFF800, s0;
	s1 =	sand.u32 @!p0 $0x380, s1  }
0x2e8: {  	s2 =	sand.u32 @!p0 $0xFFFFF800, s2;
	s3 =	sand.u32 @!p0 $0x380, s3;
	s0 =	sor.u32 @!p0 s1, s0  }
0x2e9: {  	s1 =	sor.u32 @!p0 s3, s2;
	s2 =	rddreg [dreg:$0xf];
	s0 =	sshrl.u32 @!p0 s0, $0x3  }
0x2ea: {  	s1 =	sshrl.u32 @!p0 s1, $0x3;
	s0 =	sadd.s32 @!p0 s0, s2;
	s2 =	sshll.u32 @!p0 s8, $0x6  }
0x2eb: {  	s3 =	simm.s32 @!p0 $0x1;
	s1 =	sadd.s32 @!p0 s16, s1;
	s2 =	sor.u32 @!p0 $0x1C02, s2  }
0x2ec: {  	[hbm:s0@s4], [sflag:s2] =	dma.strided @!p0 [hbm:s1@s4], $0x20, s3, $0x10   }
0x2ed: {  	s0 =	sld [smem:$0x7BD]  }
0x2ee: {  	s1 =	sld [smem:$0x784]  }
0x2ef: {  	s3 =	sld [smem:$0x785]  }
0x2f0: {  	p0 =	seq.s32 s0, $0x1  }
0x2f1: {  	s0 =	sshll.u32 @!p0 s1, $0x8  }
0x2f2: {  	s1 =	sshll.u32 @!p0 s1, $0x7;
	s2 =	sshll.u32 @!p0 s3, $0x8;
	s3 =	sshll.u32 @!p0 s3, $0x7  }
0x2f3: {  	s4 =	simm.s32 @!p0 $0x80;
	s0 =	sand.u32 @!p0 $0xFFFFF800, s0;
	s1 =	sand.u32 @!p0 $0x380, s1  }
0x2f4: {  	s2 =	sand.u32 @!p0 $0xFFFFF800, s2;
	s3 =	sand.u32 @!p0 $0x380, s3;
	s0 =	sor.u32 @!p0 s1, s0  }
0x2f5: {  	s1 =	sor.u32 @!p0 s3, s2;
	s2 =	rddreg [dreg:$0x11];
	s0 =	sshrl.u32 @!p0 s0, $0x3  }
0x2f6: {  	s1 =	sshrl.u32 @!p0 s1, $0x3;
	s0 =	sadd.s32 @!p0 s0, s2;
	s2 =	sshll.u32 @!p0 s8, $0x6  }
0x2f7: {  	s3 =	simm.s32 @!p0 $0x1;
	s1 =	sadd.s32 @!p0 s16, s1;
	s2 =	sor.u32 @!p0 $0x1C02, s2  }
0x2f8: {  	[hbm:s0@s4], [sflag:s2] =	dma.strided @!p0 [hbm:s1@s4], $0x20, s3, $0x10   }
0x2f9: {  	s0 =	sld [smem:$0x7BE]  }
0x2fa: {  	s1 =	sld [smem:$0x786]  }
0x2fb: {  	s3 =	sld [smem:$0x787];
	_ =	sdelay $0x1  }
0x2fc: {  	p0 =	seq.s32 s0, $0x1  }
0x2fd: {  	s0 =	sshll.u32 @!p0 s1, $0x8;
	s1 =	sshll.u32 @!p0 s1, $0x7;
	s2 =	sshll.u32 @!p0 s3, $0x8  }
0x2fe: {  	s3 =	sshll.u32 @!p0 s3, $0x7;
	s4 =	simm.s32 @!p0 $0x80;
	s0 =	sand.u32 @!p0 $0xFFFFF800, s0  }
0x2ff: {  	s1 =	sand.u32 @!p0 $0x380, s1;
	s2 =	sand.u32 @!p0 $0xFFFFF800, s2;
	s3 =	sand.u32 @!p0 $0x380, s3  }
0x300: {  	s0 =	sor.u32 @!p0 s1, s0;
	s1 =	sor.u32 @!p0 s3, s2;
	s2 =	sshll.u32 @!p0 s8, $0x6  }
0x301: {  	s3 =	simm.s32 @!p0 $0x1;
	s0 =	sshrl.u32 @!p0 s0, $0x3;
	s1 =	sshrl.u32 @!p0 s1, $0x3  }
0x302: {  	s2 =	sor.u32 @!p0 $0x1C02, s2;
	s0 =	sadd.s32 @!p0 s0, s25;
	s1 =	sadd.s32 @!p0 s16, s1  }
0x303: {  	[hbm:s0@s4], [sflag:s2] =	dma.strided @!p0 [hbm:s1@s4], $0x20, s3, $0x10   }
0x304: {  	s0 =	sld [smem:$0x7BF]  }
0x305: {  	s1 =	sld [smem:$0x788]  }
0x306: {  	s3 =	sld [smem:$0x789];
	_ =	sdelay $0x1  }
0x307: {  	p0 =	seq.s32 s0, $0x1  }
0x308: {  	s0 =	sshll.u32 @!p0 s1, $0x8;
	s1 =	sshll.u32 @!p0 s1, $0x7;
	s2 =	sshll.u32 @!p0 s3, $0x8  }
0x309: {  	s3 =	sshll.u32 @!p0 s3, $0x7;
	s4 =	simm.s32 @!p0 $0x80;
	s0 =	sand.u32 @!p0 $0xFFFFF800, s0  }
0x30a: {  	s1 =	sand.u32 @!p0 $0x380, s1;
	s2 =	sand.u32 @!p0 $0xFFFFF800, s2;
	s3 =	sand.u32 @!p0 $0x380, s3  }
0x30b: {  	s0 =	sor.u32 @!p0 s1, s0;
	s1 =	sor.u32 @!p0 s3, s2;
	s2 =	sshll.u32 @!p0 s8, $0x6  }
0x30c: {  	s3 =	simm.s32 @!p0 $0x1;
	s0 =	sshrl.u32 @!p0 s0, $0x3;
	s1 =	sshrl.u32 @!p0 s1, $0x3  }
0x30d: {  	s2 =	sor.u32 @!p0 $0x1C02, s2;
	s0 =	sadd.s32 @!p0 s0, s23;
	s1 =	sadd.s32 @!p0 s16, s1  }
0x30e: {  	[hbm:s0@s4], [sflag:s2] =	dma.strided @!p0 [hbm:s1@s4], $0x20, s3, $0x10   }
0x30f: {  	s0 =	sld [smem:$0x7C0]  }
0x310: {  	s1 =	sld [smem:$0x78A]  }
0x311: {  	s3 =	sld [smem:$0x78B];
	_ =	sdelay $0x1  }
0x312: {  	p0 =	seq.s32 s0, $0x1  }
0x313: {  	s0 =	sshll.u32 @!p0 s1, $0x8;
	s1 =	sshll.u32 @!p0 s1, $0x7;
	s2 =	sshll.u32 @!p0 s3, $0x8  }
0x314: {  	s3 =	sshll.u32 @!p0 s3, $0x7;
	s4 =	simm.s32 @!p0 $0x80;
	s0 =	sand.u32 @!p0 $0xFFFFF800, s0  }
0x315: {  	s1 =	sand.u32 @!p0 $0x380, s1;
	s2 =	sand.u32 @!p0 $0xFFFFF800, s2;
	s3 =	sand.u32 @!p0 $0x380, s3  }
0x316: {  	s0 =	sor.u32 @!p0 s1, s0;
	s1 =	sor.u32 @!p0 s3, s2;
	s2 =	sshll.u32 @!p0 s8, $0x6  }
0x317: {  	s3 =	simm.s32 @!p0 $0x1;
	s0 =	sshrl.u32 @!p0 s0, $0x3;
	s1 =	sshrl.u32 @!p0 s1, $0x3  }
0x318: {  	s2 =	sor.u32 @!p0 $0x1C02, s2;
	s0 =	sadd.s32 @!p0 s0, s24;
	s1 =	sadd.s32 @!p0 s16, s1  }
0x319: {  	[hbm:s0@s4], [sflag:s2] =	dma.strided @!p0 [hbm:s1@s4], $0x20, s3, $0x10   }
0x31a: {  	s0 =	sld [smem:$0x7C1]  }
0x31b: {  	s1 =	sld [smem:$0x78C]  }
0x31c: {  	s3 =	sld [smem:$0x78D];
	_ =	sdelay $0x1  }
0x31d: {  	p0 =	seq.s32 s0, $0x1  }
0x31e: {  	s0 =	sshll.u32 @!p0 s1, $0x8;
	s1 =	sshll.u32 @!p0 s1, $0x7;
	s2 =	sshll.u32 @!p0 s3, $0x8  }
0x31f: {  	s3 =	sshll.u32 @!p0 s3, $0x7;
	s4 =	simm.s32 @!p0 $0x80;
	s0 =	sand.u32 @!p0 $0xFFFFF800, s0  }
0x320: {  	s1 =	sand.u32 @!p0 $0x380, s1;
	s2 =	sand.u32 @!p0 $0xFFFFF800, s2;
	s3 =	sand.u32 @!p0 $0x380, s3  }
0x321: {  	s0 =	sor.u32 @!p0 s1, s0;
	s1 =	sor.u32 @!p0 s3, s2;
	s2 =	sshll.u32 @!p0 s8, $0x6  }
0x322: {  	s3 =	simm.s32 @!p0 $0x1;
	s0 =	sshrl.u32 @!p0 s0, $0x3;
	s1 =	sshrl.u32 @!p0 s1, $0x3  }
0x323: {  	s2 =	sor.u32 @!p0 $0x1C02, s2;
	s0 =	sadd.s32 @!p0 s0, s22;
	s1 =	sadd.s32 @!p0 s16, s1  }
0x324: {  	[hbm:s0@s4], [sflag:s2] =	dma.strided @!p0 [hbm:s1@s4], $0x20, s3, $0x10   }
0x325: {  	s0 =	sld [smem:$0x7C2]  }
0x326: {  	s1 =	sld [smem:$0x78E]  }
0x327: {  	s3 =	sld [smem:$0x78F];
	_ =	sdelay $0x1  }
0x328: {  	p0 =	seq.s32 s0, $0x1  }
0x329: {  	s0 =	sshll.u32 @!p0 s1, $0x8;
	s1 =	sshll.u32 @!p0 s1, $0x7;
	s2 =	sshll.u32 @!p0 s3, $0x8  }
0x32a: {  	s3 =	sshll.u32 @!p0 s3, $0x7;
	s4 =	simm.s32 @!p0 $0x80;
	s0 =	sand.u32 @!p0 $0xFFFFF800, s0  }
0x32b: {  	s1 =	sand.u32 @!p0 $0x380, s1;
	s2 =	sand.u32 @!p0 $0xFFFFF800, s2;
	s3 =	sand.u32 @!p0 $0x380, s3  }
0x32c: {  	s0 =	sor.u32 @!p0 s1, s0;
	s1 =	sor.u32 @!p0 s3, s2;
	s2 =	sshll.u32 @!p0 s8, $0x6  }
0x32d: {  	s3 =	simm.s32 @!p0 $0x1;
	s0 =	sshrl.u32 @!p0 s0, $0x3;
	s1 =	sshrl.u32 @!p0 s1, $0x3  }
0x32e: {  	s2 =	sor.u32 @!p0 $0x1C02, s2;
	s0 =	sadd.s32 @!p0 s0, s21;
	s1 =	sadd.s32 @!p0 s16, s1  }
0x32f: {  	[hbm:s0@s4], [sflag:s2] =	dma.strided @!p0 [hbm:s1@s4], $0x20, s3, $0x10   }
0x330: {  	s0 =	sld [smem:$0x7C3]  }
0x331: {  	s1 =	sld [smem:$0x790]  }
0x332: {  	s3 =	sld [smem:$0x791];
	_ =	sdelay $0x1  }
0x333: {  	p0 =	seq.s32 s0, $0x1  }
0x334: {  	s0 =	sshll.u32 @!p0 s1, $0x8;
	s1 =	sshll.u32 @!p0 s1, $0x7;
	s2 =	sshll.u32 @!p0 s3, $0x8  }
0x335: {  	s3 =	sshll.u32 @!p0 s3, $0x7;
	s4 =	simm.s32 @!p0 $0x80;
	s0 =	sand.u32 @!p0 $0xFFFFF800, s0  }
0x336: {  	s1 =	sand.u32 @!p0 $0x380, s1;
	s2 =	sand.u32 @!p0 $0xFFFFF800, s2;
	s3 =	sand.u32 @!p0 $0x380, s3  }
0x337: {  	s0 =	sor.u32 @!p0 s1, s0;
	s1 =	sor.u32 @!p0 s3, s2;
	s2 =	sshll.u32 @!p0 s8, $0x6  }
0x338: {  	s3 =	simm.s32 @!p0 $0x1;
	s0 =	sshrl.u32 @!p0 s0, $0x3;
	s1 =	sshrl.u32 @!p0 s1, $0x3  }
0x339: {  	s2 =	sor.u32 @!p0 $0x1C02, s2;
	s0 =	sadd.s32 @!p0 s0, s18;
	s1 =	sadd.s32 @!p0 s16, s1  }
0x33a: {  	[hbm:s0@s4], [sflag:s2] =	dma.strided @!p0 [hbm:s1@s4], $0x20, s3, $0x10   }
0x33b: {  	s0 =	sld [smem:$0x7C4]  }
0x33c: {  	s1 =	sld [smem:$0x792]  }
0x33d: {  	s3 =	sld [smem:$0x793];
	_ =	sdelay $0x1  }
0x33e: {  	p0 =	seq.s32 s0, $0x1  }
0x33f: {  	s0 =	sshll.u32 @!p0 s1, $0x8;
	s1 =	sshll.u32 @!p0 s1, $0x7;
	s2 =	sshll.u32 @!p0 s3, $0x8  }
0x340: {  	s3 =	sshll.u32 @!p0 s3, $0x7;
	s4 =	simm.s32 @!p0 $0x80;
	s0 =	sand.u32 @!p0 $0xFFFFF800, s0  }
0x341: {  	s1 =	sand.u32 @!p0 $0x380, s1;
	s2 =	sand.u32 @!p0 $0xFFFFF800, s2;
	s3 =	sand.u32 @!p0 $0x380, s3  }
0x342: {  	s0 =	sor.u32 @!p0 s1, s0;
	s1 =	sor.u32 @!p0 s3, s2;
	s2 =	sshll.u32 @!p0 s8, $0x6  }
0x343: {  	s3 =	simm.s32 @!p0 $0x1;
	s0 =	sshrl.u32 @!p0 s0, $0x3;
	s1 =	sshrl.u32 @!p0 s1, $0x3  }
0x344: {  	s2 =	sor.u32 @!p0 $0x1C02, s2;
	s0 =	sadd.s32 @!p0 s0, s19;
	s1 =	sadd.s32 @!p0 s16, s1  }
0x345: {  	[hbm:s0@s4], [sflag:s2] =	dma.strided @!p0 [hbm:s1@s4], $0x20, s3, $0x10   }
0x346: {  	s0 =	sld [smem:$0x7C5]  }
0x347: {  	s1 =	sld [smem:$0x794]  }
0x348: {  	s3 =	sld [smem:$0x795];
	_ =	sdelay $0x1  }
0x349: {  	p0 =	seq.s32 s0, $0x1  }
0x34a: {  	s0 =	sshll.u32 @!p0 s1, $0x8;
	s1 =	sshll.u32 @!p0 s1, $0x7;
	s2 =	sshll.u32 @!p0 s3, $0x8  }
0x34b: {  	s3 =	sshll.u32 @!p0 s3, $0x7;
	s4 =	simm.s32 @!p0 $0x80;
	s0 =	sand.u32 @!p0 $0xFFFFF800, s0  }
0x34c: {  	s1 =	sand.u32 @!p0 $0x380, s1;
	s2 =	sand.u32 @!p0 $0xFFFFF800, s2;
	s3 =	sand.u32 @!p0 $0x380, s3  }
0x34d: {  	s0 =	sor.u32 @!p0 s1, s0;
	s1 =	sor.u32 @!p0 s3, s2;
	s2 =	sshll.u32 @!p0 s8, $0x6  }
0x34e: {  	s3 =	simm.s32 @!p0 $0x1;
	s0 =	sshrl.u32 @!p0 s0, $0x3;
	s1 =	sshrl.u32 @!p0 s1, $0x3  }
0x34f: {  	s2 =	sor.u32 @!p0 $0x1C02, s2;
	s0 =	sadd.s32 @!p0 s0, s14;
	s1 =	sadd.s32 @!p0 s16, s1  }
0x350: {  	[hbm:s0@s4], [sflag:s2] =	dma.strided @!p0 [hbm:s1@s4], $0x20, s3, $0x10   }
0x351: {  	s0 =	sld [smem:$0x7C6]  }
0x352: {  	s1 =	sld [smem:$0x796]  }
0x353: {  	s3 =	sld [smem:$0x797];
	_ =	sdelay $0x1  }
0x354: {  	p0 =	seq.s32 s0, $0x1  }
0x355: {  	s0 =	sshll.u32 @!p0 s1, $0x8;
	s1 =	sshll.u32 @!p0 s1, $0x7;
	s2 =	sshll.u32 @!p0 s3, $0x8  }
0x356: {  	s3 =	sshll.u32 @!p0 s3, $0x7;
	s4 =	simm.s32 @!p0 $0x80;
	s0 =	sand.u32 @!p0 $0xFFFFF800, s0  }
0x357: {  	s1 =	sand.u32 @!p0 $0x380, s1;
	s2 =	sand.u32 @!p0 $0xFFFFF800, s2;
	s3 =	sand.u32 @!p0 $0x380, s3  }
0x358: {  	s0 =	sor.u32 @!p0 s1, s0;
	s1 =	sor.u32 @!p0 s3, s2;
	s2 =	sshll.u32 @!p0 s8, $0x6  }
0x359: {  	s3 =	simm.s32 @!p0 $0x1;
	s0 =	sshrl.u32 @!p0 s0, $0x3;
	s1 =	sshrl.u32 @!p0 s1, $0x3  }
0x35a: {  	s2 =	sor.u32 @!p0 $0x1C02, s2;
	s0 =	sadd.s32 @!p0 s0, s9;
	s1 =	sadd.s32 @!p0 s16, s1  }
0x35b: {  	[hbm:s0@s4], [sflag:s2] =	dma.strided @!p0 [hbm:s1@s4], $0x20, s3, $0x10   }
0x35c: {  	s0 =	sld [smem:$0x7C7]  }
0x35d: {  	s1 =	sld [smem:$0x798]  }
0x35e: {  	s3 =	sld [smem:$0x799];
	_ =	sdelay $0x1  }
0x35f: {  	p0 =	seq.s32 s0, $0x1  }
0x360: {  	s0 =	sshll.u32 @!p0 s1, $0x8;
	s1 =	sshll.u32 @!p0 s1, $0x7;
	s2 =	sshll.u32 @!p0 s3, $0x8  }
0x361: {  	s3 =	sshll.u32 @!p0 s3, $0x7;
	s4 =	simm.s32 @!p0 $0x80;
	s0 =	sand.u32 @!p0 $0xFFFFF800, s0  }
0x362: {  	s1 =	sand.u32 @!p0 $0x380, s1;
	s2 =	sand.u32 @!p0 $0xFFFFF800, s2;
	s3 =	sand.u32 @!p0 $0x380, s3  }
0x363: {  	s0 =	sor.u32 @!p0 s1, s0;
	s1 =	sor.u32 @!p0 s3, s2;
	s2 =	sshll.u32 @!p0 s8, $0x6  }
0x364: {  	s3 =	simm.s32 @!p0 $0x1;
	s0 =	sshrl.u32 @!p0 s0, $0x3;
	s1 =	sshrl.u32 @!p0 s1, $0x3  }
0x365: {  	s2 =	sor.u32 @!p0 $0x1C02, s2;
	s0 =	sadd.s32 @!p0 s0, s12;
	s1 =	sadd.s32 @!p0 s16, s1  }
0x366: {  	[hbm:s0@s4], [sflag:s2] =	dma.strided @!p0 [hbm:s1@s4], $0x20, s3, $0x10   }
0x367: {  	s0 =	sld [smem:$0x7C8]  }
0x368: {  	s1 =	sld [smem:$0x79A]  }
0x369: {  	s3 =	sld [smem:$0x79B];
	_ =	sdelay $0x1  }
0x36a: {  	p0 =	seq.s32 s0, $0x1  }
0x36b: {  	s0 =	sshll.u32 @!p0 s1, $0x8;
	s1 =	sshll.u32 @!p0 s1, $0x7;
	s2 =	sshll.u32 @!p0 s3, $0x8  }
0x36c: {  	s3 =	sshll.u32 @!p0 s3, $0x7;
	s4 =	simm.s32 @!p0 $0x80;
	s0 =	sand.u32 @!p0 $0xFFFFF800, s0  }
0x36d: {  	s1 =	sand.u32 @!p0 $0x380, s1;
	s2 =	sand.u32 @!p0 $0xFFFFF800, s2;
	s3 =	sand.u32 @!p0 $0x380, s3  }
0x36e: {  	s0 =	sor.u32 @!p0 s1, s0;
	s1 =	sor.u32 @!p0 s3, s2;
	s2 =	sshll.u32 @!p0 s8, $0x6  }
0x36f: {  	s3 =	simm.s32 @!p0 $0x1;
	s0 =	sshrl.u32 @!p0 s0, $0x3;
	s1 =	sshrl.u32 @!p0 s1, $0x3  }
0x370: {  	s2 =	sor.u32 @!p0 $0x1C02, s2;
	s0 =	sadd.s32 @!p0 s0, s6;
	s1 =	sadd.s32 @!p0 s16, s1  }
0x371: {  	[hbm:s0@s4], [sflag:s2] =	dma.strided @!p0 [hbm:s1@s4], $0x20, s3, $0x10   }
0x372: {  	s0 =	sld [smem:$0x7C9]  }
0x373: {  	s1 =	sld [smem:$0x79C]  }
0x374: {  	s3 =	sld [smem:$0x79D];
	_ =	sdelay $0x1  }
0x375: {  	p0 =	seq.s32 s0, $0x1  }
0x376: {  	s0 =	sshll.u32 @!p0 s1, $0x8;
	s1 =	sshll.u32 @!p0 s1, $0x7;
	s2 =	sshll.u32 @!p0 s3, $0x8  }
0x377: {  	s3 =	sshll.u32 @!p0 s3, $0x7;
	s4 =	simm.s32 @!p0 $0x80;
	s0 =	sand.u32 @!p0 $0xFFFFF800, s0  }
0x378: {  	s1 =	sand.u32 @!p0 $0x380, s1;
	s2 =	sand.u32 @!p0 $0xFFFFF800, s2;
	s3 =	sand.u32 @!p0 $0x380, s3  }
0x379: {  	s0 =	sor.u32 @!p0 s1, s0;
	s1 =	sor.u32 @!p0 s3, s2;
	s2 =	sshll.u32 @!p0 s8, $0x6  }
0x37a: {  	s3 =	simm.s32 @!p0 $0x1;
	s0 =	sshrl.u32 @!p0 s0, $0x3;
	s1 =	sshrl.u32 @!p0 s1, $0x3  }
0x37b: {  	s2 =	sor.u32 @!p0 $0x1C02, s2;
	s0 =	sadd.s32 @!p0 s0, s28;
	s1 =	sadd.s32 @!p0 s16, s1  }
0x37c: {  	[hbm:s0@s4], [sflag:s2] =	dma.strided @!p0 [hbm:s1@s4], $0x20, s3, $0x10   }
0x37d: {  	s0 =	sld [smem:$0x7CA]  }
0x37e: {  	s1 =	sld [smem:$0x79E]  }
0x37f: {  	s3 =	sld [smem:$0x79F]  }
0x380: {  	p0 =	seq.s32 s0, $0x1  }
0x381: {  	s0 =	sshll.u32 @!p0 s1, $0x8;
	s1 =	sshll.u32 @!p0 s1, $0x7  }
0x382: {  	s2 =	sshll.u32 @!p0 s3, $0x8;
	s3 =	sshll.u32 @!p0 s3, $0x7;
	s0 =	sand.u32 @!p0 $0xFFFFF800, s0  }
0x383: {  	s1 =	sand.u32 @!p0 $0x380, s1;
	s2 =	sand.u32 @!p0 $0xFFFFF800, s2;
	s3 =	sand.u32 @!p0 $0x380, s3  }
0x384: {  	s0 =	sor.u32 @!p0 s1, s0;
	s1 =	sor.u32 @!p0 s3, s2;
	s2 =	sld [smem:$0x7DE]  }
0x385: {  	_ = 	snop  }
0x386: {  	s4 =	simm.s32 @!p0 $0x80;
	s0 =	sshrl.u32 @!p0 s0, $0x3  }
0x387: {  	s1 =	sshrl.u32 @!p0 s1, $0x3;
	s0 =	sadd.s32 @!p0 s0, s2;
	s2 =	sshll.u32 @!p0 s8, $0x6  }
0x388: {  	s3 =	simm.s32 @!p0 $0x1;
	s1 =	sadd.s32 @!p0 s16, s1;
	s2 =	sor.u32 @!p0 $0x1C02, s2  }
0x389: {  	[hbm:s0@s4], [sflag:s2] =	dma.strided @!p0 [hbm:s1@s4], $0x20, s3, $0x10   }
0x38a: {  	s0 =	sld [smem:$0x7CB]  }
0x38b: {  	s1 =	sld [smem:$0x7A0]  }
0x38c: {  	s3 =	sld [smem:$0x7A1]  }
0x38d: {  	p0 =	seq.s32 s0, $0x1  }
0x38e: {  	s0 =	sshll.u32 @!p0 s1, $0x8;
	s1 =	sshll.u32 @!p0 s1, $0x7  }
0x38f: {  	s2 =	sshll.u32 @!p0 s3, $0x8;
	s3 =	sshll.u32 @!p0 s3, $0x7;
	s0 =	sand.u32 @!p0 $0xFFFFF800, s0  }
0x390: {  	s1 =	sand.u32 @!p0 $0x380, s1;
	s2 =	sand.u32 @!p0 $0xFFFFF800, s2;
	s3 =	sand.u32 @!p0 $0x380, s3  }
0x391: {  	s0 =	sor.u32 @!p0 s1, s0;
	s1 =	sor.u32 @!p0 s3, s2;
	s2 =	sld [smem:$0x7E0]  }
0x392: {  	_ = 	snop  }
0x393: {  	s4 =	simm.s32 @!p0 $0x80;
	s0 =	sshrl.u32 @!p0 s0, $0x3  }
0x394: {  	s1 =	sshrl.u32 @!p0 s1, $0x3;
	s0 =	sadd.s32 @!p0 s0, s2;
	s2 =	sshll.u32 @!p0 s8, $0x6  }
0x395: {  	s3 =	simm.s32 @!p0 $0x1;
	s1 =	sadd.s32 @!p0 s16, s1;
	s2 =	sor.u32 @!p0 $0x1C02, s2  }
0x396: {  	[hbm:s0@s4], [sflag:s2] =	dma.strided @!p0 [hbm:s1@s4], $0x20, s3, $0x10   }
0x397: {  	s0 =	sld [smem:$0x7CC]  }
0x398: {  	s1 =	sld [smem:$0x7A2]  }
0x399: {  	s3 =	sld [smem:$0x7A3]  }
0x39a: {  	p0 =	seq.s32 s0, $0x1  }
0x39b: {  	s0 =	sshll.u32 @!p0 s1, $0x8;
	s1 =	sshll.u32 @!p0 s1, $0x7  }
0x39c: {  	s2 =	sshll.u32 @!p0 s3, $0x8;
	s3 =	sshll.u32 @!p0 s3, $0x7;
	s0 =	sand.u32 @!p0 $0xFFFFF800, s0  }
0x39d: {  	s1 =	sand.u32 @!p0 $0x380, s1;
	s2 =	sand.u32 @!p0 $0xFFFFF800, s2;
	s3 =	sand.u32 @!p0 $0x380, s3  }
0x39e: {  	s0 =	sor.u32 @!p0 s1, s0;
	s1 =	sor.u32 @!p0 s3, s2;
	s2 =	sld [smem:$0x7E2]  }
0x39f: {  	_ = 	snop  }
0x3a0: {  	s4 =	simm.s32 @!p0 $0x80;
	s0 =	sshrl.u32 @!p0 s0, $0x3  }
0x3a1: {  	s1 =	sshrl.u32 @!p0 s1, $0x3;
	s0 =	sadd.s32 @!p0 s0, s2;
	s2 =	sshll.u32 @!p0 s8, $0x6  }
0x3a2: {  	s3 =	simm.s32 @!p0 $0x1;
	s1 =	sadd.s32 @!p0 s16, s1;
	s2 =	sor.u32 @!p0 $0x1C02, s2  }
0x3a3: {  	[hbm:s0@s4], [sflag:s2] =	dma.strided @!p0 [hbm:s1@s4], $0x20, s3, $0x10   }
0x3a4: {  	s0 =	sld [smem:$0x7CD]  }
0x3a5: {  	s1 =	sld [smem:$0x7A4]  }
0x3a6: {  	s3 =	sld [smem:$0x7A5];
	_ =	sdelay $0x1  }
0x3a7: {  	p0 =	seq.s32 s0, $0x1  }
0x3a8: {  	s0 =	sshll.u32 @!p0 s1, $0x8;
	s1 =	sshll.u32 @!p0 s1, $0x7;
	s2 =	sshll.u32 @!p0 s3, $0x8  }
0x3a9: {  	s3 =	sshll.u32 @!p0 s3, $0x7;
	s4 =	simm.s32 @!p0 $0x80;
	s0 =	sand.u32 @!p0 $0xFFFFF800, s0  }
0x3aa: {  	s1 =	sand.u32 @!p0 $0x380, s1;
	s2 =	sand.u32 @!p0 $0xFFFFF800, s2;
	s3 =	sand.u32 @!p0 $0x380, s3  }
0x3ab: {  	s0 =	sor.u32 @!p0 s1, s0;
	s1 =	sor.u32 @!p0 s3, s2;
	s2 =	sshll.u32 @!p0 s8, $0x6  }
0x3ac: {  	s3 =	simm.s32 @!p0 $0x1;
	s0 =	sshrl.u32 @!p0 s0, $0x3;
	s1 =	sshrl.u32 @!p0 s1, $0x3  }
0x3ad: {  	s2 =	sor.u32 @!p0 $0x1C02, s2;
	s0 =	sadd.s32 @!p0 s0, s5;
	s1 =	sadd.s32 @!p0 s16, s1  }
0x3ae: {  	[hbm:s0@s4], [sflag:s2] =	dma.strided @!p0 [hbm:s1@s4], $0x20, s3, $0x10   }
0x3af: {  	s0 =	sld [smem:$0x7CE]  }
0x3b0: {  	s1 =	sld [smem:$0x7A6]  }
0x3b1: {  	s3 =	sld [smem:$0x7A7]  }
0x3b2: {  	p0 =	seq.s32 s0, $0x1  }
0x3b3: {  	s0 =	sshll.u32 @!p0 s1, $0x8;
	s1 =	sshll.u32 @!p0 s1, $0x7  }
0x3b4: {  	s2 =	sshll.u32 @!p0 s3, $0x8;
	s3 =	sshll.u32 @!p0 s3, $0x7;
	s0 =	sand.u32 @!p0 $0xFFFFF800, s0  }
0x3b5: {  	s1 =	sand.u32 @!p0 $0x380, s1;
	s2 =	sand.u32 @!p0 $0xFFFFF800, s2;
	s3 =	sand.u32 @!p0 $0x380, s3  }
0x3b6: {  	s0 =	sor.u32 @!p0 s1, s0;
	s1 =	sor.u32 @!p0 s3, s2;
	s2 =	sld [smem:$0x7E6]  }
0x3b7: {  	_ = 	snop  }
0x3b8: {  	s4 =	simm.s32 @!p0 $0x80;
	s0 =	sshrl.u32 @!p0 s0, $0x3  }
0x3b9: {  	s1 =	sshrl.u32 @!p0 s1, $0x3;
	s0 =	sadd.s32 @!p0 s0, s2;
	s2 =	sshll.u32 @!p0 s8, $0x6  }
0x3ba: {  	s3 =	simm.s32 @!p0 $0x1;
	s1 =	sadd.s32 @!p0 s16, s1;
	s2 =	sor.u32 @!p0 $0x1C02, s2  }
0x3bb: {  	[hbm:s0@s4], [sflag:s2] =	dma.strided @!p0 [hbm:s1@s4], $0x20, s3, $0x10   }
0x3bc: {  	s0 =	sld [smem:$0x7CF]  }
0x3bd: {  	s1 =	sld [smem:$0x7A8]  }
0x3be: {  	s3 =	sld [smem:$0x7A9]  }
0x3bf: {  	p0 =	seq.s32 s0, $0x1  }
0x3c0: {  	s0 =	sshll.u32 @!p0 s1, $0x8;
	s1 =	sshll.u32 @!p0 s1, $0x7  }
0x3c1: {  	s2 =	sshll.u32 @!p0 s3, $0x8;
	s3 =	sshll.u32 @!p0 s3, $0x7;
	s0 =	sand.u32 @!p0 $0xFFFFF800, s0  }
0x3c2: {  	s1 =	sand.u32 @!p0 $0x380, s1;
	s2 =	sand.u32 @!p0 $0xFFFFF800, s2;
	s3 =	sand.u32 @!p0 $0x380, s3  }
0x3c3: {  	s0 =	sor.u32 @!p0 s1, s0;
	s1 =	sor.u32 @!p0 s3, s2;
	s2 =	sld [smem:$0x7E8]  }
0x3c4: {  	_ = 	snop  }
0x3c5: {  	s4 =	simm.s32 @!p0 $0x80;
	s0 =	sshrl.u32 @!p0 s0, $0x3  }
0x3c6: {  	s1 =	sshrl.u32 @!p0 s1, $0x3;
	s0 =	sadd.s32 @!p0 s0, s2;
	s2 =	sshll.u32 @!p0 s8, $0x6  }
0x3c7: {  	s3 =	simm.s32 @!p0 $0x1;
	s1 =	sadd.s32 @!p0 s16, s1;
	s2 =	sor.u32 @!p0 $0x1C02, s2  }
0x3c8: {  	[hbm:s0@s4], [sflag:s2] =	dma.strided @!p0 [hbm:s1@s4], $0x20, s3, $0x10   }
0x3c9: {  	s0 =	sld [smem:$0x7D0]  }
0x3ca: {  	s1 =	sld [smem:$0x7AA]  }
0x3cb: {  	s3 =	sld [smem:$0x7AB];
	_ =	sdelay $0x1  }
0x3cc: {  	p0 =	seq.s32 s0, $0x1  }
0x3cd: {  	s0 =	sshll.u32 @!p0 s1, $0x8;
	s1 =	sshll.u32 @!p0 s1, $0x7;
	s2 =	sshll.u32 @!p0 s3, $0x8  }
0x3ce: {  	s3 =	sshll.u32 @!p0 s3, $0x7;
	s4 =	simm.s32 @!p0 $0x80;
	s0 =	sand.u32 @!p0 $0xFFFFF800, s0  }
0x3cf: {  	s1 =	sand.u32 @!p0 $0x380, s1;
	s2 =	sand.u32 @!p0 $0xFFFFF800, s2;
	s3 =	sand.u32 @!p0 $0x380, s3  }
0x3d0: {  	s0 =	sor.u32 @!p0 s1, s0;
	s1 =	sor.u32 @!p0 s3, s2;
	s2 =	sshll.u32 @!p0 s8, $0x6  }
0x3d1: {  	s3 =	simm.s32 @!p0 $0x1;
	s0 =	sshrl.u32 @!p0 s0, $0x3;
	s1 =	sshrl.u32 @!p0 s1, $0x3  }
0x3d2: {  	s2 =	sor.u32 @!p0 $0x1C02, s2;
	s0 =	sadd.s32 @!p0 s0, s10;
	s1 =	sadd.s32 @!p0 s16, s1  }
0x3d3: {  	[hbm:s0@s4], [sflag:s2] =	dma.strided @!p0 [hbm:s1@s4], $0x20, s3, $0x10   }
0x3d4: {  	s0 =	sld [smem:$0x7D1]  }
0x3d5: {  	s1 =	sld [smem:$0x7AC]  }
0x3d6: {  	s3 =	sld [smem:$0x7AD];
	_ =	sdelay $0x1  }
0x3d7: {  	p0 =	seq.s32 s0, $0x1  }
0x3d8: {  	s0 =	sshll.u32 @!p0 s1, $0x8;
	s1 =	sshll.u32 @!p0 s1, $0x7;
	s2 =	sshll.u32 @!p0 s3, $0x8  }
0x3d9: {  	s3 =	sshll.u32 @!p0 s3, $0x7;
	s4 =	simm.s32 @!p0 $0x80;
	s0 =	sand.u32 @!p0 $0xFFFFF800, s0  }
0x3da: {  	s1 =	sand.u32 @!p0 $0x380, s1;
	s2 =	sand.u32 @!p0 $0xFFFFF800, s2;
	s3 =	sand.u32 @!p0 $0x380, s3  }
0x3db: {  	s0 =	sor.u32 @!p0 s1, s0;
	s1 =	sor.u32 @!p0 s3, s2;
	s2 =	sshll.u32 @!p0 s8, $0x6  }
0x3dc: {  	s3 =	simm.s32 @!p0 $0x1;
	s0 =	sshrl.u32 @!p0 s0, $0x3;
	s1 =	sshrl.u32 @!p0 s1, $0x3  }
0x3dd: {  	s2 =	sor.u32 @!p0 $0x1C02, s2;
	s0 =	sadd.s32 @!p0 s0, s11;
	s1 =	sadd.s32 @!p0 s16, s1  }
0x3de: {  	[hbm:s0@s4], [sflag:s2] =	dma.strided @!p0 [hbm:s1@s4], $0x20, s3, $0x10   }
0x3df: {  	s0 =	sld [smem:$0x7AE]  }
0x3e0: {  	s1 =	sld [smem:$0x7AF]  }
0x3e1: {  	s3 =	sld [smem:$0x7B0];
	_ =	sdelay $0x1  }
0x3e2: {  	p0 =	seq.s32 s0, $0x1  }
0x3e3: {  	s0 =	sshll.u32 @!p0 s1, $0x8;
	s1 =	sshll.u32 @!p0 s1, $0x7;
	s2 =	sshll.u32 @!p0 s3, $0x8  }
0x3e4: {  	s3 =	sshll.u32 @!p0 s3, $0x7;
	s4 =	simm.s32 @!p0 $0x80;
	s0 =	sand.u32 @!p0 $0xFFFFF800, s0  }
0x3e5: {  	s1 =	sand.u32 @!p0 $0x380, s1;
	s2 =	sand.u32 @!p0 $0xFFFFF800, s2;
	s3 =	sand.u32 @!p0 $0x380, s3  }
0x3e6: {  	s0 =	sor.u32 @!p0 s1, s0;
	s1 =	sor.u32 @!p0 s3, s2;
	s2 =	sshll.u32 @!p0 s8, $0x6  }
0x3e7: {  	s3 =	simm.s32 @!p0 $0x1;
	s0 =	sshrl.u32 @!p0 s0, $0x3;
	s1 =	sshrl.u32 @!p0 s1, $0x3  }
0x3e8: {  	s2 =	sor.u32 @!p0 $0x1C02, s2;
	s0 =	sadd.s32 @!p0 s0, s13;
	s1 =	sadd.s32 @!p0 s16, s1  }
0x3e9: {  	[hbm:s0@s4], [sflag:s2] =	dma.strided @!p0 [hbm:s1@s4], $0x20, s3, $0x10   }
0x3ea: {  	s1 =	sld [smem:$0x7B1]  }
0x3eb: {  	s3 =	sld [smem:$0x7B2];
	_ =	sdelay $0x1  }
0x3ec: {  	s4 =	simm.s32 @!p6 $0x80;
	s0 =	sshll.u32 @!p6 s1, $0x8;
	s1 =	sshll.u32 @!p6 s1, $0x7  }
0x3ed: {  	s2 =	sshll.u32 @!p6 s3, $0x8;
	s3 =	sshll.u32 @!p6 s3, $0x7;
	s0 =	sand.u32 @!p6 $0xFFFFF800, s0  }
0x3ee: {  	s1 =	sand.u32 @!p6 $0x380, s1;
	s2 =	sand.u32 @!p6 $0xFFFFF800, s2;
	s3 =	sand.u32 @!p6 $0x380, s3  }
0x3ef: {  	s0 =	sor.u32 @!p6 s1, s0;
	s1 =	sor.u32 @!p6 s3, s2;
	s2 =	sshll.u32 @!p6 s8, $0x6  }
0x3f0: {  	s3 =	simm.s32 @!p6 $0x1;
	s0 =	sshrl.u32 @!p6 s0, $0x3;
	s1 =	sshrl.u32 @!p6 s1, $0x3  }
0x3f1: {  	s2 =	sor.u32 @!p6 $0x1C02, s2;
	s0 =	sadd.s32 @!p6 s0, s29;
	s1 =	sadd.s32 @!p6 s16, s1  }
0x3f2: {  	[hbm:s0@s4], [sflag:s2] =	dma.strided @!p6 [hbm:s1@s4], $0x20, s3, $0x10   }
0x3f3: {  	s1 =	sld [smem:$0x7B3]  }
0x3f4: {  	s3 =	sld [smem:$0x7B4];
	_ =	sdelay $0x1  }
0x3f5: {  	s4 =	simm.s32 @!p5 $0x80;
	s0 =	sshll.u32 @!p5 s1, $0x8;
	s1 =	sshll.u32 @!p5 s1, $0x7  }
0x3f6: {  	s2 =	sshll.u32 @!p5 s3, $0x8;
	s3 =	sshll.u32 @!p5 s3, $0x7;
	s0 =	sand.u32 @!p5 $0xFFFFF800, s0  }
0x3f7: {  	s1 =	sand.u32 @!p5 $0x380, s1;
	s2 =	sand.u32 @!p5 $0xFFFFF800, s2;
	s3 =	sand.u32 @!p5 $0x380, s3  }
0x3f8: {  	s0 =	sor.u32 @!p5 s1, s0;
	s1 =	sor.u32 @!p5 s3, s2;
	s2 =	sshll.u32 @!p5 s8, $0x6  }
0x3f9: {  	s3 =	simm.s32 @!p5 $0x1;
	s0 =	sshrl.u32 @!p5 s0, $0x3;
	s1 =	sshrl.u32 @!p5 s1, $0x3  }
0x3fa: {  	s2 =	sor.u32 @!p5 $0x1C02, s2;
	s0 =	sadd.s32 @!p5 s0, s26;
	s1 =	sadd.s32 @!p5 s16, s1  }
0x3fb: {  	[hbm:s0@s4], [sflag:s2] =	dma.strided @!p5 [hbm:s1@s4], $0x20, s3, $0x10   }
0x3fc: {  	s1 =	sld [smem:$0x7B5];
	_ =	sdelay $0x1  }
0x3fd: {  	s2 =	sshll.u32 @!p4 s31, $0x8;
	s3 =	sshll.u32 @!p4 s31, $0x7;
	s4 =	simm.s32 @!p4 $0x80  }
0x3fe: {  	s2 =	sand.u32 @!p4 $0xFFFFF800, s2;
	s0 =	sshll.u32 @!p4 s1, $0x8;
	s1 =	sshll.u32 @!p4 s1, $0x7  }
0x3ff: {  	s3 =	sand.u32 @!p4 $0x380, s3;
	s0 =	sand.u32 @!p4 $0xFFFFF800, s0;
	s1 =	sand.u32 @!p4 $0x380, s1  }
0x400: {  	s0 =	sor.u32 @!p4 s1, s0;
	s1 =	sor.u32 @!p4 s3, s2;
	s2 =	sshll.u32 @!p4 s8, $0x6  }
0x401: {  	s3 =	simm.s32 @!p4 $0x1;
	s0 =	sshrl.u32 @!p4 s0, $0x3;
	s1 =	sshrl.u32 @!p4 s1, $0x3  }
0x402: {  	s2 =	sor.u32 @!p4 $0x1C02, s2;
	s0 =	sadd.s32 @!p4 s0, s20;
	s1 =	sadd.s32 @!p4 s16, s1  }
0x403: {  	[hbm:s0@s4], [sflag:s2] =	dma.strided @!p4 [hbm:s1@s4], $0x20, s3, $0x10   }
0x404: {  	s1 =	sld [smem:$0x7B6];
	_ =	sdelay $0x1  }
0x405: {  	s2 =	sshll.u32 @!p3 s30, $0x8;
	s3 =	sshll.u32 @!p3 s30, $0x7;
	s4 =	simm.s32 @!p3 $0x80  }
0x406: {  	s2 =	sand.u32 @!p3 $0xFFFFF800, s2;
	s0 =	sshll.u32 @!p3 s1, $0x8;
	s1 =	sshll.u32 @!p3 s1, $0x7  }
0x407: {  	s3 =	sand.u32 @!p3 $0x380, s3;
	s0 =	sand.u32 @!p3 $0xFFFFF800, s0;
	s1 =	sand.u32 @!p3 $0x380, s1  }
0x408: {  	s0 =	sor.u32 @!p3 s1, s0;
	s1 =	sor.u32 @!p3 s3, s2;
	s2 =	sshll.u32 @!p3 s8, $0x6  }
0x409: {  	s3 =	simm.s32 @!p3 $0x1;
	s0 =	sshrl.u32 @!p3 s0, $0x3;
	s1 =	sshrl.u32 @!p3 s1, $0x3  }
0x40a: {  	s2 =	sor.u32 @!p3 $0x1C02, s2;
	s0 =	sadd.s32 @!p3 s0, s17;
	s1 =	sadd.s32 @!p3 s16, s1  }
0x40b: {  	[hbm:s0@s4], [sflag:s2] =	dma.strided @!p3 [hbm:s1@s4], $0x20, s3, $0x10   }
0x40c: {  	s1 =	sld [smem:$0x7B7]  }
0x40d: {  	s3 =	sld [smem:$0x7B8];
	_ =	sdelay $0x1  }
0x40e: {  	s4 =	simm.s32 @!p2 $0x80;
	s0 =	sshll.u32 @!p2 s1, $0x8;
	s1 =	sshll.u32 @!p2 s1, $0x7  }
0x40f: {  	s2 =	sshll.u32 @!p2 s3, $0x8;
	s3 =	sshll.u32 @!p2 s3, $0x7;
	s0 =	sand.u32 @!p2 $0xFFFFF800, s0  }
0x410: {  	s1 =	sand.u32 @!p2 $0x380, s1;
	s2 =	sand.u32 @!p2 $0xFFFFF800, s2;
	s3 =	sand.u32 @!p2 $0x380, s3  }
0x411: {  	s0 =	sor.u32 @!p2 s1, s0;
	s1 =	sor.u32 @!p2 s3, s2;
	s2 =	sshll.u32 @!p2 s8, $0x6  }
0x412: {  	s3 =	simm.s32 @!p2 $0x1;
	s0 =	sshrl.u32 @!p2 s0, $0x3;
	s1 =	sshrl.u32 @!p2 s1, $0x3  }
0x413: {  	s2 =	sor.u32 @!p2 $0x1C02, s2;
	s0 =	sadd.s32 @!p2 s0, s7;
	s1 =	sadd.s32 @!p2 s16, s1  }
0x414: {  	[hbm:s0@s4], [sflag:s2] =	dma.strided @!p2 [hbm:s1@s4], $0x20, s3, $0x10   }
0x415: {  	s0 =	simm.s32 @!p1 $0x2  }
0x416: {  	_ =	swait.ge @!p1 [sflag:s0], $0x20  }
0x417: {  	s1 =	sld [smem:$0x7B9];
	_ =	sdelay $0x1  }
0x418: {  	[sflag:s0] =	ssyncset.done @!p1 $0x0  }
0x419: {  	[sflag:s0] =	ssyncadd.s32 @!p1 $0xFFFFFFE0;
	p1 =	seq.s32 s1, $0x1  }
0x41a: {  	s0 =	simm.s32 @!p1 $0x2  }
0x41b: {  	_ =	swait.ge @!p1 [sflag:s0], $0x20  }
0x41c: {  	s2 =	sld [smem:$0x7BA];
	_ =	sdelay $0x1  }
0x41d: {  	[sflag:s0] =	ssyncset.done @!p1 $0x0  }
0x41e: {  	[sflag:s0] =	ssyncadd.s32 @!p1 $0xFFFFFFE0;
	p1 =	seq.s32 s2, $0x1  }
0x41f: {  	s0 =	simm.s32 @!p1 $0x2  }
0x420: {  	_ =	swait.ge @!p1 [sflag:s0], $0x20  }
0x421: {  	s4 =	sld [smem:$0x7BB];
	_ =	sdelay $0x1  }
0x422: {  	[sflag:s0] =	ssyncset.done @!p1 $0x0  }
0x423: {  	[sflag:s0] =	ssyncadd.s32 @!p1 $0xFFFFFFE0;
	p1 =	seq.s32 s4, $0x1  }
0x424: {  	s0 =	simm.s32 @!p1 $0x2  }
0x425: {  	_ =	swait.ge @!p1 [sflag:s0], $0x20  }
0x426: {  	s5 =	sld [smem:$0x7BC];
	_ =	sdelay $0x1  }
0x427: {  	[sflag:s0] =	ssyncset.done @!p1 $0x0  }
0x428: {  	[sflag:s0] =	ssyncadd.s32 @!p1 $0xFFFFFFE0;
	p1 =	seq.s32 s5, $0x1  }
0x429: {  	s0 =	simm.s32 @!p1 $0x2  }
0x42a: {  	_ =	swait.ge @!p1 [sflag:s0], $0x20  }
0x42b: {  	s7 =	sld [smem:$0x7BD];
	_ =	sdelay $0x1  }
0x42c: {  	[sflag:s0] =	ssyncset.done @!p1 $0x0  }
0x42d: {  	[sflag:s0] =	ssyncadd.s32 @!p1 $0xFFFFFFE0;
	p1 =	seq.s32 s7, $0x1  }
0x42e: {  	s0 =	simm.s32 @!p1 $0x2  }
0x42f: {  	_ =	swait.ge @!p1 [sflag:s0], $0x20  }
0x430: {  	s8 =	sld [smem:$0x7BE];
	_ =	sdelay $0x1  }
0x431: {  	[sflag:s0] =	ssyncset.done @!p1 $0x0  }
0x432: {  	[sflag:s0] =	ssyncadd.s32 @!p1 $0xFFFFFFE0;
	p1 =	seq.s32 s8, $0x1  }
0x433: {  	s0 =	simm.s32 @!p1 $0x2  }
0x434: {  	_ =	swait.ge @!p1 [sflag:s0], $0x20  }
0x435: {  	s9 =	sld [smem:$0x7BF];
	_ =	sdelay $0x1  }
0x436: {  	[sflag:s0] =	ssyncset.done @!p1 $0x0  }
0x437: {  	[sflag:s0] =	ssyncadd.s32 @!p1 $0xFFFFFFE0;
	p1 =	seq.s32 s9, $0x1  }
0x438: {  	s0 =	simm.s32 @!p1 $0x2  }
0x439: {  	_ =	swait.ge @!p1 [sflag:s0], $0x20  }
0x43a: {  	s10 =	sld [smem:$0x7C0];
	_ =	sdelay $0x1  }
0x43b: {  	[sflag:s0] =	ssyncset.done @!p1 $0x0  }
0x43c: {  	[sflag:s0] =	ssyncadd.s32 @!p1 $0xFFFFFFE0;
	p1 =	seq.s32 s10, $0x1  }
0x43d: {  	s0 =	simm.s32 @!p1 $0x2  }
0x43e: {  	_ =	swait.ge @!p1 [sflag:s0], $0x20  }
0x43f: {  	s11 =	sld [smem:$0x7C1];
	_ =	sdelay $0x1  }
0x440: {  	[sflag:s0] =	ssyncset.done @!p1 $0x0  }
0x441: {  	[sflag:s0] =	ssyncadd.s32 @!p1 $0xFFFFFFE0;
	p1 =	seq.s32 s11, $0x1  }
0x442: {  	s0 =	simm.s32 @!p1 $0x2  }
0x443: {  	_ =	swait.ge @!p1 [sflag:s0], $0x20  }
0x444: {  	s12 =	sld [smem:$0x7C2];
	_ =	sdelay $0x1  }
0x445: {  	[sflag:s0] =	ssyncset.done @!p1 $0x0  }
0x446: {  	[sflag:s0] =	ssyncadd.s32 @!p1 $0xFFFFFFE0;
	p1 =	seq.s32 s12, $0x1  }
0x447: {  	s0 =	simm.s32 @!p1 $0x2  }
0x448: {  	_ =	swait.ge @!p1 [sflag:s0], $0x20  }
0x449: {  	s13 =	sld [smem:$0x7C3];
	_ =	sdelay $0x1  }
0x44a: {  	[sflag:s0] =	ssyncset.done @!p1 $0x0  }
0x44b: {  	[sflag:s0] =	ssyncadd.s32 @!p1 $0xFFFFFFE0;
	p1 =	seq.s32 s13, $0x1  }
0x44c: {  	s0 =	simm.s32 @!p1 $0x2  }
0x44d: {  	_ =	swait.ge @!p1 [sflag:s0], $0x20  }
0x44e: {  	s14 =	sld [smem:$0x7C4];
	_ =	sdelay $0x1  }
0x44f: {  	[sflag:s0] =	ssyncset.done @!p1 $0x0  }
0x450: {  	[sflag:s0] =	ssyncadd.s32 @!p1 $0xFFFFFFE0;
	p1 =	seq.s32 s14, $0x1  }
0x451: {  	s0 =	simm.s32 @!p1 $0x2  }
0x452: {  	_ =	swait.ge @!p1 [sflag:s0], $0x20  }
0x453: {  	s16 =	sld [smem:$0x7C5];
	_ =	sdelay $0x1  }
0x454: {  	[sflag:s0] =	ssyncset.done @!p1 $0x0  }
0x455: {  	[sflag:s0] =	ssyncadd.s32 @!p1 $0xFFFFFFE0;
	p1 =	seq.s32 s16, $0x1  }
0x456: {  	s0 =	simm.s32 @!p1 $0x2  }
0x457: {  	_ =	swait.ge @!p1 [sflag:s0], $0x20  }
0x458: {  	s17 =	sld [smem:$0x7C6];
	_ =	sdelay $0x1  }
0x459: {  	[sflag:s0] =	ssyncset.done @!p1 $0x0  }
0x45a: {  	[sflag:s0] =	ssyncadd.s32 @!p1 $0xFFFFFFE0;
	p1 =	seq.s32 s17, $0x1  }
0x45b: {  	s0 =	simm.s32 @!p1 $0x2  }
0x45c: {  	_ =	swait.ge @!p1 [sflag:s0], $0x20  }
0x45d: {  	s18 =	sld [smem:$0x7C7];
	_ =	sdelay $0x1  }
0x45e: {  	[sflag:s0] =	ssyncset.done @!p1 $0x0  }
0x45f: {  	[sflag:s0] =	ssyncadd.s32 @!p1 $0xFFFFFFE0;
	p1 =	seq.s32 s18, $0x1  }
0x460: {  	s0 =	simm.s32 @!p1 $0x2  }
0x461: {  	_ =	swait.ge @!p1 [sflag:s0], $0x20  }
0x462: {  	s19 =	sld [smem:$0x7C8];
	_ =	sdelay $0x1  }
0x463: {  	[sflag:s0] =	ssyncset.done @!p1 $0x0  }
0x464: {  	[sflag:s0] =	ssyncadd.s32 @!p1 $0xFFFFFFE0;
	p1 =	seq.s32 s19, $0x1  }
0x465: {  	s0 =	simm.s32 @!p1 $0x2  }
0x466: {  	_ =	swait.ge @!p1 [sflag:s0], $0x20  }
0x467: {  	s20 =	sld [smem:$0x7C9];
	_ =	sdelay $0x1  }
0x468: {  	[sflag:s0] =	ssyncset.done @!p1 $0x0  }
0x469: {  	[sflag:s0] =	ssyncadd.s32 @!p1 $0xFFFFFFE0;
	p1 =	seq.s32 s20, $0x1  }
0x46a: {  	s0 =	simm.s32 @!p1 $0x2  }
0x46b: {  	_ =	swait.ge @!p1 [sflag:s0], $0x20  }
0x46c: {  	s21 =	sld [smem:$0x7CA];
	_ =	sdelay $0x1  }
0x46d: {  	[sflag:s0] =	ssyncset.done @!p1 $0x0  }
0x46e: {  	[sflag:s0] =	ssyncadd.s32 @!p1 $0xFFFFFFE0;
	p1 =	seq.s32 s21, $0x1  }
0x46f: {  	s0 =	simm.s32 @!p1 $0x2  }
0x470: {  	_ =	swait.ge @!p1 [sflag:s0], $0x20  }
0x471: {  	s22 =	sld [smem:$0x7CB];
	_ =	sdelay $0x1  }
0x472: {  	[sflag:s0] =	ssyncset.done @!p1 $0x0  }
0x473: {  	[sflag:s0] =	ssyncadd.s32 @!p1 $0xFFFFFFE0;
	p1 =	seq.s32 s22, $0x1  }
0x474: {  	s0 =	simm.s32 @!p1 $0x2  }
0x475: {  	_ =	swait.ge @!p1 [sflag:s0], $0x20  }
0x476: {  	s23 =	sld [smem:$0x7CC];
	_ =	sdelay $0x1  }
0x477: {  	[sflag:s0] =	ssyncset.done @!p1 $0x0  }
0x478: {  	[sflag:s0] =	ssyncadd.s32 @!p1 $0xFFFFFFE0;
	p1 =	seq.s32 s23, $0x1  }
0x479: {  	s0 =	simm.s32 @!p1 $0x2  }
0x47a: {  	_ =	swait.ge @!p1 [sflag:s0], $0x20  }
0x47b: {  	s24 =	sld [smem:$0x7CD];
	_ =	sdelay $0x1  }
0x47c: {  	[sflag:s0] =	ssyncset.done @!p1 $0x0  }
0x47d: {  	[sflag:s0] =	ssyncadd.s32 @!p1 $0xFFFFFFE0;
	p1 =	seq.s32 s24, $0x1  }
0x47e: {  	s0 =	simm.s32 @!p1 $0x2  }
0x47f: {  	_ =	swait.ge @!p1 [sflag:s0], $0x20  }
0x480: {  	s25 =	sld [smem:$0x7CE];
	_ =	sdelay $0x1  }
0x481: {  	[sflag:s0] =	ssyncset.done @!p1 $0x0  }
0x482: {  	[sflag:s0] =	ssyncadd.s32 @!p1 $0xFFFFFFE0;
	p1 =	seq.s32 s25, $0x1  }
0x483: {  	s0 =	simm.s32 @!p1 $0x2  }
0x484: {  	_ =	swait.ge @!p1 [sflag:s0], $0x20  }
0x485: {  	s26 =	sld [smem:$0x7CF];
	_ =	sdelay $0x1  }
0x486: {  	[sflag:s0] =	ssyncset.done @!p1 $0x0  }
0x487: {  	[sflag:s0] =	ssyncadd.s32 @!p1 $0xFFFFFFE0;
	p1 =	seq.s32 s26, $0x1  }
0x488: {  	s0 =	simm.s32 @!p1 $0x2  }
0x489: {  	_ =	swait.ge @!p1 [sflag:s0], $0x20  }
0x48a: {  	s28 =	sld [smem:$0x7D0];
	_ =	sdelay $0x1  }
0x48b: {  	[sflag:s0] =	ssyncset.done @!p1 $0x0  }
0x48c: {  	[sflag:s0] =	ssyncadd.s32 @!p1 $0xFFFFFFE0;
	p1 =	seq.s32 s28, $0x1  }
0x48d: {  	s0 =	simm.s32 @!p1 $0x2  }
0x48e: {  	_ =	swait.ge @!p1 [sflag:s0], $0x20  }
0x48f: {  	s29 =	sld [smem:$0x7D1];
	_ =	sdelay $0x1  }
0x490: {  	[sflag:s0] =	ssyncset.done @!p1 $0x0  }
0x491: {  	[sflag:s0] =	ssyncadd.s32 @!p1 $0xFFFFFFE0;
	p1 =	seq.s32 s29, $0x1  }
0x492: {  	s0 =	simm.s32 @!p1 $0x2  }
0x493: {  	_ =	swait.ge @!p1 [sflag:s0], $0x20  }
0x494: {  	[sflag:s0] =	ssyncset.done @!p1 $0x0  }
0x495: {  	[sflag:s0] =	ssyncadd.s32 @!p1 $0xFFFFFFE0;
	s0 =	simm.s32 @!p0 $0x2  }
0x496: {  	_ =	swait.ge @!p0 [sflag:s0], $0x20  }
0x497: {  	[sflag:s0] =	ssyncset.done @!p0 $0x0  }
0x498: {  	[sflag:s0] =	ssyncadd.s32 @!p0 $0xFFFFFFE0;
	s0 =	simm.s32 @!p6 $0x2  }
0x499: {  	_ =	swait.ge @!p6 [sflag:s0], $0x20  }
0x49a: {  	[sflag:s0] =	ssyncset.done @!p6 $0x0  }
0x49b: {  	[sflag:s0] =	ssyncadd.s32 @!p6 $0xFFFFFFE0;
	s0 =	simm.s32 @!p5 $0x2  }
0x49c: {  	_ =	swait.ge @!p5 [sflag:s0], $0x20  }
0x49d: {  	[sflag:s0] =	ssyncset.done @!p5 $0x0  }
0x49e: {  	[sflag:s0] =	ssyncadd.s32 @!p5 $0xFFFFFFE0;
	s0 =	simm.s32 @!p4 $0x2  }
0x49f: {  	_ =	swait.ge @!p4 [sflag:s0], $0x20  }
0x4a0: {  	[sflag:s0] =	ssyncset.done @!p4 $0x0  }
0x4a1: {  	[sflag:s0] =	ssyncadd.s32 @!p4 $0xFFFFFFE0;
	s0 =	simm.s32 @!p3 $0x2  }
0x4a2: {  	_ =	swait.ge @!p3 [sflag:s0], $0x20  }
0x4a3: {  	[sflag:s0] =	ssyncset.done @!p3 $0x0  }
0x4a4: {  	[sflag:s0] =	ssyncadd.s32 @!p3 $0xFFFFFFE0;
	s0 =	simm.s32 @!p2 $0x2  }
0x4a5: {  	_ =	swait.ge @!p2 [sflag:s0], $0x20  }
0x4a6: {  	s30 =	sld [smem:$0x7D2]  }
0x4a7: {  	s31 =	sld [smem:$0x7FD];
	_ =	sdelay $0x1  }
0x4a8: {  	s2 =	sadd.s32 $0x1, s30  }
0x4a9: {  	p0 =	sne.s32 s2, s31  }
.Ltmp1:
0x4aa: {  	_ = 	snop;
	(pc) =	sbr.rel @p0 .LBB2_1-.Ltmp1, $3  }
0x4ab: {  	_ =	sdelay $0x1  }
0x4ac: {  	[sflag:s0] =	ssyncset.done @!p2 $0x0  }
0x4ad: {  	s6 =	stileid.u32;
	s3 =	simm.s32 $0x800;
	[sflag:s0] =	ssyncadd.s32 @!p2 $0xFFFFFFE0  }
0x4ae: {  	_ =	sfence.sel $0x180000  }
0x4af: {  	[bflag:$0x0] =	sbarrier.arrive $0xFFFF  }
0x4b0: {  	_ =	strace $0x90000047  }
0x4b1: {  	[bflag:$0x2] =	sbarrier.arrive $0xFFFF  }
0x4b2: {  	p0 =	sne.s32 s6, $0x0;
	s0 =	rddreg [dreg:$0x7]  }
0x4b3: {  	s0 =	sadd.s32 @!p0 $0x100000, s0  }
0x4b4: {  	[sflag:s0] =	ssyncadd.tile.s32 @!p0 $0x1;
	_ =	shalt  }
.Lfunc_end2:
_tile_overlayer_lowered:
.L_overlay_start_2:
0x4b5: {  	(tag) =	ssettag $0x2  }
0x4b6: {  	s0 =	rddreg [dreg:$0x0];
	s2 =	stileid.u32  }
0x4b7: {  	s1 =	rddreg [dreg:$0x1];
	p0 =	sne.s32 s2, $0x0  }
0x4b8: {  	s3 =	rddreg [dreg:$0x2];
	[bflag:$0x3] =	sbarrier.arrive $0xFFFF;
	s2 =	simm.s32 @!p0 $0x1C03  }
0x4b9: {  	[timem:s3], [sflag:s2] =	dma.local @!p0 [hbm:s0], s1  }
0x4ba: {  	s0 =	simm.s32 @!p0 $0x3  }
0x4bb: {  	_ =	swait.ge @!p0 [sflag:s0], s1  }
0x4bc: {  	s1 =	ssub.s32 @!p0 $0x0, s1;
	[sflag:s0] =	ssyncset.done @!p0 $0x0  }
0x4bd: {  	[sflag:s0] =	ssyncadd.s32 @!p0 s1  }
0x4be: {  	[bflag:$0x3] =	sbarrier.arrive $0xFFFF  }
0x4bf: {  	_ =	shalt  }

</sc_bundles>
